<compile_context>
chip_gen: v7x
topology: tpu7x:2x2x1
jax: 0.10.2.dev20260603
libtpu: 0.0.44.dev20260713+nightly
codegen_flags: <defaults>
</compile_context>

<pallas_src>
import functools

import jax
import jax.numpy as jnp
from jax import lax
from jax.experimental import pallas as pl
from jax.experimental.pallas import tpu as pltpu
from jax.experimental.pallas import tpu_sc as plsc

NC = 2
NS = 16
NW = NC * NS
L = 16


def _proj_body(emb_ref, w1_ref, b1_ref, a_ref, b_ref):
    h = emb_ref.shape[1]
    emb = emb_ref[...]
    w1 = w1_ref[...]
    dn = (((1,), (1,)), ((), ()))
    a_ref[...] = lax.dot_general(
        emb, w1[:, :h], dn, preferred_element_type=jnp.float32) + b1_ref[...]
    b_ref[...] = lax.dot_general(
        emb, w1[:, h:], dn, preferred_element_type=jnp.float32)


def _init_body(o_ref):
    o_ref[...] = jnp.zeros_like(o_ref)


def kernel(node_emb, edge_index, batch, W1, b1, W2, b2):
    n, h = node_emb.shape
    e = edge_index.shape[1]
    del batch

    blk_p = 2000
    a_mat, b_mat = pl.pallas_call(
        _proj_body,
        grid=(n // blk_p,),
        in_specs=[
            pl.BlockSpec((blk_p, h), lambda i: (i, 0)),
            pl.BlockSpec((h, 2 * h), lambda i: (0, 0)),
            pl.BlockSpec((1, h), lambda i: (0, 0)),
        ],
        out_specs=[
            pl.BlockSpec((blk_p, h), lambda i: (i, 0)),
            pl.BlockSpec((blk_p, h), lambda i: (i, 0)),
        ],
        out_shape=[
            jax.ShapeDtypeStruct((n, h), jnp.float32),
            jax.ShapeDtypeStruct((n, h), jnp.float32),
        ],
    )(node_emb, W1, b1.reshape(1, h))

    G = 128
    e_pad = ((e + NW * G - 1) // (NW * G)) * (NW * G)
    per_w = e_pad // NW
    nchunk = per_w // G
    chunks_tot = e_pad // G
    pad = e_pad - e
    dpad = jnp.arange(pad, dtype=jnp.int32) % n
    row_p = jnp.concatenate([edge_index[0], dpad])
    col_p = jnp.concatenate([edge_index[1], dpad])
    w2_vec = W2.reshape(h)
    b2_vec = jnp.broadcast_to(b2.reshape(1), (L,)).astype(jnp.float32)

    dchunks = 80
    schunks_tot = chunks_tot + dchunks
    spw = schunks_tot // 16
    SN0 = spw // 2
    SN1 = spw - SN0

    mesh = plsc.VectorSubcoreMesh(core_axis_name="c", subcore_axis_name="s")

    @functools.partial(
        pl.kernel,
        mesh=mesh,
        compiler_params=pltpu.CompilerParams(needs_layout_passes=False),
        out_type=(
            jax.ShapeDtypeStruct((chunks_tot, G), jnp.float32),
            jax.ShapeDtypeStruct((chunks_tot, G), jnp.int32),
        ),
        scratch_types=[
            pltpu.VMEM((nchunk * G,), jnp.int32),
            pltpu.VMEM((nchunk * G,), jnp.int32),
            pltpu.VMEM((2, G, h), jnp.float32),
            pltpu.VMEM((2, G, h), jnp.float32),
            pltpu.VMEM((2, G), jnp.float32),
            pltpu.VMEM((2, G), jnp.int32),
            pltpu.VMEM((h,), jnp.float32),
            pltpu.VMEM((L,), jnp.float32),
            pltpu.VMEM((L, L), jnp.float32),
            pltpu.SemaphoreType.DMA,
            pltpu.SemaphoreType.DMA,
            pltpu.SemaphoreType.DMA,
            pltpu.SemaphoreType.DMA,
        ],
    )
    def edge_kernel(a_hbm, b_hbm, row_hbm, col_hbm, w2_hbm, b2_hbm,
                    prob_hbm, fidx_hbm,
                    idxa_v, idxb_v, arow_v, brow_v, prob_v, fidx_v,
                    w2_v, b2_v, m_v, sem_a, sem_b, sem_sp, sem_sf):
        cid = lax.axis_index("c")
        sid = lax.axis_index("s")
        wid = sid * NC + cid
        cbase = wid * nchunk
        pltpu.sync_copy(w2_hbm, w2_v)
        pltpu.sync_copy(b2_hbm, b2_v)
        pltpu.sync_copy(row_hbm.at[pl.ds(cbase * G, nchunk * G)], idxa_v)
        pltpu.sync_copy(col_hbm.at[pl.ds(cbase * G, nchunk * G)], idxb_v)
        b2v = b2_v[...]
        rowi = lax.iota(jnp.int32, L)

        def prefetch(k, slot):
            pltpu.async_copy(a_hbm.at[idxa_v.at[pl.ds(k * G, G)]],
                             arow_v.at[slot], sem_a)
            pltpu.async_copy(b_hbm.at[idxb_v.at[pl.ds(k * G, G)]],
                             brow_v.at[slot], sem_b)

        def wait_gather(slot):
            pltpu.make_async_copy(a_hbm.at[idxa_v.at[pl.ds(0, G)]],
                                  arow_v.at[slot], sem_a).wait()
            pltpu.make_async_copy(b_hbm.at[idxb_v.at[pl.ds(0, G)]],
                                  brow_v.at[slot], sem_b).wait()

        def wait_store(slot):
            pltpu.make_async_copy(prob_v.at[slot], prob_hbm.at[0],
                                  sem_sp).wait()
            pltpu.make_async_copy(fidx_v.at[slot], fidx_hbm.at[0],
                                  sem_sf).wait()

        prefetch(0, 0)

        def chunk_body(k, carry):
            p = lax.rem(k, 2)
            q = 1 - p

            @pl.when(k + 1 < nchunk)
            def _():
                prefetch(k + 1, q)

            wait_gather(p)

            @pl.when(k >= 2)
            def _():
                wait_store(p)

            def group_body(g, carry2):
                e0 = g * L
                for ee in range(L):
                    acc = None
                    for j in range(h // L):
                        va = arow_v[p, e0 + ee, pl.ds(j * L, L)]
                        vb = brow_v[p, e0 + ee, pl.ds(j * L, L)]
                        x = va + vb
                        el = jnp.where(x > 0, x, jnp.exp(x) - 1.0)
                        t = el * w2_v[pl.ds(j * L, L)]
                        acc = t if acc is None else acc + t
                    m_v[ee] = acc
                s = None
                for j in range(L):
                    v = plsc.load_gather(
                        m_v, [rowi, jnp.full((L,), j, jnp.int32)])
                    s = v if s is None else s + v
                logit = s + b2v
                pv = 1.0 / (1.0 + jnp.exp(-logit))
                ra = idxa_v[pl.ds(k * G + e0, L)]
                rb = idxb_v[pl.ds(k * G + e0, L)]
                pv = jnp.where(ra == rb, jnp.float32(1.0), pv)
                prob_v[p, pl.ds(e0, L)] = pv
                fidx_v[p, pl.ds(e0, L)] = ra * n + rb
                return carry2

            lax.fori_loop(0, G // L, group_body, 0)
            crow = cbase + k
            pltpu.async_copy(prob_v.at[p], prob_hbm.at[crow], sem_sp)
            pltpu.async_copy(fidx_v.at[p], fidx_hbm.at[crow], sem_sf)
            return carry

        lax.fori_loop(0, nchunk, chunk_body, 0)
        wait_store(0)
        wait_store(1)

    prob, fidx = edge_kernel(a_mat, b_mat, row_p, col_p, w2_vec, b2_vec)

    blk_i = 4_194_304
    adj0 = pl.pallas_call(
        _init_body,
        grid=(pl.cdiv(n * n, blk_i),),
        out_specs=pl.BlockSpec((blk_i,), lambda i: (i,)),
        out_shape=jax.ShapeDtypeStruct((n * n,), jnp.float32),
    )()

    diag_fidx = ((jnp.arange(dchunks * G, dtype=jnp.int32) % n)
                 * (n + 1)).reshape(dchunks, G)
    diag_prob = jnp.ones((dchunks, G), jnp.float32)
    sprob = jnp.concatenate([prob, diag_prob], axis=0)
    sfidx = jnp.concatenate([fidx, diag_fidx], axis=0)

    @functools.partial(
        pl.kernel,
        mesh=mesh,
        out_type=(),
        scratch_types=[
            pltpu.VMEM((spw, G), jnp.float32),
            pltpu.VMEM((spw, G), jnp.int32),
            pltpu.SemaphoreType.DMA,
            pltpu.SemaphoreType.DMA,
        ],
    )
    def scatter_kernel(prob_hbm, fidx_hbm, adj_hbm, pv, iv, sem_l, sem_s):
        cid = lax.axis_index("c")
        sid = lax.axis_index("s")
        cbase = jnp.where(cid == 0, sid * SN0, 16 * SN0 + sid * SN1)
        ccount = jnp.where(cid == 0, SN0, SN1)

        def issue_load(k, carry):
            pltpu.async_copy(prob_hbm.at[cbase + k], pv.at[k], sem_l)
            pltpu.async_copy(fidx_hbm.at[cbase + k], iv.at[k], sem_l)
            return carry

        def drain_load(k, carry):
            pltpu.make_async_copy(prob_hbm.at[0], pv.at[0], sem_l).wait()
            pltpu.make_async_copy(fidx_hbm.at[0], iv.at[0], sem_l).wait()
            return carry

        def issue_scatter(k, carry):
            pltpu.async_copy(pv.at[k], adj_hbm.at[iv.at[k]], sem_s)
            return carry

        def drain_scatter(k, carry):
            pltpu.make_async_copy(pv.at[0], adj_hbm.at[iv.at[0]],
                                  sem_s).wait()
            return carry

        lax.fori_loop(0, ccount, issue_load, 0)
        lax.fori_loop(0, ccount, drain_load, 0)
        lax.fori_loop(0, ccount, issue_scatter, 0)
        lax.fori_loop(0, ccount, drain_scatter, 0)

    adj_ref = jax.new_ref(adj0)
    scatter_kernel(sprob, sfidx, adj_ref)
    return jax.freeze(adj_ref).reshape(n, n)

# --- scband reference (transcript-rebuilt; emitter-appended) ---
"""Pipeline reference for scband-graph-regularizer-77352361001298 (READ-ONLY COPY).

The authoritative reference and input builder live on the scoring server;
editing this copy changes nothing except your own understanding.
"""

import jax, jax.numpy as jnp
import numpy as np

N = 10000
E = 160000
H = 128

def setup_inputs(seed: int = 0) -> dict:
    key = jax.random.key(seed)
    k1, k2, k3, k4 = jax.random.split(key, 4)
    node_emb = jax.random.normal(k1, (N, H), dtype=jnp.float32)
    edge_index = jax.random.randint(k2, (2, E), 0, N, dtype=jnp.int32)
    batch = jnp.zeros((N,), dtype=jnp.int32)
    # encoder params: Linear(2H -> H), ELU, Linear(H -> 1)
    lim1 = 1.0 / np.sqrt(2 * H)
    W1 = jax.random.uniform(k3, (H, 2 * H), dtype=jnp.float32, minval=-lim1, maxval=lim1)
    b1 = jnp.zeros((H,), dtype=jnp.float32)
    lim2 = 1.0 / np.sqrt(H)
    W2 = jax.random.uniform(k4, (1, H), dtype=jnp.float32, minval=-lim2, maxval=lim2)
    b2 = jnp.zeros((1,), dtype=jnp.float32)
    return {"node_emb": node_emb, "edge_index": edge_index, "batch": batch,
            "W1": W1, "b1": b1, "W2": W2, "b2": b2}

def reference(node_emb, edge_index, batch, W1, b1, W2, b2):
    row = edge_index[0]
    col = edge_index[1]
    src_emb = node_emb[row]
    dst_emb = node_emb[col]
    pair_features = jnp.concatenate([src_emb, dst_emb], axis=1)
    h = jax.nn.elu(pair_features @ W1.T + b1)
    logits = h @ W2.T + b2
    edge_prob = jax.nn.sigmoid(logits).squeeze()
    n_nodes = node_emb.shape[0]
    adj_recon = jnp.zeros((n_nodes, n_nodes), dtype=node_emb.dtype)
    adj_recon = adj_recon.at[row, col].set(edge_prob)
    diag = jnp.arange(n_nodes)
    adj_recon = adj_recon.at[diag, diag].set(1.0)
    return adj_recon

if __name__ == "__main__":
    import jax
    _d = setup_inputs()
    print(jax.jit(kernel)(*tuple(_d.values())))

</pallas_src>

<mosaic_0001>
#map = affine_map<(d0, d1) -> (0, 0)>
#map1 = affine_map<(d0, d1) -> (0)>
module attributes {stable_mosaic.version = 14 : i64} {
  func.func @new_body(%arg0: i32, %arg1: i32, %arg2: memref<1360x128xf32, #tpu.memory_space<hbm>>, %arg3: memref<1360x128xi32, #tpu.memory_space<hbm>>, %arg4: memref<100000000xf32, #tpu.memory_space<hbm>>, %arg5: memref<100000000xf32, #tpu.memory_space<hbm>>, %arg6: memref<85x128xf32, #tpu.memory_space<vmem>>, %arg7: memref<85x128xi32, #tpu.memory_space<vmem>>, %arg8: memref<!tpu.dma_semaphore, #tpu.memory_space<semaphore_mem>>, %arg9: memref<!tpu.dma_semaphore, #tpu.memory_space<semaphore_mem>>) attributes {dimension_semantics = [#tpu.dimension_semantics<core_parallel>, #tpu.dimension_semantics<subcore_parallel>], iteration_bounds = array<i64: 2, 16>, scalar_prefetch = 0 : i64, scratch_operands = 4 : i64, tpu.core_type = #tpu.core_type<sc_vector_subcore>, window_params = [{transform_indices = #map}, {transform_indices = #map}, {transform_indices = #map1}, {transform_indices = #map1}]} {
    %eq3A = arith.constant 0 : i32
    %eq3A_0 = arith.cmpi eq, %arg0, %eq3A : i32
    %mul3A = arith.constant 42 : i32
    %mul3A_1 = arith.muli %arg1, %mul3A : i32
    %mul3A_2 = arith.constant 43 : i32
    %mul3A_3 = arith.muli %arg1, %mul3A_2 : i32
    %add3A = arith.constant 672 : i32
    %add3A_4 = arith.addi %add3A, %mul3A_3 : i32
    %select_n3A = arith.select %eq3A_0, %mul3A_1, %add3A_4 : i32
    %eq3A_5 = arith.constant 0 : i32
    %eq3A_6 = arith.cmpi eq, %arg0, %eq3A_5 : i32
    %jit3A = arith.constant 42 : i32
    %jit3A_7 = arith.constant 43 : i32
    %select_n3A_8 = arith.select %eq3A_6, %jit3A, %jit3A_7 : i32
    %while3A = arith.constant 0 : i32
    %while3A_9 = arith.constant 0 : i32
    %while3A_10 = arith.subi %select_n3A_8, %while3A_9 : i32
    %while3A_11 = arith.addi %while3A_9, %while3A_10 : i32
    %while3A_12 = arith.constant 1 : i32
    %while3A_13 = arith.divsi %while3A_10, %while3A_12 : i32
    %while3A_14 = arith.muli %while3A_13, %while3A_12 : i32
    %while3A_15 = arith.addi %while3A_9, %while3A_14 : i32
    %while3A_16 = arith.constant 1 : i32
    scf.for %while3A_48 = %while3A_9 to %while3A_15 step %while3A_16  : i32 {
      %add3A_49 = arith.addi %select_n3A, %while3A_48 : i32
      %dma_start3A = arith.constant 0 : i32
      %dma_start3A_50 = tpu.memref_slice %arg6[%while3A_48, %dma_start3A] : memref<85x128xf32, #tpu.memory_space<vmem>> -> memref<1x128xf32, #tpu.memory_space<vmem>>
      %dma_start3A_51 = tpu.memref_squeeze %dma_start3A_50 : memref<1x128xf32, #tpu.memory_space<vmem>> -> memref<128xf32, #tpu.memory_space<vmem>>
      %dma_start3A_52 = arith.constant 0 : i32
      %dma_start3A_53 = tpu.memref_slice %arg2[%add3A_49, %dma_start3A_52] : memref<1360x128xf32, #tpu.memory_space<hbm>> -> memref<1x128xf32, #tpu.memory_space<hbm>>
      %dma_start3A_54 = tpu.memref_squeeze %dma_start3A_53 : memref<1x128xf32, #tpu.memory_space<hbm>> -> memref<128xf32, #tpu.memory_space<hbm>>
      %dma_start3A_55 = arith.constant 0 : i32
      %dma_start3A_56 = tpu.memref_slice %arg6[%while3A_48, %dma_start3A_55] : memref<85x128xf32, #tpu.memory_space<vmem>> -> memref<1x128xf32, #tpu.memory_space<vmem>>
      %dma_start3A_57 = tpu.memref_squeeze %dma_start3A_56 : memref<1x128xf32, #tpu.memory_space<vmem>> -> memref<128xf32, #tpu.memory_space<vmem>>
      %dma_start3A_58 = arith.constant 0 : i32
      %dma_start3A_59 = tpu.memref_slice %arg2[%add3A_49, %dma_start3A_58] : memref<1360x128xf32, #tpu.memory_space<hbm>> -> memref<1x128xf32, #tpu.memory_space<hbm>>
      %dma_start3A_60 = tpu.memref_squeeze %dma_start3A_59 : memref<1x128xf32, #tpu.memory_space<hbm>> -> memref<128xf32, #tpu.memory_space<hbm>>
      tpu.enqueue_dma source(%dma_start3A_60 : memref<128xf32, #tpu.memory_space<hbm>>) target(%dma_start3A_57 : memref<128xf32, #tpu.memory_space<vmem>>) target_semaphore(%arg8 : memref<!tpu.dma_semaphore, #tpu.memory_space<semaphore_mem>>)
      %add3A_61 = arith.addi %select_n3A, %while3A_48 : i32
      %dma_start3A_62 = arith.constant 0 : i32
      %dma_start3A_63 = tpu.memref_slice %arg7[%while3A_48, %dma_start3A_62] : memref<85x128xi32, #tpu.memory_space<vmem>> -> memref<1x128xi32, #tpu.memory_space<vmem>>
      %dma_start3A_64 = tpu.memref_squeeze %dma_start3A_63 : memref<1x128xi32, #tpu.memory_space<vmem>> -> memref<128xi32, #tpu.memory_space<vmem>>
      %dma_start3A_65 = arith.constant 0 : i32
      %dma_start3A_66 = tpu.memref_slice %arg3[%add3A_61, %dma_start3A_65] : memref<1360x128xi32, #tpu.memory_space<hbm>> -> memref<1x128xi32, #tpu.memory_space<hbm>>
      %dma_start3A_67 = tpu.memref_squeeze %dma_start3A_66 : memref<1x128xi32, #tpu.memory_space<hbm>> -> memref<128xi32, #tpu.memory_space<hbm>>
      %dma_start3A_68 = arith.constant 0 : i32
      %dma_start3A_69 = tpu.memref_slice %arg7[%while3A_48, %dma_start3A_68] : memref<85x128xi32, #tpu.memory_space<vmem>> -> memref<1x128xi32, #tpu.memory_space<vmem>>
      %dma_start3A_70 = tpu.memref_squeeze %dma_start3A_69 : memref<1x128xi32, #tpu.memory_space<vmem>> -> memref<128xi32, #tpu.memory_space<vmem>>
      %dma_start3A_71 = arith.constant 0 : i32
      %dma_start3A_72 = tpu.memref_slice %arg3[%add3A_61, %dma_start3A_71] : memref<1360x128xi32, #tpu.memory_space<hbm>> -> memref<1x128xi32, #tpu.memory_space<hbm>>
      %dma_start3A_73 = tpu.memref_squeeze %dma_start3A_72 : memref<1x128xi32, #tpu.memory_space<hbm>> -> memref<128xi32, #tpu.memory_space<hbm>>
      tpu.enqueue_dma source(%dma_start3A_73 : memref<128xi32, #tpu.memory_space<hbm>>) target(%dma_start3A_70 : memref<128xi32, #tpu.memory_space<vmem>>) target_semaphore(%arg8 : memref<!tpu.dma_semaphore, #tpu.memory_space<semaphore_mem>>)
    }
    %while3A_17 = arith.constant 1 : i32
    scf.for %while3A_48 = %while3A_15 to %while3A_11 step %while3A_17  : i32 {
      %add3A_49 = arith.addi %select_n3A, %while3A_48 : i32
      %dma_start3A = arith.constant 0 : i32
      %dma_start3A_50 = tpu.memref_slice %arg6[%while3A_48, %dma_start3A] : memref<85x128xf32, #tpu.memory_space<vmem>> -> memref<1x128xf32, #tpu.memory_space<vmem>>
      %dma_start3A_51 = tpu.memref_squeeze %dma_start3A_50 : memref<1x128xf32, #tpu.memory_space<vmem>> -> memref<128xf32, #tpu.memory_space<vmem>>
      %dma_start3A_52 = arith.constant 0 : i32
      %dma_start3A_53 = tpu.memref_slice %arg2[%add3A_49, %dma_start3A_52] : memref<1360x128xf32, #tpu.memory_space<hbm>> -> memref<1x128xf32, #tpu.memory_space<hbm>>
      %dma_start3A_54 = tpu.memref_squeeze %dma_start3A_53 : memref<1x128xf32, #tpu.memory_space<hbm>> -> memref<128xf32, #tpu.memory_space<hbm>>
      %dma_start3A_55 = arith.constant 0 : i32
      %dma_start3A_56 = tpu.memref_slice %arg6[%while3A_48, %dma_start3A_55] : memref<85x128xf32, #tpu.memory_space<vmem>> -> memref<1x128xf32, #tpu.memory_space<vmem>>
      %dma_start3A_57 = tpu.memref_squeeze %dma_start3A_56 : memref<1x128xf32, #tpu.memory_space<vmem>> -> memref<128xf32, #tpu.memory_space<vmem>>
      %dma_start3A_58 = arith.constant 0 : i32
      %dma_start3A_59 = tpu.memref_slice %arg2[%add3A_49, %dma_start3A_58] : memref<1360x128xf32, #tpu.memory_space<hbm>> -> memref<1x128xf32, #tpu.memory_space<hbm>>
      %dma_start3A_60 = tpu.memref_squeeze %dma_start3A_59 : memref<1x128xf32, #tpu.memory_space<hbm>> -> memref<128xf32, #tpu.memory_space<hbm>>
      tpu.enqueue_dma source(%dma_start3A_60 : memref<128xf32, #tpu.memory_space<hbm>>) target(%dma_start3A_57 : memref<128xf32, #tpu.memory_space<vmem>>) target_semaphore(%arg8 : memref<!tpu.dma_semaphore, #tpu.memory_space<semaphore_mem>>)
      %add3A_61 = arith.addi %select_n3A, %while3A_48 : i32
      %dma_start3A_62 = arith.constant 0 : i32
      %dma_start3A_63 = tpu.memref_slice %arg7[%while3A_48, %dma_start3A_62] : memref<85x128xi32, #tpu.memory_space<vmem>> -> memref<1x128xi32, #tpu.memory_space<vmem>>
      %dma_start3A_64 = tpu.memref_squeeze %dma_start3A_63 : memref<1x128xi32, #tpu.memory_space<vmem>> -> memref<128xi32, #tpu.memory_space<vmem>>
      %dma_start3A_65 = arith.constant 0 : i32
      %dma_start3A_66 = tpu.memref_slice %arg3[%add3A_61, %dma_start3A_65] : memref<1360x128xi32, #tpu.memory_space<hbm>> -> memref<1x128xi32, #tpu.memory_space<hbm>>
      %dma_start3A_67 = tpu.memref_squeeze %dma_start3A_66 : memref<1x128xi32, #tpu.memory_space<hbm>> -> memref<128xi32, #tpu.memory_space<hbm>>
      %dma_start3A_68 = arith.constant 0 : i32
      %dma_start3A_69 = tpu.memref_slice %arg7[%while3A_48, %dma_start3A_68] : memref<85x128xi32, #tpu.memory_space<vmem>> -> memref<1x128xi32, #tpu.memory_space<vmem>>
      %dma_start3A_70 = tpu.memref_squeeze %dma_start3A_69 : memref<1x128xi32, #tpu.memory_space<vmem>> -> memref<128xi32, #tpu.memory_space<vmem>>
      %dma_start3A_71 = arith.constant 0 : i32
      %dma_start3A_72 = tpu.memref_slice %arg3[%add3A_61, %dma_start3A_71] : memref<1360x128xi32, #tpu.memory_space<hbm>> -> memref<1x128xi32, #tpu.memory_space<hbm>>
      %dma_start3A_73 = tpu.memref_squeeze %dma_start3A_72 : memref<1x128xi32, #tpu.memory_space<hbm>> -> memref<128xi32, #tpu.memory_space<hbm>>
      tpu.enqueue_dma source(%dma_start3A_73 : memref<128xi32, #tpu.memory_space<hbm>>) target(%dma_start3A_70 : memref<128xi32, #tpu.memory_space<vmem>>) target_semaphore(%arg8 : memref<!tpu.dma_semaphore, #tpu.memory_space<semaphore_mem>>)
    }
    %while3A_18 = arith.constant 0 : i32
    %while3A_19 = arith.constant 0 : i32
    %while3A_20 = arith.subi %select_n3A_8, %while3A_19 : i32
    %while3A_21 = arith.addi %while3A_19, %while3A_20 : i32
    %while3A_22 = arith.constant 1 : i32
    %while3A_23 = arith.divsi %while3A_20, %while3A_22 : i32
    %while3A_24 = arith.muli %while3A_23, %while3A_22 : i32
    %while3A_25 = arith.addi %while3A_19, %while3A_24 : i32
    %while3A_26 = arith.constant 1 : i32
    scf.for %while3A_48 = %while3A_19 to %while3A_25 step %while3A_26  : i32 {
      %dma_wait3A = arith.constant 0 : i32
      %dma_wait3A_49 = arith.constant 0 : i32
      %dma_wait3A_50 = arith.constant 0 : i32
      %dma_wait3A_51 = tpu.memref_slice %arg6[%dma_wait3A_49, %dma_wait3A_50] : memref<85x128xf32, #tpu.memory_space<vmem>> -> memref<1x128xf32, #tpu.memory_space<vmem>>
      %dma_wait3A_52 = tpu.memref_squeeze %dma_wait3A_51 : memref<1x128xf32, #tpu.memory_space<vmem>> -> memref<128xf32, #tpu.memory_space<vmem>>
      %dma_wait3A_53 = arith.constant 0 : i32
      %dma_wait3A_54 = tpu.memref_slice %arg2[%dma_wait3A, %dma_wait3A_53] : memref<1360x128xf32, #tpu.memory_space<hbm>> -> memref<1x128xf32, #tpu.memory_space<hbm>>
      %dma_wait3A_55 = tpu.memref_squeeze %dma_wait3A_54 : memref<1x128xf32, #tpu.memory_space<hbm>> -> memref<128xf32, #tpu.memory_space<hbm>>
      %dma_wait3A_56 = arith.constant 0 : i32
      %dma_wait3A_57 = tpu.memref_slice %arg6[%dma_wait3A_49, %dma_wait3A_56] : memref<85x128xf32, #tpu.memory_space<vmem>> -> memref<1x128xf32, #tpu.memory_space<vmem>>
      %dma_wait3A_58 = tpu.memref_squeeze %dma_wait3A_57 : memref<1x128xf32, #tpu.memory_space<vmem>> -> memref<128xf32, #tpu.memory_space<vmem>>
      %dma_wait3A_59 = arith.constant 0 : i32
      %dma_wait3A_60 = tpu.memref_slice %arg2[%dma_wait3A, %dma_wait3A_59] : memref<1360x128xf32, #tpu.memory_space<hbm>> -> memref<1x128xf32, #tpu.memory_space<hbm>>
      %dma_wait3A_61 = tpu.memref_squeeze %dma_wait3A_60 : memref<1x128xf32, #tpu.memory_space<hbm>> -> memref<128xf32, #tpu.memory_space<hbm>>
      tpu.wait_dma2 semaphore(%arg8 : memref<!tpu.dma_semaphore, #tpu.memory_space<semaphore_mem>>) src(%dma_wait3A_61 : memref<128xf32, #tpu.memory_space<hbm>>) dst(%dma_wait3A_58 : memref<128xf32, #tpu.memory_space<vmem>>)
      %dma_wait3A_62 = arith.constant 0 : i32
      %dma_wait3A_63 = arith.constant 0 : i32
      %dma_wait3A_64 = arith.constant 0 : i32
      %dma_wait3A_65 = tpu.memref_slice %arg7[%dma_wait3A_63, %dma_wait3A_64] : memref<85x128xi32, #tpu.memory_space<vmem>> -> memref<1x128xi32, #tpu.memory_space<vmem>>
      %dma_wait3A_66 = tpu.memref_squeeze %dma_wait3A_65 : memref<1x128xi32, #tpu.memory_space<vmem>> -> memref<128xi32, #tpu.memory_space<vmem>>
      %dma_wait3A_67 = arith.constant 0 : i32
      %dma_wait3A_68 = tpu.memref_slice %arg3[%dma_wait3A_62, %dma_wait3A_67] : memref<1360x128xi32, #tpu.memory_space<hbm>> -> memref<1x128xi32, #tpu.memory_space<hbm>>
      %dma_wait3A_69 = tpu.memref_squeeze %dma_wait3A_68 : memref<1x128xi32, #tpu.memory_space<hbm>> -> memref<128xi32, #tpu.memory_space<hbm>>
      %dma_wait3A_70 = arith.constant 0 : i32
      %dma_wait3A_71 = tpu.memref_slice %arg7[%dma_wait3A_63, %dma_wait3A_70] : memref<85x128xi32, #tpu.memory_space<vmem>> -> memref<1x128xi32, #tpu.memory_space<vmem>>
      %dma_wait3A_72 = tpu.memref_squeeze %dma_wait3A_71 : memref<1x128xi32, #tpu.memory_space<vmem>> -> memref<128xi32, #tpu.memory_space<vmem>>
      %dma_wait3A_73 = arith.constant 0 : i32
      %dma_wait3A_74 = tpu.memref_slice %arg3[%dma_wait3A_62, %dma_wait3A_73] : memref<1360x128xi32, #tpu.memory_space<hbm>> -> memref<1x128xi32, #tpu.memory_space<hbm>>
      %dma_wait3A_75 = tpu.memref_squeeze %dma_wait3A_74 : memref<1x128xi32, #tpu.memory_space<hbm>> -> memref<128xi32, #tpu.memory_space<hbm>>
      tpu.wait_dma2 semaphore(%arg8 : memref<!tpu.dma_semaphore, #tpu.memory_space<semaphore_mem>>) src(%dma_wait3A_75 : memref<128xi32, #tpu.memory_space<hbm>>) dst(%dma_wait3A_72 : memref<128xi32, #tpu.memory_space<vmem>>)
    }
    %while3A_27 = arith.constant 1 : i32
    scf.for %while3A_48 = %while3A_25 to %while3A_21 step %while3A_27  : i32 {
      %dma_wait3A = arith.constant 0 : i32
      %dma_wait3A_49 = arith.constant 0 : i32
      %dma_wait3A_50 = arith.constant 0 : i32
      %dma_wait3A_51 = tpu.memref_slice %arg6[%dma_wait3A_49, %dma_wait3A_50] : memref<85x128xf32, #tpu.memory_space<vmem>> -> memref<1x128xf32, #tpu.memory_space<vmem>>
      %dma_wait3A_52 = tpu.memref_squeeze %dma_wait3A_51 : memref<1x128xf32, #tpu.memory_space<vmem>> -> memref<128xf32, #tpu.memory_space<vmem>>
      %dma_wait3A_53 = arith.constant 0 : i32
      %dma_wait3A_54 = tpu.memref_slice %arg2[%dma_wait3A, %dma_wait3A_53] : memref<1360x128xf32, #tpu.memory_space<hbm>> -> memref<1x128xf32, #tpu.memory_space<hbm>>
      %dma_wait3A_55 = tpu.memref_squeeze %dma_wait3A_54 : memref<1x128xf32, #tpu.memory_space<hbm>> -> memref<128xf32, #tpu.memory_space<hbm>>
      %dma_wait3A_56 = arith.constant 0 : i32
      %dma_wait3A_57 = tpu.memref_slice %arg6[%dma_wait3A_49, %dma_wait3A_56] : memref<85x128xf32, #tpu.memory_space<vmem>> -> memref<1x128xf32, #tpu.memory_space<vmem>>
      %dma_wait3A_58 = tpu.memref_squeeze %dma_wait3A_57 : memref<1x128xf32, #tpu.memory_space<vmem>> -> memref<128xf32, #tpu.memory_space<vmem>>
      %dma_wait3A_59 = arith.constant 0 : i32
      %dma_wait3A_60 = tpu.memref_slice %arg2[%dma_wait3A, %dma_wait3A_59] : memref<1360x128xf32, #tpu.memory_space<hbm>> -> memref<1x128xf32, #tpu.memory_space<hbm>>
      %dma_wait3A_61 = tpu.memref_squeeze %dma_wait3A_60 : memref<1x128xf32, #tpu.memory_space<hbm>> -> memref<128xf32, #tpu.memory_space<hbm>>
      tpu.wait_dma2 semaphore(%arg8 : memref<!tpu.dma_semaphore, #tpu.memory_space<semaphore_mem>>) src(%dma_wait3A_61 : memref<128xf32, #tpu.memory_space<hbm>>) dst(%dma_wait3A_58 : memref<128xf32, #tpu.memory_space<vmem>>)
      %dma_wait3A_62 = arith.constant 0 : i32
      %dma_wait3A_63 = arith.constant 0 : i32
      %dma_wait3A_64 = arith.constant 0 : i32
      %dma_wait3A_65 = tpu.memref_slice %arg7[%dma_wait3A_63, %dma_wait3A_64] : memref<85x128xi32, #tpu.memory_space<vmem>> -> memref<1x128xi32, #tpu.memory_space<vmem>>
      %dma_wait3A_66 = tpu.memref_squeeze %dma_wait3A_65 : memref<1x128xi32, #tpu.memory_space<vmem>> -> memref<128xi32, #tpu.memory_space<vmem>>
      %dma_wait3A_67 = arith.constant 0 : i32
      %dma_wait3A_68 = tpu.memref_slice %arg3[%dma_wait3A_62, %dma_wait3A_67] : memref<1360x128xi32, #tpu.memory_space<hbm>> -> memref<1x128xi32, #tpu.memory_space<hbm>>
      %dma_wait3A_69 = tpu.memref_squeeze %dma_wait3A_68 : memref<1x128xi32, #tpu.memory_space<hbm>> -> memref<128xi32, #tpu.memory_space<hbm>>
      %dma_wait3A_70 = arith.constant 0 : i32
      %dma_wait3A_71 = tpu.memref_slice %arg7[%dma_wait3A_63, %dma_wait3A_70] : memref<85x128xi32, #tpu.memory_space<vmem>> -> memref<1x128xi32, #tpu.memory_space<vmem>>
      %dma_wait3A_72 = tpu.memref_squeeze %dma_wait3A_71 : memref<1x128xi32, #tpu.memory_space<vmem>> -> memref<128xi32, #tpu.memory_space<vmem>>
      %dma_wait3A_73 = arith.constant 0 : i32
      %dma_wait3A_74 = tpu.memref_slice %arg3[%dma_wait3A_62, %dma_wait3A_73] : memref<1360x128xi32, #tpu.memory_space<hbm>> -> memref<1x128xi32, #tpu.memory_space<hbm>>
      %dma_wait3A_75 = tpu.memref_squeeze %dma_wait3A_74 : memref<1x128xi32, #tpu.memory_space<hbm>> -> memref<128xi32, #tpu.memory_space<hbm>>
      tpu.wait_dma2 semaphore(%arg8 : memref<!tpu.dma_semaphore, #tpu.memory_space<semaphore_mem>>) src(%dma_wait3A_75 : memref<128xi32, #tpu.memory_space<hbm>>) dst(%dma_wait3A_72 : memref<128xi32, #tpu.memory_space<vmem>>)
    }
    %while3A_28 = arith.constant 0 : i32
    %while3A_29 = arith.constant 0 : i32
    %while3A_30 = arith.subi %select_n3A_8, %while3A_29 : i32
    %while3A_31 = arith.addi %while3A_29, %while3A_30 : i32
    %while3A_32 = arith.constant 1 : i32
    %while3A_33 = arith.divsi %while3A_30, %while3A_32 : i32
    %while3A_34 = arith.muli %while3A_33, %while3A_32 : i32
    %while3A_35 = arith.addi %while3A_29, %while3A_34 : i32
    %while3A_36 = arith.constant 1 : i32
    scf.for %while3A_48 = %while3A_29 to %while3A_35 step %while3A_36  : i32 {
      %dma_start3A = arith.constant 0 : i32
      %dma_start3A_49 = tpu.memref_slice %arg6[%while3A_48, %dma_start3A] : memref<85x128xf32, #tpu.memory_space<vmem>> -> memref<1x128xf32, #tpu.memory_space<vmem>>
      %dma_start3A_50 = tpu.memref_squeeze %dma_start3A_49 : memref<1x128xf32, #tpu.memory_space<vmem>> -> memref<128xf32, #tpu.memory_space<vmem>>
      %dma_start3A_51 = arith.constant 0 : i32
      %dma_start3A_52 = tpu.memref_slice %arg7[%while3A_48, %dma_start3A_51] : memref<85x128xi32, #tpu.memory_space<vmem>> -> memref<1x128xi32, #tpu.memory_space<vmem>>
      %dma_start3A_53 = tpu.memref_squeeze %dma_start3A_52 : memref<1x128xi32, #tpu.memory_space<vmem>> -> memref<128xi32, #tpu.memory_space<vmem>>
      %dma_start3A_54 = arith.constant 0 : i32
      %dma_start3A_55 = tpu.memref_slice %arg4[%dma_start3A_54] : memref<100000000xf32, #tpu.memory_space<hbm>> -> memref<100000000xf32, #tpu.memory_space<hbm>>
      tpu.enqueue_indirect_dma source(%dma_start3A_50 : memref<128xf32, #tpu.memory_space<vmem>>) target(%dma_start3A_55 : memref<100000000xf32, #tpu.memory_space<hbm>>) offsets(%dma_start3A_53 : memref<128xi32, #tpu.memory_space<vmem>>) semaphore(%arg9 : memref<!tpu.dma_semaphore, #tpu.memory_space<semaphore_mem>>)
    }
    %while3A_37 = arith.constant 1 : i32
    scf.for %while3A_48 = %while3A_35 to %while3A_31 step %while3A_37  : i32 {
      %dma_start3A = arith.constant 0 : i32
      %dma_start3A_49 = tpu.memref_slice %arg6[%while3A_48, %dma_start3A] : memref<85x128xf32, #tpu.memory_space<vmem>> -> memref<1x128xf32, #tpu.memory_space<vmem>>
      %dma_start3A_50 = tpu.memref_squeeze %dma_start3A_49 : memref<1x128xf32, #tpu.memory_space<vmem>> -> memref<128xf32, #tpu.memory_space<vmem>>
      %dma_start3A_51 = arith.constant 0 : i32
      %dma_start3A_52 = tpu.memref_slice %arg7[%while3A_48, %dma_start3A_51] : memref<85x128xi32, #tpu.memory_space<vmem>> -> memref<1x128xi32, #tpu.memory_space<vmem>>
      %dma_start3A_53 = tpu.memref_squeeze %dma_start3A_52 : memref<1x128xi32, #tpu.memory_space<vmem>> -> memref<128xi32, #tpu.memory_space<vmem>>
      %dma_start3A_54 = arith.constant 0 : i32
      %dma_start3A_55 = tpu.memref_slice %arg4[%dma_start3A_54] : memref<100000000xf32, #tpu.memory_space<hbm>> -> memref<100000000xf32, #tpu.memory_space<hbm>>
      tpu.enqueue_indirect_dma source(%dma_start3A_50 : memref<128xf32, #tpu.memory_space<vmem>>) target(%dma_start3A_55 : memref<100000000xf32, #tpu.memory_space<hbm>>) offsets(%dma_start3A_53 : memref<128xi32, #tpu.memory_space<vmem>>) semaphore(%arg9 : memref<!tpu.dma_semaphore, #tpu.memory_space<semaphore_mem>>)
    }
    %while3A_38 = arith.constant 0 : i32
    %while3A_39 = arith.constant 0 : i32
    %while3A_40 = arith.subi %select_n3A_8, %while3A_39 : i32
    %while3A_41 = arith.addi %while3A_39, %while3A_40 : i32
    %while3A_42 = arith.constant 1 : i32
    %while3A_43 = arith.divsi %while3A_40, %while3A_42 : i32
    %while3A_44 = arith.muli %while3A_43, %while3A_42 : i32
    %while3A_45 = arith.addi %while3A_39, %while3A_44 : i32
    %while3A_46 = arith.constant 1 : i32
    scf.for %while3A_48 = %while3A_39 to %while3A_45 step %while3A_46  : i32 {
      %dma_wait3A = arith.constant 0 : i32
      %dma_wait3A_49 = arith.constant 0 : i32
      %dma_wait3A_50 = arith.constant 0 : i32
      %dma_wait3A_51 = tpu.memref_slice %arg6[%dma_wait3A, %dma_wait3A_50] : memref<85x128xf32, #tpu.memory_space<vmem>> -> memref<1x128xf32, #tpu.memory_space<vmem>>
      %dma_wait3A_52 = tpu.memref_squeeze %dma_wait3A_51 : memref<1x128xf32, #tpu.memory_space<vmem>> -> memref<128xf32, #tpu.memory_space<vmem>>
      %dma_wait3A_53 = arith.constant 0 : i32
      %dma_wait3A_54 = tpu.memref_slice %arg7[%dma_wait3A_49, %dma_wait3A_53] : memref<85x128xi32, #tpu.memory_space<vmem>> -> memref<1x128xi32, #tpu.memory_space<vmem>>
      %dma_wait3A_55 = tpu.memref_squeeze %dma_wait3A_54 : memref<1x128xi32, #tpu.memory_space<vmem>> -> memref<128xi32, #tpu.memory_space<vmem>>
      %dma_wait3A_56 = arith.constant 0 : i32
      %dma_wait3A_57 = tpu.memref_slice %arg4[%dma_wait3A_56] : memref<100000000xf32, #tpu.memory_space<hbm>> -> memref<100000000xf32, #tpu.memory_space<hbm>>
      tpu.wait_indirect_dma semaphore(%arg9 : memref<!tpu.dma_semaphore, #tpu.memory_space<semaphore_mem>>) src(%dma_wait3A_52 : memref<128xf32, #tpu.memory_space<vmem>>) dst(%dma_wait3A_57 : memref<100000000xf32, #tpu.memory_space<hbm>>)
    }
    %while3A_47 = arith.constant 1 : i32
    scf.for %while3A_48 = %while3A_45 to %while3A_41 step %while3A_47  : i32 {
      %dma_wait3A = arith.constant 0 : i32
      %dma_wait3A_49 = arith.constant 0 : i32
      %dma_wait3A_50 = arith.constant 0 : i32
      %dma_wait3A_51 = tpu.memref_slice %arg6[%dma_wait3A, %dma_wait3A_50] : memref<85x128xf32, #tpu.memory_space<vmem>> -> memref<1x128xf32, #tpu.memory_space<vmem>>
      %dma_wait3A_52 = tpu.memref_squeeze %dma_wait3A_51 : memref<1x128xf32, #tpu.memory_space<vmem>> -> memref<128xf32, #tpu.memory_space<vmem>>
      %dma_wait3A_53 = arith.constant 0 : i32
      %dma_wait3A_54 = tpu.memref_slice %arg7[%dma_wait3A_49, %dma_wait3A_53] : memref<85x128xi32, #tpu.memory_space<vmem>> -> memref<1x128xi32, #tpu.memory_space<vmem>>
      %dma_wait3A_55 = tpu.memref_squeeze %dma_wait3A_54 : memref<1x128xi32, #tpu.memory_space<vmem>> -> memref<128xi32, #tpu.memory_space<vmem>>
      %dma_wait3A_56 = arith.constant 0 : i32
      %dma_wait3A_57 = tpu.memref_slice %arg4[%dma_wait3A_56] : memref<100000000xf32, #tpu.memory_space<hbm>> -> memref<100000000xf32, #tpu.memory_space<hbm>>
      tpu.wait_indirect_dma semaphore(%arg9 : memref<!tpu.dma_semaphore, #tpu.memory_space<semaphore_mem>>) src(%dma_wait3A_52 : memref<128xf32, #tpu.memory_space<vmem>>) dst(%dma_wait3A_57 : memref<100000000xf32, #tpu.memory_space<hbm>>)
    }
    return
  }
}

#map = affine_map<(d0, d1) -> (0, 0)>
#map1 = affine_map<(d0, d1) -> (0)>
module attributes {stable_mosaic.version = 14 : i64} {
  func.func @edge_kernel(%arg0: i32, %arg1: i32, %arg2: memref<10000x128xf32, #tpu.memory_space<hbm>>, %arg3: memref<10000x128xf32, #tpu.memory_space<hbm>>, %arg4: memref<163840xi32, #tpu.memory_space<hbm>>, %arg5: memref<163840xi32, #tpu.memory_space<hbm>>, %arg6: memref<128xf32, #tpu.memory_space<hbm>>, %arg7: memref<16xf32, #tpu.memory_space<hbm>>, %arg8: memref<1280x128xf32, #tpu.memory_space<hbm>>, %arg9: memref<1280x128xi32, #tpu.memory_space<hbm>>, %arg10: memref<5120xi32, #tpu.memory_space<vmem>>, %arg11: memref<5120xi32, #tpu.memory_space<vmem>>, %arg12: memref<2x128x128xf32, #tpu.memory_space<vmem>>, %arg13: memref<2x128x128xf32, #tpu.memory_space<vmem>>, %arg14: memref<2x128xf32, #tpu.memory_space<vmem>>, %arg15: memref<2x128xi32, #tpu.memory_space<vmem>>, %arg16: memref<128xf32, #tpu.memory_space<vmem>>, %arg17: memref<16xf32, #tpu.memory_space<vmem>>, %arg18: memref<16x16xf32, #tpu.memory_space<vmem>>, %arg19: memref<!tpu.dma_semaphore, #tpu.memory_space<semaphore_mem>>, %arg20: memref<!tpu.dma_semaphore, #tpu.memory_space<semaphore_mem>>, %arg21: memref<!tpu.dma_semaphore, #tpu.memory_space<semaphore_mem>>, %arg22: memref<!tpu.dma_semaphore, #tpu.memory_space<semaphore_mem>>) attributes {dimension_semantics = [#tpu.dimension_semantics<core_parallel>, #tpu.dimension_semantics<subcore_parallel>], iteration_bounds = array<i64: 2, 16>, scalar_prefetch = 0 : i64, scratch_operands = 13 : i64, tpu.core_type = #tpu.core_type<sc_vector_subcore>, window_params = [{transform_indices = #map}, {transform_indices = #map}, {transform_indices = #map1}, {transform_indices = #map1}, {transform_indices = #map1}, {transform_indices = #map1}, {transform_indices = #map}, {transform_indices = #map}]} {
    %mul3A = arith.constant 2 : i32
    %mul3A_0 = arith.muli %arg1, %mul3A : i32
    %add3A = arith.addi %mul3A_0, %arg0 : i32
    %mul3A_1 = arith.constant 40 : i32
    %mul3A_2 = arith.muli %add3A, %mul3A_1 : i32
    "tpu.region"() ({
      %run_scoped3A = tpu.sem_alloc : memref<!tpu.dma_semaphore, #tpu.memory_space<semaphore_mem>>
      tpu.enqueue_dma source(%arg6 : memref<128xf32, #tpu.memory_space<hbm>>) target(%arg16 : memref<128xf32, #tpu.memory_space<vmem>>) target_semaphore(%run_scoped3A : memref<!tpu.dma_semaphore, #tpu.memory_space<semaphore_mem>>)
      tpu.wait_dma2 semaphore(%run_scoped3A : memref<!tpu.dma_semaphore, #tpu.memory_space<semaphore_mem>>) src(%arg6 : memref<128xf32, #tpu.memory_space<hbm>>) dst(%arg16 : memref<128xf32, #tpu.memory_space<vmem>>)
      tpu.yield
    }) : () -> ()
    "tpu.region"() ({
      %run_scoped3A = tpu.sem_alloc : memref<!tpu.dma_semaphore, #tpu.memory_space<semaphore_mem>>
      tpu.enqueue_dma source(%arg7 : memref<16xf32, #tpu.memory_space<hbm>>) target(%arg17 : memref<16xf32, #tpu.memory_space<vmem>>) target_semaphore(%run_scoped3A : memref<!tpu.dma_semaphore, #tpu.memory_space<semaphore_mem>>)
      tpu.wait_dma2 semaphore(%run_scoped3A : memref<!tpu.dma_semaphore, #tpu.memory_space<semaphore_mem>>) src(%arg7 : memref<16xf32, #tpu.memory_space<hbm>>) dst(%arg17 : memref<16xf32, #tpu.memory_space<vmem>>)
      tpu.yield
    }) : () -> ()
    %mul3A_3 = arith.constant 128 : i32
    %mul3A_4 = arith.muli %mul3A_2, %mul3A_3 : i32
    "tpu.region"() ({
      %run_scoped3A = tpu.sem_alloc : memref<!tpu.dma_semaphore, #tpu.memory_space<semaphore_mem>>
      %dma_start3A_87 = tpu.memref_slice %arg4[%mul3A_4] : memref<163840xi32, #tpu.memory_space<hbm>> -> memref<5120xi32, #tpu.memory_space<hbm>>
      %dma_start3A_88 = tpu.memref_slice %arg4[%mul3A_4] : memref<163840xi32, #tpu.memory_space<hbm>> -> memref<5120xi32, #tpu.memory_space<hbm>>
      tpu.enqueue_dma source(%dma_start3A_88 : memref<5120xi32, #tpu.memory_space<hbm>>) target(%arg10 : memref<5120xi32, #tpu.memory_space<vmem>>) target_semaphore(%run_scoped3A : memref<!tpu.dma_semaphore, #tpu.memory_space<semaphore_mem>>)
      %dma_wait3A_89 = tpu.memref_slice %arg4[%mul3A_4] : memref<163840xi32, #tpu.memory_space<hbm>> -> memref<5120xi32, #tpu.memory_space<hbm>>
      %dma_wait3A_90 = tpu.memref_slice %arg4[%mul3A_4] : memref<163840xi32, #tpu.memory_space<hbm>> -> memref<5120xi32, #tpu.memory_space<hbm>>
      tpu.wait_dma2 semaphore(%run_scoped3A : memref<!tpu.dma_semaphore, #tpu.memory_space<semaphore_mem>>) src(%dma_wait3A_90 : memref<5120xi32, #tpu.memory_space<hbm>>) dst(%arg10 : memref<5120xi32, #tpu.memory_space<vmem>>)
      tpu.yield
    }) : () -> ()
    %mul3A_5 = arith.constant 128 : i32
    %mul3A_6 = arith.muli %mul3A_2, %mul3A_5 : i32
    "tpu.region"() ({
      %run_scoped3A = tpu.sem_alloc : memref<!tpu.dma_semaphore, #tpu.memory_space<semaphore_mem>>
      %dma_start3A_87 = tpu.memref_slice %arg5[%mul3A_6] : memref<163840xi32, #tpu.memory_space<hbm>> -> memref<5120xi32, #tpu.memory_space<hbm>>
      %dma_start3A_88 = tpu.memref_slice %arg5[%mul3A_6] : memref<163840xi32, #tpu.memory_space<hbm>> -> memref<5120xi32, #tpu.memory_space<hbm>>
      tpu.enqueue_dma source(%dma_start3A_88 : memref<5120xi32, #tpu.memory_space<hbm>>) target(%arg11 : memref<5120xi32, #tpu.memory_space<vmem>>) target_semaphore(%run_scoped3A : memref<!tpu.dma_semaphore, #tpu.memory_space<semaphore_mem>>)
      %dma_wait3A_89 = tpu.memref_slice %arg5[%mul3A_6] : memref<163840xi32, #tpu.memory_space<hbm>> -> memref<5120xi32, #tpu.memory_space<hbm>>
      %dma_wait3A_90 = tpu.memref_slice %arg5[%mul3A_6] : memref<163840xi32, #tpu.memory_space<hbm>> -> memref<5120xi32, #tpu.memory_space<hbm>>
      tpu.wait_dma2 semaphore(%run_scoped3A : memref<!tpu.dma_semaphore, #tpu.memory_space<semaphore_mem>>) src(%dma_wait3A_90 : memref<5120xi32, #tpu.memory_space<hbm>>) dst(%arg11 : memref<5120xi32, #tpu.memory_space<vmem>>)
      tpu.yield
    }) : () -> ()
    %get3A = arith.constant 0 : index
    %get3A_7 = tpu.vector_load %arg17[%get3A] {strides = array<i32>} : memref<16xf32, #tpu.memory_space<vmem>>, vector<16xf32>,
    %iota3A = tpu.iota {dimensions = array<i32: 0>} : vector<16xi32>
    %dma_start3A = arith.constant 0 : i32
    %dma_start3A_8 = arith.constant 0 : i32
    %dma_start3A_9 = arith.constant 0 : i32
    %dma_start3A_10 = tpu.memref_slice %arg12[%dma_start3A, %dma_start3A_8, %dma_start3A_9] : memref<2x128x128xf32, #tpu.memory_space<vmem>> -> memref<1x128x128xf32, #tpu.memory_space<vmem>>
    %dma_start3A_11 = tpu.memref_squeeze %dma_start3A_10 : memref<1x128x128xf32, #tpu.memory_space<vmem>> -> memref<128x128xf32, #tpu.memory_space<vmem>>
    %dma_start3A_12 = arith.constant 0 : i32
    %dma_start3A_13 = tpu.memref_slice %arg10[%dma_start3A_12] : memref<5120xi32, #tpu.memory_space<vmem>> -> memref<128xi32, #tpu.memory_space<vmem>>
    %dma_start3A_14 = arith.constant 0 : i32
    %dma_start3A_15 = arith.constant 0 : i32
    %dma_start3A_16 = tpu.memref_slice %arg2[%dma_start3A_14, %dma_start3A_15] : memref<10000x128xf32, #tpu.memory_space<hbm>> -> memref<10000x128xf32, #tpu.memory_space<hbm>>
    tpu.enqueue_indirect_dma source(%dma_start3A_16 : memref<10000x128xf32, #tpu.memory_space<hbm>>) target(%dma_start3A_11 : memref<128x128xf32, #tpu.memory_space<vmem>>) offsets(%dma_start3A_13 : memref<128xi32, #tpu.memory_space<vmem>>) semaphore(%arg19 : memref<!tpu.dma_semaphore, #tpu.memory_space<semaphore_mem>>)
    %dma_start3A_17 = arith.constant 0 : i32
    %dma_start3A_18 = arith.constant 0 : i32
    %dma_start3A_19 = arith.constant 0 : i32
    %dma_start3A_20 = tpu.memref_slice %arg13[%dma_start3A_17, %dma_start3A_18, %dma_start3A_19] : memref<2x128x128xf32, #tpu.memory_space<vmem>> -> memref<1x128x128xf32, #tpu.memory_space<vmem>>
    %dma_start3A_21 = tpu.memref_squeeze %dma_start3A_20 : memref<1x128x128xf32, #tpu.memory_space<vmem>> -> memref<128x128xf32, #tpu.memory_space<vmem>>
    %dma_start3A_22 = arith.constant 0 : i32
    %dma_start3A_23 = tpu.memref_slice %arg11[%dma_start3A_22] : memref<5120xi32, #tpu.memory_space<vmem>> -> memref<128xi32, #tpu.memory_space<vmem>>
    %dma_start3A_24 = arith.constant 0 : i32
    %dma_start3A_25 = arith.constant 0 : i32
    %dma_start3A_26 = tpu.memref_slice %arg3[%dma_start3A_24, %dma_start3A_25] : memref<10000x128xf32, #tpu.memory_space<hbm>> -> memref<10000x128xf32, #tpu.memory_space<hbm>>
    tpu.enqueue_indirect_dma source(%dma_start3A_26 : memref<10000x128xf32, #tpu.memory_space<hbm>>) target(%dma_start3A_21 : memref<128x128xf32, #tpu.memory_space<vmem>>) offsets(%dma_start3A_23 : memref<128xi32, #tpu.memory_space<vmem>>) semaphore(%arg20 : memref<!tpu.dma_semaphore, #tpu.memory_space<semaphore_mem>>)
    %scan3A = arith.constant 0 : i32
    %scan3A_27 = arith.constant 0 : i32
    %scan3A_28 = arith.constant 40 : i32
    %scan3A_29 = arith.addi %scan3A_27, %scan3A_28 : i32
    %scan3A_30 = arith.constant 1 : i32
    scf.for %scan3A_87 = %scan3A_27 to %scan3A_29 step %scan3A_30  : i32 {
      %rem3A = arith.constant 2 : i32
      %rem3A_88 = arith.remsi %scan3A_87, %rem3A : i32
      %sub3A = arith.constant 1 : i32
      %sub3A_89 = arith.subi %sub3A, %rem3A_88 : i32
      %add3A_90 = arith.constant 1 : i32
      %add3A_91 = arith.addi %scan3A_87, %add3A_90 : i32
      %lt3A = arith.constant 40 : i32
      %lt3A_92 = arith.cmpi slt, %add3A_91, %lt3A : i32
      %convert_element_type3A = arith.extui %lt3A_92 : i1 to i32
      %cond3A = arith.constant 0 : i32
      %cond3A_93 = arith.cmpi ne, %convert_element_type3A, %cond3A : i32
      scf.if %cond3A_93 {
        %add3A_147 = arith.constant 1 : i32
        %add3A_148 = arith.addi %scan3A_87, %add3A_147 : i32
        %mul3A_149 = arith.constant 128 : i32
        %mul3A_150 = arith.muli %add3A_148, %mul3A_149 : i32
        %dma_start3A_151 = arith.constant 0 : i32
        %dma_start3A_152 = arith.constant 0 : i32
        %dma_start3A_153 = tpu.memref_slice %arg12[%sub3A_89, %dma_start3A_151, %dma_start3A_152] : memref<2x128x128xf32, #tpu.memory_space<vmem>> -> memref<1x128x128xf32, #tpu.memory_space<vmem>>
        %dma_start3A_154 = tpu.memref_squeeze %dma_start3A_153 : memref<1x128x128xf32, #tpu.memory_space<vmem>> -> memref<128x128xf32, #tpu.memory_space<vmem>>
        %dma_start3A_155 = tpu.memref_slice %arg10[%mul3A_150] : memref<5120xi32, #tpu.memory_space<vmem>> -> memref<128xi32, #tpu.memory_space<vmem>>
        %dma_start3A_156 = arith.constant 0 : i32
        %dma_start3A_157 = arith.constant 0 : i32
        %dma_start3A_158 = tpu.memref_slice %arg2[%dma_start3A_156, %dma_start3A_157] : memref<10000x128xf32, #tpu.memory_space<hbm>> -> memref<10000x128xf32, #tpu.memory_space<hbm>>
        tpu.enqueue_indirect_dma source(%dma_start3A_158 : memref<10000x128xf32, #tpu.memory_space<hbm>>) target(%dma_start3A_154 : memref<128x128xf32, #tpu.memory_space<vmem>>) offsets(%dma_start3A_155 : memref<128xi32, #tpu.memory_space<vmem>>) semaphore(%arg19 : memref<!tpu.dma_semaphore, #tpu.memory_space<semaphore_mem>>)
        %mul3A_159 = arith.constant 128 : i32
        %mul3A_160 = arith.muli %add3A_148, %mul3A_159 : i32
        %dma_start3A_161 = arith.constant 0 : i32
        %dma_start3A_162 = arith.constant 0 : i32
        %dma_start3A_163 = tpu.memref_slice %arg13[%sub3A_89, %dma_start3A_161, %dma_start3A_162] : memref<2x128x128xf32, #tpu.memory_space<vmem>> -> memref<1x128x128xf32, #tpu.memory_space<vmem>>
        %dma_start3A_164 = tpu.memref_squeeze %dma_start3A_163 : memref<1x128x128xf32, #tpu.memory_space<vmem>> -> memref<128x128xf32, #tpu.memory_space<vmem>>
        %dma_start3A_165 = tpu.memref_slice %arg11[%mul3A_160] : memref<5120xi32, #tpu.memory_space<vmem>> -> memref<128xi32, #tpu.memory_space<vmem>>
        %dma_start3A_166 = arith.constant 0 : i32
        %dma_start3A_167 = arith.constant 0 : i32
        %dma_start3A_168 = tpu.memref_slice %arg3[%dma_start3A_166, %dma_start3A_167] : memref<10000x128xf32, #tpu.memory_space<hbm>> -> memref<10000x128xf32, #tpu.memory_space<hbm>>
        tpu.enqueue_indirect_dma source(%dma_start3A_168 : memref<10000x128xf32, #tpu.memory_space<hbm>>) target(%dma_start3A_164 : memref<128x128xf32, #tpu.memory_space<vmem>>) offsets(%dma_start3A_165 : memref<128xi32, #tpu.memory_space<vmem>>) semaphore(%arg20 : memref<!tpu.dma_semaphore, #tpu.memory_space<semaphore_mem>>)
      } else {
      }
      %dma_wait3A_94 = arith.constant 0 : i32
      %dma_wait3A_95 = arith.constant 0 : i32
      %dma_wait3A_96 = tpu.memref_slice %arg12[%rem3A_88, %dma_wait3A_94, %dma_wait3A_95] : memref<2x128x128xf32, #tpu.memory_space<vmem>> -> memref<1x128x128xf32, #tpu.memory_space<vmem>>
      %dma_wait3A_97 = tpu.memref_squeeze %dma_wait3A_96 : memref<1x128x128xf32, #tpu.memory_space<vmem>> -> memref<128x128xf32, #tpu.memory_space<vmem>>
      %dma_wait3A_98 = arith.constant 0 : i32
      %dma_wait3A_99 = tpu.memref_slice %arg10[%dma_wait3A_98] : memref<5120xi32, #tpu.memory_space<vmem>> -> memref<128xi32, #tpu.memory_space<vmem>>
      %dma_wait3A_100 = arith.constant 0 : i32
      %dma_wait3A_101 = arith.constant 0 : i32
      %dma_wait3A_102 = tpu.memref_slice %arg2[%dma_wait3A_100, %dma_wait3A_101] : memref<10000x128xf32, #tpu.memory_space<hbm>> -> memref<10000x128xf32, #tpu.memory_space<hbm>>
      tpu.wait_indirect_dma semaphore(%arg19 : memref<!tpu.dma_semaphore, #tpu.memory_space<semaphore_mem>>) src(%dma_wait3A_102 : memref<10000x128xf32, #tpu.memory_space<hbm>>) dst(%dma_wait3A_97 : memref<128x128xf32, #tpu.memory_space<vmem>>)
      %dma_wait3A_103 = arith.constant 0 : i32
      %dma_wait3A_104 = arith.constant 0 : i32
      %dma_wait3A_105 = tpu.memref_slice %arg13[%rem3A_88, %dma_wait3A_103, %dma_wait3A_104] : memref<2x128x128xf32, #tpu.memory_space<vmem>> -> memref<1x128x128xf32, #tpu.memory_space<vmem>>
      %dma_wait3A_106 = tpu.memref_squeeze %dma_wait3A_105 : memref<1x128x128xf32, #tpu.memory_space<vmem>> -> memref<128x128xf32, #tpu.memory_space<vmem>>
      %dma_wait3A_107 = arith.constant 0 : i32
      %dma_wait3A_108 = tpu.memref_slice %arg11[%dma_wait3A_107] : memref<5120xi32, #tpu.memory_space<vmem>> -> memref<128xi32, #tpu.memory_space<vmem>>
      %dma_wait3A_109 = arith.constant 0 : i32
      %dma_wait3A_110 = arith.constant 0 : i32
      %dma_wait3A_111 = tpu.memref_slice %arg3[%dma_wait3A_109, %dma_wait3A_110] : memref<10000x128xf32, #tpu.memory_space<hbm>> -> memref<10000x128xf32, #tpu.memory_space<hbm>>
      tpu.wait_indirect_dma semaphore(%arg20 : memref<!tpu.dma_semaphore, #tpu.memory_space<semaphore_mem>>) src(%dma_wait3A_111 : memref<10000x128xf32, #tpu.memory_space<hbm>>) dst(%dma_wait3A_106 : memref<128x128xf32, #tpu.memory_space<vmem>>)
      %ge3A = arith.constant 2 : i32
      %ge3A_112 = arith.cmpi sge, %scan3A_87, %ge3A : i32
      %convert_element_type3A_113 = arith.extui %ge3A_112 : i1 to i32
      %cond3A_114 = arith.constant 0 : i32
      %cond3A_115 = arith.cmpi ne, %convert_element_type3A_113, %cond3A_114 : i32
      scf.if %cond3A_115 {
        %dma_wait3A_147 = arith.constant 0 : i32
        %dma_wait3A_148 = arith.constant 0 : i32
        %dma_wait3A_149 = tpu.memref_slice %arg14[%rem3A_88, %dma_wait3A_148] : memref<2x128xf32, #tpu.memory_space<vmem>> -> memref<1x128xf32, #tpu.memory_space<vmem>>
        %dma_wait3A_150 = tpu.memref_squeeze %dma_wait3A_149 : memref<1x128xf32, #tpu.memory_space<vmem>> -> memref<128xf32, #tpu.memory_space<vmem>>
        %dma_wait3A_151 = arith.constant 0 : i32
        %dma_wait3A_152 = tpu.memref_slice %arg8[%dma_wait3A_147, %dma_wait3A_151] : memref<1280x128xf32, #tpu.memory_space<hbm>> -> memref<1x128xf32, #tpu.memory_space<hbm>>
        %dma_wait3A_153 = tpu.memref_squeeze %dma_wait3A_152 : memref<1x128xf32, #tpu.memory_space<hbm>> -> memref<128xf32, #tpu.memory_space<hbm>>
        %dma_wait3A_154 = arith.constant 0 : i32
        %dma_wait3A_155 = tpu.memref_slice %arg8[%dma_wait3A_147, %dma_wait3A_154] : memref<1280x128xf32, #tpu.memory_space<hbm>> -> memref<1x128xf32, #tpu.memory_space<hbm>>
        %dma_wait3A_156 = tpu.memref_squeeze %dma_wait3A_155 : memref<1x128xf32, #tpu.memory_space<hbm>> -> memref<128xf32, #tpu.memory_space<hbm>>
        %dma_wait3A_157 = arith.constant 0 : i32
        %dma_wait3A_158 = tpu.memref_slice %arg14[%rem3A_88, %dma_wait3A_157] : memref<2x128xf32, #tpu.memory_space<vmem>> -> memref<1x128xf32, #tpu.memory_space<vmem>>
        %dma_wait3A_159 = tpu.memref_squeeze %dma_wait3A_158 : memref<1x128xf32, #tpu.memory_space<vmem>> -> memref<128xf32, #tpu.memory_space<vmem>>
        tpu.wait_dma2 semaphore(%arg21 : memref<!tpu.dma_semaphore, #tpu.memory_space<semaphore_mem>>) src(%dma_wait3A_159 : memref<128xf32, #tpu.memory_space<vmem>>) dst(%dma_wait3A_156 : memref<128xf32, #tpu.memory_space<hbm>>)
        %dma_wait3A_160 = arith.constant 0 : i32
        %dma_wait3A_161 = arith.constant 0 : i32
        %dma_wait3A_162 = tpu.memref_slice %arg15[%rem3A_88, %dma_wait3A_161] : memref<2x128xi32, #tpu.memory_space<vmem>> -> memref<1x128xi32, #tpu.memory_space<vmem>>
        %dma_wait3A_163 = tpu.memref_squeeze %dma_wait3A_162 : memref<1x128xi32, #tpu.memory_space<vmem>> -> memref<128xi32, #tpu.memory_space<vmem>>
        %dma_wait3A_164 = arith.constant 0 : i32
        %dma_wait3A_165 = tpu.memref_slice %arg9[%dma_wait3A_160, %dma_wait3A_164] : memref<1280x128xi32, #tpu.memory_space<hbm>> -> memref<1x128xi32, #tpu.memory_space<hbm>>
        %dma_wait3A_166 = tpu.memref_squeeze %dma_wait3A_165 : memref<1x128xi32, #tpu.memory_space<hbm>> -> memref<128xi32, #tpu.memory_space<hbm>>
        %dma_wait3A_167 = arith.constant 0 : i32
        %dma_wait3A_168 = tpu.memref_slice %arg9[%dma_wait3A_160, %dma_wait3A_167] : memref<1280x128xi32, #tpu.memory_space<hbm>> -> memref<1x128xi32, #tpu.memory_space<hbm>>
        %dma_wait3A_169 = tpu.memref_squeeze %dma_wait3A_168 : memref<1x128xi32, #tpu.memory_space<hbm>> -> memref<128xi32, #tpu.memory_space<hbm>>
        %dma_wait3A_170 = arith.constant 0 : i32
        %dma_wait3A_171 = tpu.memref_slice %arg15[%rem3A_88, %dma_wait3A_170] : memref<2x128xi32, #tpu.memory_space<vmem>> -> memref<1x128xi32, #tpu.memory_space<vmem>>
        %dma_wait3A_172 = tpu.memref_squeeze %dma_wait3A_171 : memref<1x128xi32, #tpu.memory_space<vmem>> -> memref<128xi32, #tpu.memory_space<vmem>>
        tpu.wait_dma2 semaphore(%arg22 : memref<!tpu.dma_semaphore, #tpu.memory_space<semaphore_mem>>) src(%dma_wait3A_172 : memref<128xi32, #tpu.memory_space<vmem>>) dst(%dma_wait3A_169 : memref<128xi32, #tpu.memory_space<hbm>>)
      } else {
      }
      %scan3A_116 = arith.constant 0 : i32
      %scan3A_117 = arith.constant 0 : i32
      %scan3A_118 = arith.constant 8 : i32
      %scan3A_119 = arith.addi %scan3A_117, %scan3A_118 : i32
      %scan3A_120 = arith.constant 1 : i32
      scf.for %scan3A_147 = %scan3A_117 to %scan3A_119 step %scan3A_120  : i32 {
        %mul3A_148 = arith.constant 16 : i32
        %mul3A_149 = arith.muli %scan3A_147, %mul3A_148 : i32
        %add3A_150 = arith.constant 0 : i32
        %add3A_151 = arith.addi %mul3A_149, %add3A_150 : i32
        %get3A_152 = arith.index_cast %rem3A_88 : i32 to index
        %get3A_153 = arith.index_cast %add3A_151 : i32 to index
        %get3A_154 = arith.constant 0 : index
        %get3A_155 = tpu.vector_load %arg12[%get3A_152, %get3A_153, %get3A_154] {strides = array<i32>} : memref<2x128x128xf32, #tpu.memory_space<vmem>>, vector<16xf32>,
        %add3A_156 = arith.constant 0 : i32
        %add3A_157 = arith.addi %mul3A_149, %add3A_156 : i32
        %get3A_158 = arith.index_cast %rem3A_88 : i32 to index
        %get3A_159 = arith.index_cast %add3A_157 : i32 to index
        %get3A_160 = arith.constant 0 : index
        %get3A_161 = tpu.vector_load %arg13[%get3A_158, %get3A_159, %get3A_160] {strides = array<i32>} : memref<2x128x128xf32, #tpu.memory_space<vmem>>, vector<16xf32>,
        %add3A_162 = arith.addf %get3A_155, %get3A_161 : vector<16xf32>
        %gt3A = arith.constant 0.000000e+00 : f32
        %gt3A_163 = vector.broadcast %gt3A : f32 to vector<16xf32>
        %gt3A_164 = arith.cmpf ogt, %add3A_162, %gt3A_163 : vector<16xf32>
        %exp3A = math.exp %add3A_162 : vector<16xf32>
        %sub3A_165 = arith.constant 1.000000e+00 : f32
        %sub3A_166 = vector.broadcast %sub3A_165 : f32 to vector<16xf32>
        %sub3A_167 = arith.subf %exp3A, %sub3A_166 : vector<16xf32>
        %select_n3A = arith.select %gt3A_164, %add3A_162, %sub3A_167 : vector<16xi1>, vector<16xf32>
        %get3A_168 = arith.constant 0 : index
        %get3A_169 = tpu.vector_load %arg16[%get3A_168] {strides = array<i32>} : memref<128xf32, #tpu.memory_space<vmem>>, vector<16xf32>,
        %mul3A_170 = arith.mulf %select_n3A, %get3A_169 : vector<16xf32>
        %add3A_171 = arith.constant 0 : i32
        %add3A_172 = arith.addi %mul3A_149, %add3A_171 : i32
        %get3A_173 = arith.index_cast %rem3A_88 : i32 to index
        %get3A_174 = arith.index_cast %add3A_172 : i32 to index
        %get3A_175 = arith.constant 16 : index
        %get3A_176 = tpu.vector_load %arg12[%get3A_173, %get3A_174, %get3A_175] {strides = array<i32>} : memref<2x128x128xf32, #tpu.memory_space<vmem>>, vector<16xf32>,
        %add3A_177 = arith.constant 0 : i32
        %add3A_178 = arith.addi %mul3A_149, %add3A_177 : i32
        %get3A_179 = arith.index_cast %rem3A_88 : i32 to index
        %get3A_180 = arith.index_cast %add3A_178 : i32 to index
        %get3A_181 = arith.constant 16 : index
        %get3A_182 = tpu.vector_load %arg13[%get3A_179, %get3A_180, %get3A_181] {strides = array<i32>} : memref<2x128x128xf32, #tpu.memory_space<vmem>>, vector<16xf32>,
        %add3A_183 = arith.addf %get3A_176, %get3A_182 : vector<16xf32>
        %gt3A_184 = arith.constant 0.000000e+00 : f32
        %gt3A_185 = vector.broadcast %gt3A_184 : f32 to vector<16xf32>
        %gt3A_186 = arith.cmpf ogt, %add3A_183, %gt3A_185 : vector<16xf32>
        %exp3A_187 = math.exp %add3A_183 : vector<16xf32>
        %sub3A_188 = arith.constant 1.000000e+00 : f32
        %sub3A_189 = vector.broadcast %sub3A_188 : f32 to vector<16xf32>
        %sub3A_190 = arith.subf %exp3A_187, %sub3A_189 : vector<16xf32>
        %select_n3A_191 = arith.select %gt3A_186, %add3A_183, %sub3A_190 : vector<16xi1>, vector<16xf32>
        %get3A_192 = arith.constant 16 : index
        %get3A_193 = tpu.vector_load %arg16[%get3A_192] {strides = array<i32>} : memref<128xf32, #tpu.memory_space<vmem>>, vector<16xf32>,
        %mul3A_194 = arith.mulf %select_n3A_191, %get3A_193 : vector<16xf32>
        %add3A_195 = arith.addf %mul3A_170, %mul3A_194 : vector<16xf32>
        %add3A_196 = arith.constant 0 : i32
        %add3A_197 = arith.addi %mul3A_149, %add3A_196 : i32
        %get3A_198 = arith.index_cast %rem3A_88 : i32 to index
        %get3A_199 = arith.index_cast %add3A_197 : i32 to index
        %get3A_200 = arith.constant 32 : index
        %get3A_201 = tpu.vector_load %arg12[%get3A_198, %get3A_199, %get3A_200] {strides = array<i32>} : memref<2x128x128xf32, #tpu.memory_space<vmem>>, vector<16xf32>,
        %add3A_202 = arith.constant 0 : i32
        %add3A_203 = arith.addi %mul3A_149, %add3A_202 : i32
        %get3A_204 = arith.index_cast %rem3A_88 : i32 to index
        %get3A_205 = arith.index_cast %add3A_203 : i32 to index
        %get3A_206 = arith.constant 32 : index
        %get3A_207 = tpu.vector_load %arg13[%get3A_204, %get3A_205, %get3A_206] {strides = array<i32>} : memref<2x128x128xf32, #tpu.memory_space<vmem>>, vector<16xf32>,
        %add3A_208 = arith.addf %get3A_201, %get3A_207 : vector<16xf32>
        %gt3A_209 = arith.constant 0.000000e+00 : f32
        %gt3A_210 = vector.broadcast %gt3A_209 : f32 to vector<16xf32>
        %gt3A_211 = arith.cmpf ogt, %add3A_208, %gt3A_210 : vector<16xf32>
        %exp3A_212 = math.exp %add3A_208 : vector<16xf32>
        %sub3A_213 = arith.constant 1.000000e+00 : f32
        %sub3A_214 = vector.broadcast %sub3A_213 : f32 to vector<16xf32>
        %sub3A_215 = arith.subf %exp3A_212, %sub3A_214 : vector<16xf32>
        %select_n3A_216 = arith.select %gt3A_211, %add3A_208, %sub3A_215 : vector<16xi1>, vector<16xf32>
        %get3A_217 = arith.constant 32 : index
        %get3A_218 = tpu.vector_load %arg16[%get3A_217] {strides = array<i32>} : memref<128xf32, #tpu.memory_space<vmem>>, vector<16xf32>,
        %mul3A_219 = arith.mulf %select_n3A_216, %get3A_218 : vector<16xf32>
        %add3A_220 = arith.addf %add3A_195, %mul3A_219 : vector<16xf32>
        %add3A_221 = arith.constant 0 : i32
        %add3A_222 = arith.addi %mul3A_149, %add3A_221 : i32
        %get3A_223 = arith.index_cast %rem3A_88 : i32 to index
        %get3A_224 = arith.index_cast %add3A_222 : i32 to index
        %get3A_225 = arith.constant 48 : index
        %get3A_226 = tpu.vector_load %arg12[%get3A_223, %get3A_224, %get3A_225] {strides = array<i32>} : memref<2x128x128xf32, #tpu.memory_space<vmem>>, vector<16xf32>,
        %add3A_227 = arith.constant 0 : i32
        %add3A_228 = arith.addi %mul3A_149, %add3A_227 : i32
        %get3A_229 = arith.index_cast %rem3A_88 : i32 to index
        %get3A_230 = arith.index_cast %add3A_228 : i32 to index
        %get3A_231 = arith.constant 48 : index
        %get3A_232 = tpu.vector_load %arg13[%get3A_229, %get3A_230, %get3A_231] {strides = array<i32>} : memref<2x128x128xf32, #tpu.memory_space<vmem>>, vector<16xf32>,
        %add3A_233 = arith.addf %get3A_226, %get3A_232 : vector<16xf32>
        %gt3A_234 = arith.constant 0.000000e+00 : f32
        %gt3A_235 = vector.broadcast %gt3A_234 : f32 to vector<16xf32>
        %gt3A_236 = arith.cmpf ogt, %add3A_233, %gt3A_235 : vector<16xf32>
        %exp3A_237 = math.exp %add3A_233 : vector<16xf32>
        %sub3A_238 = arith.constant 1.000000e+00 : f32
        %sub3A_239 = vector.broadcast %sub3A_238 : f32 to vector<16xf32>
        %sub3A_240 = arith.subf %exp3A_237, %sub3A_239 : vector<16xf32>
        %select_n3A_241 = arith.select %gt3A_236, %add3A_233, %sub3A_240 : vector<16xi1>, vector<16xf32>
        %get3A_242 = arith.constant 48 : index
        %get3A_243 = tpu.vector_load %arg16[%get3A_242] {strides = array<i32>} : memref<128xf32, #tpu.memory_space<vmem>>, vector<16xf32>,
        %mul3A_244 = arith.mulf %select_n3A_241, %get3A_243 : vector<16xf32>
        %add3A_245 = arith.addf %add3A_220, %mul3A_244 : vector<16xf32>
        %add3A_246 = arith.constant 0 : i32
        %add3A_247 = arith.addi %mul3A_149, %add3A_246 : i32
        %get3A_248 = arith.index_cast %rem3A_88 : i32 to index
        %get3A_249 = arith.index_cast %add3A_247 : i32 to index
        %get3A_250 = arith.constant 64 : index
        %get3A_251 = tpu.vector_load %arg12[%get3A_248, %get3A_249, %get3A_250] {strides = array<i32>} : memref<2x128x128xf32, #tpu.memory_space<vmem>>, vector<16xf32>,
        %add3A_252 = arith.constant 0 : i32
        %add3A_253 = arith.addi %mul3A_149, %add3A_252 : i32
        %get3A_254 = arith.index_cast %rem3A_88 : i32 to index
        %get3A_255 = arith.index_cast %add3A_253 : i32 to index
        %get3A_256 = arith.constant 64 : index
        %get3A_257 = tpu.vector_load %arg13[%get3A_254, %get3A_255, %get3A_256] {strides = array<i32>} : memref<2x128x128xf32, #tpu.memory_space<vmem>>, vector<16xf32>,
        %add3A_258 = arith.addf %get3A_251, %get3A_257 : vector<16xf32>
        %gt3A_259 = arith.constant 0.000000e+00 : f32
        %gt3A_260 = vector.broadcast %gt3A_259 : f32 to vector<16xf32>
        %gt3A_261 = arith.cmpf ogt, %add3A_258, %gt3A_260 : vector<16xf32>
        %exp3A_262 = math.exp %add3A_258 : vector<16xf32>
        %sub3A_263 = arith.constant 1.000000e+00 : f32
        %sub3A_264 = vector.broadcast %sub3A_263 : f32 to vector<16xf32>
        %sub3A_265 = arith.subf %exp3A_262, %sub3A_264 : vector<16xf32>
        %select_n3A_266 = arith.select %gt3A_261, %add3A_258, %sub3A_265 : vector<16xi1>, vector<16xf32>
        %get3A_267 = arith.constant 64 : index
        %get3A_268 = tpu.vector_load %arg16[%get3A_267] {strides = array<i32>} : memref<128xf32, #tpu.memory_space<vmem>>, vector<16xf32>,
        %mul3A_269 = arith.mulf %select_n3A_266, %get3A_268 : vector<16xf32>
        %add3A_270 = arith.addf %add3A_245, %mul3A_269 : vector<16xf32>
        %add3A_271 = arith.constant 0 : i32
        %add3A_272 = arith.addi %mul3A_149, %add3A_271 : i32
        %get3A_273 = arith.index_cast %rem3A_88 : i32 to index
        %get3A_274 = arith.index_cast %add3A_272 : i32 to index
        %get3A_275 = arith.constant 80 : index
        %get3A_276 = tpu.vector_load %arg12[%get3A_273, %get3A_274, %get3A_275] {strides = array<i32>} : memref<2x128x128xf32, #tpu.memory_space<vmem>>, vector<16xf32>,
        %add3A_277 = arith.constant 0 : i32
        %add3A_278 = arith.addi %mul3A_149, %add3A_277 : i32
        %get3A_279 = arith.index_cast %rem3A_88 : i32 to index
        %get3A_280 = arith.index_cast %add3A_278 : i32 to index
        %get3A_281 = arith.constant 80 : index
        %get3A_282 = tpu.vector_load %arg13[%get3A_279, %get3A_280, %get3A_281] {strides = array<i32>} : memref<2x128x128xf32, #tpu.memory_space<vmem>>, vector<16xf32>,
        %add3A_283 = arith.addf %get3A_276, %get3A_282 : vector<16xf32>
        %gt3A_284 = arith.constant 0.000000e+00 : f32
        %gt3A_285 = vector.broadcast %gt3A_284 : f32 to vector<16xf32>
        %gt3A_286 = arith.cmpf ogt, %add3A_283, %gt3A_285 : vector<16xf32>
        %exp3A_287 = math.exp %add3A_283 : vector<16xf32>
        %sub3A_288 = arith.constant 1.000000e+00 : f32
        %sub3A_289 = vector.broadcast %sub3A_288 : f32 to vector<16xf32>
        %sub3A_290 = arith.subf %exp3A_287, %sub3A_289 : vector<16xf32>
        %select_n3A_291 = arith.select %gt3A_286, %add3A_283, %sub3A_290 : vector<16xi1>, vector<16xf32>
        %get3A_292 = arith.constant 80 : index
        %get3A_293 = tpu.vector_load %arg16[%get3A_292] {strides = array<i32>} : memref<128xf32, #tpu.memory_space<vmem>>, vector<16xf32>,
        %mul3A_294 = arith.mulf %select_n3A_291, %get3A_293 : vector<16xf32>
        %add3A_295 = arith.addf %add3A_270, %mul3A_294 : vector<16xf32>
        %add3A_296 = arith.constant 0 : i32
        %add3A_297 = arith.addi %mul3A_149, %add3A_296 : i32
        %get3A_298 = arith.index_cast %rem3A_88 : i32 to index
        %get3A_299 = arith.index_cast %add3A_297 : i32 to index
        %get3A_300 = arith.constant 96 : index
        %get3A_301 = tpu.vector_load %arg12[%get3A_298, %get3A_299, %get3A_300] {strides = array<i32>} : memref<2x128x128xf32, #tpu.memory_space<vmem>>, vector<16xf32>,
        %add3A_302 = arith.constant 0 : i32
        %add3A_303 = arith.addi %mul3A_149, %add3A_302 : i32
        %get3A_304 = arith.index_cast %rem3A_88 : i32 to index
        %get3A_305 = arith.index_cast %add3A_303 : i32 to index
        %get3A_306 = arith.constant 96 : index
        %get3A_307 = tpu.vector_load %arg13[%get3A_304, %get3A_305, %get3A_306] {strides = array<i32>} : memref<2x128x128xf32, #tpu.memory_space<vmem>>, vector<16xf32>,
        %add3A_308 = arith.addf %get3A_301, %get3A_307 : vector<16xf32>
        %gt3A_309 = arith.constant 0.000000e+00 : f32
        %gt3A_310 = vector.broadcast %gt3A_309 : f32 to vector<16xf32>
        %gt3A_311 = arith.cmpf ogt, %add3A_308, %gt3A_310 : vector<16xf32>
        %exp3A_312 = math.exp %add3A_308 : vector<16xf32>
        %sub3A_313 = arith.constant 1.000000e+00 : f32
        %sub3A_314 = vector.broadcast %sub3A_313 : f32 to vector<16xf32>
        %sub3A_315 = arith.subf %exp3A_312, %sub3A_314 : vector<16xf32>
        %select_n3A_316 = arith.select %gt3A_311, %add3A_308, %sub3A_315 : vector<16xi1>, vector<16xf32>
        %get3A_317 = arith.constant 96 : index
        %get3A_318 = tpu.vector_load %arg16[%get3A_317] {strides = array<i32>} : memref<128xf32, #tpu.memory_space<vmem>>, vector<16xf32>,
        %mul3A_319 = arith.mulf %select_n3A_316, %get3A_318 : vector<16xf32>
        %add3A_320 = arith.addf %add3A_295, %mul3A_319 : vector<16xf32>
        %add3A_321 = arith.constant 0 : i32
        %add3A_322 = arith.addi %mul3A_149, %add3A_321 : i32
        %get3A_323 = arith.index_cast %rem3A_88 : i32 to index
        %get3A_324 = arith.index_cast %add3A_322 : i32 to index
        %get3A_325 = arith.constant 112 : index
        %get3A_326 = tpu.vector_load %arg12[%get3A_323, %get3A_324, %get3A_325] {strides = array<i32>} : memref<2x128x128xf32, #tpu.memory_space<vmem>>, vector<16xf32>,
        %add3A_327 = arith.constant 0 : i32
        %add3A_328 = arith.addi %mul3A_149, %add3A_327 : i32
        %get3A_329 = arith.index_cast %rem3A_88 : i32 to index
        %get3A_330 = arith.index_cast %add3A_328 : i32 to index
        %get3A_331 = arith.constant 112 : index
        %get3A_332 = tpu.vector_load %arg13[%get3A_329, %get3A_330, %get3A_331] {strides = array<i32>} : memref<2x128x128xf32, #tpu.memory_space<vmem>>, vector<16xf32>,
        %add3A_333 = arith.addf %get3A_326, %get3A_332 : vector<16xf32>
        %gt3A_334 = arith.constant 0.000000e+00 : f32
        %gt3A_335 = vector.broadcast %gt3A_334 : f32 to vector<16xf32>
        %gt3A_336 = arith.cmpf ogt, %add3A_333, %gt3A_335 : vector<16xf32>
        %exp3A_337 = math.exp %add3A_333 : vector<16xf32>
        %sub3A_338 = arith.constant 1.000000e+00 : f32
        %sub3A_339 = vector.broadcast %sub3A_338 : f32 to vector<16xf32>
        %sub3A_340 = arith.subf %exp3A_337, %sub3A_339 : vector<16xf32>
        %select_n3A_341 = arith.select %gt3A_336, %add3A_333, %sub3A_340 : vector<16xi1>, vector<16xf32>
        %get3A_342 = arith.constant 112 : index
        %get3A_343 = tpu.vector_load %arg16[%get3A_342] {strides = array<i32>} : memref<128xf32, #tpu.memory_space<vmem>>, vector<16xf32>,
        %mul3A_344 = arith.mulf %select_n3A_341, %get3A_343 : vector<16xf32>
        %add3A_345 = arith.addf %add3A_320, %mul3A_344 : vector<16xf32>
        %swap3A = arith.constant 0 : i32
        %swap3A_346 = arith.index_cast %swap3A : i32 to index
        %swap3A_347 = arith.constant 0 : index
        %swap3A_348 = tpu.vector_load %arg18[%swap3A_346, %swap3A_347] {strides = array<i32>} : memref<16x16xf32, #tpu.memory_space<vmem>>, vector<16xf32>,
        tpu.vector_store %arg18[%swap3A_346, %swap3A_347], %add3A_345 {strides = array<i32>} : memref<16x16xf32, #tpu.memory_space<vmem>>, vector<16xf32>,
        %add3A_349 = arith.constant 1 : i32
        %add3A_350 = arith.addi %mul3A_149, %add3A_349 : i32
        %get3A_351 = arith.index_cast %rem3A_88 : i32 to index
        %get3A_352 = arith.index_cast %add3A_350 : i32 to index
        %get3A_353 = arith.constant 0 : index
        %get3A_354 = tpu.vector_load %arg12[%get3A_351, %get3A_352, %get3A_353] {strides = array<i32>} : memref<2x128x128xf32, #tpu.memory_space<vmem>>, vector<16xf32>,
        %add3A_355 = arith.constant 1 : i32
        %add3A_356 = arith.addi %mul3A_149, %add3A_355 : i32
        %get3A_357 = arith.index_cast %rem3A_88 : i32 to index
        %get3A_358 = arith.index_cast %add3A_356 : i32 to index
        %get3A_359 = arith.constant 0 : index
        %get3A_360 = tpu.vector_load %arg13[%get3A_357, %get3A_358, %get3A_359] {strides = array<i32>} : memref<2x128x128xf32, #tpu.memory_space<vmem>>, vector<16xf32>,
        %add3A_361 = arith.addf %get3A_354, %get3A_360 : vector<16xf32>
        %gt3A_362 = arith.constant 0.000000e+00 : f32
        %gt3A_363 = vector.broadcast %gt3A_362 : f32 to vector<16xf32>
        %gt3A_364 = arith.cmpf ogt, %add3A_361, %gt3A_363 : vector<16xf32>
        %exp3A_365 = math.exp %add3A_361 : vector<16xf32>
        %sub3A_366 = arith.constant 1.000000e+00 : f32
        %sub3A_367 = vector.broadcast %sub3A_366 : f32 to vector<16xf32>
        %sub3A_368 = arith.subf %exp3A_365, %sub3A_367 : vector<16xf32>
        %select_n3A_369 = arith.select %gt3A_364, %add3A_361, %sub3A_368 : vector<16xi1>, vector<16xf32>
        %get3A_370 = arith.constant 0 : index
        %get3A_371 = tpu.vector_load %arg16[%get3A_370] {strides = array<i32>} : memref<128xf32, #tpu.memory_space<vmem>>, vector<16xf32>,
        %mul3A_372 = arith.mulf %select_n3A_369, %get3A_371 : vector<16xf32>
        %add3A_373 = arith.constant 1 : i32
        %add3A_374 = arith.addi %mul3A_149, %add3A_373 : i32
        %get3A_375 = arith.index_cast %rem3A_88 : i32 to index
        %get3A_376 = arith.index_cast %add3A_374 : i32 to index
        %get3A_377 = arith.constant 16 : index
        %get3A_378 = tpu.vector_load %arg12[%get3A_375, %get3A_376, %get3A_377] {strides = array<i32>} : memref<2x128x128xf32, #tpu.memory_space<vmem>>, vector<16xf32>,
        %add3A_379 = arith.constant 1 : i32
        %add3A_380 = arith.addi %mul3A_149, %add3A_379 : i32
        %get3A_381 = arith.index_cast %rem3A_88 : i32 to index
        %get3A_382 = arith.index_cast %add3A_380 : i32 to index
        %get3A_383 = arith.constant 16 : index
        %get3A_384 = tpu.vector_load %arg13[%get3A_381, %get3A_382, %get3A_383] {strides = array<i32>} : memref<2x128x128xf32, #tpu.memory_space<vmem>>, vector<16xf32>,
        %add3A_385 = arith.addf %get3A_378, %get3A_384 : vector<16xf32>
        %gt3A_386 = arith.constant 0.000000e+00 : f32
        %gt3A_387 = vector.broadcast %gt3A_386 : f32 to vector<16xf32>
        %gt3A_388 = arith.cmpf ogt, %add3A_385, %gt3A_387 : vector<16xf32>
        %exp3A_389 = math.exp %add3A_385 : vector<16xf32>
        %sub3A_390 = arith.constant 1.000000e+00 : f32
        %sub3A_391 = vector.broadcast %sub3A_390 : f32 to vector<16xf32>
        %sub3A_392 = arith.subf %exp3A_389, %sub3A_391 : vector<16xf32>
        %select_n3A_393 = arith.select %gt3A_388, %add3A_385, %sub3A_392 : vector<16xi1>, vector<16xf32>
        %get3A_394 = arith.constant 16 : index
        %get3A_395 = tpu.vector_load %arg16[%get3A_394] {strides = array<i32>} : memref<128xf32, #tpu.memory_space<vmem>>, vector<16xf32>,
        %mul3A_396 = arith.mulf %select_n3A_393, %get3A_395 : vector<16xf32>
        %add3A_397 = arith.addf %mul3A_372, %mul3A_396 : vector<16xf32>
        %add3A_398 = arith.constant 1 : i32
        %add3A_399 = arith.addi %mul3A_149, %add3A_398 : i32
        %get3A_400 = arith.index_cast %rem3A_88 : i32 to index
        %get3A_401 = arith.index_cast %add3A_399 : i32 to index
        %get3A_402 = arith.constant 32 : index
        %get3A_403 = tpu.vector_load %arg12[%get3A_400, %get3A_401, %get3A_402] {strides = array<i32>} : memref<2x128x128xf32, #tpu.memory_space<vmem>>, vector<16xf32>,
        %add3A_404 = arith.constant 1 : i32
        %add3A_405 = arith.addi %mul3A_149, %add3A_404 : i32
        %get3A_406 = arith.index_cast %rem3A_88 : i32 to index
        %get3A_407 = arith.index_cast %add3A_405 : i32 to index
        %get3A_408 = arith.constant 32 : index
        %get3A_409 = tpu.vector_load %arg13[%get3A_406, %get3A_407, %get3A_408] {strides = array<i32>} : memref<2x128x128xf32, #tpu.memory_space<vmem>>, vector<16xf32>,
        %add3A_410 = arith.addf %get3A_403, %get3A_409 : vector<16xf32>
        %gt3A_411 = arith.constant 0.000000e+00 : f32
        %gt3A_412 = vector.broadcast %gt3A_411 : f32 to vector<16xf32>
        %gt3A_413 = arith.cmpf ogt, %add3A_410, %gt3A_412 : vector<16xf32>
        %exp3A_414 = math.exp %add3A_410 : vector<16xf32>
        %sub3A_415 = arith.constant 1.000000e+00 : f32
        %sub3A_416 = vector.broadcast %sub3A_415 : f32 to vector<16xf32>
        %sub3A_417 = arith.subf %exp3A_414, %sub3A_416 : vector<16xf32>
        %select_n3A_418 = arith.select %gt3A_413, %add3A_410, %sub3A_417 : vector<16xi1>, vector<16xf32>
        %get3A_419 = arith.constant 32 : index
        %get3A_420 = tpu.vector_load %arg16[%get3A_419] {strides = array<i32>} : memref<128xf32, #tpu.memory_space<vmem>>, vector<16xf32>,
        %mul3A_421 = arith.mulf %select_n3A_418, %get3A_420 : vector<16xf32>
        %add3A_422 = arith.addf %add3A_397, %mul3A_421 : vector<16xf32>
        %add3A_423 = arith.constant 1 : i32
        %add3A_424 = arith.addi %mul3A_149, %add3A_423 : i32
        %get3A_425 = arith.index_cast %rem3A_88 : i32 to index
        %get3A_426 = arith.index_cast %add3A_424 : i32 to index
        %get3A_427 = arith.constant 48 : index
        %get3A_428 = tpu.vector_load %arg12[%get3A_425, %get3A_426, %get3A_427] {strides = array<i32>} : memref<2x128x128xf32, #tpu.memory_space<vmem>>, vector<16xf32>,
        %add3A_429 = arith.constant 1 : i32
        %add3A_430 = arith.addi %mul3A_149, %add3A_429 : i32
        %get3A_431 = arith.index_cast %rem3A_88 : i32 to index
        %get3A_432 = arith.index_cast %add3A_430 : i32 to index
        %get3A_433 = arith.constant 48 : index
        %get3A_434 = tpu.vector_load %arg13[%get3A_431, %get3A_432, %get3A_433] {strides = array<i32>} : memref<2x128x128xf32, #tpu.memory_space<vmem>>, vector<16xf32>,
        %add3A_435 = arith.addf %get3A_428, %get3A_434 : vector<16xf32>
        %gt3A_436 = arith.constant 0.000000e+00 : f32
        %gt3A_437 = vector.broadcast %gt3A_436 : f32 to vector<16xf32>
        %gt3A_438 = arith.cmpf ogt, %add3A_435, %gt3A_437 : vector<16xf32>
        %exp3A_439 = math.exp %add3A_435 : vector<16xf32>
        %sub3A_440 = arith.constant 1.000000e+00 : f32
        %sub3A_441 = vector.broadcast %sub3A_440 : f32 to vector<16xf32>
        %sub3A_442 = arith.subf %exp3A_439, %sub3A_441 : vector<16xf32>
        %select_n3A_443 = arith.select %gt3A_438, %add3A_435, %sub3A_442 : vector<16xi1>, vector<16xf32>
        %get3A_444 = arith.constant 48 : index
        %get3A_445 = tpu.vector_load %arg16[%get3A_444] {strides = array<i32>} : memref<128xf32, #tpu.memory_space<vmem>>, vector<16xf32>,
        %mul3A_446 = arith.mulf %select_n3A_443, %get3A_445 : vector<16xf32>
        %add3A_447 = arith.addf %add3A_422, %mul3A_446 : vector<16xf32>
        %add3A_448 = arith.constant 1 : i32
        %add3A_449 = arith.addi %mul3A_149, %add3A_448 : i32
        %get3A_450 = arith.index_cast %rem3A_88 : i32 to index
        %get3A_451 = arith.index_cast %add3A_449 : i32 to index
        %get3A_452 = arith.constant 64 : index
        %get3A_453 = tpu.vector_load %arg12[%get3A_450, %get3A_451, %get3A_452] {strides = array<i32>} : memref<2x128x128xf32, #tpu.memory_space<vmem>>, vector<16xf32>,
        %add3A_454 = arith.constant 1 : i32
        %add3A_455 = arith.addi %mul3A_149, %add3A_454 : i32
        %get3A_456 = arith.index_cast %rem3A_88 : i32 to index
        %get3A_457 = arith.index_cast %add3A_455 : i32 to index
        %get3A_458 = arith.constant 64 : index
        %get3A_459 = tpu.vector_load %arg13[%get3A_456, %get3A_457, %get3A_458] {strides = array<i32>} : memref<2x128x128xf32, #tpu.memory_space<vmem>>, vector<16xf32>,
        %add3A_460 = arith.addf %get3A_453, %get3A_459 : vector<16xf32>
        %gt3A_461 = arith.constant 0.000000e+00 : f32
        %gt3A_462 = vector.broadcast %gt3A_461 : f32 to vector<16xf32>
        %gt3A_463 = arith.cmpf ogt, %add3A_460, %gt3A_462 : vector<16xf32>
        %exp3A_464 = math.exp %add3A_460 : vector<16xf32>
        %sub3A_465 = arith.constant 1.000000e+00 : f32
        %sub3A_466 = vector.broadcast %sub3A_465 : f32 to vector<16xf32>
        %sub3A_467 = arith.subf %exp3A_464, %sub3A_466 : vector<16xf32>
        %select_n3A_468 = arith.select %gt3A_463, %add3A_460, %sub3A_467 : vector<16xi1>, vector<16xf32>
        %get3A_469 = arith.constant 64 : index
        %get3A_470 = tpu.vector_load %arg16[%get3A_469] {strides = array<i32>} : memref<128xf32, #tpu.memory_space<vmem>>, vector<16xf32>,
        %mul3A_471 = arith.mulf %select_n3A_468, %get3A_470 : vector<16xf32>
        %add3A_472 = arith.addf %add3A_447, %mul3A_471 : vector<16xf32>
        %add3A_473 = arith.constant 1 : i32
        %add3A_474 = arith.addi %mul3A_149, %add3A_473 : i32
        %get3A_475 = arith.index_cast %rem3A_88 : i32 to index
        %get3A_476 = arith.index_cast %add3A_474 : i32 to index
        %get3A_477 = arith.constant 80 : index
        %get3A_478 = tpu.vector_load %arg12[%get3A_475, %get3A_476, %get3A_477] {strides = array<i32>} : memref<2x128x128xf32, #tpu.memory_space<vmem>>, vector<16xf32>,
        %add3A_479 = arith.constant 1 : i32
        %add3A_480 = arith.addi %mul3A_149, %add3A_479 : i32
        %get3A_481 = arith.index_cast %rem3A_88 : i32 to index
        %get3A_482 = arith.index_cast %add3A_480 : i32 to index
        %get3A_483 = arith.constant 80 : index
        %get3A_484 = tpu.vector_load %arg13[%get3A_481, %get3A_482, %get3A_483] {strides = array<i32>} : memref<2x128x128xf32, #tpu.memory_space<vmem>>, vector<16xf32>,
        %add3A_485 = arith.addf %get3A_478, %get3A_484 : vector<16xf32>
        %gt3A_486 = arith.constant 0.000000e+00 : f32
        %gt3A_487 = vector.broadcast %gt3A_486 : f32 to vector<16xf32>
        %gt3A_488 = arith.cmpf ogt, %add3A_485, %gt3A_487 : vector<16xf32>
        %exp3A_489 = math.exp %add3A_485 : vector<16xf32>
        %sub3A_490 = arith.constant 1.000000e+00 : f32
        %sub3A_491 = vector.broadcast %sub3A_490 : f32 to vector<16xf32>
        %sub3A_492 = arith.subf %exp3A_489, %sub3A_491 : vector<16xf32>
        %select_n3A_493 = arith.select %gt3A_488, %add3A_485, %sub3A_492 : vector<16xi1>, vector<16xf32>
        %get3A_494 = arith.constant 80 : index
        %get3A_495 = tpu.vector_load %arg16[%get3A_494] {strides = array<i32>} : memref<128xf32, #tpu.memory_space<vmem>>, vector<16xf32>,
        %mul3A_496 = arith.mulf %select_n3A_493, %get3A_495 : vector<16xf32>
        %add3A_497 = arith.addf %add3A_472, %mul3A_496 : vector<16xf32>
        %add3A_498 = arith.constant 1 : i32
        %add3A_499 = arith.addi %mul3A_149, %add3A_498 : i32
        %get3A_500 = arith.index_cast %rem3A_88 : i32 to index
        %get3A_501 = arith.index_cast %add3A_499 : i32 to index
        %get3A_502 = arith.constant 96 : index
        %get3A_503 = tpu.vector_load %arg12[%get3A_500, %get3A_501, %get3A_502] {strides = array<i32>} : memref<2x128x128xf32, #tpu.memory_space<vmem>>, vector<16xf32>,
        %add3A_504 = arith.constant 1 : i32
        %add3A_505 = arith.addi %mul3A_149, %add3A_504 : i32
        %get3A_506 = arith.index_cast %rem3A_88 : i32 to index
        %get3A_507 = arith.index_cast %add3A_505 : i32 to index
        %get3A_508 = arith.constant 96 : index
        %get3A_509 = tpu.vector_load %arg13[%get3A_506, %get3A_507, %get3A_508] {strides = array<i32>} : memref<2x128x128xf32, #tpu.memory_space<vmem>>, vector<16xf32>,
        %add3A_510 = arith.addf %get3A_503, %get3A_509 : vector<16xf32>
        %gt3A_511 = arith.constant 0.000000e+00 : f32
        %gt3A_512 = vector.broadcast %gt3A_511 : f32 to vector<16xf32>
        %gt3A_513 = arith.cmpf ogt, %add3A_510, %gt3A_512 : vector<16xf32>
        %exp3A_514 = math.exp %add3A_510 : vector<16xf32>
        %sub3A_515 = arith.constant 1.000000e+00 : f32
        %sub3A_516 = vector.broadcast %sub3A_515 : f32 to vector<16xf32>
        %sub3A_517 = arith.subf %exp3A_514, %sub3A_516 : vector<16xf32>
        %select_n3A_518 = arith.select %gt3A_513, %add3A_510, %sub3A_517 : vector<16xi1>, vector<16xf32>
        %get3A_519 = arith.constant 96 : index
        %get3A_520 = tpu.vector_load %arg16[%get3A_519] {strides = array<i32>} : memref<128xf32, #tpu.memory_space<vmem>>, vector<16xf32>,
        %mul3A_521 = arith.mulf %select_n3A_518, %get3A_520 : vector<16xf32>
        %add3A_522 = arith.addf %add3A_497, %mul3A_521 : vector<16xf32>
        %add3A_523 = arith.constant 1 : i32
        %add3A_524 = arith.addi %mul3A_149, %add3A_523 : i32
        %get3A_525 = arith.index_cast %rem3A_88 : i32 to index
        %get3A_526 = arith.index_cast %add3A_524 : i32 to index
        %get3A_527 = arith.constant 112 : index
        %get3A_528 = tpu.vector_load %arg12[%get3A_525, %get3A_526, %get3A_527] {strides = array<i32>} : memref<2x128x128xf32, #tpu.memory_space<vmem>>, vector<16xf32>,
        %add3A_529 = arith.constant 1 : i32
        %add3A_530 = arith.addi %mul3A_149, %add3A_529 : i32
        %get3A_531 = arith.index_cast %rem3A_88 : i32 to index
        %get3A_532 = arith.index_cast %add3A_530 : i32 to index
        %get3A_533 = arith.constant 112 : index
        %get3A_534 = tpu.vector_load %arg13[%get3A_531, %get3A_532, %get3A_533] {strides = array<i32>} : memref<2x128x128xf32, #tpu.memory_space<vmem>>, vector<16xf32>,
        %add3A_535 = arith.addf %get3A_528, %get3A_534 : vector<16xf32>
        %gt3A_536 = arith.constant 0.000000e+00 : f32
        %gt3A_537 = vector.broadcast %gt3A_536 : f32 to vector<16xf32>
        %gt3A_538 = arith.cmpf ogt, %add3A_535, %gt3A_537 : vector<16xf32>
        %exp3A_539 = math.exp %add3A_535 : vector<16xf32>
        %sub3A_540 = arith.constant 1.000000e+00 : f32
        %sub3A_541 = vector.broadcast %sub3A_540 : f32 to vector<16xf32>
        %sub3A_542 = arith.subf %exp3A_539, %sub3A_541 : vector<16xf32>
        %select_n3A_543 = arith.select %gt3A_538, %add3A_535, %sub3A_542 : vector<16xi1>, vector<16xf32>
        %get3A_544 = arith.constant 112 : index
        %get3A_545 = tpu.vector_load %arg16[%get3A_544] {strides = array<i32>} : memref<128xf32, #tpu.memory_space<vmem>>, vector<16xf32>,
        %mul3A_546 = arith.mulf %select_n3A_543, %get3A_545 : vector<16xf32>
        %add3A_547 = arith.addf %add3A_522, %mul3A_546 : vector<16xf32>
        %swap3A_548 = arith.constant 1 : i32
        %swap3A_549 = arith.index_cast %swap3A_548 : i32 to index
        %swap3A_550 = arith.constant 0 : index
        %swap3A_551 = tpu.vector_load %arg18[%swap3A_549, %swap3A_550] {strides = array<i32>} : memref<16x16xf32, #tpu.memory_space<vmem>>, vector<16xf32>,
        tpu.vector_store %arg18[%swap3A_549, %swap3A_550], %add3A_547 {strides = array<i32>} : memref<16x16xf32, #tpu.memory_space<vmem>>, vector<16xf32>,
        %add3A_552 = arith.constant 2 : i32
        %add3A_553 = arith.addi %mul3A_149, %add3A_552 : i32
        %get3A_554 = arith.index_cast %rem3A_88 : i32 to index
        %get3A_555 = arith.index_cast %add3A_553 : i32 to index
        %get3A_556 = arith.constant 0 : index
        %get3A_557 = tpu.vector_load %arg12[%get3A_554, %get3A_555, %get3A_556] {strides = array<i32>} : memref<2x128x128xf32, #tpu.memory_space<vmem>>, vector<16xf32>,
        %add3A_558 = arith.constant 2 : i32
        %add3A_559 = arith.addi %mul3A_149, %add3A_558 : i32
        %get3A_560 = arith.index_cast %rem3A_88 : i32 to index
        %get3A_561 = arith.index_cast %add3A_559 : i32 to index
        %get3A_562 = arith.constant 0 : index
        %get3A_563 = tpu.vector_load %arg13[%get3A_560, %get3A_561, %get3A_562] {strides = array<i32>} : memref<2x128x128xf32, #tpu.memory_space<vmem>>, vector<16xf32>,
        %add3A_564 = arith.addf %get3A_557, %get3A_563 : vector<16xf32>
        %gt3A_565 = arith.constant 0.000000e+00 : f32
        %gt3A_566 = vector.broadcast %gt3A_565 : f32 to vector<16xf32>
        %gt3A_567 = arith.cmpf ogt, %add3A_564, %gt3A_566 : vector<16xf32>
        %exp3A_568 = math.exp %add3A_564 : vector<16xf32>
        %sub3A_569 = arith.constant 1.000000e+00 : f32
        %sub3A_570 = vector.broadcast %sub3A_569 : f32 to vector<16xf32>
        %sub3A_571 = arith.subf %exp3A_568, %sub3A_570 : vector<16xf32>
        %select_n3A_572 = arith.select %gt3A_567, %add3A_564, %sub3A_571 : vector<16xi1>, vector<16xf32>
        %get3A_573 = arith.constant 0 : index
        %get3A_574 = tpu.vector_load %arg16[%get3A_573] {strides = array<i32>} : memref<128xf32, #tpu.memory_space<vmem>>, vector<16xf32>,
        %mul3A_575 = arith.mulf %select_n3A_572, %get3A_574 : vector<16xf32>
        %add3A_576 = arith.constant 2 : i32
        %add3A_577 = arith.addi %mul3A_149, %add3A_576 : i32
        %get3A_578 = arith.index_cast %rem3A_88 : i32 to index
        %get3A_579 = arith.index_cast %add3A_577 : i32 to index
        %get3A_580 = arith.constant 16 : index
        %get3A_581 = tpu.vector_load %arg12[%get3A_578, %get3A_579, %get3A_580] {strides = array<i32>} : memref<2x128x128xf32, #tpu.memory_space<vmem>>, vector<16xf32>,
        %add3A_582 = arith.constant 2 : i32
        %add3A_583 = arith.addi %mul3A_149, %add3A_582 : i32
        %get3A_584 = arith.index_cast %rem3A_88 : i32 to index
        %get3A_585 = arith.index_cast %add3A_583 : i32 to index
        %get3A_586 = arith.constant 16 : index
        %get3A_587 = tpu.vector_load %arg13[%get3A_584, %get3A_585, %get3A_586] {strides = array<i32>} : memref<2x128x128xf32, #tpu.memory_space<vmem>>, vector<16xf32>,
        %add3A_588 = arith.addf %get3A_581, %get3A_587 : vector<16xf32>
        %gt3A_589 = arith.constant 0.000000e+00 : f32
        %gt3A_590 = vector.broadcast %gt3A_589 : f32 to vector<16xf32>
        %gt3A_591 = arith.cmpf ogt, %add3A_588, %gt3A_590 : vector<16xf32>
        %exp3A_592 = math.exp %add3A_588 : vector<16xf32>
        %sub3A_593 = arith.constant 1.000000e+00 : f32
        %sub3A_594 = vector.broadcast %sub3A_593 : f32 to vector<16xf32>
        %sub3A_595 = arith.subf %exp3A_592, %sub3A_594 : vector<16xf32>
        %select_n3A_596 = arith.select %gt3A_591, %add3A_588, %sub3A_595 : vector<16xi1>, vector<16xf32>
        %get3A_597 = arith.constant 16 : index
        %get3A_598 = tpu.vector_load %arg16[%get3A_597] {strides = array<i32>} : memref<128xf32, #tpu.memory_space<vmem>>, vector<16xf32>,
        %mul3A_599 = arith.mulf %select_n3A_596, %get3A_598 : vector<16xf32>
        %add3A_600 = arith.addf %mul3A_575, %mul3A_599 : vector<16xf32>
        %add3A_601 = arith.constant 2 : i32
        %add3A_602 = arith.addi %mul3A_149, %add3A_601 : i32
        %get3A_603 = arith.index_cast %rem3A_88 : i32 to index
        %get3A_604 = arith.index_cast %add3A_602 : i32 to index
        %get3A_605 = arith.constant 32 : index
        %get3A_606 = tpu.vector_load %arg12[%get3A_603, %get3A_604, %get3A_605] {strides = array<i32>} : memref<2x128x128xf32, #tpu.memory_space<vmem>>, vector<16xf32>,
        %add3A_607 = arith.constant 2 : i32
        %add3A_608 = arith.addi %mul3A_149, %add3A_607 : i32
        %get3A_609 = arith.index_cast %rem3A_88 : i32 to index
        %get3A_610 = arith.index_cast %add3A_608 : i32 to index
        %get3A_611 = arith.constant 32 : index
        %get3A_612 = tpu.vector_load %arg13[%get3A_609, %get3A_610, %get3A_611] {strides = array<i32>} : memref<2x128x128xf32, #tpu.memory_space<vmem>>, vector<16xf32>,
        %add3A_613 = arith.addf %get3A_606, %get3A_612 : vector<16xf32>
        %gt3A_614 = arith.constant 0.000000e+00 : f32
        %gt3A_615 = vector.broadcast %gt3A_614 : f32 to vector<16xf32>
        %gt3A_616 = arith.cmpf ogt, %add3A_613, %gt3A_615 : vector<16xf32>
        %exp3A_617 = math.exp %add3A_613 : vector<16xf32>
        %sub3A_618 = arith.constant 1.000000e+00 : f32
        %sub3A_619 = vector.broadcast %sub3A_618 : f32 to vector<16xf32>
        %sub3A_620 = arith.subf %exp3A_617, %sub3A_619 : vector<16xf32>
        %select_n3A_621 = arith.select %gt3A_616, %add3A_613, %sub3A_620 : vector<16xi1>, vector<16xf32>
        %get3A_622 = arith.constant 32 : index
        %get3A_623 = tpu.vector_load %arg16[%get3A_622] {strides = array<i32>} : memref<128xf32, #tpu.memory_space<vmem>>, vector<16xf32>,
        %mul3A_624 = arith.mulf %select_n3A_621, %get3A_623 : vector<16xf32>
        %add3A_625 = arith.addf %add3A_600, %mul3A_624 : vector<16xf32>
        %add3A_626 = arith.constant 2 : i32
        %add3A_627 = arith.addi %mul3A_149, %add3A_626 : i32
        %get3A_628 = arith.index_cast %rem3A_88 : i32 to index
        %get3A_629 = arith.index_cast %add3A_627 : i32 to index
        %get3A_630 = arith.constant 48 : index
        %get3A_631 = tpu.vector_load %arg12[%get3A_628, %get3A_629, %get3A_630] {strides = array<i32>} : memref<2x128x128xf32, #tpu.memory_space<vmem>>, vector<16xf32>,
        %add3A_632 = arith.constant 2 : i32
        %add3A_633 = arith.addi %mul3A_149, %add3A_632 : i32
        %get3A_634 = arith.index_cast %rem3A_88 : i32 to index
        %get3A_635 = arith.index_cast %add3A_633 : i32 to index
        %get3A_636 = arith.constant 48 : index
        %get3A_637 = tpu.vector_load %arg13[%get3A_634, %get3A_635, %get3A_636] {strides = array<i32>} : memref<2x128x128xf32, #tpu.memory_space<vmem>>, vector<16xf32>,
        %add3A_638 = arith.addf %get3A_631, %get3A_637 : vector<16xf32>
        %gt3A_639 = arith.constant 0.000000e+00 : f32
        %gt3A_640 = vector.broadcast %gt3A_639 : f32 to vector<16xf32>
        %gt3A_641 = arith.cmpf ogt, %add3A_638, %gt3A_640 : vector<16xf32>
        %exp3A_642 = math.exp %add3A_638 : vector<16xf32>
        %sub3A_643 = arith.constant 1.000000e+00 : f32
        %sub3A_644 = vector.broadcast %sub3A_643 : f32 to vector<16xf32>
        %sub3A_645 = arith.subf %exp3A_642, %sub3A_644 : vector<16xf32>
        %select_n3A_646 = arith.select %gt3A_641, %add3A_638, %sub3A_645 : vector<16xi1>, vector<16xf32>
        %get3A_647 = arith.constant 48 : index
        %get3A_648 = tpu.vector_load %arg16[%get3A_647] {strides = array<i32>} : memref<128xf32, #tpu.memory_space<vmem>>, vector<16xf32>,
        %mul3A_649 = arith.mulf %select_n3A_646, %get3A_648 : vector<16xf32>
        %add3A_650 = arith.addf %add3A_625, %mul3A_649 : vector<16xf32>
        %add3A_651 = arith.constant 2 : i32
        %add3A_652 = arith.addi %mul3A_149, %add3A_651 : i32
        %get3A_653 = arith.index_cast %rem3A_88 : i32 to index
        %get3A_654 = arith.index_cast %add3A_652 : i32 to index
        %get3A_655 = arith.constant 64 : index
        %get3A_656 = tpu.vector_load %arg12[%get3A_653, %get3A_654, %get3A_655] {strides = array<i32>} : memref<2x128x128xf32, #tpu.memory_space<vmem>>, vector<16xf32>,
        %add3A_657 = arith.constant 2 : i32
        %add3A_658 = arith.addi %mul3A_149, %add3A_657 : i32
        %get3A_659 = arith.index_cast %rem3A_88 : i32 to index
        %get3A_660 = arith.index_cast %add3A_658 : i32 to index
        %get3A_661 = arith.constant 64 : index
        %get3A_662 = tpu.vector_load %arg13[%get3A_659, %get3A_660, %get3A_661] {strides = array<i32>} : memref<2x128x128xf32, #tpu.memory_space<vmem>>, vector<16xf32>,
        %add3A_663 = arith.addf %get3A_656, %get3A_662 : vector<16xf32>
        %gt3A_664 = arith.constant 0.000000e+00 : f32
        %gt3A_665 = vector.broadcast %gt3A_664 : f32 to vector<16xf32>
        %gt3A_666 = arith.cmpf ogt, %add3A_663, %gt3A_665 : vector<16xf32>
        %exp3A_667 = math.exp %add3A_663 : vector<16xf32>
        %sub3A_668 = arith.constant 1.000000e+00 : f32
        %sub3A_669 = vector.broadcast %sub3A_668 : f32 to vector<16xf32>
        %sub3A_670 = arith.subf %exp3A_667, %sub3A_669 : vector<16xf32>
        %select_n3A_671 = arith.select %gt3A_666, %add3A_663, %sub3A_670 : vector<16xi1>, vector<16xf32>
        %get3A_672 = arith.constant 64 : index
        %get3A_673 = tpu.vector_load %arg16[%get3A_672] {strides = array<i32>} : memref<128xf32, #tpu.memory_space<vmem>>, vector<16xf32>,
        %mul3A_674 = arith.mulf %select_n3A_671, %get3A_673 : vector<16xf32>
        %add3A_675 = arith.addf %add3A_650, %mul3A_674 : vector<16xf32>
        %add3A_676 = arith.constant 2 : i32
        %add3A_677 = arith.addi %mul3A_149, %add3A_676 : i32
        %get3A_678 = arith.index_cast %rem3A_88 : i32 to index
        %get3A_679 = arith.index_cast %add3A_677 : i32 to index
        %get3A_680 = arith.constant 80 : index
        %get3A_681 = tpu.vector_load %arg12[%get3A_678, %get3A_679, %get3A_680] {strides = array<i32>} : memref<2x128x128xf32, #tpu.memory_space<vmem>>, vector<16xf32>,
        %add3A_682 = arith.constant 2 : i32
        %add3A_683 = arith.addi %mul3A_149, %add3A_682 : i32
        %get3A_684 = arith.index_cast %rem3A_88 : i32 to index
        %get3A_685 = arith.index_cast %add3A_683 : i32 to index
        %get3A_686 = arith.constant 80 : index
        %get3A_687 = tpu.vector_load %arg13[%get3A_684, %get3A_685, %get3A_686] {strides = array<i32>} : memref<2x128x128xf32, #tpu.memory_space<vmem>>, vector<16xf32>,
        %add3A_688 = arith.addf %get3A_681, %get3A_687 : vector<16xf32>
        %gt3A_689 = arith.constant 0.000000e+00 : f32
        %gt3A_690 = vector.broadcast %gt3A_689 : f32 to vector<16xf32>
        %gt3A_691 = arith.cmpf ogt, %add3A_688, %gt3A_690 : vector<16xf32>
        %exp3A_692 = math.exp %add3A_688 : vector<16xf32>
        %sub3A_693 = arith.constant 1.000000e+00 : f32
        %sub3A_694 = vector.broadcast %sub3A_693 : f32 to vector<16xf32>
        %sub3A_695 = arith.subf %exp3A_692, %sub3A_694 : vector<16xf32>
        %select_n3A_696 = arith.select %gt3A_691, %add3A_688, %sub3A_695 : vector<16xi1>, vector<16xf32>
        %get3A_697 = arith.constant 80 : index
        %get3A_698 = tpu.vector_load %arg16[%get3A_697] {strides = array<i32>} : memref<128xf32, #tpu.memory_space<vmem>>, vector<16xf32>,
        %mul3A_699 = arith.mulf %select_n3A_696, %get3A_698 : vector<16xf32>
        %add3A_700 = arith.addf %add3A_675, %mul3A_699 : vector<16xf32>
        %add3A_701 = arith.constant 2 : i32
        %add3A_702 = arith.addi %mul3A_149, %add3A_701 : i32
        %get3A_703 = arith.index_cast %rem3A_88 : i32 to index
        %get3A_704 = arith.index_cast %add3A_702 : i32 to index
        %get3A_705 = arith.constant 96 : index
        %get3A_706 = tpu.vector_load %arg12[%get3A_703, %get3A_704, %get3A_705] {strides = array<i32>} : memref<2x128x128xf32, #tpu.memory_space<vmem>>, vector<16xf32>,
        %add3A_707 = arith.constant 2 : i32
        %add3A_708 = arith.addi %mul3A_149, %add3A_707 : i32
        %get3A_709 = arith.index_cast %rem3A_88 : i32 to index
        %get3A_710 = arith.index_cast %add3A_708 : i32 to index
        %get3A_711 = arith.constant 96 : index
        %get3A_712 = tpu.vector_load %arg13[%get3A_709, %get3A_710, %get3A_711] {strides = array<i32>} : memref<2x128x128xf32, #tpu.memory_space<vmem>>, vector<16xf32>,
        %add3A_713 = arith.addf %get3A_706, %get3A_712 : vector<16xf32>
        %gt3A_714 = arith.constant 0.000000e+00 : f32
        %gt3A_715 = vector.broadcast %gt3A_714 : f32 to vector<16xf32>
        %gt3A_716 = arith.cmpf ogt, %add3A_713, %gt3A_715 : vector<16xf32>
        %exp3A_717 = math.exp %add3A_713 : vector<16xf32>
        %sub3A_718 = arith.constant 1.000000e+00 : f32
        %sub3A_719 = vector.broadcast %sub3A_718 : f32 to vector<16xf32>
        %sub3A_720 = arith.subf %exp3A_717, %sub3A_719 : vector<16xf32>
        %select_n3A_721 = arith.select %gt3A_716, %add3A_713, %sub3A_720 : vector<16xi1>, vector<16xf32>
        %get3A_722 = arith.constant 96 : index
        %get3A_723 = tpu.vector_load %arg16[%get3A_722] {strides = array<i32>} : memref<128xf32, #tpu.memory_space<vmem>>, vector<16xf32>,
        %mul3A_724 = arith.mulf %select_n3A_721, %get3A_723 : vector<16xf32>
        %add3A_725 = arith.addf %add3A_700, %mul3A_724 : vector<16xf32>
        %add3A_726 = arith.constant 2 : i32
        %add3A_727 = arith.addi %mul3A_149, %add3A_726 : i32
        %get3A_728 = arith.index_cast %rem3A_88 : i32 to index
        %get3A_729 = arith.index_cast %add3A_727 : i32 to index
        %get3A_730 = arith.constant 112 : index
        %get3A_731 = tpu.vector_load %arg12[%get3A_728, %get3A_729, %get3A_730] {strides = array<i32>} : memref<2x128x128xf32, #tpu.memory_space<vmem>>, vector<16xf32>,
        %add3A_732 = arith.constant 2 : i32
        %add3A_733 = arith.addi %mul3A_149, %add3A_732 : i32
        %get3A_734 = arith.index_cast %rem3A_88 : i32 to index
        %get3A_735 = arith.index_cast %add3A_733 : i32 to index
        %get3A_736 = arith.constant 112 : index
        %get3A_737 = tpu.vector_load %arg13[%get3A_734, %get3A_735, %get3A_736] {strides = array<i32>} : memref<2x128x128xf32, #tpu.memory_space<vmem>>, vector<16xf32>,
        %add3A_738 = arith.addf %get3A_731, %get3A_737 : vector<16xf32>
        %gt3A_739 = arith.constant 0.000000e+00 : f32
        %gt3A_740 = vector.broadcast %gt3A_739 : f32 to vector<16xf32>
        %gt3A_741 = arith.cmpf ogt, %add3A_738, %gt3A_740 : vector<16xf32>
        %exp3A_742 = math.exp %add3A_738 : vector<16xf32>
        %sub3A_743 = arith.constant 1.000000e+00 : f32
        %sub3A_744 = vector.broadcast %sub3A_743 : f32 to vector<16xf32>
        %sub3A_745 = arith.subf %exp3A_742, %sub3A_744 : vector<16xf32>
        %select_n3A_746 = arith.select %gt3A_741, %add3A_738, %sub3A_745 : vector<16xi1>, vector<16xf32>
        %get3A_747 = arith.constant 112 : index
        %get3A_748 = tpu.vector_load %arg16[%get3A_747] {strides = array<i32>} : memref<128xf32, #tpu.memory_space<vmem>>, vector<16xf32>,
        %mul3A_749 = arith.mulf %select_n3A_746, %get3A_748 : vector<16xf32>
        %add3A_750 = arith.addf %add3A_725, %mul3A_749 : vector<16xf32>
        %swap3A_751 = arith.constant 2 : i32
        %swap3A_752 = arith.index_cast %swap3A_751 : i32 to index
        %swap3A_753 = arith.constant 0 : index
        %swap3A_754 = tpu.vector_load %arg18[%swap3A_752, %swap3A_753] {strides = array<i32>} : memref<16x16xf32, #tpu.memory_space<vmem>>, vector<16xf32>,
        tpu.vector_store %arg18[%swap3A_752, %swap3A_753], %add3A_750 {strides = array<i32>} : memref<16x16xf32, #tpu.memory_space<vmem>>, vector<16xf32>,
        %add3A_755 = arith.constant 3 : i32
        %add3A_756 = arith.addi %mul3A_149, %add3A_755 : i32
        %get3A_757 = arith.index_cast %rem3A_88 : i32 to index
        %get3A_758 = arith.index_cast %add3A_756 : i32 to index
        %get3A_759 = arith.constant 0 : index
        %get3A_760 = tpu.vector_load %arg12[%get3A_757, %get3A_758, %get3A_759] {strides = array<i32>} : memref<2x128x128xf32, #tpu.memory_space<vmem>>, vector<16xf32>,
        %add3A_761 = arith.constant 3 : i32
        %add3A_762 = arith.addi %mul3A_149, %add3A_761 : i32
        %get3A_763 = arith.index_cast %rem3A_88 : i32 to index
        %get3A_764 = arith.index_cast %add3A_762 : i32 to index
        %get3A_765 = arith.constant 0 : index
        %get3A_766 = tpu.vector_load %arg13[%get3A_763, %get3A_764, %get3A_765] {strides = array<i32>} : memref<2x128x128xf32, #tpu.memory_space<vmem>>, vector<16xf32>,
        %add3A_767 = arith.addf %get3A_760, %get3A_766 : vector<16xf32>
        %gt3A_768 = arith.constant 0.000000e+00 : f32
        %gt3A_769 = vector.broadcast %gt3A_768 : f32 to vector<16xf32>
        %gt3A_770 = arith.cmpf ogt, %add3A_767, %gt3A_769 : vector<16xf32>
        %exp3A_771 = math.exp %add3A_767 : vector<16xf32>
        %sub3A_772 = arith.constant 1.000000e+00 : f32
        %sub3A_773 = vector.broadcast %sub3A_772 : f32 to vector<16xf32>
        %sub3A_774 = arith.subf %exp3A_771, %sub3A_773 : vector<16xf32>
        %select_n3A_775 = arith.select %gt3A_770, %add3A_767, %sub3A_774 : vector<16xi1>, vector<16xf32>
        %get3A_776 = arith.constant 0 : index
        %get3A_777 = tpu.vector_load %arg16[%get3A_776] {strides = array<i32>} : memref<128xf32, #tpu.memory_space<vmem>>, vector<16xf32>,
        %mul3A_778 = arith.mulf %select_n3A_775, %get3A_777 : vector<16xf32>
        %add3A_779 = arith.constant 3 : i32
        %add3A_780 = arith.addi %mul3A_149, %add3A_779 : i32
        %get3A_781 = arith.index_cast %rem3A_88 : i32 to index
        %get3A_782 = arith.index_cast %add3A_780 : i32 to index
        %get3A_783 = arith.constant 16 : index
        %get3A_784 = tpu.vector_load %arg12[%get3A_781, %get3A_782, %get3A_783] {strides = array<i32>} : memref<2x128x128xf32, #tpu.memory_space<vmem>>, vector<16xf32>,
        %add3A_785 = arith.constant 3 : i32
        %add3A_786 = arith.addi %mul3A_149, %add3A_785 : i32
        %get3A_787 = arith.index_cast %rem3A_88 : i32 to index
        %get3A_788 = arith.index_cast %add3A_786 : i32 to index
        %get3A_789 = arith.constant 16 : index
        %get3A_790 = tpu.vector_load %arg13[%get3A_787, %get3A_788, %get3A_789] {strides = array<i32>} : memref<2x128x128xf32, #tpu.memory_space<vmem>>, vector<16xf32>,
        %add3A_791 = arith.addf %get3A_784, %get3A_790 : vector<16xf32>
        %gt3A_792 = arith.constant 0.000000e+00 : f32
        %gt3A_793 = vector.broadcast %gt3A_792 : f32 to vector<16xf32>
        %gt3A_794 = arith.cmpf ogt, %add3A_791, %gt3A_793 : vector<16xf32>
        %exp3A_795 = math.exp %add3A_791 : vector<16xf32>
        %sub3A_796 = arith.constant 1.000000e+00 : f32
        %sub3A_797 = vector.broadcast %sub3A_796 : f32 to vector<16xf32>
        %sub3A_798 = arith.subf %exp3A_795, %sub3A_797 : vector<16xf32>
        %select_n3A_799 = arith.select %gt3A_794, %add3A_791, %sub3A_798 : vector<16xi1>, vector<16xf32>
        %get3A_800 = arith.constant 16 : index
        %get3A_801 = tpu.vector_load %arg16[%get3A_800] {strides = array<i32>} : memref<128xf32, #tpu.memory_space<vmem>>, vector<16xf32>,
        %mul3A_802 = arith.mulf %select_n3A_799, %get3A_801 : vector<16xf32>
        %add3A_803 = arith.addf %mul3A_778, %mul3A_802 : vector<16xf32>
        %add3A_804 = arith.constant 3 : i32
        %add3A_805 = arith.addi %mul3A_149, %add3A_804 : i32
        %get3A_806 = arith.index_cast %rem3A_88 : i32 to index
        %get3A_807 = arith.index_cast %add3A_805 : i32 to index
        %get3A_808 = arith.constant 32 : index
        %get3A_809 = tpu.vector_load %arg12[%get3A_806, %get3A_807, %get3A_808] {strides = array<i32>} : memref<2x128x128xf32, #tpu.memory_space<vmem>>, vector<16xf32>,
        %add3A_810 = arith.constant 3 : i32
        %add3A_811 = arith.addi %mul3A_149, %add3A_810 : i32
        %get3A_812 = arith.index_cast %rem3A_88 : i32 to index
        %get3A_813 = arith.index_cast %add3A_811 : i32 to index
        %get3A_814 = arith.constant 32 : index
        %get3A_815 = tpu.vector_load %arg13[%get3A_812, %get3A_813, %get3A_814] {strides = array<i32>} : memref<2x128x128xf32, #tpu.memory_space<vmem>>, vector<16xf32>,
        %add3A_816 = arith.addf %get3A_809, %get3A_815 : vector<16xf32>
        %gt3A_817 = arith.constant 0.000000e+00 : f32
        %gt3A_818 = vector.broadcast %gt3A_817 : f32 to vector<16xf32>
        %gt3A_819 = arith.cmpf ogt, %add3A_816, %gt3A_818 : vector<16xf32>
        %exp3A_820 = math.exp %add3A_816 : vector<16xf32>
        %sub3A_821 = arith.constant 1.000000e+00 : f32
        %sub3A_822 = vector.broadcast %sub3A_821 : f32 to vector<16xf32>
        %sub3A_823 = arith.subf %exp3A_820, %sub3A_822 : vector<16xf32>
        %select_n3A_824 = arith.select %gt3A_819, %add3A_816, %sub3A_823 : vector<16xi1>, vector<16xf32>
        %get3A_825 = arith.constant 32 : index
        %get3A_826 = tpu.vector_load %arg16[%get3A_825] {strides = array<i32>} : memref<128xf32, #tpu.memory_space<vmem>>, vector<16xf32>,
        %mul3A_827 = arith.mulf %select_n3A_824, %get3A_826 : vector<16xf32>
        %add3A_828 = arith.addf %add3A_803, %mul3A_827 : vector<16xf32>
        %add3A_829 = arith.constant 3 : i32
        %add3A_830 = arith.addi %mul3A_149, %add3A_829 : i32
        %get3A_831 = arith.index_cast %rem3A_88 : i32 to index
        %get3A_832 = arith.index_cast %add3A_830 : i32 to index
        %get3A_833 = arith.constant 48 : index
        %get3A_834 = tpu.vector_load %arg12[%get3A_831, %get3A_832, %get3A_833] {strides = array<i32>} : memref<2x128x128xf32, #tpu.memory_space<vmem>>, vector<16xf32>,
        %add3A_835 = arith.constant 3 : i32
        %add3A_836 = arith.addi %mul3A_149, %add3A_835 : i32
        %get3A_837 = arith.index_cast %rem3A_88 : i32 to index
        %get3A_838 = arith.index_cast %add3A_836 : i32 to index
        %get3A_839 = arith.constant 48 : index
        %get3A_840 = tpu.vector_load %arg13[%get3A_837, %get3A_838, %get3A_839] {strides = array<i32>} : memref<2x128x128xf32, #tpu.memory_space<vmem>>, vector<16xf32>,
        %add3A_841 = arith.addf %get3A_834, %get3A_840 : vector<16xf32>
        %gt3A_842 = arith.constant 0.000000e+00 : f32
        %gt3A_843 = vector.broadcast %gt3A_842 : f32 to vector<16xf32>
        %gt3A_844 = arith.cmpf ogt, %add3A_841, %gt3A_843 : vector<16xf32>
        %exp3A_845 = math.exp %add3A_841 : vector<16xf32>
        %sub3A_846 = arith.constant 1.000000e+00 : f32
        %sub3A_847 = vector.broadcast %sub3A_846 : f32 to vector<16xf32>
        %sub3A_848 = arith.subf %exp3A_845, %sub3A_847 : vector<16xf32>
        %select_n3A_849 = arith.select %gt3A_844, %add3A_841, %sub3A_848 : vector<16xi1>, vector<16xf32>
        %get3A_850 = arith.constant 48 : index
        %get3A_851 = tpu.vector_load %arg16[%get3A_850] {strides = array<i32>} : memref<128xf32, #tpu.memory_space<vmem>>, vector<16xf32>,
        %mul3A_852 = arith.mulf %select_n3A_849, %get3A_851 : vector<16xf32>
        %add3A_853 = arith.addf %add3A_828, %mul3A_852 : vector<16xf32>
        %add3A_854 = arith.constant 3 : i32
        %add3A_855 = arith.addi %mul3A_149, %add3A_854 : i32
        %get3A_856 = arith.index_cast %rem3A_88 : i32 to index
        %get3A_857 = arith.index_cast %add3A_855 : i32 to index
        %get3A_858 = arith.constant 64 : index
        %get3A_859 = tpu.vector_load %arg12[%get3A_856, %get3A_857, %get3A_858] {strides = array<i32>} : memref<2x128x128xf32, #tpu.memory_space<vmem>>, vector<16xf32>,
        %add3A_860 = arith.constant 3 : i32
        %add3A_861 = arith.addi %mul3A_149, %add3A_860 : i32
        %get3A_862 = arith.index_cast %rem3A_88 : i32 to index
        %get3A_863 = arith.index_cast %add3A_861 : i32 to index
        %get3A_864 = arith.constant 64 : index
        %get3A_865 = tpu.vector_load %arg13[%get3A_862, %get3A_863, %get3A_864] {strides = array<i32>} : memref<2x128x128xf32, #tpu.memory_space<vmem>>, vector<16xf32>,
        %add3A_866 = arith.addf %get3A_859, %get3A_865 : vector<16xf32>
        %gt3A_867 = arith.constant 0.000000e+00 : f32
        %gt3A_868 = vector.broadcast %gt3A_867 : f32 to vector<16xf32>
        %gt3A_869 = arith.cmpf ogt, %add3A_866, %gt3A_868 : vector<16xf32>
        %exp3A_870 = math.exp %add3A_866 : vector<16xf32>
        %sub3A_871 = arith.constant 1.000000e+00 : f32
        %sub3A_872 = vector.broadcast %sub3A_871 : f32 to vector<16xf32>
        %sub3A_873 = arith.subf %exp3A_870, %sub3A_872 : vector<16xf32>
        %select_n3A_874 = arith.select %gt3A_869, %add3A_866, %sub3A_873 : vector<16xi1>, vector<16xf32>
        %get3A_875 = arith.constant 64 : index
        %get3A_876 = tpu.vector_load %arg16[%get3A_875] {strides = array<i32>} : memref<128xf32, #tpu.memory_space<vmem>>, vector<16xf32>,
        %mul3A_877 = arith.mulf %select_n3A_874, %get3A_876 : vector<16xf32>
        %add3A_878 = arith.addf %add3A_853, %mul3A_877 : vector<16xf32>
        %add3A_879 = arith.constant 3 : i32
        %add3A_880 = arith.addi %mul3A_149, %add3A_879 : i32
        %get3A_881 = arith.index_cast %rem3A_88 : i32 to index
        %get3A_882 = arith.index_cast %add3A_880 : i32 to index
        %get3A_883 = arith.constant 80 : index
        %get3A_884 = tpu.vector_load %arg12[%get3A_881, %get3A_882, %get3A_883] {strides = array<i32>} : memref<2x128x128xf32, #tpu.memory_space<vmem>>, vector<16xf32>,
        %add3A_885 = arith.constant 3 : i32
        %add3A_886 = arith.addi %mul3A_149, %add3A_885 : i32
        %get3A_887 = arith.index_cast %rem3A_88 : i32 to index
        %get3A_888 = arith.index_cast %add3A_886 : i32 to index
        %get3A_889 = arith.constant 80 : index
        %get3A_890 = tpu.vector_load %arg13[%get3A_887, %get3A_888, %get3A_889] {strides = array<i32>} : memref<2x128x128xf32, #tpu.memory_space<vmem>>, vector<16xf32>,
        %add3A_891 = arith.addf %get3A_884, %get3A_890 : vector<16xf32>
        %gt3A_892 = arith.constant 0.000000e+00 : f32
        %gt3A_893 = vector.broadcast %gt3A_892 : f32 to vector<16xf32>
        %gt3A_894 = arith.cmpf ogt, %add3A_891, %gt3A_893 : vector<16xf32>
        %exp3A_895 = math.exp %add3A_891 : vector<16xf32>
        %sub3A_896 = arith.constant 1.000000e+00 : f32
        %sub3A_897 = vector.broadcast %sub3A_896 : f32 to vector<16xf32>
        %sub3A_898 = arith.subf %exp3A_895, %sub3A_897 : vector<16xf32>
        %select_n3A_899 = arith.select %gt3A_894, %add3A_891, %sub3A_898 : vector<16xi1>, vector<16xf32>
        %get3A_900 = arith.constant 80 : index
        %get3A_901 = tpu.vector_load %arg16[%get3A_900] {strides = array<i32>} : memref<128xf32, #tpu.memory_space<vmem>>, vector<16xf32>,
        %mul3A_902 = arith.mulf %select_n3A_899, %get3A_901 : vector<16xf32>
        %add3A_903 = arith.addf %add3A_878, %mul3A_902 : vector<16xf32>
        %add3A_904 = arith.constant 3 : i32
        %add3A_905 = arith.addi %mul3A_149, %add3A_904 : i32
        %get3A_906 = arith.index_cast %rem3A_88 : i32 to index
        %get3A_907 = arith.index_cast %add3A_905 : i32 to index
        %get3A_908 = arith.constant 96 : index
        %get3A_909 = tpu.vector_load %arg12[%get3A_906, %get3A_907, %get3A_908] {strides = array<i32>} : memref<2x128x128xf32, #tpu.memory_space<vmem>>, vector<16xf32>,
        %add3A_910 = arith.constant 3 : i32
        %add3A_911 = arith.addi %mul3A_149, %add3A_910 : i32
        %get3A_912 = arith.index_cast %rem3A_88 : i32 to index
        %get3A_913 = arith.index_cast %add3A_911 : i32 to index
        %get3A_914 = arith.constant 96 : index
        %get3A_915 = tpu.vector_load %arg13[%get3A_912, %get3A_913, %get3A_914] {strides = array<i32>} : memref<2x128x128xf32, #tpu.memory_space<vmem>>, vector<16xf32>,
        %add3A_916 = arith.addf %get3A_909, %get3A_915 : vector<16xf32>
        %gt3A_917 = arith.constant 0.000000e+00 : f32
        %gt3A_918 = vector.broadcast %gt3A_917 : f32 to vector<16xf32>
        %gt3A_919 = arith.cmpf ogt, %add3A_916, %gt3A_918 : vector<16xf32>
        %exp3A_920 = math.exp %add3A_916 : vector<16xf32>
        %sub3A_921 = arith.constant 1.000000e+00 : f32
        %sub3A_922 = vector.broadcast %sub3A_921 : f32 to vector<16xf32>
        %sub3A_923 = arith.subf %exp3A_920, %sub3A_922 : vector<16xf32>
        %select_n3A_924 = arith.select %gt3A_919, %add3A_916, %sub3A_923 : vector<16xi1>, vector<16xf32>
        %get3A_925 = arith.constant 96 : index
        %get3A_926 = tpu.vector_load %arg16[%get3A_925] {strides = array<i32>} : memref<128xf32, #tpu.memory_space<vmem>>, vector<16xf32>,
        %mul3A_927 = arith.mulf %select_n3A_924, %get3A_926 : vector<16xf32>
        %add3A_928 = arith.addf %add3A_903, %mul3A_927 : vector<16xf32>
        %add3A_929 = arith.constant 3 : i32
        %add3A_930 = arith.addi %mul3A_149, %add3A_929 : i32
        %get3A_931 = arith.index_cast %rem3A_88 : i32 to index
        %get3A_932 = arith.index_cast %add3A_930 : i32 to index
        %get3A_933 = arith.constant 112 : index
        %get3A_934 = tpu.vector_load %arg12[%get3A_931, %get3A_932, %get3A_933] {strides = array<i32>} : memref<2x128x128xf32, #tpu.memory_space<vmem>>, vector<16xf32>,
        %add3A_935 = arith.constant 3 : i32
        %add3A_936 = arith.addi %mul3A_149, %add3A_935 : i32
        %get3A_937 = arith.index_cast %rem3A_88 : i32 to index
        %get3A_938 = arith.index_cast %add3A_936 : i32 to index
        %get3A_939 = arith.constant 112 : index
        %get3A_940 = tpu.vector_load %arg13[%get3A_937, %get3A_938, %get3A_939] {strides = array<i32>} : memref<2x128x128xf32, #tpu.memory_space<vmem>>, vector<16xf32>,
        %add3A_941 = arith.addf %get3A_934, %get3A_940 : vector<16xf32>
        %gt3A_942 = arith.constant 0.000000e+00 : f32
        %gt3A_943 = vector.broadcast %gt3A_942 : f32 to vector<16xf32>
        %gt3A_944 = arith.cmpf ogt, %add3A_941, %gt3A_943 : vector<16xf32>
        %exp3A_945 = math.exp %add3A_941 : vector<16xf32>
        %sub3A_946 = arith.constant 1.000000e+00 : f32
        %sub3A_947 = vector.broadcast %sub3A_946 : f32 to vector<16xf32>
        %sub3A_948 = arith.subf %exp3A_945, %sub3A_947 : vector<16xf32>
        %select_n3A_949 = arith.select %gt3A_944, %add3A_941, %sub3A_948 : vector<16xi1>, vector<16xf32>
        %get3A_950 = arith.constant 112 : index
        %get3A_951 = tpu.vector_load %arg16[%get3A_950] {strides = array<i32>} : memref<128xf32, #tpu.memory_space<vmem>>, vector<16xf32>,
        %mul3A_952 = arith.mulf %select_n3A_949, %get3A_951 : vector<16xf32>
        %add3A_953 = arith.addf %add3A_928, %mul3A_952 : vector<16xf32>
        %swap3A_954 = arith.constant 3 : i32
        %swap3A_955 = arith.index_cast %swap3A_954 : i32 to index
        %swap3A_956 = arith.constant 0 : index
        %swap3A_957 = tpu.vector_load %arg18[%swap3A_955, %swap3A_956] {strides = array<i32>} : memref<16x16xf32, #tpu.memory_space<vmem>>, vector<16xf32>,
        tpu.vector_store %arg18[%swap3A_955, %swap3A_956], %add3A_953 {strides = array<i32>} : memref<16x16xf32, #tpu.memory_space<vmem>>, vector<16xf32>,
        %add3A_958 = arith.constant 4 : i32
        %add3A_959 = arith.addi %mul3A_149, %add3A_958 : i32
        %get3A_960 = arith.index_cast %rem3A_88 : i32 to index
        %get3A_961 = arith.index_cast %add3A_959 : i32 to index
        %get3A_962 = arith.constant 0 : index
        %get3A_963 = tpu.vector_load %arg12[%get3A_960, %get3A_961, %get3A_962] {strides = array<i32>} : memref<2x128x128xf32, #tpu.memory_space<vmem>>, vector<16xf32>,
        %add3A_964 = arith.constant 4 : i32
        %add3A_965 = arith.addi %mul3A_149, %add3A_964 : i32
        %get3A_966 = arith.index_cast %rem3A_88 : i32 to index
        %get3A_967 = arith.index_cast %add3A_965 : i32 to index
        %get3A_968 = arith.constant 0 : index
        %get3A_969 = tpu.vector_load %arg13[%get3A_966, %get3A_967, %get3A_968] {strides = array<i32>} : memref<2x128x128xf32, #tpu.memory_space<vmem>>, vector<16xf32>,
        %add3A_970 = arith.addf %get3A_963, %get3A_969 : vector<16xf32>
        %gt3A_971 = arith.constant 0.000000e+00 : f32
        %gt3A_972 = vector.broadcast %gt3A_971 : f32 to vector<16xf32>
        %gt3A_973 = arith.cmpf ogt, %add3A_970, %gt3A_972 : vector<16xf32>
        %exp3A_974 = math.exp %add3A_970 : vector<16xf32>
        %sub3A_975 = arith.constant 1.000000e+00 : f32
        %sub3A_976 = vector.broadcast %sub3A_975 : f32 to vector<16xf32>
        %sub3A_977 = arith.subf %exp3A_974, %sub3A_976 : vector<16xf32>
        %select_n3A_978 = arith.select %gt3A_973, %add3A_970, %sub3A_977 : vector<16xi1>, vector<16xf32>
        %get3A_979 = arith.constant 0 : index
        %get3A_980 = tpu.vector_load %arg16[%get3A_979] {strides = array<i32>} : memref<128xf32, #tpu.memory_space<vmem>>, vector<16xf32>,
        %mul3A_981 = arith.mulf %select_n3A_978, %get3A_980 : vector<16xf32>
        %add3A_982 = arith.constant 4 : i32
        %add3A_983 = arith.addi %mul3A_149, %add3A_982 : i32
        %get3A_984 = arith.index_cast %rem3A_88 : i32 to index
        %get3A_985 = arith.index_cast %add3A_983 : i32 to index
        %get3A_986 = arith.constant 16 : index
        %get3A_987 = tpu.vector_load %arg12[%get3A_984, %get3A_985, %get3A_986] {strides = array<i32>} : memref<2x128x128xf32, #tpu.memory_space<vmem>>, vector<16xf32>,
        %add3A_988 = arith.constant 4 : i32
        %add3A_989 = arith.addi %mul3A_149, %add3A_988 : i32
        %get3A_990 = arith.index_cast %rem3A_88 : i32 to index
        %get3A_991 = arith.index_cast %add3A_989 : i32 to index
        %get3A_992 = arith.constant 16 : index
        %get3A_993 = tpu.vector_load %arg13[%get3A_990, %get3A_991, %get3A_992] {strides = array<i32>} : memref<2x128x128xf32, #tpu.memory_space<vmem>>, vector<16xf32>,
        %add3A_994 = arith.addf %get3A_987, %get3A_993 : vector<16xf32>
        %gt3A_995 = arith.constant 0.000000e+00 : f32
        %gt3A_996 = vector.broadcast %gt3A_995 : f32 to vector<16xf32>
        %gt3A_997 = arith.cmpf ogt, %add3A_994, %gt3A_996 : vector<16xf32>
        %exp3A_998 = math.exp %add3A_994 : vector<16xf32>
        %sub3A_999 = arith.constant 1.000000e+00 : f32
        %sub3A_1000 = vector.broadcast %sub3A_999 : f32 to vector<16xf32>
        %sub3A_1001 = arith.subf %exp3A_998, %sub3A_1000 : vector<16xf32>
        %select_n3A_1002 = arith.select %gt3A_997, %add3A_994, %sub3A_1001 : vector<16xi1>, vector<16xf32>
        %get3A_1003 = arith.constant 16 : index
        %get3A_1004 = tpu.vector_load %arg16[%get3A_1003] {strides = array<i32>} : memref<128xf32, #tpu.memory_space<vmem>>, vector<16xf32>,
        %mul3A_1005 = arith.mulf %select_n3A_1002, %get3A_1004 : vector<16xf32>
        %add3A_1006 = arith.addf %mul3A_981, %mul3A_1005 : vector<16xf32>
        %add3A_1007 = arith.constant 4 : i32
        %add3A_1008 = arith.addi %mul3A_149, %add3A_1007 : i32
        %get3A_1009 = arith.index_cast %rem3A_88 : i32 to index
        %get3A_1010 = arith.index_cast %add3A_1008 : i32 to index
        %get3A_1011 = arith.constant 32 : index
        %get3A_1012 = tpu.vector_load %arg12[%get3A_1009, %get3A_1010, %get3A_1011] {strides = array<i32>} : memref<2x128x128xf32, #tpu.memory_space<vmem>>, vector<16xf32>,
        %add3A_1013 = arith.constant 4 : i32
        %add3A_1014 = arith.addi %mul3A_149, %add3A_1013 : i32
        %get3A_1015 = arith.index_cast %rem3A_88 : i32 to index
        %get3A_1016 = arith.index_cast %add3A_1014 : i32 to index
        %get3A_1017 = arith.constant 32 : index
        %get3A_1018 = tpu.vector_load %arg13[%get3A_1015, %get3A_1016, %get3A_1017] {strides = array<i32>} : memref<2x128x128xf32, #tpu.memory_space<vmem>>, vector<16xf32>,
        %add3A_1019 = arith.addf %get3A_1012, %get3A_1018 : vector<16xf32>
        %gt3A_1020 = arith.constant 0.000000e+00 : f32
        %gt3A_1021 = vector.broadcast %gt3A_1020 : f32 to vector<16xf32>
        %gt3A_1022 = arith.cmpf ogt, %add3A_1019, %gt3A_1021 : vector<16xf32>
        %exp3A_1023 = math.exp %add3A_1019 : vector<16xf32>
        %sub3A_1024 = arith.constant 1.000000e+00 : f32
        %sub3A_1025 = vector.broadcast %sub3A_1024 : f32 to vector<16xf32>
        %sub3A_1026 = arith.subf %exp3A_1023, %sub3A_1025 : vector<16xf32>
        %select_n3A_1027 = arith.select %gt3A_1022, %add3A_1019, %sub3A_1026 : vector<16xi1>, vector<16xf32>
        %get3A_1028 = arith.constant 32 : index
        %get3A_1029 = tpu.vector_load %arg16[%get3A_1028] {strides = array<i32>} : memref<128xf32, #tpu.memory_space<vmem>>, vector<16xf32>,
        %mul3A_1030 = arith.mulf %select_n3A_1027, %get3A_1029 : vector<16xf32>
        %add3A_1031 = arith.addf %add3A_1006, %mul3A_1030 : vector<16xf32>
        %add3A_1032 = arith.constant 4 : i32
        %add3A_1033 = arith.addi %mul3A_149, %add3A_1032 : i32
        %get3A_1034 = arith.index_cast %rem3A_88 : i32 to index
        %get3A_1035 = arith.index_cast %add3A_1033 : i32 to index
        %get3A_1036 = arith.constant 48 : index
        %get3A_1037 = tpu.vector_load %arg12[%get3A_1034, %get3A_1035, %get3A_1036] {strides = array<i32>} : memref<2x128x128xf32, #tpu.memory_space<vmem>>, vector<16xf32>,
        %add3A_1038 = arith.constant 4 : i32
        %add3A_1039 = arith.addi %mul3A_149, %add3A_1038 : i32
        %get3A_1040 = arith.index_cast %rem3A_88 : i32 to index
        %get3A_1041 = arith.index_cast %add3A_1039 : i32 to index
        %get3A_1042 = arith.constant 48 : index
        %get3A_1043 = tpu.vector_load %arg13[%get3A_1040, %get3A_1041, %get3A_1042] {strides = array<i32>} : memref<2x128x128xf32, #tpu.memory_space<vmem>>, vector<16xf32>,
        %add3A_1044 = arith.addf %get3A_1037, %get3A_1043 : vector<16xf32>
        %gt3A_1045 = arith.constant 0.000000e+00 : f32
        %gt3A_1046 = vector.broadcast %gt3A_1045 : f32 to vector<16xf32>
        %gt3A_1047 = arith.cmpf ogt, %add3A_1044, %gt3A_1046 : vector<16xf32>
        %exp3A_1048 = math.exp %add3A_1044 : vector<16xf32>
        %sub3A_1049 = arith.constant 1.000000e+00 : f32
        %sub3A_1050 = vector.broadcast %sub3A_1049 : f32 to vector<16xf32>
        %sub3A_1051 = arith.subf %exp3A_1048, %sub3A_1050 : vector<16xf32>
        %select_n3A_1052 = arith.select %gt3A_1047, %add3A_1044, %sub3A_1051 : vector<16xi1>, vector<16xf32>
        %get3A_1053 = arith.constant 48 : index
        %get3A_1054 = tpu.vector_load %arg16[%get3A_1053] {strides = array<i32>} : memref<128xf32, #tpu.memory_space<vmem>>, vector<16xf32>,
        %mul3A_1055 = arith.mulf %select_n3A_1052, %get3A_1054 : vector<16xf32>
        %add3A_1056 = arith.addf %add3A_1031, %mul3A_1055 : vector<16xf32>
        %add3A_1057 = arith.constant 4 : i32
        %add3A_1058 = arith.addi %mul3A_149, %add3A_1057 : i32
        %get3A_1059 = arith.index_cast %rem3A_88 : i32 to index
        %get3A_1060 = arith.index_cast %add3A_1058 : i32 to index
        %get3A_1061 = arith.constant 64 : index
        %get3A_1062 = tpu.vector_load %arg12[%get3A_1059, %get3A_1060, %get3A_1061] {strides = array<i32>} : memref<2x128x128xf32, #tpu.memory_space<vmem>>, vector<16xf32>,
        %add3A_1063 = arith.constant 4 : i32
        %add3A_1064 = arith.addi %mul3A_149, %add3A_1063 : i32
        %get3A_1065 = arith.index_cast %rem3A_88 : i32 to index
        %get3A_1066 = arith.index_cast %add3A_1064 : i32 to index
        %get3A_1067 = arith.constant 64 : index
        %get3A_1068 = tpu.vector_load %arg13[%get3A_1065, %get3A_1066, %get3A_1067] {strides = array<i32>} : memref<2x128x128xf32, #tpu.memory_space<vmem>>, vector<16xf32>,
        %add3A_1069 = arith.addf %get3A_1062, %get3A_1068 : vector<16xf32>
        %gt3A_1070 = arith.constant 0.000000e+00 : f32
        %gt3A_1071 = vector.broadcast %gt3A_1070 : f32 to vector<16xf32>
        %gt3A_1072 = arith.cmpf ogt, %add3A_1069, %gt3A_1071 : vector<16xf32>
        %exp3A_1073 = math.exp %add3A_1069 : vector<16xf32>
        %sub3A_1074 = arith.constant 1.000000e+00 : f32
        %sub3A_1075 = vector.broadcast %sub3A_1074 : f32 to vector<16xf32>
        %sub3A_1076 = arith.subf %exp3A_1073, %sub3A_1075 : vector<16xf32>
        %select_n3A_1077 = arith.select %gt3A_1072, %add3A_1069, %sub3A_1076 : vector<16xi1>, vector<16xf32>
        %get3A_1078 = arith.constant 64 : index
        %get3A_1079 = tpu.vector_load %arg16[%get3A_1078] {strides = array<i32>} : memref<128xf32, #tpu.memory_space<vmem>>, vector<16xf32>,
        %mul3A_1080 = arith.mulf %select_n3A_1077, %get3A_1079 : vector<16xf32>
        %add3A_1081 = arith.addf %add3A_1056, %mul3A_1080 : vector<16xf32>
        %add3A_1082 = arith.constant 4 : i32
        %add3A_1083 = arith.addi %mul3A_149, %add3A_1082 : i32
        %get3A_1084 = arith.index_cast %rem3A_88 : i32 to index
        %get3A_1085 = arith.index_cast %add3A_1083 : i32 to index
        %get3A_1086 = arith.constant 80 : index
        %get3A_1087 = tpu.vector_load %arg12[%get3A_1084, %get3A_1085, %get3A_1086] {strides = array<i32>} : memref<2x128x128xf32, #tpu.memory_space<vmem>>, vector<16xf32>,
        %add3A_1088 = arith.constant 4 : i32
        %add3A_1089 = arith.addi %mul3A_149, %add3A_1088 : i32
        %get3A_1090 = arith.index_cast %rem3A_88 : i32 to index
        %get3A_1091 = arith.index_cast %add3A_1089 : i32 to index
        %get3A_1092 = arith.constant 80 : index
        %get3A_1093 = tpu.vector_load %arg13[%get3A_1090, %get3A_1091, %get3A_1092] {strides = array<i32>} : memref<2x128x128xf32, #tpu.memory_space<vmem>>, vector<16xf32>,
        %add3A_1094 = arith.addf %get3A_1087, %get3A_1093 : vector<16xf32>
        %gt3A_1095 = arith.constant 0.000000e+00 : f32
        %gt3A_1096 = vector.broadcast %gt3A_1095 : f32 to vector<16xf32>
        %gt3A_1097 = arith.cmpf ogt, %add3A_1094, %gt3A_1096 : vector<16xf32>
        %exp3A_1098 = math.exp %add3A_1094 : vector<16xf32>
        %sub3A_1099 = arith.constant 1.000000e+00 : f32
        %sub3A_1100 = vector.broadcast %sub3A_1099 : f32 to vector<16xf32>
        %sub3A_1101 = arith.subf %exp3A_1098, %sub3A_1100 : vector<16xf32>
        %select_n3A_1102 = arith.select %gt3A_1097, %add3A_1094, %sub3A_1101 : vector<16xi1>, vector<16xf32>
        %get3A_1103 = arith.constant 80 : index
        %get3A_1104 = tpu.vector_load %arg16[%get3A_1103] {strides = array<i32>} : memref<128xf32, #tpu.memory_space<vmem>>, vector<16xf32>,
        %mul3A_1105 = arith.mulf %select_n3A_1102, %get3A_1104 : vector<16xf32>
        %add3A_1106 = arith.addf %add3A_1081, %mul3A_1105 : vector<16xf32>
        %add3A_1107 = arith.constant 4 : i32
        %add3A_1108 = arith.addi %mul3A_149, %add3A_1107 : i32
        %get3A_1109 = arith.index_cast %rem3A_88 : i32 to index
        %get3A_1110 = arith.index_cast %add3A_1108 : i32 to index
        %get3A_1111 = arith.constant 96 : index
        %get3A_1112 = tpu.vector_load %arg12[%get3A_1109, %get3A_1110, %get3A_1111] {strides = array<i32>} : memref<2x128x128xf32, #tpu.memory_space<vmem>>, vector<16xf32>,
        %add3A_1113 = arith.constant 4 : i32
        %add3A_1114 = arith.addi %mul3A_149, %add3A_1113 : i32
        %get3A_1115 = arith.index_cast %rem3A_88 : i32 to index
        %get3A_1116 = arith.index_cast %add3A_1114 : i32 to index
        %get3A_1117 = arith.constant 96 : index
        %get3A_1118 = tpu.vector_load %arg13[%get3A_1115, %get3A_1116, %get3A_1117] {strides = array<i32>} : memref<2x128x128xf32, #tpu.memory_space<vmem>>, vector<16xf32>,
        %add3A_1119 = arith.addf %get3A_1112, %get3A_1118 : vector<16xf32>
        %gt3A_1120 = arith.constant 0.000000e+00 : f32
        %gt3A_1121 = vector.broadcast %gt3A_1120 : f32 to vector<16xf32>
        %gt3A_1122 = arith.cmpf ogt, %add3A_1119, %gt3A_1121 : vector<16xf32>
        %exp3A_1123 = math.exp %add3A_1119 : vector<16xf32>
        %sub3A_1124 = arith.constant 1.000000e+00 : f32
        %sub3A_1125 = vector.broadcast %sub3A_1124 : f32 to vector<16xf32>
        %sub3A_1126 = arith.subf %exp3A_1123, %sub3A_1125 : vector<16xf32>
        %select_n3A_1127 = arith.select %gt3A_1122, %add3A_1119, %sub3A_1126 : vector<16xi1>, vector<16xf32>
        %get3A_1128 = arith.constant 96 : index
        %get3A_1129 = tpu.vector_load %arg16[%get3A_1128] {strides = array<i32>} : memref<128xf32, #tpu.memory_space<vmem>>, vector<16xf32>,
        %mul3A_1130 = arith.mulf %select_n3A_1127, %get3A_1129 : vector<16xf32>
        %add3A_1131 = arith.addf %add3A_1106, %mul3A_1130 : vector<16xf32>
        %add3A_1132 = arith.constant 4 : i32
        %add3A_1133 = arith.addi %mul3A_149, %add3A_1132 : i32
        %get3A_1134 = arith.index_cast %rem3A_88 : i32 to index
        %get3A_1135 = arith.index_cast %add3A_1133 : i32 to index
        %get3A_1136 = arith.constant 112 : index
        %get3A_1137 = tpu.vector_load %arg12[%get3A_1134, %get3A_1135, %get3A_1136] {strides = array<i32>} : memref<2x128x128xf32, #tpu.memory_space<vmem>>, vector<16xf32>,
        %add3A_1138 = arith.constant 4 : i32
        %add3A_1139 = arith.addi %mul3A_149, %add3A_1138 : i32
        %get3A_1140 = arith.index_cast %rem3A_88 : i32 to index
        %get3A_1141 = arith.index_cast %add3A_1139 : i32 to index
        %get3A_1142 = arith.constant 112 : index
        %get3A_1143 = tpu.vector_load %arg13[%get3A_1140, %get3A_1141, %get3A_1142] {strides = array<i32>} : memref<2x128x128xf32, #tpu.memory_space<vmem>>, vector<16xf32>,
        %add3A_1144 = arith.addf %get3A_1137, %get3A_1143 : vector<16xf32>
        %gt3A_1145 = arith.constant 0.000000e+00 : f32
        %gt3A_1146 = vector.broadcast %gt3A_1145 : f32 to vector<16xf32>
        %gt3A_1147 = arith.cmpf ogt, %add3A_1144, %gt3A_1146 : vector<16xf32>
        %exp3A_1148 = math.exp %add3A_1144 : vector<16xf32>
        %sub3A_1149 = arith.constant 1.000000e+00 : f32
        %sub3A_1150 = vector.broadcast %sub3A_1149 : f32 to vector<16xf32>
        %sub3A_1151 = arith.subf %exp3A_1148, %sub3A_1150 : vector<16xf32>
        %select_n3A_1152 = arith.select %gt3A_1147, %add3A_1144, %sub3A_1151 : vector<16xi1>, vector<16xf32>
        %get3A_1153 = arith.constant 112 : index
        %get3A_1154 = tpu.vector_load %arg16[%get3A_1153] {strides = array<i32>} : memref<128xf32, #tpu.memory_space<vmem>>, vector<16xf32>,
        %mul3A_1155 = arith.mulf %select_n3A_1152, %get3A_1154 : vector<16xf32>
        %add3A_1156 = arith.addf %add3A_1131, %mul3A_1155 : vector<16xf32>
        %swap3A_1157 = arith.constant 4 : i32
        %swap3A_1158 = arith.index_cast %swap3A_1157 : i32 to index
        %swap3A_1159 = arith.constant 0 : index
        %swap3A_1160 = tpu.vector_load %arg18[%swap3A_1158, %swap3A_1159] {strides = array<i32>} : memref<16x16xf32, #tpu.memory_space<vmem>>, vector<16xf32>,
        tpu.vector_store %arg18[%swap3A_1158, %swap3A_1159], %add3A_1156 {strides = array<i32>} : memref<16x16xf32, #tpu.memory_space<vmem>>, vector<16xf32>,
        %add3A_1161 = arith.constant 5 : i32
        %add3A_1162 = arith.addi %mul3A_149, %add3A_1161 : i32
        %get3A_1163 = arith.index_cast %rem3A_88 : i32 to index
        %get3A_1164 = arith.index_cast %add3A_1162 : i32 to index
        %get3A_1165 = arith.constant 0 : index
        %get3A_1166 = tpu.vector_load %arg12[%get3A_1163, %get3A_1164, %get3A_1165] {strides = array<i32>} : memref<2x128x128xf32, #tpu.memory_space<vmem>>, vector<16xf32>,
        %add3A_1167 = arith.constant 5 : i32
        %add3A_1168 = arith.addi %mul3A_149, %add3A_1167 : i32
        %get3A_1169 = arith.index_cast %rem3A_88 : i32 to index
        %get3A_1170 = arith.index_cast %add3A_1168 : i32 to index
        %get3A_1171 = arith.constant 0 : index
        %get3A_1172 = tpu.vector_load %arg13[%get3A_1169, %get3A_1170, %get3A_1171] {strides = array<i32>} : memref<2x128x128xf32, #tpu.memory_space<vmem>>, vector<16xf32>,
        %add3A_1173 = arith.addf %get3A_1166, %get3A_1172 : vector<16xf32>
        %gt3A_1174 = arith.constant 0.000000e+00 : f32
        %gt3A_1175 = vector.broadcast %gt3A_1174 : f32 to vector<16xf32>
        %gt3A_1176 = arith.cmpf ogt, %add3A_1173, %gt3A_1175 : vector<16xf32>
        %exp3A_1177 = math.exp %add3A_1173 : vector<16xf32>
        %sub3A_1178 = arith.constant 1.000000e+00 : f32
        %sub3A_1179 = vector.broadcast %sub3A_1178 : f32 to vector<16xf32>
        %sub3A_1180 = arith.subf %exp3A_1177, %sub3A_1179 : vector<16xf32>
        %select_n3A_1181 = arith.select %gt3A_1176, %add3A_1173, %sub3A_1180 : vector<16xi1>, vector<16xf32>
        %get3A_1182 = arith.constant 0 : index
        %get3A_1183 = tpu.vector_load %arg16[%get3A_1182] {strides = array<i32>} : memref<128xf32, #tpu.memory_space<vmem>>, vector<16xf32>,
        %mul3A_1184 = arith.mulf %select_n3A_1181, %get3A_1183 : vector<16xf32>
        %add3A_1185 = arith.constant 5 : i32
        %add3A_1186 = arith.addi %mul3A_149, %add3A_1185 : i32
        %get3A_1187 = arith.index_cast %rem3A_88 : i32 to index
        %get3A_1188 = arith.index_cast %add3A_1186 : i32 to index
        %get3A_1189 = arith.constant 16 : index
        %get3A_1190 = tpu.vector_load %arg12[%get3A_1187, %get3A_1188, %get3A_1189] {strides = array<i32>} : memref<2x128x128xf32, #tpu.memory_space<vmem>>, vector<16xf32>,
        %add3A_1191 = arith.constant 5 : i32
        %add3A_1192 = arith.addi %mul3A_149, %add3A_1191 : i32
        %get3A_1193 = arith.index_cast %rem3A_88 : i32 to index
        %get3A_1194 = arith.index_cast %add3A_1192 : i32 to index
        %get3A_1195 = arith.constant 16 : index
        %get3A_1196 = tpu.vector_load %arg13[%get3A_1193, %get3A_1194, %get3A_1195] {strides = array<i32>} : memref<2x128x128xf32, #tpu.memory_space<vmem>>, vector<16xf32>,
        %add3A_1197 = arith.addf %get3A_1190, %get3A_1196 : vector<16xf32>
        %gt3A_1198 = arith.constant 0.000000e+00 : f32
        %gt3A_1199 = vector.broadcast %gt3A_1198 : f32 to vector<16xf32>
        %gt3A_1200 = arith.cmpf ogt, %add3A_1197, %gt3A_1199 : vector<16xf32>
        %exp3A_1201 = math.exp %add3A_1197 : vector<16xf32>
        %sub3A_1202 = arith.constant 1.000000e+00 : f32
        %sub3A_1203 = vector.broadcast %sub3A_1202 : f32 to vector<16xf32>
        %sub3A_1204 = arith.subf %exp3A_1201, %sub3A_1203 : vector<16xf32>
        %select_n3A_1205 = arith.select %gt3A_1200, %add3A_1197, %sub3A_1204 : vector<16xi1>, vector<16xf32>
        %get3A_1206 = arith.constant 16 : index
        %get3A_1207 = tpu.vector_load %arg16[%get3A_1206] {strides = array<i32>} : memref<128xf32, #tpu.memory_space<vmem>>, vector<16xf32>,
        %mul3A_1208 = arith.mulf %select_n3A_1205, %get3A_1207 : vector<16xf32>
        %add3A_1209 = arith.addf %mul3A_1184, %mul3A_1208 : vector<16xf32>
        %add3A_1210 = arith.constant 5 : i32
        %add3A_1211 = arith.addi %mul3A_149, %add3A_1210 : i32
        %get3A_1212 = arith.index_cast %rem3A_88 : i32 to index
        %get3A_1213 = arith.index_cast %add3A_1211 : i32 to index
        %get3A_1214 = arith.constant 32 : index
        %get3A_1215 = tpu.vector_load %arg12[%get3A_1212, %get3A_1213, %get3A_1214] {strides = array<i32>} : memref<2x128x128xf32, #tpu.memory_space<vmem>>, vector<16xf32>,
        %add3A_1216 = arith.constant 5 : i32
        %add3A_1217 = arith.addi %mul3A_149, %add3A_1216 : i32
        %get3A_1218 = arith.index_cast %rem3A_88 : i32 to index
        %get3A_1219 = arith.index_cast %add3A_1217 : i32 to index
        %get3A_1220 = arith.constant 32 : index
        %get3A_1221 = tpu.vector_load %arg13[%get3A_1218, %get3A_1219, %get3A_1220] {strides = array<i32>} : memref<2x128x128xf32, #tpu.memory_space<vmem>>, vector<16xf32>,
        %add3A_1222 = arith.addf %get3A_1215, %get3A_1221 : vector<16xf32>
        %gt3A_1223 = arith.constant 0.000000e+00 : f32
        %gt3A_1224 = vector.broadcast %gt3A_1223 : f32 to vector<16xf32>
        %gt3A_1225 = arith.cmpf ogt, %add3A_1222, %gt3A_1224 : vector<16xf32>
        %exp3A_1226 = math.exp %add3A_1222 : vector<16xf32>
        %sub3A_1227 = arith.constant 1.000000e+00 : f32
        %sub3A_1228 = vector.broadcast %sub3A_1227 : f32 to vector<16xf32>
        %sub3A_1229 = arith.subf %exp3A_1226, %sub3A_1228 : vector<16xf32>
        %select_n3A_1230 = arith.select %gt3A_1225, %add3A_1222, %sub3A_1229 : vector<16xi1>, vector<16xf32>
        %get3A_1231 = arith.constant 32 : index
        %get3A_1232 = tpu.vector_load %arg16[%get3A_1231] {strides = array<i32>} : memref<128xf32, #tpu.memory_space<vmem>>, vector<16xf32>,
        %mul3A_1233 = arith.mulf %select_n3A_1230, %get3A_1232 : vector<16xf32>
        %add3A_1234 = arith.addf %add3A_1209, %mul3A_1233 : vector<16xf32>
        %add3A_1235 = arith.constant 5 : i32
        %add3A_1236 = arith.addi %mul3A_149, %add3A_1235 : i32
        %get3A_1237 = arith.index_cast %rem3A_88 : i32 to index
        %get3A_1238 = arith.index_cast %add3A_1236 : i32 to index
        %get3A_1239 = arith.constant 48 : index
        %get3A_1240 = tpu.vector_load %arg12[%get3A_1237, %get3A_1238, %get3A_1239] {strides = array<i32>} : memref<2x128x128xf32, #tpu.memory_space<vmem>>, vector<16xf32>,
        %add3A_1241 = arith.constant 5 : i32
        %add3A_1242 = arith.addi %mul3A_149, %add3A_1241 : i32
        %get3A_1243 = arith.index_cast %rem3A_88 : i32 to index
        %get3A_1244 = arith.index_cast %add3A_1242 : i32 to index
        %get3A_1245 = arith.constant 48 : index
        %get3A_1246 = tpu.vector_load %arg13[%get3A_1243, %get3A_1244, %get3A_1245] {strides = array<i32>} : memref<2x128x128xf32, #tpu.memory_space<vmem>>, vector<16xf32>,
        %add3A_1247 = arith.addf %get3A_1240, %get3A_1246 : vector<16xf32>
        %gt3A_1248 = arith.constant 0.000000e+00 : f32
        %gt3A_1249 = vector.broadcast %gt3A_1248 : f32 to vector<16xf32>
        %gt3A_1250 = arith.cmpf ogt, %add3A_1247, %gt3A_1249 : vector<16xf32>
        %exp3A_1251 = math.exp %add3A_1247 : vector<16xf32>
        %sub3A_1252 = arith.constant 1.000000e+00 : f32
        %sub3A_1253 = vector.broadcast %sub3A_1252 : f32 to vector<16xf32>
        %sub3A_1254 = arith.subf %exp3A_1251, %sub3A_1253 : vector<16xf32>
        %select_n3A_1255 = arith.select %gt3A_1250, %add3A_1247, %sub3A_1254 : vector<16xi1>, vector<16xf32>
        %get3A_1256 = arith.constant 48 : index
        %get3A_1257 = tpu.vector_load %arg16[%get3A_1256] {strides = array<i32>} : memref<128xf32, #tpu.memory_space<vmem>>, vector<16xf32>,
        %mul3A_1258 = arith.mulf %select_n3A_1255, %get3A_1257 : vector<16xf32>
        %add3A_1259 = arith.addf %add3A_1234, %mul3A_1258 : vector<16xf32>
        %add3A_1260 = arith.constant 5 : i32
        %add3A_1261 = arith.addi %mul3A_149, %add3A_1260 : i32
        %get3A_1262 = arith.index_cast %rem3A_88 : i32 to index
        %get3A_1263 = arith.index_cast %add3A_1261 : i32 to index
        %get3A_1264 = arith.constant 64 : index
        %get3A_1265 = tpu.vector_load %arg12[%get3A_1262, %get3A_1263, %get3A_1264] {strides = array<i32>} : memref<2x128x128xf32, #tpu.memory_space<vmem>>, vector<16xf32>,
        %add3A_1266 = arith.constant 5 : i32
        %add3A_1267 = arith.addi %mul3A_149, %add3A_1266 : i32
        %get3A_1268 = arith.index_cast %rem3A_88 : i32 to index
        %get3A_1269 = arith.index_cast %add3A_1267 : i32 to index
        %get3A_1270 = arith.constant 64 : index
        %get3A_1271 = tpu.vector_load %arg13[%get3A_1268, %get3A_1269, %get3A_1270] {strides = array<i32>} : memref<2x128x128xf32, #tpu.memory_space<vmem>>, vector<16xf32>,
        %add3A_1272 = arith.addf %get3A_1265, %get3A_1271 : vector<16xf32>
        %gt3A_1273 = arith.constant 0.000000e+00 : f32
        %gt3A_1274 = vector.broadcast %gt3A_1273 : f32 to vector<16xf32>
        %gt3A_1275 = arith.cmpf ogt, %add3A_1272, %gt3A_1274 : vector<16xf32>
        %exp3A_1276 = math.exp %add3A_1272 : vector<16xf32>
        %sub3A_1277 = arith.constant 1.000000e+00 : f32
        %sub3A_1278 = vector.broadcast %sub3A_1277 : f32 to vector<16xf32>
        %sub3A_1279 = arith.subf %exp3A_1276, %sub3A_1278 : vector<16xf32>
        %select_n3A_1280 = arith.select %gt3A_1275, %add3A_1272, %sub3A_1279 : vector<16xi1>, vector<16xf32>
        %get3A_1281 = arith.constant 64 : index
        %get3A_1282 = tpu.vector_load %arg16[%get3A_1281] {strides = array<i32>} : memref<128xf32, #tpu.memory_space<vmem>>, vector<16xf32>,
        %mul3A_1283 = arith.mulf %select_n3A_1280, %get3A_1282 : vector<16xf32>
        %add3A_1284 = arith.addf %add3A_1259, %mul3A_1283 : vector<16xf32>
        %add3A_1285 = arith.constant 5 : i32
        %add3A_1286 = arith.addi %mul3A_149, %add3A_1285 : i32
        %get3A_1287 = arith.index_cast %rem3A_88 : i32 to index
        %get3A_1288 = arith.index_cast %add3A_1286 : i32 to index
        %get3A_1289 = arith.constant 80 : index
        %get3A_1290 = tpu.vector_load %arg12[%get3A_1287, %get3A_1288, %get3A_1289] {strides = array<i32>} : memref<2x128x128xf32, #tpu.memory_space<vmem>>, vector<16xf32>,
        %add3A_1291 = arith.constant 5 : i32
        %add3A_1292 = arith.addi %mul3A_149, %add3A_1291 : i32
        %get3A_1293 = arith.index_cast %rem3A_88 : i32 to index
        %get3A_1294 = arith.index_cast %add3A_1292 : i32 to index
        %get3A_1295 = arith.constant 80 : index
        %get3A_1296 = tpu.vector_load %arg13[%get3A_1293, %get3A_1294, %get3A_1295] {strides = array<i32>} : memref<2x128x128xf32, #tpu.memory_space<vmem>>, vector<16xf32>,
        %add3A_1297 = arith.addf %get3A_1290, %get3A_1296 : vector<16xf32>
        %gt3A_1298 = arith.constant 0.000000e+00 : f32
        %gt3A_1299 = vector.broadcast %gt3A_1298 : f32 to vector<16xf32>
        %gt3A_1300 = arith.cmpf ogt, %add3A_1297, %gt3A_1299 : vector<16xf32>
        %exp3A_1301 = math.exp %add3A_1297 : vector<16xf32>
        %sub3A_1302 = arith.constant 1.000000e+00 : f32
        %sub3A_1303 = vector.broadcast %sub3A_1302 : f32 to vector<16xf32>
        %sub3A_1304 = arith.subf %exp3A_1301, %sub3A_1303 : vector<16xf32>
        %select_n3A_1305 = arith.select %gt3A_1300, %add3A_1297, %sub3A_1304 : vector<16xi1>, vector<16xf32>
        %get3A_1306 = arith.constant 80 : index
        %get3A_1307 = tpu.vector_load %arg16[%get3A_1306] {strides = array<i32>} : memref<128xf32, #tpu.memory_space<vmem>>, vector<16xf32>,
        %mul3A_1308 = arith.mulf %select_n3A_1305, %get3A_1307 : vector<16xf32>
        %add3A_1309 = arith.addf %add3A_1284, %mul3A_1308 : vector<16xf32>
        %add3A_1310 = arith.constant 5 : i32
        %add3A_1311 = arith.addi %mul3A_149, %add3A_1310 : i32
        %get3A_1312 = arith.index_cast %rem3A_88 : i32 to index
        %get3A_1313 = arith.index_cast %add3A_1311 : i32 to index
        %get3A_1314 = arith.constant 96 : index
        %get3A_1315 = tpu.vector_load %arg12[%get3A_1312, %get3A_1313, %get3A_1314] {strides = array<i32>} : memref<2x128x128xf32, #tpu.memory_space<vmem>>, vector<16xf32>,
        %add3A_1316 = arith.constant 5 : i32
        %add3A_1317 = arith.addi %mul3A_149, %add3A_1316 : i32
        %get3A_1318 = arith.index_cast %rem3A_88 : i32 to index
        %get3A_1319 = arith.index_cast %add3A_1317 : i32 to index
        %get3A_1320 = arith.constant 96 : index
        %get3A_1321 = tpu.vector_load %arg13[%get3A_1318, %get3A_1319, %get3A_1320] {strides = array<i32>} : memref<2x128x128xf32, #tpu.memory_space<vmem>>, vector<16xf32>,
        %add3A_1322 = arith.addf %get3A_1315, %get3A_1321 : vector<16xf32>
        %gt3A_1323 = arith.constant 0.000000e+00 : f32
        %gt3A_1324 = vector.broadcast %gt3A_1323 : f32 to vector<16xf32>
        %gt3A_1325 = arith.cmpf ogt, %add3A_1322, %gt3A_1324 : vector<16xf32>
        %exp3A_1326 = math.exp %add3A_1322 : vector<16xf32>
        %sub3A_1327 = arith.constant 1.000000e+00 : f32
        %sub3A_1328 = vector.broadcast %sub3A_1327 : f32 to vector<16xf32>
        %sub3A_1329 = arith.subf %exp3A_1326, %sub3A_1328 : vector<16xf32>
        %select_n3A_1330 = arith.select %gt3A_1325, %add3A_1322, %sub3A_1329 : vector<16xi1>, vector<16xf32>
        %get3A_1331 = arith.constant 96 : index
        %get3A_1332 = tpu.vector_load %arg16[%get3A_1331] {strides = array<i32>} : memref<128xf32, #tpu.memory_space<vmem>>, vector<16xf32>,
        %mul3A_1333 = arith.mulf %select_n3A_1330, %get3A_1332 : vector<16xf32>
        %add3A_1334 = arith.addf %add3A_1309, %mul3A_1333 : vector<16xf32>
        %add3A_1335 = arith.constant 5 : i32
        %add3A_1336 = arith.addi %mul3A_149, %add3A_1335 : i32
        %get3A_1337 = arith.index_cast %rem3A_88 : i32 to index
        %get3A_1338 = arith.index_cast %add3A_1336 : i32 to index
        %get3A_1339 = arith.constant 112 : index
        %get3A_1340 = tpu.vector_load %arg12[%get3A_1337, %get3A_1338, %get3A_1339] {strides = array<i32>} : memref<2x128x128xf32, #tpu.memory_space<vmem>>, vector<16xf32>,
        %add3A_1341 = arith.constant 5 : i32
        %add3A_1342 = arith.addi %mul3A_149, %add3A_1341 : i32
        %get3A_1343 = arith.index_cast %rem3A_88 : i32 to index
        %get3A_1344 = arith.index_cast %add3A_1342 : i32 to index
        %get3A_1345 = arith.constant 112 : index
        %get3A_1346 = tpu.vector_load %arg13[%get3A_1343, %get3A_1344, %get3A_1345] {strides = array<i32>} : memref<2x128x128xf32, #tpu.memory_space<vmem>>, vector<16xf32>,
        %add3A_1347 = arith.addf %get3A_1340, %get3A_1346 : vector<16xf32>
        %gt3A_1348 = arith.constant 0.000000e+00 : f32
        %gt3A_1349 = vector.broadcast %gt3A_1348 : f32 to vector<16xf32>
        %gt3A_1350 = arith.cmpf ogt, %add3A_1347, %gt3A_1349 : vector<16xf32>
        %exp3A_1351 = math.exp %add3A_1347 : vector<16xf32>
        %sub3A_1352 = arith.constant 1.000000e+00 : f32
        %sub3A_1353 = vector.broadcast %sub3A_1352 : f32 to vector<16xf32>
        %sub3A_1354 = arith.subf %exp3A_1351, %sub3A_1353 : vector<16xf32>
        %select_n3A_1355 = arith.select %gt3A_1350, %add3A_1347, %sub3A_1354 : vector<16xi1>, vector<16xf32>
        %get3A_1356 = arith.constant 112 : index
        %get3A_1357 = tpu.vector_load %arg16[%get3A_1356] {strides = array<i32>} : memref<128xf32, #tpu.memory_space<vmem>>, vector<16xf32>,
        %mul3A_1358 = arith.mulf %select_n3A_1355, %get3A_1357 : vector<16xf32>
        %add3A_1359 = arith.addf %add3A_1334, %mul3A_1358 : vector<16xf32>
        %swap3A_1360 = arith.constant 5 : i32
        %swap3A_1361 = arith.index_cast %swap3A_1360 : i32 to index
        %swap3A_1362 = arith.constant 0 : index
        %swap3A_1363 = tpu.vector_load %arg18[%swap3A_1361, %swap3A_1362] {strides = array<i32>} : memref<16x16xf32, #tpu.memory_space<vmem>>, vector<16xf32>,
        tpu.vector_store %arg18[%swap3A_1361, %swap3A_1362], %add3A_1359 {strides = array<i32>} : memref<16x16xf32, #tpu.memory_space<vmem>>, vector<16xf32>,
        %add3A_1364 = arith.constant 6 : i32
        %add3A_1365 = arith.addi %mul3A_149, %add3A_1364 : i32
        %get3A_1366 = arith.index_cast %rem3A_88 : i32 to index
        %get3A_1367 = arith.index_cast %add3A_1365 : i32 to index
        %get3A_1368 = arith.constant 0 : index
        %get3A_1369 = tpu.vector_load %arg12[%get3A_1366, %get3A_1367, %get3A_1368] {strides = array<i32>} : memref<2x128x128xf32, #tpu.memory_space<vmem>>, vector<16xf32>,
        %add3A_1370 = arith.constant 6 : i32
        %add3A_1371 = arith.addi %mul3A_149, %add3A_1370 : i32
        %get3A_1372 = arith.index_cast %rem3A_88 : i32 to index
        %get3A_1373 = arith.index_cast %add3A_1371 : i32 to index
        %get3A_1374 = arith.constant 0 : index
        %get3A_1375 = tpu.vector_load %arg13[%get3A_1372, %get3A_1373, %get3A_1374] {strides = array<i32>} : memref<2x128x128xf32, #tpu.memory_space<vmem>>, vector<16xf32>,
        %add3A_1376 = arith.addf %get3A_1369, %get3A_1375 : vector<16xf32>
        %gt3A_1377 = arith.constant 0.000000e+00 : f32
        %gt3A_1378 = vector.broadcast %gt3A_1377 : f32 to vector<16xf32>
        %gt3A_1379 = arith.cmpf ogt, %add3A_1376, %gt3A_1378 : vector<16xf32>
        %exp3A_1380 = math.exp %add3A_1376 : vector<16xf32>
        %sub3A_1381 = arith.constant 1.000000e+00 : f32
        %sub3A_1382 = vector.broadcast %sub3A_1381 : f32 to vector<16xf32>
        %sub3A_1383 = arith.subf %exp3A_1380, %sub3A_1382 : vector<16xf32>
        %select_n3A_1384 = arith.select %gt3A_1379, %add3A_1376, %sub3A_1383 : vector<16xi1>, vector<16xf32>
        %get3A_1385 = arith.constant 0 : index
        %get3A_1386 = tpu.vector_load %arg16[%get3A_1385] {strides = array<i32>} : memref<128xf32, #tpu.memory_space<vmem>>, vector<16xf32>,
        %mul3A_1387 = arith.mulf %select_n3A_1384, %get3A_1386 : vector<16xf32>
        %add3A_1388 = arith.constant 6 : i32
        %add3A_1389 = arith.addi %mul3A_149, %add3A_1388 : i32
        %get3A_1390 = arith.index_cast %rem3A_88 : i32 to index
        %get3A_1391 = arith.index_cast %add3A_1389 : i32 to index
        %get3A_1392 = arith.constant 16 : index
        %get3A_1393 = tpu.vector_load %arg12[%get3A_1390, %get3A_1391, %get3A_1392] {strides = array<i32>} : memref<2x128x128xf32, #tpu.memory_space<vmem>>, vector<16xf32>,
        %add3A_1394 = arith.constant 6 : i32
        %add3A_1395 = arith.addi %mul3A_149, %add3A_1394 : i32
        %get3A_1396 = arith.index_cast %rem3A_88 : i32 to index
        %get3A_1397 = arith.index_cast %add3A_1395 : i32 to index
        %get3A_1398 = arith.constant 16 : index
        %get3A_1399 = tpu.vector_load %arg13[%get3A_1396, %get3A_1397, %get3A_1398] {strides = array<i32>} : memref<2x128x128xf32, #tpu.memory_space<vmem>>, vector<16xf32>,
        %add3A_1400 = arith.addf %get3A_1393, %get3A_1399 : vector<16xf32>
        %gt3A_1401 = arith.constant 0.000000e+00 : f32
        %gt3A_1402 = vector.broadcast %gt3A_1401 : f32 to vector<16xf32>
        %gt3A_1403 = arith.cmpf ogt, %add3A_1400, %gt3A_1402 : vector<16xf32>
        %exp3A_1404 = math.exp %add3A_1400 : vector<16xf32>
        %sub3A_1405 = arith.constant 1.000000e+00 : f32
        %sub3A_1406 = vector.broadcast %sub3A_1405 : f32 to vector<16xf32>
        %sub3A_1407 = arith.subf %exp3A_1404, %sub3A_1406 : vector<16xf32>
        %select_n3A_1408 = arith.select %gt3A_1403, %add3A_1400, %sub3A_1407 : vector<16xi1>, vector<16xf32>
        %get3A_1409 = arith.constant 16 : index
        %get3A_1410 = tpu.vector_load %arg16[%get3A_1409] {strides = array<i32>} : memref<128xf32, #tpu.memory_space<vmem>>, vector<16xf32>,
        %mul3A_1411 = arith.mulf %select_n3A_1408, %get3A_1410 : vector<16xf32>
        %add3A_1412 = arith.addf %mul3A_1387, %mul3A_1411 : vector<16xf32>
        %add3A_1413 = arith.constant 6 : i32
        %add3A_1414 = arith.addi %mul3A_149, %add3A_1413 : i32
        %get3A_1415 = arith.index_cast %rem3A_88 : i32 to index
        %get3A_1416 = arith.index_cast %add3A_1414 : i32 to index
        %get3A_1417 = arith.constant 32 : index
        %get3A_1418 = tpu.vector_load %arg12[%get3A_1415, %get3A_1416, %get3A_1417] {strides = array<i32>} : memref<2x128x128xf32, #tpu.memory_space<vmem>>, vector<16xf32>,
        %add3A_1419 = arith.constant 6 : i32
        %add3A_1420 = arith.addi %mul3A_149, %add3A_1419 : i32
        %get3A_1421 = arith.index_cast %rem3A_88 : i32 to index
        %get3A_1422 = arith.index_cast %add3A_1420 : i32 to index
        %get3A_1423 = arith.constant 32 : index
        %get3A_1424 = tpu.vector_load %arg13[%get3A_1421, %get3A_1422, %get3A_1423] {strides = array<i32>} : memref<2x128x128xf32, #tpu.memory_space<vmem>>, vector<16xf32>,
        %add3A_1425 = arith.addf %get3A_1418, %get3A_1424 : vector<16xf32>
        %gt3A_1426 = arith.constant 0.000000e+00 : f32
        %gt3A_1427 = vector.broadcast %gt3A_1426 : f32 to vector<16xf32>
        %gt3A_1428 = arith.cmpf ogt, %add3A_1425, %gt3A_1427 : vector<16xf32>
        %exp3A_1429 = math.exp %add3A_1425 : vector<16xf32>
        %sub3A_1430 = arith.constant 1.000000e+00 : f32
        %sub3A_1431 = vector.broadcast %sub3A_1430 : f32 to vector<16xf32>
        %sub3A_1432 = arith.subf %exp3A_1429, %sub3A_1431 : vector<16xf32>
        %select_n3A_1433 = arith.select %gt3A_1428, %add3A_1425, %sub3A_1432 : vector<16xi1>, vector<16xf32>
        %get3A_1434 = arith.constant 32 : index
        %get3A_1435 = tpu.vector_load %arg16[%get3A_1434] {strides = array<i32>} : memref<128xf32, #tpu.memory_space<vmem>>, vector<16xf32>,
        %mul3A_1436 = arith.mulf %select_n3A_1433, %get3A_1435 : vector<16xf32>
        %add3A_1437 = arith.addf %add3A_1412, %mul3A_1436 : vector<16xf32>
        %add3A_1438 = arith.constant 6 : i32
        %add3A_1439 = arith.addi %mul3A_149, %add3A_1438 : i32
        %get3A_1440 = arith.index_cast %rem3A_88 : i32 to index
        %get3A_1441 = arith.index_cast %add3A_1439 : i32 to index
        %get3A_1442 = arith.constant 48 : index
        %get3A_1443 = tpu.vector_load %arg12[%get3A_1440, %get3A_1441, %get3A_1442] {strides = array<i32>} : memref<2x128x128xf32, #tpu.memory_space<vmem>>, vector<16xf32>,
        %add3A_1444 = arith.constant 6 : i32
        %add3A_1445 = arith.addi %mul3A_149, %add3A_1444 : i32
        %get3A_1446 = arith.index_cast %rem3A_88 : i32 to index
        %get3A_1447 = arith.index_cast %add3A_1445 : i32 to index
        %get3A_1448 = arith.constant 48 : index
        %get3A_1449 = tpu.vector_load %arg13[%get3A_1446, %get3A_1447, %get3A_1448] {strides = array<i32>} : memref<2x128x128xf32, #tpu.memory_space<vmem>>, vector<16xf32>,
        %add3A_1450 = arith.addf %get3A_1443, %get3A_1449 : vector<16xf32>
        %gt3A_1451 = arith.constant 0.000000e+00 : f32
        %gt3A_1452 = vector.broadcast %gt3A_1451 : f32 to vector<16xf32>
        %gt3A_1453 = arith.cmpf ogt, %add3A_1450, %gt3A_1452 : vector<16xf32>
        %exp3A_1454 = math.exp %add3A_1450 : vector<16xf32>
        %sub3A_1455 = arith.constant 1.000000e+00 : f32
        %sub3A_1456 = vector.broadcast %sub3A_1455 : f32 to vector<16xf32>
        %sub3A_1457 = arith.subf %exp3A_1454, %sub3A_1456 : vector<16xf32>
        %select_n3A_1458 = arith.select %gt3A_1453, %add3A_1450, %sub3A_1457 : vector<16xi1>, vector<16xf32>
        %get3A_1459 = arith.constant 48 : index
        %get3A_1460 = tpu.vector_load %arg16[%get3A_1459] {strides = array<i32>} : memref<128xf32, #tpu.memory_space<vmem>>, vector<16xf32>,
        %mul3A_1461 = arith.mulf %select_n3A_1458, %get3A_1460 : vector<16xf32>
        %add3A_1462 = arith.addf %add3A_1437, %mul3A_1461 : vector<16xf32>
        %add3A_1463 = arith.constant 6 : i32
        %add3A_1464 = arith.addi %mul3A_149, %add3A_1463 : i32
        %get3A_1465 = arith.index_cast %rem3A_88 : i32 to index
        %get3A_1466 = arith.index_cast %add3A_1464 : i32 to index
        %get3A_1467 = arith.constant 64 : index
        %get3A_1468 = tpu.vector_load %arg12[%get3A_1465, %get3A_1466, %get3A_1467] {strides = array<i32>} : memref<2x128x128xf32, #tpu.memory_space<vmem>>, vector<16xf32>,
        %add3A_1469 = arith.constant 6 : i32
        %add3A_1470 = arith.addi %mul3A_149, %add3A_1469 : i32
        %get3A_1471 = arith.index_cast %rem3A_88 : i32 to index
        %get3A_1472 = arith.index_cast %add3A_1470 : i32 to index
        %get3A_1473 = arith.constant 64 : index
        %get3A_1474 = tpu.vector_load %arg13[%get3A_1471, %get3A_1472, %get3A_1473] {strides = array<i32>} : memref<2x128x128xf32, #tpu.memory_space<vmem>>, vector<16xf32>,
        %add3A_1475 = arith.addf %get3A_1468, %get3A_1474 : vector<16xf32>
        %gt3A_1476 = arith.constant 0.000000e+00 : f32
        %gt3A_1477 = vector.broadcast %gt3A_1476 : f32 to vector<16xf32>
        %gt3A_1478 = arith.cmpf ogt, %add3A_1475, %gt3A_1477 : vector<16xf32>
        %exp3A_1479 = math.exp %add3A_1475 : vector<16xf32>
        %sub3A_1480 = arith.constant 1.000000e+00 : f32
        %sub3A_1481 = vector.broadcast %sub3A_1480 : f32 to vector<16xf32>
        %sub3A_1482 = arith.subf %exp3A_1479, %sub3A_1481 : vector<16xf32>
        %select_n3A_1483 = arith.select %gt3A_1478, %add3A_1475, %sub3A_1482 : vector<16xi1>, vector<16xf32>
        %get3A_1484 = arith.constant 64 : index
        %get3A_1485 = tpu.vector_load %arg16[%get3A_1484] {strides = array<i32>} : memref<128xf32, #tpu.memory_space<vmem>>, vector<16xf32>,
        %mul3A_1486 = arith.mulf %select_n3A_1483, %get3A_1485 : vector<16xf32>
        %add3A_1487 = arith.addf %add3A_1462, %mul3A_1486 : vector<16xf32>
        %add3A_1488 = arith.constant 6 : i32
        %add3A_1489 = arith.addi %mul3A_149, %add3A_1488 : i32
        %get3A_1490 = arith.index_cast %rem3A_88 : i32 to index
        %get3A_1491 = arith.index_cast %add3A_1489 : i32 to index
        %get3A_1492 = arith.constant 80 : index
        %get3A_1493 = tpu.vector_load %arg12[%get3A_1490, %get3A_1491, %get3A_1492] {strides = array<i32>} : memref<2x128x128xf32, #tpu.memory_space<vmem>>, vector<16xf32>,
        %add3A_1494 = arith.constant 6 : i32
        %add3A_1495 = arith.addi %mul3A_149, %add3A_1494 : i32
        %get3A_1496 = arith.index_cast %rem3A_88 : i32 to index
        %get3A_1497 = arith.index_cast %add3A_1495 : i32 to index
        %get3A_1498 = arith.constant 80 : index
        %get3A_1499 = tpu.vector_load %arg13[%get3A_1496, %get3A_1497, %get3A_1498] {strides = array<i32>} : memref<2x128x128xf32, #tpu.memory_space<vmem>>, vector<16xf32>,
        %add3A_1500 = arith.addf %get3A_1493, %get3A_1499 : vector<16xf32>
        %gt3A_1501 = arith.constant 0.000000e+00 : f32
        %gt3A_1502 = vector.broadcast %gt3A_1501 : f32 to vector<16xf32>
        %gt3A_1503 = arith.cmpf ogt, %add3A_1500, %gt3A_1502 : vector<16xf32>
        %exp3A_1504 = math.exp %add3A_1500 : vector<16xf32>
        %sub3A_1505 = arith.constant 1.000000e+00 : f32
        %sub3A_1506 = vector.broadcast %sub3A_1505 : f32 to vector<16xf32>
        %sub3A_1507 = arith.subf %exp3A_1504, %sub3A_1506 : vector<16xf32>
        %select_n3A_1508 = arith.select %gt3A_1503, %add3A_1500, %sub3A_1507 : vector<16xi1>, vector<16xf32>
        %get3A_1509 = arith.constant 80 : index
        %get3A_1510 = tpu.vector_load %arg16[%get3A_1509] {strides = array<i32>} : memref<128xf32, #tpu.memory_space<vmem>>, vector<16xf32>,
        %mul3A_1511 = arith.mulf %select_n3A_1508, %get3A_1510 : vector<16xf32>
        %add3A_1512 = arith.addf %add3A_1487, %mul3A_1511 : vector<16xf32>
        %add3A_1513 = arith.constant 6 : i32
        %add3A_1514 = arith.addi %mul3A_149, %add3A_1513 : i32
        %get3A_1515 = arith.index_cast %rem3A_88 : i32 to index
        %get3A_1516 = arith.index_cast %add3A_1514 : i32 to index
        %get3A_1517 = arith.constant 96 : index
        %get3A_1518 = tpu.vector_load %arg12[%get3A_1515, %get3A_1516, %get3A_1517] {strides = array<i32>} : memref<2x128x128xf32, #tpu.memory_space<vmem>>, vector<16xf32>,
        %add3A_1519 = arith.constant 6 : i32
        %add3A_1520 = arith.addi %mul3A_149, %add3A_1519 : i32
        %get3A_1521 = arith.index_cast %rem3A_88 : i32 to index
        %get3A_1522 = arith.index_cast %add3A_1520 : i32 to index
        %get3A_1523 = arith.constant 96 : index
        %get3A_1524 = tpu.vector_load %arg13[%get3A_1521, %get3A_1522, %get3A_1523] {strides = array<i32>} : memref<2x128x128xf32, #tpu.memory_space<vmem>>, vector<16xf32>,
        %add3A_1525 = arith.addf %get3A_1518, %get3A_1524 : vector<16xf32>
        %gt3A_1526 = arith.constant 0.000000e+00 : f32
        %gt3A_1527 = vector.broadcast %gt3A_1526 : f32 to vector<16xf32>
        %gt3A_1528 = arith.cmpf ogt, %add3A_1525, %gt3A_1527 : vector<16xf32>
        %exp3A_1529 = math.exp %add3A_1525 : vector<16xf32>
        %sub3A_1530 = arith.constant 1.000000e+00 : f32
        %sub3A_1531 = vector.broadcast %sub3A_1530 : f32 to vector<16xf32>
        %sub3A_1532 = arith.subf %exp3A_1529, %sub3A_1531 : vector<16xf32>
        %select_n3A_1533 = arith.select %gt3A_1528, %add3A_1525, %sub3A_1532 : vector<16xi1>, vector<16xf32>
        %get3A_1534 = arith.constant 96 : index
        %get3A_1535 = tpu.vector_load %arg16[%get3A_1534] {strides = array<i32>} : memref<128xf32, #tpu.memory_space<vmem>>, vector<16xf32>,
        %mul3A_1536 = arith.mulf %select_n3A_1533, %get3A_1535 : vector<16xf32>
        %add3A_1537 = arith.addf %add3A_1512, %mul3A_1536 : vector<16xf32>
        %add3A_1538 = arith.constant 6 : i32
        %add3A_1539 = arith.addi %mul3A_149, %add3A_1538 : i32
        %get3A_1540 = arith.index_cast %rem3A_88 : i32 to index
        %get3A_1541 = arith.index_cast %add3A_1539 : i32 to index
        %get3A_1542 = arith.constant 112 : index
        %get3A_1543 = tpu.vector_load %arg12[%get3A_1540, %get3A_1541, %get3A_1542] {strides = array<i32>} : memref<2x128x128xf32, #tpu.memory_space<vmem>>, vector<16xf32>,
        %add3A_1544 = arith.constant 6 : i32
        %add3A_1545 = arith.addi %mul3A_149, %add3A_1544 : i32
        %get3A_1546 = arith.index_cast %rem3A_88 : i32 to index
        %get3A_1547 = arith.index_cast %add3A_1545 : i32 to index
        %get3A_1548 = arith.constant 112 : index
        %get3A_1549 = tpu.vector_load %arg13[%get3A_1546, %get3A_1547, %get3A_1548] {strides = array<i32>} : memref<2x128x128xf32, #tpu.memory_space<vmem>>, vector<16xf32>,
        %add3A_1550 = arith.addf %get3A_1543, %get3A_1549 : vector<16xf32>
        %gt3A_1551 = arith.constant 0.000000e+00 : f32
        %gt3A_1552 = vector.broadcast %gt3A_1551 : f32 to vector<16xf32>
        %gt3A_1553 = arith.cmpf ogt, %add3A_1550, %gt3A_1552 : vector<16xf32>
        %exp3A_1554 = math.exp %add3A_1550 : vector<16xf32>
        %sub3A_1555 = arith.constant 1.000000e+00 : f32
        %sub3A_1556 = vector.broadcast %sub3A_1555 : f32 to vector<16xf32>
        %sub3A_1557 = arith.subf %exp3A_1554, %sub3A_1556 : vector<16xf32>
        %select_n3A_1558 = arith.select %gt3A_1553, %add3A_1550, %sub3A_1557 : vector<16xi1>, vector<16xf32>
        %get3A_1559 = arith.constant 112 : index
        %get3A_1560 = tpu.vector_load %arg16[%get3A_1559] {strides = array<i32>} : memref<128xf32, #tpu.memory_space<vmem>>, vector<16xf32>,
        %mul3A_1561 = arith.mulf %select_n3A_1558, %get3A_1560 : vector<16xf32>
        %add3A_1562 = arith.addf %add3A_1537, %mul3A_1561 : vector<16xf32>
        %swap3A_1563 = arith.constant 6 : i32
        %swap3A_1564 = arith.index_cast %swap3A_1563 : i32 to index
        %swap3A_1565 = arith.constant 0 : index
        %swap3A_1566 = tpu.vector_load %arg18[%swap3A_1564, %swap3A_1565] {strides = array<i32>} : memref<16x16xf32, #tpu.memory_space<vmem>>, vector<16xf32>,
        tpu.vector_store %arg18[%swap3A_1564, %swap3A_1565], %add3A_1562 {strides = array<i32>} : memref<16x16xf32, #tpu.memory_space<vmem>>, vector<16xf32>,
        %add3A_1567 = arith.constant 7 : i32
        %add3A_1568 = arith.addi %mul3A_149, %add3A_1567 : i32
        %get3A_1569 = arith.index_cast %rem3A_88 : i32 to index
        %get3A_1570 = arith.index_cast %add3A_1568 : i32 to index
        %get3A_1571 = arith.constant 0 : index
        %get3A_1572 = tpu.vector_load %arg12[%get3A_1569, %get3A_1570, %get3A_1571] {strides = array<i32>} : memref<2x128x128xf32, #tpu.memory_space<vmem>>, vector<16xf32>,
        %add3A_1573 = arith.constant 7 : i32
        %add3A_1574 = arith.addi %mul3A_149, %add3A_1573 : i32
        %get3A_1575 = arith.index_cast %rem3A_88 : i32 to index
        %get3A_1576 = arith.index_cast %add3A_1574 : i32 to index
        %get3A_1577 = arith.constant 0 : index
        %get3A_1578 = tpu.vector_load %arg13[%get3A_1575, %get3A_1576, %get3A_1577] {strides = array<i32>} : memref<2x128x128xf32, #tpu.memory_space<vmem>>, vector<16xf32>,
        %add3A_1579 = arith.addf %get3A_1572, %get3A_1578 : vector<16xf32>
        %gt3A_1580 = arith.constant 0.000000e+00 : f32
        %gt3A_1581 = vector.broadcast %gt3A_1580 : f32 to vector<16xf32>
        %gt3A_1582 = arith.cmpf ogt, %add3A_1579, %gt3A_1581 : vector<16xf32>
        %exp3A_1583 = math.exp %add3A_1579 : vector<16xf32>
        %sub3A_1584 = arith.constant 1.000000e+00 : f32
        %sub3A_1585 = vector.broadcast %sub3A_1584 : f32 to vector<16xf32>
        %sub3A_1586 = arith.subf %exp3A_1583, %sub3A_1585 : vector<16xf32>
        %select_n3A_1587 = arith.select %gt3A_1582, %add3A_1579, %sub3A_1586 : vector<16xi1>, vector<16xf32>
        %get3A_1588 = arith.constant 0 : index
        %get3A_1589 = tpu.vector_load %arg16[%get3A_1588] {strides = array<i32>} : memref<128xf32, #tpu.memory_space<vmem>>, vector<16xf32>,
        %mul3A_1590 = arith.mulf %select_n3A_1587, %get3A_1589 : vector<16xf32>
        %add3A_1591 = arith.constant 7 : i32
        %add3A_1592 = arith.addi %mul3A_149, %add3A_1591 : i32
        %get3A_1593 = arith.index_cast %rem3A_88 : i32 to index
        %get3A_1594 = arith.index_cast %add3A_1592 : i32 to index
        %get3A_1595 = arith.constant 16 : index
        %get3A_1596 = tpu.vector_load %arg12[%get3A_1593, %get3A_1594, %get3A_1595] {strides = array<i32>} : memref<2x128x128xf32, #tpu.memory_space<vmem>>, vector<16xf32>,
        %add3A_1597 = arith.constant 7 : i32
        %add3A_1598 = arith.addi %mul3A_149, %add3A_1597 : i32
        %get3A_1599 = arith.index_cast %rem3A_88 : i32 to index
        %get3A_1600 = arith.index_cast %add3A_1598 : i32 to index
        %get3A_1601 = arith.constant 16 : index
        %get3A_1602 = tpu.vector_load %arg13[%get3A_1599, %get3A_1600, %get3A_1601] {strides = array<i32>} : memref<2x128x128xf32, #tpu.memory_space<vmem>>, vector<16xf32>,
        %add3A_1603 = arith.addf %get3A_1596, %get3A_1602 : vector<16xf32>
        %gt3A_1604 = arith.constant 0.000000e+00 : f32
        %gt3A_1605 = vector.broadcast %gt3A_1604 : f32 to vector<16xf32>
        %gt3A_1606 = arith.cmpf ogt, %add3A_1603, %gt3A_1605 : vector<16xf32>
        %exp3A_1607 = math.exp %add3A_1603 : vector<16xf32>
        %sub3A_1608 = arith.constant 1.000000e+00 : f32
        %sub3A_1609 = vector.broadcast %sub3A_1608 : f32 to vector<16xf32>
        %sub3A_1610 = arith.subf %exp3A_1607, %sub3A_1609 : vector<16xf32>
        %select_n3A_1611 = arith.select %gt3A_1606, %add3A_1603, %sub3A_1610 : vector<16xi1>, vector<16xf32>
        %get3A_1612 = arith.constant 16 : index
        %get3A_1613 = tpu.vector_load %arg16[%get3A_1612] {strides = array<i32>} : memref<128xf32, #tpu.memory_space<vmem>>, vector<16xf32>,
        %mul3A_1614 = arith.mulf %select_n3A_1611, %get3A_1613 : vector<16xf32>
        %add3A_1615 = arith.addf %mul3A_1590, %mul3A_1614 : vector<16xf32>
        %add3A_1616 = arith.constant 7 : i32
        %add3A_1617 = arith.addi %mul3A_149, %add3A_1616 : i32
        %get3A_1618 = arith.index_cast %rem3A_88 : i32 to index
        %get3A_1619 = arith.index_cast %add3A_1617 : i32 to index
        %get3A_1620 = arith.constant 32 : index
        %get3A_1621 = tpu.vector_load %arg12[%get3A_1618, %get3A_1619, %get3A_1620] {strides = array<i32>} : memref<2x128x128xf32, #tpu.memory_space<vmem>>, vector<16xf32>,
        %add3A_1622 = arith.constant 7 : i32
        %add3A_1623 = arith.addi %mul3A_149, %add3A_1622 : i32
        %get3A_1624 = arith.index_cast %rem3A_88 : i32 to index
        %get3A_1625 = arith.index_cast %add3A_1623 : i32 to index
        %get3A_1626 = arith.constant 32 : index
        %get3A_1627 = tpu.vector_load %arg13[%get3A_1624, %get3A_1625, %get3A_1626] {strides = array<i32>} : memref<2x128x128xf32, #tpu.memory_space<vmem>>, vector<16xf32>,
        %add3A_1628 = arith.addf %get3A_1621, %get3A_1627 : vector<16xf32>
        %gt3A_1629 = arith.constant 0.000000e+00 : f32
        %gt3A_1630 = vector.broadcast %gt3A_1629 : f32 to vector<16xf32>
        %gt3A_1631 = arith.cmpf ogt, %add3A_1628, %gt3A_1630 : vector<16xf32>
        %exp3A_1632 = math.exp %add3A_1628 : vector<16xf32>
        %sub3A_1633 = arith.constant 1.000000e+00 : f32
        %sub3A_1634 = vector.broadcast %sub3A_1633 : f32 to vector<16xf32>
        %sub3A_1635 = arith.subf %exp3A_1632, %sub3A_1634 : vector<16xf32>
        %select_n3A_1636 = arith.select %gt3A_1631, %add3A_1628, %sub3A_1635 : vector<16xi1>, vector<16xf32>
        %get3A_1637 = arith.constant 32 : index
        %get3A_1638 = tpu.vector_load %arg16[%get3A_1637] {strides = array<i32>} : memref<128xf32, #tpu.memory_space<vmem>>, vector<16xf32>,
        %mul3A_1639 = arith.mulf %select_n3A_1636, %get3A_1638 : vector<16xf32>
        %add3A_1640 = arith.addf %add3A_1615, %mul3A_1639 : vector<16xf32>
        %add3A_1641 = arith.constant 7 : i32
        %add3A_1642 = arith.addi %mul3A_149, %add3A_1641 : i32
        %get3A_1643 = arith.index_cast %rem3A_88 : i32 to index
        %get3A_1644 = arith.index_cast %add3A_1642 : i32 to index
        %get3A_1645 = arith.constant 48 : index
        %get3A_1646 = tpu.vector_load %arg12[%get3A_1643, %get3A_1644, %get3A_1645] {strides = array<i32>} : memref<2x128x128xf32, #tpu.memory_space<vmem>>, vector<16xf32>,
        %add3A_1647 = arith.constant 7 : i32
        %add3A_1648 = arith.addi %mul3A_149, %add3A_1647 : i32
        %get3A_1649 = arith.index_cast %rem3A_88 : i32 to index
        %get3A_1650 = arith.index_cast %add3A_1648 : i32 to index
        %get3A_1651 = arith.constant 48 : index
        %get3A_1652 = tpu.vector_load %arg13[%get3A_1649, %get3A_1650, %get3A_1651] {strides = array<i32>} : memref<2x128x128xf32, #tpu.memory_space<vmem>>, vector<16xf32>,
        %add3A_1653 = arith.addf %get3A_1646, %get3A_1652 : vector<16xf32>
        %gt3A_1654 = arith.constant 0.000000e+00 : f32
        %gt3A_1655 = vector.broadcast %gt3A_1654 : f32 to vector<16xf32>
        %gt3A_1656 = arith.cmpf ogt, %add3A_1653, %gt3A_1655 : vector<16xf32>
        %exp3A_1657 = math.exp %add3A_1653 : vector<16xf32>
        %sub3A_1658 = arith.constant 1.000000e+00 : f32
        %sub3A_1659 = vector.broadcast %sub3A_1658 : f32 to vector<16xf32>
        %sub3A_1660 = arith.subf %exp3A_1657, %sub3A_1659 : vector<16xf32>
        %select_n3A_1661 = arith.select %gt3A_1656, %add3A_1653, %sub3A_1660 : vector<16xi1>, vector<16xf32>
        %get3A_1662 = arith.constant 48 : index
        %get3A_1663 = tpu.vector_load %arg16[%get3A_1662] {strides = array<i32>} : memref<128xf32, #tpu.memory_space<vmem>>, vector<16xf32>,
        %mul3A_1664 = arith.mulf %select_n3A_1661, %get3A_1663 : vector<16xf32>
        %add3A_1665 = arith.addf %add3A_1640, %mul3A_1664 : vector<16xf32>
        %add3A_1666 = arith.constant 7 : i32
        %add3A_1667 = arith.addi %mul3A_149, %add3A_1666 : i32
        %get3A_1668 = arith.index_cast %rem3A_88 : i32 to index
        %get3A_1669 = arith.index_cast %add3A_1667 : i32 to index
        %get3A_1670 = arith.constant 64 : index
        %get3A_1671 = tpu.vector_load %arg12[%get3A_1668, %get3A_1669, %get3A_1670] {strides = array<i32>} : memref<2x128x128xf32, #tpu.memory_space<vmem>>, vector<16xf32>,
        %add3A_1672 = arith.constant 7 : i32
        %add3A_1673 = arith.addi %mul3A_149, %add3A_1672 : i32
        %get3A_1674 = arith.index_cast %rem3A_88 : i32 to index
        %get3A_1675 = arith.index_cast %add3A_1673 : i32 to index
        %get3A_1676 = arith.constant 64 : index
        %get3A_1677 = tpu.vector_load %arg13[%get3A_1674, %get3A_1675, %get3A_1676] {strides = array<i32>} : memref<2x128x128xf32, #tpu.memory_space<vmem>>, vector<16xf32>,
        %add3A_1678 = arith.addf %get3A_1671, %get3A_1677 : vector<16xf32>
        %gt3A_1679 = arith.constant 0.000000e+00 : f32
        %gt3A_1680 = vector.broadcast %gt3A_1679 : f32 to vector<16xf32>
        %gt3A_1681 = arith.cmpf ogt, %add3A_1678, %gt3A_1680 : vector<16xf32>
        %exp3A_1682 = math.exp %add3A_1678 : vector<16xf32>
        %sub3A_1683 = arith.constant 1.000000e+00 : f32
        %sub3A_1684 = vector.broadcast %sub3A_1683 : f32 to vector<16xf32>
        %sub3A_1685 = arith.subf %exp3A_1682, %sub3A_1684 : vector<16xf32>
        %select_n3A_1686 = arith.select %gt3A_1681, %add3A_1678, %sub3A_1685 : vector<16xi1>, vector<16xf32>
        %get3A_1687 = arith.constant 64 : index
        %get3A_1688 = tpu.vector_load %arg16[%get3A_1687] {strides = array<i32>} : memref<128xf32, #tpu.memory_space<vmem>>, vector<16xf32>,
        %mul3A_1689 = arith.mulf %select_n3A_1686, %get3A_1688 : vector<16xf32>
        %add3A_1690 = arith.addf %add3A_1665, %mul3A_1689 : vector<16xf32>
        %add3A_1691 = arith.constant 7 : i32
        %add3A_1692 = arith.addi %mul3A_149, %add3A_1691 : i32
        %get3A_1693 = arith.index_cast %rem3A_88 : i32 to index
        %get3A_1694 = arith.index_cast %add3A_1692 : i32 to index
        %get3A_1695 = arith.constant 80 : index
        %get3A_1696 = tpu.vector_load %arg12[%get3A_1693, %get3A_1694, %get3A_1695] {strides = array<i32>} : memref<2x128x128xf32, #tpu.memory_space<vmem>>, vector<16xf32>,
        %add3A_1697 = arith.constant 7 : i32
        %add3A_1698 = arith.addi %mul3A_149, %add3A_1697 : i32
        %get3A_1699 = arith.index_cast %rem3A_88 : i32 to index
        %get3A_1700 = arith.index_cast %add3A_1698 : i32 to index
        %get3A_1701 = arith.constant 80 : index
        %get3A_1702 = tpu.vector_load %arg13[%get3A_1699, %get3A_1700, %get3A_1701] {strides = array<i32>} : memref<2x128x128xf32, #tpu.memory_space<vmem>>, vector<16xf32>,
        %add3A_1703 = arith.addf %get3A_1696, %get3A_1702 : vector<16xf32>
        %gt3A_1704 = arith.constant 0.000000e+00 : f32
        %gt3A_1705 = vector.broadcast %gt3A_1704 : f32 to vector<16xf32>
        %gt3A_1706 = arith.cmpf ogt, %add3A_1703, %gt3A_1705 : vector<16xf32>
        %exp3A_1707 = math.exp %add3A_1703 : vector<16xf32>
        %sub3A_1708 = arith.constant 1.000000e+00 : f32
        %sub3A_1709 = vector.broadcast %sub3A_1708 : f32 to vector<16xf32>
        %sub3A_1710 = arith.subf %exp3A_1707, %sub3A_1709 : vector<16xf32>
        %select_n3A_1711 = arith.select %gt3A_1706, %add3A_1703, %sub3A_1710 : vector<16xi1>, vector<16xf32>
        %get3A_1712 = arith.constant 80 : index
        %get3A_1713 = tpu.vector_load %arg16[%get3A_1712] {strides = array<i32>} : memref<128xf32, #tpu.memory_space<vmem>>, vector<16xf32>,
        %mul3A_1714 = arith.mulf %select_n3A_1711, %get3A_1713 : vector<16xf32>
        %add3A_1715 = arith.addf %add3A_1690, %mul3A_1714 : vector<16xf32>
        %add3A_1716 = arith.constant 7 : i32
        %add3A_1717 = arith.addi %mul3A_149, %add3A_1716 : i32
        %get3A_1718 = arith.index_cast %rem3A_88 : i32 to index
        %get3A_1719 = arith.index_cast %add3A_1717 : i32 to index
        %get3A_1720 = arith.constant 96 : index
        %get3A_1721 = tpu.vector_load %arg12[%get3A_1718, %get3A_1719, %get3A_1720] {strides = array<i32>} : memref<2x128x128xf32, #tpu.memory_space<vmem>>, vector<16xf32>,
        %add3A_1722 = arith.constant 7 : i32
        %add3A_1723 = arith.addi %mul3A_149, %add3A_1722 : i32
        %get3A_1724 = arith.index_cast %rem3A_88 : i32 to index
        %get3A_1725 = arith.index_cast %add3A_1723 : i32 to index
        %get3A_1726 = arith.constant 96 : index
        %get3A_1727 = tpu.vector_load %arg13[%get3A_1724, %get3A_1725, %get3A_1726] {strides = array<i32>} : memref<2x128x128xf32, #tpu.memory_space<vmem>>, vector<16xf32>,
        %add3A_1728 = arith.addf %get3A_1721, %get3A_1727 : vector<16xf32>
        %gt3A_1729 = arith.constant 0.000000e+00 : f32
        %gt3A_1730 = vector.broadcast %gt3A_1729 : f32 to vector<16xf32>
        %gt3A_1731 = arith.cmpf ogt, %add3A_1728, %gt3A_1730 : vector<16xf32>
        %exp3A_1732 = math.exp %add3A_1728 : vector<16xf32>
        %sub3A_1733 = arith.constant 1.000000e+00 : f32
        %sub3A_1734 = vector.broadcast %sub3A_1733 : f32 to vector<16xf32>
        %sub3A_1735 = arith.subf %exp3A_1732, %sub3A_1734 : vector<16xf32>
        %select_n3A_1736 = arith.select %gt3A_1731, %add3A_1728, %sub3A_1735 : vector<16xi1>, vector<16xf32>
        %get3A_1737 = arith.constant 96 : index
        %get3A_1738 = tpu.vector_load %arg16[%get3A_1737] {strides = array<i32>} : memref<128xf32, #tpu.memory_space<vmem>>, vector<16xf32>,
        %mul3A_1739 = arith.mulf %select_n3A_1736, %get3A_1738 : vector<16xf32>
        %add3A_1740 = arith.addf %add3A_1715, %mul3A_1739 : vector<16xf32>
        %add3A_1741 = arith.constant 7 : i32
        %add3A_1742 = arith.addi %mul3A_149, %add3A_1741 : i32
        %get3A_1743 = arith.index_cast %rem3A_88 : i32 to index
        %get3A_1744 = arith.index_cast %add3A_1742 : i32 to index
        %get3A_1745 = arith.constant 112 : index
        %get3A_1746 = tpu.vector_load %arg12[%get3A_1743, %get3A_1744, %get3A_1745] {strides = array<i32>} : memref<2x128x128xf32, #tpu.memory_space<vmem>>, vector<16xf32>,
        %add3A_1747 = arith.constant 7 : i32
        %add3A_1748 = arith.addi %mul3A_149, %add3A_1747 : i32
        %get3A_1749 = arith.index_cast %rem3A_88 : i32 to index
        %get3A_1750 = arith.index_cast %add3A_1748 : i32 to index
        %get3A_1751 = arith.constant 112 : index
        %get3A_1752 = tpu.vector_load %arg13[%get3A_1749, %get3A_1750, %get3A_1751] {strides = array<i32>} : memref<2x128x128xf32, #tpu.memory_space<vmem>>, vector<16xf32>,
        %add3A_1753 = arith.addf %get3A_1746, %get3A_1752 : vector<16xf32>
        %gt3A_1754 = arith.constant 0.000000e+00 : f32
        %gt3A_1755 = vector.broadcast %gt3A_1754 : f32 to vector<16xf32>
        %gt3A_1756 = arith.cmpf ogt, %add3A_1753, %gt3A_1755 : vector<16xf32>
        %exp3A_1757 = math.exp %add3A_1753 : vector<16xf32>
        %sub3A_1758 = arith.constant 1.000000e+00 : f32
        %sub3A_1759 = vector.broadcast %sub3A_1758 : f32 to vector<16xf32>
        %sub3A_1760 = arith.subf %exp3A_1757, %sub3A_1759 : vector<16xf32>
        %select_n3A_1761 = arith.select %gt3A_1756, %add3A_1753, %sub3A_1760 : vector<16xi1>, vector<16xf32>
        %get3A_1762 = arith.constant 112 : index
        %get3A_1763 = tpu.vector_load %arg16[%get3A_1762] {strides = array<i32>} : memref<128xf32, #tpu.memory_space<vmem>>, vector<16xf32>,
        %mul3A_1764 = arith.mulf %select_n3A_1761, %get3A_1763 : vector<16xf32>
        %add3A_1765 = arith.addf %add3A_1740, %mul3A_1764 : vector<16xf32>
        %swap3A_1766 = arith.constant 7 : i32
        %swap3A_1767 = arith.index_cast %swap3A_1766 : i32 to index
        %swap3A_1768 = arith.constant 0 : index
        %swap3A_1769 = tpu.vector_load %arg18[%swap3A_1767, %swap3A_1768] {strides = array<i32>} : memref<16x16xf32, #tpu.memory_space<vmem>>, vector<16xf32>,
        tpu.vector_store %arg18[%swap3A_1767, %swap3A_1768], %add3A_1765 {strides = array<i32>} : memref<16x16xf32, #tpu.memory_space<vmem>>, vector<16xf32>,
        %add3A_1770 = arith.constant 8 : i32
        %add3A_1771 = arith.addi %mul3A_149, %add3A_1770 : i32
        %get3A_1772 = arith.index_cast %rem3A_88 : i32 to index
        %get3A_1773 = arith.index_cast %add3A_1771 : i32 to index
        %get3A_1774 = arith.constant 0 : index
        %get3A_1775 = tpu.vector_load %arg12[%get3A_1772, %get3A_1773, %get3A_1774] {strides = array<i32>} : memref<2x128x128xf32, #tpu.memory_space<vmem>>, vector<16xf32>,
        %add3A_1776 = arith.constant 8 : i32
        %add3A_1777 = arith.addi %mul3A_149, %add3A_1776 : i32
        %get3A_1778 = arith.index_cast %rem3A_88 : i32 to index
        %get3A_1779 = arith.index_cast %add3A_1777 : i32 to index
        %get3A_1780 = arith.constant 0 : index
        %get3A_1781 = tpu.vector_load %arg13[%get3A_1778, %get3A_1779, %get3A_1780] {strides = array<i32>} : memref<2x128x128xf32, #tpu.memory_space<vmem>>, vector<16xf32>,
        %add3A_1782 = arith.addf %get3A_1775, %get3A_1781 : vector<16xf32>
        %gt3A_1783 = arith.constant 0.000000e+00 : f32
        %gt3A_1784 = vector.broadcast %gt3A_1783 : f32 to vector<16xf32>
        %gt3A_1785 = arith.cmpf ogt, %add3A_1782, %gt3A_1784 : vector<16xf32>
        %exp3A_1786 = math.exp %add3A_1782 : vector<16xf32>
        %sub3A_1787 = arith.constant 1.000000e+00 : f32
        %sub3A_1788 = vector.broadcast %sub3A_1787 : f32 to vector<16xf32>
        %sub3A_1789 = arith.subf %exp3A_1786, %sub3A_1788 : vector<16xf32>
        %select_n3A_1790 = arith.select %gt3A_1785, %add3A_1782, %sub3A_1789 : vector<16xi1>, vector<16xf32>
        %get3A_1791 = arith.constant 0 : index
        %get3A_1792 = tpu.vector_load %arg16[%get3A_1791] {strides = array<i32>} : memref<128xf32, #tpu.memory_space<vmem>>, vector<16xf32>,
        %mul3A_1793 = arith.mulf %select_n3A_1790, %get3A_1792 : vector<16xf32>
        %add3A_1794 = arith.constant 8 : i32
        %add3A_1795 = arith.addi %mul3A_149, %add3A_1794 : i32
        %get3A_1796 = arith.index_cast %rem3A_88 : i32 to index
        %get3A_1797 = arith.index_cast %add3A_1795 : i32 to index
        %get3A_1798 = arith.constant 16 : index
        %get3A_1799 = tpu.vector_load %arg12[%get3A_1796, %get3A_1797, %get3A_1798] {strides = array<i32>} : memref<2x128x128xf32, #tpu.memory_space<vmem>>, vector<16xf32>,
        %add3A_1800 = arith.constant 8 : i32
        %add3A_1801 = arith.addi %mul3A_149, %add3A_1800 : i32
        %get3A_1802 = arith.index_cast %rem3A_88 : i32 to index
        %get3A_1803 = arith.index_cast %add3A_1801 : i32 to index
        %get3A_1804 = arith.constant 16 : index
        %get3A_1805 = tpu.vector_load %arg13[%get3A_1802, %get3A_1803, %get3A_1804] {strides = array<i32>} : memref<2x128x128xf32, #tpu.memory_space<vmem>>, vector<16xf32>,
        %add3A_1806 = arith.addf %get3A_1799, %get3A_1805 : vector<16xf32>
        %gt3A_1807 = arith.constant 0.000000e+00 : f32
        %gt3A_1808 = vector.broadcast %gt3A_1807 : f32 to vector<16xf32>
        %gt3A_1809 = arith.cmpf ogt, %add3A_1806, %gt3A_1808 : vector<16xf32>
        %exp3A_1810 = math.exp %add3A_1806 : vector<16xf32>
        %sub3A_1811 = arith.constant 1.000000e+00 : f32
        %sub3A_1812 = vector.broadcast %sub3A_1811 : f32 to vector<16xf32>
        %sub3A_1813 = arith.subf %exp3A_1810, %sub3A_1812 : vector<16xf32>
        %select_n3A_1814 = arith.select %gt3A_1809, %add3A_1806, %sub3A_1813 : vector<16xi1>, vector<16xf32>
        %get3A_1815 = arith.constant 16 : index
        %get3A_1816 = tpu.vector_load %arg16[%get3A_1815] {strides = array<i32>} : memref<128xf32, #tpu.memory_space<vmem>>, vector<16xf32>,
        %mul3A_1817 = arith.mulf %select_n3A_1814, %get3A_1816 : vector<16xf32>
        %add3A_1818 = arith.addf %mul3A_1793, %mul3A_1817 : vector<16xf32>
        %add3A_1819 = arith.constant 8 : i32
        %add3A_1820 = arith.addi %mul3A_149, %add3A_1819 : i32
        %get3A_1821 = arith.index_cast %rem3A_88 : i32 to index
        %get3A_1822 = arith.index_cast %add3A_1820 : i32 to index
        %get3A_1823 = arith.constant 32 : index
        %get3A_1824 = tpu.vector_load %arg12[%get3A_1821, %get3A_1822, %get3A_1823] {strides = array<i32>} : memref<2x128x128xf32, #tpu.memory_space<vmem>>, vector<16xf32>,
        %add3A_1825 = arith.constant 8 : i32
        %add3A_1826 = arith.addi %mul3A_149, %add3A_1825 : i32
        %get3A_1827 = arith.index_cast %rem3A_88 : i32 to index
        %get3A_1828 = arith.index_cast %add3A_1826 : i32 to index
        %get3A_1829 = arith.constant 32 : index
        %get3A_1830 = tpu.vector_load %arg13[%get3A_1827, %get3A_1828, %get3A_1829] {strides = array<i32>} : memref<2x128x128xf32, #tpu.memory_space<vmem>>, vector<16xf32>,
        %add3A_1831 = arith.addf %get3A_1824, %get3A_1830 : vector<16xf32>
        %gt3A_1832 = arith.constant 0.000000e+00 : f32
        %gt3A_1833 = vector.broadcast %gt3A_1832 : f32 to vector<16xf32>
        %gt3A_1834 = arith.cmpf ogt, %add3A_1831, %gt3A_1833 : vector<16xf32>
        %exp3A_1835 = math.exp %add3A_1831 : vector<16xf32>
        %sub3A_1836 = arith.constant 1.000000e+00 : f32
        %sub3A_1837 = vector.broadcast %sub3A_1836 : f32 to vector<16xf32>
        %sub3A_1838 = arith.subf %exp3A_1835, %sub3A_1837 : vector<16xf32>
        %select_n3A_1839 = arith.select %gt3A_1834, %add3A_1831, %sub3A_1838 : vector<16xi1>, vector<16xf32>
        %get3A_1840 = arith.constant 32 : index
        %get3A_1841 = tpu.vector_load %arg16[%get3A_1840] {strides = array<i32>} : memref<128xf32, #tpu.memory_space<vmem>>, vector<16xf32>,
        %mul3A_1842 = arith.mulf %select_n3A_1839, %get3A_1841 : vector<16xf32>
        %add3A_1843 = arith.addf %add3A_1818, %mul3A_1842 : vector<16xf32>
        %add3A_1844 = arith.constant 8 : i32
        %add3A_1845 = arith.addi %mul3A_149, %add3A_1844 : i32
        %get3A_1846 = arith.index_cast %rem3A_88 : i32 to index
        %get3A_1847 = arith.index_cast %add3A_1845 : i32 to index
        %get3A_1848 = arith.constant 48 : index
        %get3A_1849 = tpu.vector_load %arg12[%get3A_1846, %get3A_1847, %get3A_1848] {strides = array<i32>} : memref<2x128x128xf32, #tpu.memory_space<vmem>>, vector<16xf32>,
        %add3A_1850 = arith.constant 8 : i32
        %add3A_1851 = arith.addi %mul3A_149, %add3A_1850 : i32
        %get3A_1852 = arith.index_cast %rem3A_88 : i32 to index
        %get3A_1853 = arith.index_cast %add3A_1851 : i32 to index
        %get3A_1854 = arith.constant 48 : index
        %get3A_1855 = tpu.vector_load %arg13[%get3A_1852, %get3A_1853, %get3A_1854] {strides = array<i32>} : memref<2x128x128xf32, #tpu.memory_space<vmem>>, vector<16xf32>,
        %add3A_1856 = arith.addf %get3A_1849, %get3A_1855 : vector<16xf32>
        %gt3A_1857 = arith.constant 0.000000e+00 : f32
        %gt3A_1858 = vector.broadcast %gt3A_1857 : f32 to vector<16xf32>
        %gt3A_1859 = arith.cmpf ogt, %add3A_1856, %gt3A_1858 : vector<16xf32>
        %exp3A_1860 = math.exp %add3A_1856 : vector<16xf32>
        %sub3A_1861 = arith.constant 1.000000e+00 : f32
        %sub3A_1862 = vector.broadcast %sub3A_1861 : f32 to vector<16xf32>
        %sub3A_1863 = arith.subf %exp3A_1860, %sub3A_1862 : vector<16xf32>
        %select_n3A_1864 = arith.select %gt3A_1859, %add3A_1856, %sub3A_1863 : vector<16xi1>, vector<16xf32>
        %get3A_1865 = arith.constant 48 : index
        %get3A_1866 = tpu.vector_load %arg16[%get3A_1865] {strides = array<i32>} : memref<128xf32, #tpu.memory_space<vmem>>, vector<16xf32>,
        %mul3A_1867 = arith.mulf %select_n3A_1864, %get3A_1866 : vector<16xf32>
        %add3A_1868 = arith.addf %add3A_1843, %mul3A_1867 : vector<16xf32>
        %add3A_1869 = arith.constant 8 : i32
        %add3A_1870 = arith.addi %mul3A_149, %add3A_1869 : i32
        %get3A_1871 = arith.index_cast %rem3A_88 : i32 to index
        %get3A_1872 = arith.index_cast %add3A_1870 : i32 to index
        %get3A_1873 = arith.constant 64 : index
        %get3A_1874 = tpu.vector_load %arg12[%get3A_1871, %get3A_1872, %get3A_1873] {strides = array<i32>} : memref<2x128x128xf32, #tpu.memory_space<vmem>>, vector<16xf32>,
        %add3A_1875 = arith.constant 8 : i32
        %add3A_1876 = arith.addi %mul3A_149, %add3A_1875 : i32
        %get3A_1877 = arith.index_cast %rem3A_88 : i32 to index
        %get3A_1878 = arith.index_cast %add3A_1876 : i32 to index
        %get3A_1879 = arith.constant 64 : index
        %get3A_1880 = tpu.vector_load %arg13[%get3A_1877, %get3A_1878, %get3A_1879] {strides = array<i32>} : memref<2x128x128xf32, #tpu.memory_space<vmem>>, vector<16xf32>,
        %add3A_1881 = arith.addf %get3A_1874, %get3A_1880 : vector<16xf32>
        %gt3A_1882 = arith.constant 0.000000e+00 : f32
        %gt3A_1883 = vector.broadcast %gt3A_1882 : f32 to vector<16xf32>
        %gt3A_1884 = arith.cmpf ogt, %add3A_1881, %gt3A_1883 : vector<16xf32>
        %exp3A_1885 = math.exp %add3A_1881 : vector<16xf32>
        %sub3A_1886 = arith.constant 1.000000e+00 : f32
        %sub3A_1887 = vector.broadcast %sub3A_1886 : f32 to vector<16xf32>
        %sub3A_1888 = arith.subf %exp3A_1885, %sub3A_1887 : vector<16xf32>
        %select_n3A_1889 = arith.select %gt3A_1884, %add3A_1881, %sub3A_1888 : vector<16xi1>, vector<16xf32>
        %get3A_1890 = arith.constant 64 : index
        %get3A_1891 = tpu.vector_load %arg16[%get3A_1890] {strides = array<i32>} : memref<128xf32, #tpu.memory_space<vmem>>, vector<16xf32>,
        %mul3A_1892 = arith.mulf %select_n3A_1889, %get3A_1891 : vector<16xf32>
        %add3A_1893 = arith.addf %add3A_1868, %mul3A_1892 : vector<16xf32>
        %add3A_1894 = arith.constant 8 : i32
        %add3A_1895 = arith.addi %mul3A_149, %add3A_1894 : i32
        %get3A_1896 = arith.index_cast %rem3A_88 : i32 to index
        %get3A_1897 = arith.index_cast %add3A_1895 : i32 to index
        %get3A_1898 = arith.constant 80 : index
        %get3A_1899 = tpu.vector_load %arg12[%get3A_1896, %get3A_1897, %get3A_1898] {strides = array<i32>} : memref<2x128x128xf32, #tpu.memory_space<vmem>>, vector<16xf32>,
        %add3A_1900 = arith.constant 8 : i32
        %add3A_1901 = arith.addi %mul3A_149, %add3A_1900 : i32
        %get3A_1902 = arith.index_cast %rem3A_88 : i32 to index
        %get3A_1903 = arith.index_cast %add3A_1901 : i32 to index
        %get3A_1904 = arith.constant 80 : index
        %get3A_1905 = tpu.vector_load %arg13[%get3A_1902, %get3A_1903, %get3A_1904] {strides = array<i32>} : memref<2x128x128xf32, #tpu.memory_space<vmem>>, vector<16xf32>,
        %add3A_1906 = arith.addf %get3A_1899, %get3A_1905 : vector<16xf32>
        %gt3A_1907 = arith.constant 0.000000e+00 : f32
        %gt3A_1908 = vector.broadcast %gt3A_1907 : f32 to vector<16xf32>
        %gt3A_1909 = arith.cmpf ogt, %add3A_1906, %gt3A_1908 : vector<16xf32>
        %exp3A_1910 = math.exp %add3A_1906 : vector<16xf32>
        %sub3A_1911 = arith.constant 1.000000e+00 : f32
        %sub3A_1912 = vector.broadcast %sub3A_1911 : f32 to vector<16xf32>
        %sub3A_1913 = arith.subf %exp3A_1910, %sub3A_1912 : vector<16xf32>
        %select_n3A_1914 = arith.select %gt3A_1909, %add3A_1906, %sub3A_1913 : vector<16xi1>, vector<16xf32>
        %get3A_1915 = arith.constant 80 : index
        %get3A_1916 = tpu.vector_load %arg16[%get3A_1915] {strides = array<i32>} : memref<128xf32, #tpu.memory_space<vmem>>, vector<16xf32>,
        %mul3A_1917 = arith.mulf %select_n3A_1914, %get3A_1916 : vector<16xf32>
        %add3A_1918 = arith.addf %add3A_1893, %mul3A_1917 : vector<16xf32>
        %add3A_1919 = arith.constant 8 : i32
        %add3A_1920 = arith.addi %mul3A_149, %add3A_1919 : i32
        %get3A_1921 = arith.index_cast %rem3A_88 : i32 to index
        %get3A_1922 = arith.index_cast %add3A_1920 : i32 to index
        %get3A_1923 = arith.constant 96 : index
        %get3A_1924 = tpu.vector_load %arg12[%get3A_1921, %get3A_1922, %get3A_1923] {strides = array<i32>} : memref<2x128x128xf32, #tpu.memory_space<vmem>>, vector<16xf32>,
        %add3A_1925 = arith.constant 8 : i32
        %add3A_1926 = arith.addi %mul3A_149, %add3A_1925 : i32
        %get3A_1927 = arith.index_cast %rem3A_88 : i32 to index
        %get3A_1928 = arith.index_cast %add3A_1926 : i32 to index
        %get3A_1929 = arith.constant 96 : index
        %get3A_1930 = tpu.vector_load %arg13[%get3A_1927, %get3A_1928, %get3A_1929] {strides = array<i32>} : memref<2x128x128xf32, #tpu.memory_space<vmem>>, vector<16xf32>,
        %add3A_1931 = arith.addf %get3A_1924, %get3A_1930 : vector<16xf32>
        %gt3A_1932 = arith.constant 0.000000e+00 : f32
        %gt3A_1933 = vector.broadcast %gt3A_1932 : f32 to vector<16xf32>
        %gt3A_1934 = arith.cmpf ogt, %add3A_1931, %gt3A_1933 : vector<16xf32>
        %exp3A_1935 = math.exp %add3A_1931 : vector<16xf32>
        %sub3A_1936 = arith.constant 1.000000e+00 : f32
        %sub3A_1937 = vector.broadcast %sub3A_1936 : f32 to vector<16xf32>
        %sub3A_1938 = arith.subf %exp3A_1935, %sub3A_1937 : vector<16xf32>
        %select_n3A_1939 = arith.select %gt3A_1934, %add3A_1931, %sub3A_1938 : vector<16xi1>, vector<16xf32>
        %get3A_1940 = arith.constant 96 : index
        %get3A_1941 = tpu.vector_load %arg16[%get3A_1940] {strides = array<i32>} : memref<128xf32, #tpu.memory_space<vmem>>, vector<16xf32>,
        %mul3A_1942 = arith.mulf %select_n3A_1939, %get3A_1941 : vector<16xf32>
        %add3A_1943 = arith.addf %add3A_1918, %mul3A_1942 : vector<16xf32>
        %add3A_1944 = arith.constant 8 : i32
        %add3A_1945 = arith.addi %mul3A_149, %add3A_1944 : i32
        %get3A_1946 = arith.index_cast %rem3A_88 : i32 to index
        %get3A_1947 = arith.index_cast %add3A_1945 : i32 to index
        %get3A_1948 = arith.constant 112 : index
        %get3A_1949 = tpu.vector_load %arg12[%get3A_1946, %get3A_1947, %get3A_1948] {strides = array<i32>} : memref<2x128x128xf32, #tpu.memory_space<vmem>>, vector<16xf32>,
        %add3A_1950 = arith.constant 8 : i32
        %add3A_1951 = arith.addi %mul3A_149, %add3A_1950 : i32
        %get3A_1952 = arith.index_cast %rem3A_88 : i32 to index
        %get3A_1953 = arith.index_cast %add3A_1951 : i32 to index
        %get3A_1954 = arith.constant 112 : index
        %get3A_1955 = tpu.vector_load %arg13[%get3A_1952, %get3A_1953, %get3A_1954] {strides = array<i32>} : memref<2x128x128xf32, #tpu.memory_space<vmem>>, vector<16xf32>,
        %add3A_1956 = arith.addf %get3A_1949, %get3A_1955 : vector<16xf32>
        %gt3A_1957 = arith.constant 0.000000e+00 : f32
        %gt3A_1958 = vector.broadcast %gt3A_1957 : f32 to vector<16xf32>
        %gt3A_1959 = arith.cmpf ogt, %add3A_1956, %gt3A_1958 : vector<16xf32>
        %exp3A_1960 = math.exp %add3A_1956 : vector<16xf32>
        %sub3A_1961 = arith.constant 1.000000e+00 : f32
        %sub3A_1962 = vector.broadcast %sub3A_1961 : f32 to vector<16xf32>
        %sub3A_1963 = arith.subf %exp3A_1960, %sub3A_1962 : vector<16xf32>
        %select_n3A_1964 = arith.select %gt3A_1959, %add3A_1956, %sub3A_1963 : vector<16xi1>, vector<16xf32>
        %get3A_1965 = arith.constant 112 : index
        %get3A_1966 = tpu.vector_load %arg16[%get3A_1965] {strides = array<i32>} : memref<128xf32, #tpu.memory_space<vmem>>, vector<16xf32>,
        %mul3A_1967 = arith.mulf %select_n3A_1964, %get3A_1966 : vector<16xf32>
        %add3A_1968 = arith.addf %add3A_1943, %mul3A_1967 : vector<16xf32>
        %swap3A_1969 = arith.constant 8 : i32
        %swap3A_1970 = arith.index_cast %swap3A_1969 : i32 to index
        %swap3A_1971 = arith.constant 0 : index
        %swap3A_1972 = tpu.vector_load %arg18[%swap3A_1970, %swap3A_1971] {strides = array<i32>} : memref<16x16xf32, #tpu.memory_space<vmem>>, vector<16xf32>,
        tpu.vector_store %arg18[%swap3A_1970, %swap3A_1971], %add3A_1968 {strides = array<i32>} : memref<16x16xf32, #tpu.memory_space<vmem>>, vector<16xf32>,
        %add3A_1973 = arith.constant 9 : i32
        %add3A_1974 = arith.addi %mul3A_149, %add3A_1973 : i32
        %get3A_1975 = arith.index_cast %rem3A_88 : i32 to index
        %get3A_1976 = arith.index_cast %add3A_1974 : i32 to index
        %get3A_1977 = arith.constant 0 : index
        %get3A_1978 = tpu.vector_load %arg12[%get3A_1975, %get3A_1976, %get3A_1977] {strides = array<i32>} : memref<2x128x128xf32, #tpu.memory_space<vmem>>, vector<16xf32>,
        %add3A_1979 = arith.constant 9 : i32
        %add3A_1980 = arith.addi %mul3A_149, %add3A_1979 : i32
        %get3A_1981 = arith.index_cast %rem3A_88 : i32 to index
        %get3A_1982 = arith.index_cast %add3A_1980 : i32 to index
        %get3A_1983 = arith.constant 0 : index
        %get3A_1984 = tpu.vector_load %arg13[%get3A_1981, %get3A_1982, %get3A_1983] {strides = array<i32>} : memref<2x128x128xf32, #tpu.memory_space<vmem>>, vector<16xf32>,
        %add3A_1985 = arith.addf %get3A_1978, %get3A_1984 : vector<16xf32>
        %gt3A_1986 = arith.constant 0.000000e+00 : f32
        %gt3A_1987 = vector.broadcast %gt3A_1986 : f32 to vector<16xf32>
        %gt3A_1988 = arith.cmpf ogt, %add3A_1985, %gt3A_1987 : vector<16xf32>
        %exp3A_1989 = math.exp %add3A_1985 : vector<16xf32>
        %sub3A_1990 = arith.constant 1.000000e+00 : f32
        %sub3A_1991 = vector.broadcast %sub3A_1990 : f32 to vector<16xf32>
        %sub3A_1992 = arith.subf %exp3A_1989, %sub3A_1991 : vector<16xf32>
        %select_n3A_1993 = arith.select %gt3A_1988, %add3A_1985, %sub3A_1992 : vector<16xi1>, vector<16xf32>
        %get3A_1994 = arith.constant 0 : index
        %get3A_1995 = tpu.vector_load %arg16[%get3A_1994] {strides = array<i32>} : memref<128xf32, #tpu.memory_space<vmem>>, vector<16xf32>,
        %mul3A_1996 = arith.mulf %select_n3A_1993, %get3A_1995 : vector<16xf32>
        %add3A_1997 = arith.constant 9 : i32
        %add3A_1998 = arith.addi %mul3A_149, %add3A_1997 : i32
        %get3A_1999 = arith.index_cast %rem3A_88 : i32 to index
        %get3A_2000 = arith.index_cast %add3A_1998 : i32 to index
        %get3A_2001 = arith.constant 16 : index
        %get3A_2002 = tpu.vector_load %arg12[%get3A_1999, %get3A_2000, %get3A_2001] {strides = array<i32>} : memref<2x128x128xf32, #tpu.memory_space<vmem>>, vector<16xf32>,
        %add3A_2003 = arith.constant 9 : i32
        %add3A_2004 = arith.addi %mul3A_149, %add3A_2003 : i32
        %get3A_2005 = arith.index_cast %rem3A_88 : i32 to index
        %get3A_2006 = arith.index_cast %add3A_2004 : i32 to index
        %get3A_2007 = arith.constant 16 : index
        %get3A_2008 = tpu.vector_load %arg13[%get3A_2005, %get3A_2006, %get3A_2007] {strides = array<i32>} : memref<2x128x128xf32, #tpu.memory_space<vmem>>, vector<16xf32>,
        %add3A_2009 = arith.addf %get3A_2002, %get3A_2008 : vector<16xf32>
        %gt3A_2010 = arith.constant 0.000000e+00 : f32
        %gt3A_2011 = vector.broadcast %gt3A_2010 : f32 to vector<16xf32>
        %gt3A_2012 = arith.cmpf ogt, %add3A_2009, %gt3A_2011 : vector<16xf32>
        %exp3A_2013 = math.exp %add3A_2009 : vector<16xf32>
        %sub3A_2014 = arith.constant 1.000000e+00 : f32
        %sub3A_2015 = vector.broadcast %sub3A_2014 : f32 to vector<16xf32>
        %sub3A_2016 = arith.subf %exp3A_2013, %sub3A_2015 : vector<16xf32>
        %select_n3A_2017 = arith.select %gt3A_2012, %add3A_2009, %sub3A_2016 : vector<16xi1>, vector<16xf32>
        %get3A_2018 = arith.constant 16 : index
        %get3A_2019 = tpu.vector_load %arg16[%get3A_2018] {strides = array<i32>} : memref<128xf32, #tpu.memory_space<vmem>>, vector<16xf32>,
        %mul3A_2020 = arith.mulf %select_n3A_2017, %get3A_2019 : vector<16xf32>
        %add3A_2021 = arith.addf %mul3A_1996, %mul3A_2020 : vector<16xf32>
        %add3A_2022 = arith.constant 9 : i32
        %add3A_2023 = arith.addi %mul3A_149, %add3A_2022 : i32
        %get3A_2024 = arith.index_cast %rem3A_88 : i32 to index
        %get3A_2025 = arith.index_cast %add3A_2023 : i32 to index
        %get3A_2026 = arith.constant 32 : index
        %get3A_2027 = tpu.vector_load %arg12[%get3A_2024, %get3A_2025, %get3A_2026] {strides = array<i32>} : memref<2x128x128xf32, #tpu.memory_space<vmem>>, vector<16xf32>,
        %add3A_2028 = arith.constant 9 : i32
        %add3A_2029 = arith.addi %mul3A_149, %add3A_2028 : i32
        %get3A_2030 = arith.index_cast %rem3A_88 : i32 to index
        %get3A_2031 = arith.index_cast %add3A_2029 : i32 to index
        %get3A_2032 = arith.constant 32 : index
        %get3A_2033 = tpu.vector_load %arg13[%get3A_2030, %get3A_2031, %get3A_2032] {strides = array<i32>} : memref<2x128x128xf32, #tpu.memory_space<vmem>>, vector<16xf32>,
        %add3A_2034 = arith.addf %get3A_2027, %get3A_2033 : vector<16xf32>
        %gt3A_2035 = arith.constant 0.000000e+00 : f32
        %gt3A_2036 = vector.broadcast %gt3A_2035 : f32 to vector<16xf32>
        %gt3A_2037 = arith.cmpf ogt, %add3A_2034, %gt3A_2036 : vector<16xf32>
        %exp3A_2038 = math.exp %add3A_2034 : vector<16xf32>
        %sub3A_2039 = arith.constant 1.000000e+00 : f32
        %sub3A_2040 = vector.broadcast %sub3A_2039 : f32 to vector<16xf32>
        %sub3A_2041 = arith.subf %exp3A_2038, %sub3A_2040 : vector<16xf32>
        %select_n3A_2042 = arith.select %gt3A_2037, %add3A_2034, %sub3A_2041 : vector<16xi1>, vector<16xf32>
        %get3A_2043 = arith.constant 32 : index
        %get3A_2044 = tpu.vector_load %arg16[%get3A_2043] {strides = array<i32>} : memref<128xf32, #tpu.memory_space<vmem>>, vector<16xf32>,
        %mul3A_2045 = arith.mulf %select_n3A_2042, %get3A_2044 : vector<16xf32>
        %add3A_2046 = arith.addf %add3A_2021, %mul3A_2045 : vector<16xf32>
        %add3A_2047 = arith.constant 9 : i32
        %add3A_2048 = arith.addi %mul3A_149, %add3A_2047 : i32
        %get3A_2049 = arith.index_cast %rem3A_88 : i32 to index
        %get3A_2050 = arith.index_cast %add3A_2048 : i32 to index
        %get3A_2051 = arith.constant 48 : index
        %get3A_2052 = tpu.vector_load %arg12[%get3A_2049, %get3A_2050, %get3A_2051] {strides = array<i32>} : memref<2x128x128xf32, #tpu.memory_space<vmem>>, vector<16xf32>,
        %add3A_2053 = arith.constant 9 : i32
        %add3A_2054 = arith.addi %mul3A_149, %add3A_2053 : i32
        %get3A_2055 = arith.index_cast %rem3A_88 : i32 to index
        %get3A_2056 = arith.index_cast %add3A_2054 : i32 to index
        %get3A_2057 = arith.constant 48 : index
        %get3A_2058 = tpu.vector_load %arg13[%get3A_2055, %get3A_2056, %get3A_2057] {strides = array<i32>} : memref<2x128x128xf32, #tpu.memory_space<vmem>>, vector<16xf32>,
        %add3A_2059 = arith.addf %get3A_2052, %get3A_2058 : vector<16xf32>
        %gt3A_2060 = arith.constant 0.000000e+00 : f32
        %gt3A_2061 = vector.broadcast %gt3A_2060 : f32 to vector<16xf32>
        %gt3A_2062 = arith.cmpf ogt, %add3A_2059, %gt3A_2061 : vector<16xf32>
        %exp3A_2063 = math.exp %add3A_2059 : vector<16xf32>
        %sub3A_2064 = arith.constant 1.000000e+00 : f32
        %sub3A_2065 = vector.broadcast %sub3A_2064 : f32 to vector<16xf32>
        %sub3A_2066 = arith.subf %exp3A_2063, %sub3A_2065 : vector<16xf32>
        %select_n3A_2067 = arith.select %gt3A_2062, %add3A_2059, %sub3A_2066 : vector<16xi1>, vector<16xf32>
        %get3A_2068 = arith.constant 48 : index
        %get3A_2069 = tpu.vector_load %arg16[%get3A_2068] {strides = array<i32>} : memref<128xf32, #tpu.memory_space<vmem>>, vector<16xf32>,
        %mul3A_2070 = arith.mulf %select_n3A_2067, %get3A_2069 : vector<16xf32>
        %add3A_2071 = arith.addf %add3A_2046, %mul3A_2070 : vector<16xf32>
        %add3A_2072 = arith.constant 9 : i32
        %add3A_2073 = arith.addi %mul3A_149, %add3A_2072 : i32
        %get3A_2074 = arith.index_cast %rem3A_88 : i32 to index
        %get3A_2075 = arith.index_cast %add3A_2073 : i32 to index
        %get3A_2076 = arith.constant 64 : index
        %get3A_2077 = tpu.vector_load %arg12[%get3A_2074, %get3A_2075, %get3A_2076] {strides = array<i32>} : memref<2x128x128xf32, #tpu.memory_space<vmem>>, vector<16xf32>,
        %add3A_2078 = arith.constant 9 : i32
        %add3A_2079 = arith.addi %mul3A_149, %add3A_2078 : i32
        %get3A_2080 = arith.index_cast %rem3A_88 : i32 to index
        %get3A_2081 = arith.index_cast %add3A_2079 : i32 to index
        %get3A_2082 = arith.constant 64 : index
        %get3A_2083 = tpu.vector_load %arg13[%get3A_2080, %get3A_2081, %get3A_2082] {strides = array<i32>} : memref<2x128x128xf32, #tpu.memory_space<vmem>>, vector<16xf32>,
        %add3A_2084 = arith.addf %get3A_2077, %get3A_2083 : vector<16xf32>
        %gt3A_2085 = arith.constant 0.000000e+00 : f32
        %gt3A_2086 = vector.broadcast %gt3A_2085 : f32 to vector<16xf32>
        %gt3A_2087 = arith.cmpf ogt, %add3A_2084, %gt3A_2086 : vector<16xf32>
        %exp3A_2088 = math.exp %add3A_2084 : vector<16xf32>
        %sub3A_2089 = arith.constant 1.000000e+00 : f32
        %sub3A_2090 = vector.broadcast %sub3A_2089 : f32 to vector<16xf32>
        %sub3A_2091 = arith.subf %exp3A_2088, %sub3A_2090 : vector<16xf32>
        %select_n3A_2092 = arith.select %gt3A_2087, %add3A_2084, %sub3A_2091 : vector<16xi1>, vector<16xf32>
        %get3A_2093 = arith.constant 64 : index
        %get3A_2094 = tpu.vector_load %arg16[%get3A_2093] {strides = array<i32>} : memref<128xf32, #tpu.memory_space<vmem>>, vector<16xf32>,
        %mul3A_2095 = arith.mulf %select_n3A_2092, %get3A_2094 : vector<16xf32>
        %add3A_2096 = arith.addf %add3A_2071, %mul3A_2095 : vector<16xf32>
        %add3A_2097 = arith.constant 9 : i32
        %add3A_2098 = arith.addi %mul3A_149, %add3A_2097 : i32
        %get3A_2099 = arith.index_cast %rem3A_88 : i32 to index
        %get3A_2100 = arith.index_cast %add3A_2098 : i32 to index
        %get3A_2101 = arith.constant 80 : index
        %get3A_2102 = tpu.vector_load %arg12[%get3A_2099, %get3A_2100, %get3A_2101] {strides = array<i32>} : memref<2x128x128xf32, #tpu.memory_space<vmem>>, vector<16xf32>,
        %add3A_2103 = arith.constant 9 : i32
        %add3A_2104 = arith.addi %mul3A_149, %add3A_2103 : i32
        %get3A_2105 = arith.index_cast %rem3A_88 : i32 to index
        %get3A_2106 = arith.index_cast %add3A_2104 : i32 to index
        %get3A_2107 = arith.constant 80 : index
        %get3A_2108 = tpu.vector_load %arg13[%get3A_2105, %get3A_2106, %get3A_2107] {strides = array<i32>} : memref<2x128x128xf32, #tpu.memory_space<vmem>>, vector<16xf32>,
        %add3A_2109 = arith.addf %get3A_2102, %get3A_2108 : vector<16xf32>
        %gt3A_2110 = arith.constant 0.000000e+00 : f32
        %gt3A_2111 = vector.broadcast %gt3A_2110 : f32 to vector<16xf32>
        %gt3A_2112 = arith.cmpf ogt, %add3A_2109, %gt3A_2111 : vector<16xf32>
        %exp3A_2113 = math.exp %add3A_2109 : vector<16xf32>
        %sub3A_2114 = arith.constant 1.000000e+00 : f32
        %sub3A_2115 = vector.broadcast %sub3A_2114 : f32 to vector<16xf32>
        %sub3A_2116 = arith.subf %exp3A_2113, %sub3A_2115 : vector<16xf32>
        %select_n3A_2117 = arith.select %gt3A_2112, %add3A_2109, %sub3A_2116 : vector<16xi1>, vector<16xf32>
        %get3A_2118 = arith.constant 80 : index
        %get3A_2119 = tpu.vector_load %arg16[%get3A_2118] {strides = array<i32>} : memref<128xf32, #tpu.memory_space<vmem>>, vector<16xf32>,
        %mul3A_2120 = arith.mulf %select_n3A_2117, %get3A_2119 : vector<16xf32>
        %add3A_2121 = arith.addf %add3A_2096, %mul3A_2120 : vector<16xf32>
        %add3A_2122 = arith.constant 9 : i32
        %add3A_2123 = arith.addi %mul3A_149, %add3A_2122 : i32
        %get3A_2124 = arith.index_cast %rem3A_88 : i32 to index
        %get3A_2125 = arith.index_cast %add3A_2123 : i32 to index
        %get3A_2126 = arith.constant 96 : index
        %get3A_2127 = tpu.vector_load %arg12[%get3A_2124, %get3A_2125, %get3A_2126] {strides = array<i32>} : memref<2x128x128xf32, #tpu.memory_space<vmem>>, vector<16xf32>,
        %add3A_2128 = arith.constant 9 : i32
        %add3A_2129 = arith.addi %mul3A_149, %add3A_2128 : i32
        %get3A_2130 = arith.index_cast %rem3A_88 : i32 to index
        %get3A_2131 = arith.index_cast %add3A_2129 : i32 to index
        %get3A_2132 = arith.constant 96 : index
        %get3A_2133 = tpu.vector_load %arg13[%get3A_2130, %get3A_2131, %get3A_2132] {strides = array<i32>} : memref<2x128x128xf32, #tpu.memory_space<vmem>>, vector<16xf32>,
        %add3A_2134 = arith.addf %get3A_2127, %get3A_2133 : vector<16xf32>
        %gt3A_2135 = arith.constant 0.000000e+00 : f32
        %gt3A_2136 = vector.broadcast %gt3A_2135 : f32 to vector<16xf32>
        %gt3A_2137 = arith.cmpf ogt, %add3A_2134, %gt3A_2136 : vector<16xf32>
        %exp3A_2138 = math.exp %add3A_2134 : vector<16xf32>
        %sub3A_2139 = arith.constant 1.000000e+00 : f32
        %sub3A_2140 = vector.broadcast %sub3A_2139 : f32 to vector<16xf32>
        %sub3A_2141 = arith.subf %exp3A_2138, %sub3A_2140 : vector<16xf32>
        %select_n3A_2142 = arith.select %gt3A_2137, %add3A_2134, %sub3A_2141 : vector<16xi1>, vector<16xf32>
        %get3A_2143 = arith.constant 96 : index
        %get3A_2144 = tpu.vector_load %arg16[%get3A_2143] {strides = array<i32>} : memref<128xf32, #tpu.memory_space<vmem>>, vector<16xf32>,
        %mul3A_2145 = arith.mulf %select_n3A_2142, %get3A_2144 : vector<16xf32>
        %add3A_2146 = arith.addf %add3A_2121, %mul3A_2145 : vector<16xf32>
        %add3A_2147 = arith.constant 9 : i32
        %add3A_2148 = arith.addi %mul3A_149, %add3A_2147 : i32
        %get3A_2149 = arith.index_cast %rem3A_88 : i32 to index
        %get3A_2150 = arith.index_cast %add3A_2148 : i32 to index
        %get3A_2151 = arith.constant 112 : index
        %get3A_2152 = tpu.vector_load %arg12[%get3A_2149, %get3A_2150, %get3A_2151] {strides = array<i32>} : memref<2x128x128xf32, #tpu.memory_space<vmem>>, vector<16xf32>,
        %add3A_2153 = arith.constant 9 : i32
        %add3A_2154 = arith.addi %mul3A_149, %add3A_2153 : i32
        %get3A_2155 = arith.index_cast %rem3A_88 : i32 to index
        %get3A_2156 = arith.index_cast %add3A_2154 : i32 to index
        %get3A_2157 = arith.constant 112 : index
        %get3A_2158 = tpu.vector_load %arg13[%get3A_2155, %get3A_2156, %get3A_2157] {strides = array<i32>} : memref<2x128x128xf32, #tpu.memory_space<vmem>>, vector<16xf32>,
        %add3A_2159 = arith.addf %get3A_2152, %get3A_2158 : vector<16xf32>
        %gt3A_2160 = arith.constant 0.000000e+00 : f32
        %gt3A_2161 = vector.broadcast %gt3A_2160 : f32 to vector<16xf32>
        %gt3A_2162 = arith.cmpf ogt, %add3A_2159, %gt3A_2161 : vector<16xf32>
        %exp3A_2163 = math.exp %add3A_2159 : vector<16xf32>
        %sub3A_2164 = arith.constant 1.000000e+00 : f32
        %sub3A_2165 = vector.broadcast %sub3A_2164 : f32 to vector<16xf32>
        %sub3A_2166 = arith.subf %exp3A_2163, %sub3A_2165 : vector<16xf32>
        %select_n3A_2167 = arith.select %gt3A_2162, %add3A_2159, %sub3A_2166 : vector<16xi1>, vector<16xf32>
        %get3A_2168 = arith.constant 112 : index
        %get3A_2169 = tpu.vector_load %arg16[%get3A_2168] {strides = array<i32>} : memref<128xf32, #tpu.memory_space<vmem>>, vector<16xf32>,
        %mul3A_2170 = arith.mulf %select_n3A_2167, %get3A_2169 : vector<16xf32>
        %add3A_2171 = arith.addf %add3A_2146, %mul3A_2170 : vector<16xf32>
        %swap3A_2172 = arith.constant 9 : i32
        %swap3A_2173 = arith.index_cast %swap3A_2172 : i32 to index
        %swap3A_2174 = arith.constant 0 : index
        %swap3A_2175 = tpu.vector_load %arg18[%swap3A_2173, %swap3A_2174] {strides = array<i32>} : memref<16x16xf32, #tpu.memory_space<vmem>>, vector<16xf32>,
        tpu.vector_store %arg18[%swap3A_2173, %swap3A_2174], %add3A_2171 {strides = array<i32>} : memref<16x16xf32, #tpu.memory_space<vmem>>, vector<16xf32>,
        %add3A_2176 = arith.constant 10 : i32
        %add3A_2177 = arith.addi %mul3A_149, %add3A_2176 : i32
        %get3A_2178 = arith.index_cast %rem3A_88 : i32 to index
        %get3A_2179 = arith.index_cast %add3A_2177 : i32 to index
        %get3A_2180 = arith.constant 0 : index
        %get3A_2181 = tpu.vector_load %arg12[%get3A_2178, %get3A_2179, %get3A_2180] {strides = array<i32>} : memref<2x128x128xf32, #tpu.memory_space<vmem>>, vector<16xf32>,
        %add3A_2182 = arith.constant 10 : i32
        %add3A_2183 = arith.addi %mul3A_149, %add3A_2182 : i32
        %get3A_2184 = arith.index_cast %rem3A_88 : i32 to index
        %get3A_2185 = arith.index_cast %add3A_2183 : i32 to index
        %get3A_2186 = arith.constant 0 : index
        %get3A_2187 = tpu.vector_load %arg13[%get3A_2184, %get3A_2185, %get3A_2186] {strides = array<i32>} : memref<2x128x128xf32, #tpu.memory_space<vmem>>, vector<16xf32>,
        %add3A_2188 = arith.addf %get3A_2181, %get3A_2187 : vector<16xf32>
        %gt3A_2189 = arith.constant 0.000000e+00 : f32
        %gt3A_2190 = vector.broadcast %gt3A_2189 : f32 to vector<16xf32>
        %gt3A_2191 = arith.cmpf ogt, %add3A_2188, %gt3A_2190 : vector<16xf32>
        %exp3A_2192 = math.exp %add3A_2188 : vector<16xf32>
        %sub3A_2193 = arith.constant 1.000000e+00 : f32
        %sub3A_2194 = vector.broadcast %sub3A_2193 : f32 to vector<16xf32>
        %sub3A_2195 = arith.subf %exp3A_2192, %sub3A_2194 : vector<16xf32>
        %select_n3A_2196 = arith.select %gt3A_2191, %add3A_2188, %sub3A_2195 : vector<16xi1>, vector<16xf32>
        %get3A_2197 = arith.constant 0 : index
        %get3A_2198 = tpu.vector_load %arg16[%get3A_2197] {strides = array<i32>} : memref<128xf32, #tpu.memory_space<vmem>>, vector<16xf32>,
        %mul3A_2199 = arith.mulf %select_n3A_2196, %get3A_2198 : vector<16xf32>
        %add3A_2200 = arith.constant 10 : i32
        %add3A_2201 = arith.addi %mul3A_149, %add3A_2200 : i32
        %get3A_2202 = arith.index_cast %rem3A_88 : i32 to index
        %get3A_2203 = arith.index_cast %add3A_2201 : i32 to index
        %get3A_2204 = arith.constant 16 : index
        %get3A_2205 = tpu.vector_load %arg12[%get3A_2202, %get3A_2203, %get3A_2204] {strides = array<i32>} : memref<2x128x128xf32, #tpu.memory_space<vmem>>, vector<16xf32>,
        %add3A_2206 = arith.constant 10 : i32
        %add3A_2207 = arith.addi %mul3A_149, %add3A_2206 : i32
        %get3A_2208 = arith.index_cast %rem3A_88 : i32 to index
        %get3A_2209 = arith.index_cast %add3A_2207 : i32 to index
        %get3A_2210 = arith.constant 16 : index
        %get3A_2211 = tpu.vector_load %arg13[%get3A_2208, %get3A_2209, %get3A_2210] {strides = array<i32>} : memref<2x128x128xf32, #tpu.memory_space<vmem>>, vector<16xf32>,
        %add3A_2212 = arith.addf %get3A_2205, %get3A_2211 : vector<16xf32>
        %gt3A_2213 = arith.constant 0.000000e+00 : f32
        %gt3A_2214 = vector.broadcast %gt3A_2213 : f32 to vector<16xf32>
        %gt3A_2215 = arith.cmpf ogt, %add3A_2212, %gt3A_2214 : vector<16xf32>
        %exp3A_2216 = math.exp %add3A_2212 : vector<16xf32>
        %sub3A_2217 = arith.constant 1.000000e+00 : f32
        %sub3A_2218 = vector.broadcast %sub3A_2217 : f32 to vector<16xf32>
        %sub3A_2219 = arith.subf %exp3A_2216, %sub3A_2218 : vector<16xf32>
        %select_n3A_2220 = arith.select %gt3A_2215, %add3A_2212, %sub3A_2219 : vector<16xi1>, vector<16xf32>
        %get3A_2221 = arith.constant 16 : index
        %get3A_2222 = tpu.vector_load %arg16[%get3A_2221] {strides = array<i32>} : memref<128xf32, #tpu.memory_space<vmem>>, vector<16xf32>,
        %mul3A_2223 = arith.mulf %select_n3A_2220, %get3A_2222 : vector<16xf32>
        %add3A_2224 = arith.addf %mul3A_2199, %mul3A_2223 : vector<16xf32>
        %add3A_2225 = arith.constant 10 : i32
        %add3A_2226 = arith.addi %mul3A_149, %add3A_2225 : i32
        %get3A_2227 = arith.index_cast %rem3A_88 : i32 to index
        %get3A_2228 = arith.index_cast %add3A_2226 : i32 to index
        %get3A_2229 = arith.constant 32 : index
        %get3A_2230 = tpu.vector_load %arg12[%get3A_2227, %get3A_2228, %get3A_2229] {strides = array<i32>} : memref<2x128x128xf32, #tpu.memory_space<vmem>>, vector<16xf32>,
        %add3A_2231 = arith.constant 10 : i32
        %add3A_2232 = arith.addi %mul3A_149, %add3A_2231 : i32
        %get3A_2233 = arith.index_cast %rem3A_88 : i32 to index
        %get3A_2234 = arith.index_cast %add3A_2232 : i32 to index
        %get3A_2235 = arith.constant 32 : index
        %get3A_2236 = tpu.vector_load %arg13[%get3A_2233, %get3A_2234, %get3A_2235] {strides = array<i32>} : memref<2x128x128xf32, #tpu.memory_space<vmem>>, vector<16xf32>,
        %add3A_2237 = arith.addf %get3A_2230, %get3A_2236 : vector<16xf32>
        %gt3A_2238 = arith.constant 0.000000e+00 : f32
        %gt3A_2239 = vector.broadcast %gt3A_2238 : f32 to vector<16xf32>
        %gt3A_2240 = arith.cmpf ogt, %add3A_2237, %gt3A_2239 : vector<16xf32>
        %exp3A_2241 = math.exp %add3A_2237 : vector<16xf32>
        %sub3A_2242 = arith.constant 1.000000e+00 : f32
        %sub3A_2243 = vector.broadcast %sub3A_2242 : f32 to vector<16xf32>
        %sub3A_2244 = arith.subf %exp3A_2241, %sub3A_2243 : vector<16xf32>
        %select_n3A_2245 = arith.select %gt3A_2240, %add3A_2237, %sub3A_2244 : vector<16xi1>, vector<16xf32>
        %get3A_2246 = arith.constant 32 : index
        %get3A_2247 = tpu.vector_load %arg16[%get3A_2246] {strides = array<i32>} : memref<128xf32, #tpu.memory_space<vmem>>, vector<16xf32>,
        %mul3A_2248 = arith.mulf %select_n3A_2245, %get3A_2247 : vector<16xf32>
        %add3A_2249 = arith.addf %add3A_2224, %mul3A_2248 : vector<16xf32>
        %add3A_2250 = arith.constant 10 : i32
        %add3A_2251 = arith.addi %mul3A_149, %add3A_2250 : i32
        %get3A_2252 = arith.index_cast %rem3A_88 : i32 to index
        %get3A_2253 = arith.index_cast %add3A_2251 : i32 to index
        %get3A_2254 = arith.constant 48 : index
        %get3A_2255 = tpu.vector_load %arg12[%get3A_2252, %get3A_2253, %get3A_2254] {strides = array<i32>} : memref<2x128x128xf32, #tpu.memory_space<vmem>>, vector<16xf32>,
        %add3A_2256 = arith.constant 10 : i32
        %add3A_2257 = arith.addi %mul3A_149, %add3A_2256 : i32
        %get3A_2258 = arith.index_cast %rem3A_88 : i32 to index
        %get3A_2259 = arith.index_cast %add3A_2257 : i32 to index
        %get3A_2260 = arith.constant 48 : index
        %get3A_2261 = tpu.vector_load %arg13[%get3A_2258, %get3A_2259, %get3A_2260] {strides = array<i32>} : memref<2x128x128xf32, #tpu.memory_space<vmem>>, vector<16xf32>,
        %add3A_2262 = arith.addf %get3A_2255, %get3A_2261 : vector<16xf32>
        %gt3A_2263 = arith.constant 0.000000e+00 : f32
        %gt3A_2264 = vector.broadcast %gt3A_2263 : f32 to vector<16xf32>
        %gt3A_2265 = arith.cmpf ogt, %add3A_2262, %gt3A_2264 : vector<16xf32>
        %exp3A_2266 = math.exp %add3A_2262 : vector<16xf32>
        %sub3A_2267 = arith.constant 1.000000e+00 : f32
        %sub3A_2268 = vector.broadcast %sub3A_2267 : f32 to vector<16xf32>
        %sub3A_2269 = arith.subf %exp3A_2266, %sub3A_2268 : vector<16xf32>
        %select_n3A_2270 = arith.select %gt3A_2265, %add3A_2262, %sub3A_2269 : vector<16xi1>, vector<16xf32>
        %get3A_2271 = arith.constant 48 : index
        %get3A_2272 = tpu.vector_load %arg16[%get3A_2271] {strides = array<i32>} : memref<128xf32, #tpu.memory_space<vmem>>, vector<16xf32>,
        %mul3A_2273 = arith.mulf %select_n3A_2270, %get3A_2272 : vector<16xf32>
        %add3A_2274 = arith.addf %add3A_2249, %mul3A_2273 : vector<16xf32>
        %add3A_2275 = arith.constant 10 : i32
        %add3A_2276 = arith.addi %mul3A_149, %add3A_2275 : i32
        %get3A_2277 = arith.index_cast %rem3A_88 : i32 to index
        %get3A_2278 = arith.index_cast %add3A_2276 : i32 to index
        %get3A_2279 = arith.constant 64 : index
        %get3A_2280 = tpu.vector_load %arg12[%get3A_2277, %get3A_2278, %get3A_2279] {strides = array<i32>} : memref<2x128x128xf32, #tpu.memory_space<vmem>>, vector<16xf32>,
        %add3A_2281 = arith.constant 10 : i32
        %add3A_2282 = arith.addi %mul3A_149, %add3A_2281 : i32
        %get3A_2283 = arith.index_cast %rem3A_88 : i32 to index
        %get3A_2284 = arith.index_cast %add3A_2282 : i32 to index
        %get3A_2285 = arith.constant 64 : index
        %get3A_2286 = tpu.vector_load %arg13[%get3A_2283, %get3A_2284, %get3A_2285] {strides = array<i32>} : memref<2x128x128xf32, #tpu.memory_space<vmem>>, vector<16xf32>,
        %add3A_2287 = arith.addf %get3A_2280, %get3A_2286 : vector<16xf32>
        %gt3A_2288 = arith.constant 0.000000e+00 : f32
        %gt3A_2289 = vector.broadcast %gt3A_2288 : f32 to vector<16xf32>
        %gt3A_2290 = arith.cmpf ogt, %add3A_2287, %gt3A_2289 : vector<16xf32>
        %exp3A_2291 = math.exp %add3A_2287 : vector<16xf32>
        %sub3A_2292 = arith.constant 1.000000e+00 : f32
        %sub3A_2293 = vector.broadcast %sub3A_2292 : f32 to vector<16xf32>
        %sub3A_2294 = arith.subf %exp3A_2291, %sub3A_2293 : vector<16xf32>
        %select_n3A_2295 = arith.select %gt3A_2290, %add3A_2287, %sub3A_2294 : vector<16xi1>, vector<16xf32>
        %get3A_2296 = arith.constant 64 : index
        %get3A_2297 = tpu.vector_load %arg16[%get3A_2296] {strides = array<i32>} : memref<128xf32, #tpu.memory_space<vmem>>, vector<16xf32>,
        %mul3A_2298 = arith.mulf %select_n3A_2295, %get3A_2297 : vector<16xf32>
        %add3A_2299 = arith.addf %add3A_2274, %mul3A_2298 : vector<16xf32>
        %add3A_2300 = arith.constant 10 : i32
        %add3A_2301 = arith.addi %mul3A_149, %add3A_2300 : i32
        %get3A_2302 = arith.index_cast %rem3A_88 : i32 to index
        %get3A_2303 = arith.index_cast %add3A_2301 : i32 to index
        %get3A_2304 = arith.constant 80 : index
        %get3A_2305 = tpu.vector_load %arg12[%get3A_2302, %get3A_2303, %get3A_2304] {strides = array<i32>} : memref<2x128x128xf32, #tpu.memory_space<vmem>>, vector<16xf32>,
        %add3A_2306 = arith.constant 10 : i32
        %add3A_2307 = arith.addi %mul3A_149, %add3A_2306 : i32
        %get3A_2308 = arith.index_cast %rem3A_88 : i32 to index
        %get3A_2309 = arith.index_cast %add3A_2307 : i32 to index
        %get3A_2310 = arith.constant 80 : index
        %get3A_2311 = tpu.vector_load %arg13[%get3A_2308, %get3A_2309, %get3A_2310] {strides = array<i32>} : memref<2x128x128xf32, #tpu.memory_space<vmem>>, vector<16xf32>,
        %add3A_2312 = arith.addf %get3A_2305, %get3A_2311 : vector<16xf32>
        %gt3A_2313 = arith.constant 0.000000e+00 : f32
        %gt3A_2314 = vector.broadcast %gt3A_2313 : f32 to vector<16xf32>
        %gt3A_2315 = arith.cmpf ogt, %add3A_2312, %gt3A_2314 : vector<16xf32>
        %exp3A_2316 = math.exp %add3A_2312 : vector<16xf32>
        %sub3A_2317 = arith.constant 1.000000e+00 : f32
        %sub3A_2318 = vector.broadcast %sub3A_2317 : f32 to vector<16xf32>
        %sub3A_2319 = arith.subf %exp3A_2316, %sub3A_2318 : vector<16xf32>
        %select_n3A_2320 = arith.select %gt3A_2315, %add3A_2312, %sub3A_2319 : vector<16xi1>, vector<16xf32>
        %get3A_2321 = arith.constant 80 : index
        %get3A_2322 = tpu.vector_load %arg16[%get3A_2321] {strides = array<i32>} : memref<128xf32, #tpu.memory_space<vmem>>, vector<16xf32>,
        %mul3A_2323 = arith.mulf %select_n3A_2320, %get3A_2322 : vector<16xf32>
        %add3A_2324 = arith.addf %add3A_2299, %mul3A_2323 : vector<16xf32>
        %add3A_2325 = arith.constant 10 : i32
        %add3A_2326 = arith.addi %mul3A_149, %add3A_2325 : i32
        %get3A_2327 = arith.index_cast %rem3A_88 : i32 to index
        %get3A_2328 = arith.index_cast %add3A_2326 : i32 to index
        %get3A_2329 = arith.constant 96 : index
        %get3A_2330 = tpu.vector_load %arg12[%get3A_2327, %get3A_2328, %get3A_2329] {strides = array<i32>} : memref<2x128x128xf32, #tpu.memory_space<vmem>>, vector<16xf32>,
        %add3A_2331 = arith.constant 10 : i32
        %add3A_2332 = arith.addi %mul3A_149, %add3A_2331 : i32
        %get3A_2333 = arith.index_cast %rem3A_88 : i32 to index
        %get3A_2334 = arith.index_cast %add3A_2332 : i32 to index
        %get3A_2335 = arith.constant 96 : index
        %get3A_2336 = tpu.vector_load %arg13[%get3A_2333, %get3A_2334, %get3A_2335] {strides = array<i32>} : memref<2x128x128xf32, #tpu.memory_space<vmem>>, vector<16xf32>,
        %add3A_2337 = arith.addf %get3A_2330, %get3A_2336 : vector<16xf32>
        %gt3A_2338 = arith.constant 0.000000e+00 : f32
        %gt3A_2339 = vector.broadcast %gt3A_2338 : f32 to vector<16xf32>
        %gt3A_2340 = arith.cmpf ogt, %add3A_2337, %gt3A_2339 : vector<16xf32>
        %exp3A_2341 = math.exp %add3A_2337 : vector<16xf32>
        %sub3A_2342 = arith.constant 1.000000e+00 : f32
        %sub3A_2343 = vector.broadcast %sub3A_2342 : f32 to vector<16xf32>
        %sub3A_2344 = arith.subf %exp3A_2341, %sub3A_2343 : vector<16xf32>
        %select_n3A_2345 = arith.select %gt3A_2340, %add3A_2337, %sub3A_2344 : vector<16xi1>, vector<16xf32>
        %get3A_2346 = arith.constant 96 : index
        %get3A_2347 = tpu.vector_load %arg16[%get3A_2346] {strides = array<i32>} : memref<128xf32, #tpu.memory_space<vmem>>, vector<16xf32>,
        %mul3A_2348 = arith.mulf %select_n3A_2345, %get3A_2347 : vector<16xf32>
        %add3A_2349 = arith.addf %add3A_2324, %mul3A_2348 : vector<16xf32>
        %add3A_2350 = arith.constant 10 : i32
        %add3A_2351 = arith.addi %mul3A_149, %add3A_2350 : i32
        %get3A_2352 = arith.index_cast %rem3A_88 : i32 to index
        %get3A_2353 = arith.index_cast %add3A_2351 : i32 to index
        %get3A_2354 = arith.constant 112 : index
        %get3A_2355 = tpu.vector_load %arg12[%get3A_2352, %get3A_2353, %get3A_2354] {strides = array<i32>} : memref<2x128x128xf32, #tpu.memory_space<vmem>>, vector<16xf32>,
        %add3A_2356 = arith.constant 10 : i32
        %add3A_2357 = arith.addi %mul3A_149, %add3A_2356 : i32
        %get3A_2358 = arith.index_cast %rem3A_88 : i32 to index
        %get3A_2359 = arith.index_cast %add3A_2357 : i32 to index
        %get3A_2360 = arith.constant 112 : index
        %get3A_2361 = tpu.vector_load %arg13[%get3A_2358, %get3A_2359, %get3A_2360] {strides = array<i32>} : memref<2x128x128xf32, #tpu.memory_space<vmem>>, vector<16xf32>,
        %add3A_2362 = arith.addf %get3A_2355, %get3A_2361 : vector<16xf32>
        %gt3A_2363 = arith.constant 0.000000e+00 : f32
        %gt3A_2364 = vector.broadcast %gt3A_2363 : f32 to vector<16xf32>
        %gt3A_2365 = arith.cmpf ogt, %add3A_2362, %gt3A_2364 : vector<16xf32>
        %exp3A_2366 = math.exp %add3A_2362 : vector<16xf32>
        %sub3A_2367 = arith.constant 1.000000e+00 : f32
        %sub3A_2368 = vector.broadcast %sub3A_2367 : f32 to vector<16xf32>
        %sub3A_2369 = arith.subf %exp3A_2366, %sub3A_2368 : vector<16xf32>
        %select_n3A_2370 = arith.select %gt3A_2365, %add3A_2362, %sub3A_2369 : vector<16xi1>, vector<16xf32>
        %get3A_2371 = arith.constant 112 : index
        %get3A_2372 = tpu.vector_load %arg16[%get3A_2371] {strides = array<i32>} : memref<128xf32, #tpu.memory_space<vmem>>, vector<16xf32>,
        %mul3A_2373 = arith.mulf %select_n3A_2370, %get3A_2372 : vector<16xf32>
        %add3A_2374 = arith.addf %add3A_2349, %mul3A_2373 : vector<16xf32>
        %swap3A_2375 = arith.constant 10 : i32
        %swap3A_2376 = arith.index_cast %swap3A_2375 : i32 to index
        %swap3A_2377 = arith.constant 0 : index
        %swap3A_2378 = tpu.vector_load %arg18[%swap3A_2376, %swap3A_2377] {strides = array<i32>} : memref<16x16xf32, #tpu.memory_space<vmem>>, vector<16xf32>,
        tpu.vector_store %arg18[%swap3A_2376, %swap3A_2377], %add3A_2374 {strides = array<i32>} : memref<16x16xf32, #tpu.memory_space<vmem>>, vector<16xf32>,
        %add3A_2379 = arith.constant 11 : i32
        %add3A_2380 = arith.addi %mul3A_149, %add3A_2379 : i32
        %get3A_2381 = arith.index_cast %rem3A_88 : i32 to index
        %get3A_2382 = arith.index_cast %add3A_2380 : i32 to index
        %get3A_2383 = arith.constant 0 : index
        %get3A_2384 = tpu.vector_load %arg12[%get3A_2381, %get3A_2382, %get3A_2383] {strides = array<i32>} : memref<2x128x128xf32, #tpu.memory_space<vmem>>, vector<16xf32>,
        %add3A_2385 = arith.constant 11 : i32
        %add3A_2386 = arith.addi %mul3A_149, %add3A_2385 : i32
        %get3A_2387 = arith.index_cast %rem3A_88 : i32 to index
        %get3A_2388 = arith.index_cast %add3A_2386 : i32 to index
        %get3A_2389 = arith.constant 0 : index
        %get3A_2390 = tpu.vector_load %arg13[%get3A_2387, %get3A_2388, %get3A_2389] {strides = array<i32>} : memref<2x128x128xf32, #tpu.memory_space<vmem>>, vector<16xf32>,
        %add3A_2391 = arith.addf %get3A_2384, %get3A_2390 : vector<16xf32>
        %gt3A_2392 = arith.constant 0.000000e+00 : f32
        %gt3A_2393 = vector.broadcast %gt3A_2392 : f32 to vector<16xf32>
        %gt3A_2394 = arith.cmpf ogt, %add3A_2391, %gt3A_2393 : vector<16xf32>
        %exp3A_2395 = math.exp %add3A_2391 : vector<16xf32>
        %sub3A_2396 = arith.constant 1.000000e+00 : f32
        %sub3A_2397 = vector.broadcast %sub3A_2396 : f32 to vector<16xf32>
        %sub3A_2398 = arith.subf %exp3A_2395, %sub3A_2397 : vector<16xf32>
        %select_n3A_2399 = arith.select %gt3A_2394, %add3A_2391, %sub3A_2398 : vector<16xi1>, vector<16xf32>
        %get3A_2400 = arith.constant 0 : index
        %get3A_2401 = tpu.vector_load %arg16[%get3A_2400] {strides = array<i32>} : memref<128xf32, #tpu.memory_space<vmem>>, vector<16xf32>,
        %mul3A_2402 = arith.mulf %select_n3A_2399, %get3A_2401 : vector<16xf32>
        %add3A_2403 = arith.constant 11 : i32
        %add3A_2404 = arith.addi %mul3A_149, %add3A_2403 : i32
        %get3A_2405 = arith.index_cast %rem3A_88 : i32 to index
        %get3A_2406 = arith.index_cast %add3A_2404 : i32 to index
        %get3A_2407 = arith.constant 16 : index
        %get3A_2408 = tpu.vector_load %arg12[%get3A_2405, %get3A_2406, %get3A_2407] {strides = array<i32>} : memref<2x128x128xf32, #tpu.memory_space<vmem>>, vector<16xf32>,
        %add3A_2409 = arith.constant 11 : i32
        %add3A_2410 = arith.addi %mul3A_149, %add3A_2409 : i32
        %get3A_2411 = arith.index_cast %rem3A_88 : i32 to index
        %get3A_2412 = arith.index_cast %add3A_2410 : i32 to index
        %get3A_2413 = arith.constant 16 : index
        %get3A_2414 = tpu.vector_load %arg13[%get3A_2411, %get3A_2412, %get3A_2413] {strides = array<i32>} : memref<2x128x128xf32, #tpu.memory_space<vmem>>, vector<16xf32>,
        %add3A_2415 = arith.addf %get3A_2408, %get3A_2414 : vector<16xf32>
        %gt3A_2416 = arith.constant 0.000000e+00 : f32
        %gt3A_2417 = vector.broadcast %gt3A_2416 : f32 to vector<16xf32>
        %gt3A_2418 = arith.cmpf ogt, %add3A_2415, %gt3A_2417 : vector<16xf32>
        %exp3A_2419 = math.exp %add3A_2415 : vector<16xf32>
        %sub3A_2420 = arith.constant 1.000000e+00 : f32
        %sub3A_2421 = vector.broadcast %sub3A_2420 : f32 to vector<16xf32>
        %sub3A_2422 = arith.subf %exp3A_2419, %sub3A_2421 : vector<16xf32>
        %select_n3A_2423 = arith.select %gt3A_2418, %add3A_2415, %sub3A_2422 : vector<16xi1>, vector<16xf32>
        %get3A_2424 = arith.constant 16 : index
        %get3A_2425 = tpu.vector_load %arg16[%get3A_2424] {strides = array<i32>} : memref<128xf32, #tpu.memory_space<vmem>>, vector<16xf32>,
        %mul3A_2426 = arith.mulf %select_n3A_2423, %get3A_2425 : vector<16xf32>
        %add3A_2427 = arith.addf %mul3A_2402, %mul3A_2426 : vector<16xf32>
        %add3A_2428 = arith.constant 11 : i32
        %add3A_2429 = arith.addi %mul3A_149, %add3A_2428 : i32
        %get3A_2430 = arith.index_cast %rem3A_88 : i32 to index
        %get3A_2431 = arith.index_cast %add3A_2429 : i32 to index
        %get3A_2432 = arith.constant 32 : index
        %get3A_2433 = tpu.vector_load %arg12[%get3A_2430, %get3A_2431, %get3A_2432] {strides = array<i32>} : memref<2x128x128xf32, #tpu.memory_space<vmem>>, vector<16xf32>,
        %add3A_2434 = arith.constant 11 : i32
        %add3A_2435 = arith.addi %mul3A_149, %add3A_2434 : i32
        %get3A_2436 = arith.index_cast %rem3A_88 : i32 to index
        %get3A_2437 = arith.index_cast %add3A_2435 : i32 to index
        %get3A_2438 = arith.constant 32 : index
        %get3A_2439 = tpu.vector_load %arg13[%get3A_2436, %get3A_2437, %get3A_2438] {strides = array<i32>} : memref<2x128x128xf32, #tpu.memory_space<vmem>>, vector<16xf32>,
        %add3A_2440 = arith.addf %get3A_2433, %get3A_2439 : vector<16xf32>
        %gt3A_2441 = arith.constant 0.000000e+00 : f32
        %gt3A_2442 = vector.broadcast %gt3A_2441 : f32 to vector<16xf32>
        %gt3A_2443 = arith.cmpf ogt, %add3A_2440, %gt3A_2442 : vector<16xf32>
        %exp3A_2444 = math.exp %add3A_2440 : vector<16xf32>
        %sub3A_2445 = arith.constant 1.000000e+00 : f32
        %sub3A_2446 = vector.broadcast %sub3A_2445 : f32 to vector<16xf32>
        %sub3A_2447 = arith.subf %exp3A_2444, %sub3A_2446 : vector<16xf32>
        %select_n3A_2448 = arith.select %gt3A_2443, %add3A_2440, %sub3A_2447 : vector<16xi1>, vector<16xf32>
        %get3A_2449 = arith.constant 32 : index
        %get3A_2450 = tpu.vector_load %arg16[%get3A_2449] {strides = array<i32>} : memref<128xf32, #tpu.memory_space<vmem>>, vector<16xf32>,
        %mul3A_2451 = arith.mulf %select_n3A_2448, %get3A_2450 : vector<16xf32>
        %add3A_2452 = arith.addf %add3A_2427, %mul3A_2451 : vector<16xf32>
        %add3A_2453 = arith.constant 11 : i32
        %add3A_2454 = arith.addi %mul3A_149, %add3A_2453 : i32
        %get3A_2455 = arith.index_cast %rem3A_88 : i32 to index
        %get3A_2456 = arith.index_cast %add3A_2454 : i32 to index
        %get3A_2457 = arith.constant 48 : index
        %get3A_2458 = tpu.vector_load %arg12[%get3A_2455, %get3A_2456, %get3A_2457] {strides = array<i32>} : memref<2x128x128xf32, #tpu.memory_space<vmem>>, vector<16xf32>,
        %add3A_2459 = arith.constant 11 : i32
        %add3A_2460 = arith.addi %mul3A_149, %add3A_2459 : i32
        %get3A_2461 = arith.index_cast %rem3A_88 : i32 to index
        %get3A_2462 = arith.index_cast %add3A_2460 : i32 to index
        %get3A_2463 = arith.constant 48 : index
        %get3A_2464 = tpu.vector_load %arg13[%get3A_2461, %get3A_2462, %get3A_2463] {strides = array<i32>} : memref<2x128x128xf32, #tpu.memory_space<vmem>>, vector<16xf32>,
        %add3A_2465 = arith.addf %get3A_2458, %get3A_2464 : vector<16xf32>
        %gt3A_2466 = arith.constant 0.000000e+00 : f32
        %gt3A_2467 = vector.broadcast %gt3A_2466 : f32 to vector<16xf32>
        %gt3A_2468 = arith.cmpf ogt, %add3A_2465, %gt3A_2467 : vector<16xf32>
        %exp3A_2469 = math.exp %add3A_2465 : vector<16xf32>
        %sub3A_2470 = arith.constant 1.000000e+00 : f32
        %sub3A_2471 = vector.broadcast %sub3A_2470 : f32 to vector<16xf32>
        %sub3A_2472 = arith.subf %exp3A_2469, %sub3A_2471 : vector<16xf32>
        %select_n3A_2473 = arith.select %gt3A_2468, %add3A_2465, %sub3A_2472 : vector<16xi1>, vector<16xf32>
        %get3A_2474 = arith.constant 48 : index
        %get3A_2475 = tpu.vector_load %arg16[%get3A_2474] {strides = array<i32>} : memref<128xf32, #tpu.memory_space<vmem>>, vector<16xf32>,
        %mul3A_2476 = arith.mulf %select_n3A_2473, %get3A_2475 : vector<16xf32>
        %add3A_2477 = arith.addf %add3A_2452, %mul3A_2476 : vector<16xf32>
        %add3A_2478 = arith.constant 11 : i32
        %add3A_2479 = arith.addi %mul3A_149, %add3A_2478 : i32
        %get3A_2480 = arith.index_cast %rem3A_88 : i32 to index
        %get3A_2481 = arith.index_cast %add3A_2479 : i32 to index
        %get3A_2482 = arith.constant 64 : index
        %get3A_2483 = tpu.vector_load %arg12[%get3A_2480, %get3A_2481, %get3A_2482] {strides = array<i32>} : memref<2x128x128xf32, #tpu.memory_space<vmem>>, vector<16xf32>,
        %add3A_2484 = arith.constant 11 : i32
        %add3A_2485 = arith.addi %mul3A_149, %add3A_2484 : i32
        %get3A_2486 = arith.index_cast %rem3A_88 : i32 to index
        %get3A_2487 = arith.index_cast %add3A_2485 : i32 to index
        %get3A_2488 = arith.constant 64 : index
        %get3A_2489 = tpu.vector_load %arg13[%get3A_2486, %get3A_2487, %get3A_2488] {strides = array<i32>} : memref<2x128x128xf32, #tpu.memory_space<vmem>>, vector<16xf32>,
        %add3A_2490 = arith.addf %get3A_2483, %get3A_2489 : vector<16xf32>
        %gt3A_2491 = arith.constant 0.000000e+00 : f32
        %gt3A_2492 = vector.broadcast %gt3A_2491 : f32 to vector<16xf32>
        %gt3A_2493 = arith.cmpf ogt, %add3A_2490, %gt3A_2492 : vector<16xf32>
        %exp3A_2494 = math.exp %add3A_2490 : vector<16xf32>
        %sub3A_2495 = arith.constant 1.000000e+00 : f32
        %sub3A_2496 = vector.broadcast %sub3A_2495 : f32 to vector<16xf32>
        %sub3A_2497 = arith.subf %exp3A_2494, %sub3A_2496 : vector<16xf32>
        %select_n3A_2498 = arith.select %gt3A_2493, %add3A_2490, %sub3A_2497 : vector<16xi1>, vector<16xf32>
        %get3A_2499 = arith.constant 64 : index
        %get3A_2500 = tpu.vector_load %arg16[%get3A_2499] {strides = array<i32>} : memref<128xf32, #tpu.memory_space<vmem>>, vector<16xf32>,
        %mul3A_2501 = arith.mulf %select_n3A_2498, %get3A_2500 : vector<16xf32>
        %add3A_2502 = arith.addf %add3A_2477, %mul3A_2501 : vector<16xf32>
        %add3A_2503 = arith.constant 11 : i32
        %add3A_2504 = arith.addi %mul3A_149, %add3A_2503 : i32
        %get3A_2505 = arith.index_cast %rem3A_88 : i32 to index
        %get3A_2506 = arith.index_cast %add3A_2504 : i32 to index
        %get3A_2507 = arith.constant 80 : index
        %get3A_2508 = tpu.vector_load %arg12[%get3A_2505, %get3A_2506, %get3A_2507] {strides = array<i32>} : memref<2x128x128xf32, #tpu.memory_space<vmem>>, vector<16xf32>,
        %add3A_2509 = arith.constant 11 : i32
        %add3A_2510 = arith.addi %mul3A_149, %add3A_2509 : i32
        %get3A_2511 = arith.index_cast %rem3A_88 : i32 to index
        %get3A_2512 = arith.index_cast %add3A_2510 : i32 to index
        %get3A_2513 = arith.constant 80 : index
        %get3A_2514 = tpu.vector_load %arg13[%get3A_2511, %get3A_2512, %get3A_2513] {strides = array<i32>} : memref<2x128x128xf32, #tpu.memory_space<vmem>>, vector<16xf32>,
        %add3A_2515 = arith.addf %get3A_2508, %get3A_2514 : vector<16xf32>
        %gt3A_2516 = arith.constant 0.000000e+00 : f32
        %gt3A_2517 = vector.broadcast %gt3A_2516 : f32 to vector<16xf32>
        %gt3A_2518 = arith.cmpf ogt, %add3A_2515, %gt3A_2517 : vector<16xf32>
        %exp3A_2519 = math.exp %add3A_2515 : vector<16xf32>
        %sub3A_2520 = arith.constant 1.000000e+00 : f32
        %sub3A_2521 = vector.broadcast %sub3A_2520 : f32 to vector<16xf32>
        %sub3A_2522 = arith.subf %exp3A_2519, %sub3A_2521 : vector<16xf32>
        %select_n3A_2523 = arith.select %gt3A_2518, %add3A_2515, %sub3A_2522 : vector<16xi1>, vector<16xf32>
        %get3A_2524 = arith.constant 80 : index
        %get3A_2525 = tpu.vector_load %arg16[%get3A_2524] {strides = array<i32>} : memref<128xf32, #tpu.memory_space<vmem>>, vector<16xf32>,
        %mul3A_2526 = arith.mulf %select_n3A_2523, %get3A_2525 : vector<16xf32>
        %add3A_2527 = arith.addf %add3A_2502, %mul3A_2526 : vector<16xf32>
        %add3A_2528 = arith.constant 11 : i32
        %add3A_2529 = arith.addi %mul3A_149, %add3A_2528 : i32
        %get3A_2530 = arith.index_cast %rem3A_88 : i32 to index
        %get3A_2531 = arith.index_cast %add3A_2529 : i32 to index
        %get3A_2532 = arith.constant 96 : index
        %get3A_2533 = tpu.vector_load %arg12[%get3A_2530, %get3A_2531, %get3A_2532] {strides = array<i32>} : memref<2x128x128xf32, #tpu.memory_space<vmem>>, vector<16xf32>,
        %add3A_2534 = arith.constant 11 : i32
        %add3A_2535 = arith.addi %mul3A_149, %add3A_2534 : i32
        %get3A_2536 = arith.index_cast %rem3A_88 : i32 to index
        %get3A_2537 = arith.index_cast %add3A_2535 : i32 to index
        %get3A_2538 = arith.constant 96 : index
        %get3A_2539 = tpu.vector_load %arg13[%get3A_2536, %get3A_2537, %get3A_2538] {strides = array<i32>} : memref<2x128x128xf32, #tpu.memory_space<vmem>>, vector<16xf32>,
        %add3A_2540 = arith.addf %get3A_2533, %get3A_2539 : vector<16xf32>
        %gt3A_2541 = arith.constant 0.000000e+00 : f32
        %gt3A_2542 = vector.broadcast %gt3A_2541 : f32 to vector<16xf32>
        %gt3A_2543 = arith.cmpf ogt, %add3A_2540, %gt3A_2542 : vector<16xf32>
        %exp3A_2544 = math.exp %add3A_2540 : vector<16xf32>
        %sub3A_2545 = arith.constant 1.000000e+00 : f32
        %sub3A_2546 = vector.broadcast %sub3A_2545 : f32 to vector<16xf32>
        %sub3A_2547 = arith.subf %exp3A_2544, %sub3A_2546 : vector<16xf32>
        %select_n3A_2548 = arith.select %gt3A_2543, %add3A_2540, %sub3A_2547 : vector<16xi1>, vector<16xf32>
        %get3A_2549 = arith.constant 96 : index
        %get3A_2550 = tpu.vector_load %arg16[%get3A_2549] {strides = array<i32>} : memref<128xf32, #tpu.memory_space<vmem>>, vector<16xf32>,
        %mul3A_2551 = arith.mulf %select_n3A_2548, %get3A_2550 : vector<16xf32>
        %add3A_2552 = arith.addf %add3A_2527, %mul3A_2551 : vector<16xf32>
        %add3A_2553 = arith.constant 11 : i32
        %add3A_2554 = arith.addi %mul3A_149, %add3A_2553 : i32
        %get3A_2555 = arith.index_cast %rem3A_88 : i32 to index
        %get3A_2556 = arith.index_cast %add3A_2554 : i32 to index
        %get3A_2557 = arith.constant 112 : index
        %get3A_2558 = tpu.vector_load %arg12[%get3A_2555, %get3A_2556, %get3A_2557] {strides = array<i32>} : memref<2x128x128xf32, #tpu.memory_space<vmem>>, vector<16xf32>,
        %add3A_2559 = arith.constant 11 : i32
        %add3A_2560 = arith.addi %mul3A_149, %add3A_2559 : i32
        %get3A_2561 = arith.index_cast %rem3A_88 : i32 to index
        %get3A_2562 = arith.index_cast %add3A_2560 : i32 to index
        %get3A_2563 = arith.constant 112 : index
        %get3A_2564 = tpu.vector_load %arg13[%get3A_2561, %get3A_2562, %get3A_2563] {strides = array<i32>} : memref<2x128x128xf32, #tpu.memory_space<vmem>>, vector<16xf32>,
        %add3A_2565 = arith.addf %get3A_2558, %get3A_2564 : vector<16xf32>
        %gt3A_2566 = arith.constant 0.000000e+00 : f32
        %gt3A_2567 = vector.broadcast %gt3A_2566 : f32 to vector<16xf32>
        %gt3A_2568 = arith.cmpf ogt, %add3A_2565, %gt3A_2567 : vector<16xf32>
        %exp3A_2569 = math.exp %add3A_2565 : vector<16xf32>
        %sub3A_2570 = arith.constant 1.000000e+00 : f32
        %sub3A_2571 = vector.broadcast %sub3A_2570 : f32 to vector<16xf32>
        %sub3A_2572 = arith.subf %exp3A_2569, %sub3A_2571 : vector<16xf32>
        %select_n3A_2573 = arith.select %gt3A_2568, %add3A_2565, %sub3A_2572 : vector<16xi1>, vector<16xf32>
        %get3A_2574 = arith.constant 112 : index
        %get3A_2575 = tpu.vector_load %arg16[%get3A_2574] {strides = array<i32>} : memref<128xf32, #tpu.memory_space<vmem>>, vector<16xf32>,
        %mul3A_2576 = arith.mulf %select_n3A_2573, %get3A_2575 : vector<16xf32>
        %add3A_2577 = arith.addf %add3A_2552, %mul3A_2576 : vector<16xf32>
        %swap3A_2578 = arith.constant 11 : i32
        %swap3A_2579 = arith.index_cast %swap3A_2578 : i32 to index
        %swap3A_2580 = arith.constant 0 : index
        %swap3A_2581 = tpu.vector_load %arg18[%swap3A_2579, %swap3A_2580] {strides = array<i32>} : memref<16x16xf32, #tpu.memory_space<vmem>>, vector<16xf32>,
        tpu.vector_store %arg18[%swap3A_2579, %swap3A_2580], %add3A_2577 {strides = array<i32>} : memref<16x16xf32, #tpu.memory_space<vmem>>, vector<16xf32>,
        %add3A_2582 = arith.constant 12 : i32
        %add3A_2583 = arith.addi %mul3A_149, %add3A_2582 : i32
        %get3A_2584 = arith.index_cast %rem3A_88 : i32 to index
        %get3A_2585 = arith.index_cast %add3A_2583 : i32 to index
        %get3A_2586 = arith.constant 0 : index
        %get3A_2587 = tpu.vector_load %arg12[%get3A_2584, %get3A_2585, %get3A_2586] {strides = array<i32>} : memref<2x128x128xf32, #tpu.memory_space<vmem>>, vector<16xf32>,
        %add3A_2588 = arith.constant 12 : i32
        %add3A_2589 = arith.addi %mul3A_149, %add3A_2588 : i32
        %get3A_2590 = arith.index_cast %rem3A_88 : i32 to index
        %get3A_2591 = arith.index_cast %add3A_2589 : i32 to index
        %get3A_2592 = arith.constant 0 : index
        %get3A_2593 = tpu.vector_load %arg13[%get3A_2590, %get3A_2591, %get3A_2592] {strides = array<i32>} : memref<2x128x128xf32, #tpu.memory_space<vmem>>, vector<16xf32>,
        %add3A_2594 = arith.addf %get3A_2587, %get3A_2593 : vector<16xf32>
        %gt3A_2595 = arith.constant 0.000000e+00 : f32
        %gt3A_2596 = vector.broadcast %gt3A_2595 : f32 to vector<16xf32>
        %gt3A_2597 = arith.cmpf ogt, %add3A_2594, %gt3A_2596 : vector<16xf32>
        %exp3A_2598 = math.exp %add3A_2594 : vector<16xf32>
        %sub3A_2599 = arith.constant 1.000000e+00 : f32
        %sub3A_2600 = vector.broadcast %sub3A_2599 : f32 to vector<16xf32>
        %sub3A_2601 = arith.subf %exp3A_2598, %sub3A_2600 : vector<16xf32>
        %select_n3A_2602 = arith.select %gt3A_2597, %add3A_2594, %sub3A_2601 : vector<16xi1>, vector<16xf32>
        %get3A_2603 = arith.constant 0 : index
        %get3A_2604 = tpu.vector_load %arg16[%get3A_2603] {strides = array<i32>} : memref<128xf32, #tpu.memory_space<vmem>>, vector<16xf32>,
        %mul3A_2605 = arith.mulf %select_n3A_2602, %get3A_2604 : vector<16xf32>
        %add3A_2606 = arith.constant 12 : i32
        %add3A_2607 = arith.addi %mul3A_149, %add3A_2606 : i32
        %get3A_2608 = arith.index_cast %rem3A_88 : i32 to index
        %get3A_2609 = arith.index_cast %add3A_2607 : i32 to index
        %get3A_2610 = arith.constant 16 : index
        %get3A_2611 = tpu.vector_load %arg12[%get3A_2608, %get3A_2609, %get3A_2610] {strides = array<i32>} : memref<2x128x128xf32, #tpu.memory_space<vmem>>, vector<16xf32>,
        %add3A_2612 = arith.constant 12 : i32
        %add3A_2613 = arith.addi %mul3A_149, %add3A_2612 : i32
        %get3A_2614 = arith.index_cast %rem3A_88 : i32 to index
        %get3A_2615 = arith.index_cast %add3A_2613 : i32 to index
        %get3A_2616 = arith.constant 16 : index
        %get3A_2617 = tpu.vector_load %arg13[%get3A_2614, %get3A_2615, %get3A_2616] {strides = array<i32>} : memref<2x128x128xf32, #tpu.memory_space<vmem>>, vector<16xf32>,
        %add3A_2618 = arith.addf %get3A_2611, %get3A_2617 : vector<16xf32>
        %gt3A_2619 = arith.constant 0.000000e+00 : f32
        %gt3A_2620 = vector.broadcast %gt3A_2619 : f32 to vector<16xf32>
        %gt3A_2621 = arith.cmpf ogt, %add3A_2618, %gt3A_2620 : vector<16xf32>
        %exp3A_2622 = math.exp %add3A_2618 : vector<16xf32>
        %sub3A_2623 = arith.constant 1.000000e+00 : f32
        %sub3A_2624 = vector.broadcast %sub3A_2623 : f32 to vector<16xf32>
        %sub3A_2625 = arith.subf %exp3A_2622, %sub3A_2624 : vector<16xf32>
        %select_n3A_2626 = arith.select %gt3A_2621, %add3A_2618, %sub3A_2625 : vector<16xi1>, vector<16xf32>
        %get3A_2627 = arith.constant 16 : index
        %get3A_2628 = tpu.vector_load %arg16[%get3A_2627] {strides = array<i32>} : memref<128xf32, #tpu.memory_space<vmem>>, vector<16xf32>,
        %mul3A_2629 = arith.mulf %select_n3A_2626, %get3A_2628 : vector<16xf32>
        %add3A_2630 = arith.addf %mul3A_2605, %mul3A_2629 : vector<16xf32>
        %add3A_2631 = arith.constant 12 : i32
        %add3A_2632 = arith.addi %mul3A_149, %add3A_2631 : i32
        %get3A_2633 = arith.index_cast %rem3A_88 : i32 to index
        %get3A_2634 = arith.index_cast %add3A_2632 : i32 to index
        %get3A_2635 = arith.constant 32 : index
        %get3A_2636 = tpu.vector_load %arg12[%get3A_2633, %get3A_2634, %get3A_2635] {strides = array<i32>} : memref<2x128x128xf32, #tpu.memory_space<vmem>>, vector<16xf32>,
        %add3A_2637 = arith.constant 12 : i32
        %add3A_2638 = arith.addi %mul3A_149, %add3A_2637 : i32
        %get3A_2639 = arith.index_cast %rem3A_88 : i32 to index
        %get3A_2640 = arith.index_cast %add3A_2638 : i32 to index
        %get3A_2641 = arith.constant 32 : index
        %get3A_2642 = tpu.vector_load %arg13[%get3A_2639, %get3A_2640, %get3A_2641] {strides = array<i32>} : memref<2x128x128xf32, #tpu.memory_space<vmem>>, vector<16xf32>,
        %add3A_2643 = arith.addf %get3A_2636, %get3A_2642 : vector<16xf32>
        %gt3A_2644 = arith.constant 0.000000e+00 : f32
        %gt3A_2645 = vector.broadcast %gt3A_2644 : f32 to vector<16xf32>
        %gt3A_2646 = arith.cmpf ogt, %add3A_2643, %gt3A_2645 : vector<16xf32>
        %exp3A_2647 = math.exp %add3A_2643 : vector<16xf32>
        %sub3A_2648 = arith.constant 1.000000e+00 : f32
        %sub3A_2649 = vector.broadcast %sub3A_2648 : f32 to vector<16xf32>
        %sub3A_2650 = arith.subf %exp3A_2647, %sub3A_2649 : vector<16xf32>
        %select_n3A_2651 = arith.select %gt3A_2646, %add3A_2643, %sub3A_2650 : vector<16xi1>, vector<16xf32>
        %get3A_2652 = arith.constant 32 : index
        %get3A_2653 = tpu.vector_load %arg16[%get3A_2652] {strides = array<i32>} : memref<128xf32, #tpu.memory_space<vmem>>, vector<16xf32>,
        %mul3A_2654 = arith.mulf %select_n3A_2651, %get3A_2653 : vector<16xf32>
        %add3A_2655 = arith.addf %add3A_2630, %mul3A_2654 : vector<16xf32>
        %add3A_2656 = arith.constant 12 : i32
        %add3A_2657 = arith.addi %mul3A_149, %add3A_2656 : i32
        %get3A_2658 = arith.index_cast %rem3A_88 : i32 to index
        %get3A_2659 = arith.index_cast %add3A_2657 : i32 to index
        %get3A_2660 = arith.constant 48 : index
        %get3A_2661 = tpu.vector_load %arg12[%get3A_2658, %get3A_2659, %get3A_2660] {strides = array<i32>} : memref<2x128x128xf32, #tpu.memory_space<vmem>>, vector<16xf32>,
        %add3A_2662 = arith.constant 12 : i32
        %add3A_2663 = arith.addi %mul3A_149, %add3A_2662 : i32
        %get3A_2664 = arith.index_cast %rem3A_88 : i32 to index
        %get3A_2665 = arith.index_cast %add3A_2663 : i32 to index
        %get3A_2666 = arith.constant 48 : index
        %get3A_2667 = tpu.vector_load %arg13[%get3A_2664, %get3A_2665, %get3A_2666] {strides = array<i32>} : memref<2x128x128xf32, #tpu.memory_space<vmem>>, vector<16xf32>,
        %add3A_2668 = arith.addf %get3A_2661, %get3A_2667 : vector<16xf32>
        %gt3A_2669 = arith.constant 0.000000e+00 : f32
        %gt3A_2670 = vector.broadcast %gt3A_2669 : f32 to vector<16xf32>
        %gt3A_2671 = arith.cmpf ogt, %add3A_2668, %gt3A_2670 : vector<16xf32>
        %exp3A_2672 = math.exp %add3A_2668 : vector<16xf32>
        %sub3A_2673 = arith.constant 1.000000e+00 : f32
        %sub3A_2674 = vector.broadcast %sub3A_2673 : f32 to vector<16xf32>
        %sub3A_2675 = arith.subf %exp3A_2672, %sub3A_2674 : vector<16xf32>
        %select_n3A_2676 = arith.select %gt3A_2671, %add3A_2668, %sub3A_2675 : vector<16xi1>, vector<16xf32>
        %get3A_2677 = arith.constant 48 : index
        %get3A_2678 = tpu.vector_load %arg16[%get3A_2677] {strides = array<i32>} : memref<128xf32, #tpu.memory_space<vmem>>, vector<16xf32>,
        %mul3A_2679 = arith.mulf %select_n3A_2676, %get3A_2678 : vector<16xf32>
        %add3A_2680 = arith.addf %add3A_2655, %mul3A_2679 : vector<16xf32>
        %add3A_2681 = arith.constant 12 : i32
        %add3A_2682 = arith.addi %mul3A_149, %add3A_2681 : i32
        %get3A_2683 = arith.index_cast %rem3A_88 : i32 to index
        %get3A_2684 = arith.index_cast %add3A_2682 : i32 to index
        %get3A_2685 = arith.constant 64 : index
        %get3A_2686 = tpu.vector_load %arg12[%get3A_2683, %get3A_2684, %get3A_2685] {strides = array<i32>} : memref<2x128x128xf32, #tpu.memory_space<vmem>>, vector<16xf32>,
        %add3A_2687 = arith.constant 12 : i32
        %add3A_2688 = arith.addi %mul3A_149, %add3A_2687 : i32
        %get3A_2689 = arith.index_cast %rem3A_88 : i32 to index
        %get3A_2690 = arith.index_cast %add3A_2688 : i32 to index
        %get3A_2691 = arith.constant 64 : index
        %get3A_2692 = tpu.vector_load %arg13[%get3A_2689, %get3A_2690, %get3A_2691] {strides = array<i32>} : memref<2x128x128xf32, #tpu.memory_space<vmem>>, vector<16xf32>,
        %add3A_2693 = arith.addf %get3A_2686, %get3A_2692 : vector<16xf32>
        %gt3A_2694 = arith.constant 0.000000e+00 : f32
        %gt3A_2695 = vector.broadcast %gt3A_2694 : f32 to vector<16xf32>
        %gt3A_2696 = arith.cmpf ogt, %add3A_2693, %gt3A_2695 : vector<16xf32>
        %exp3A_2697 = math.exp %add3A_2693 : vector<16xf32>
        %sub3A_2698 = arith.constant 1.000000e+00 : f32
        %sub3A_2699 = vector.broadcast %sub3A_2698 : f32 to vector<16xf32>
        %sub3A_2700 = arith.subf %exp3A_2697, %sub3A_2699 : vector<16xf32>
        %select_n3A_2701 = arith.select %gt3A_2696, %add3A_2693, %sub3A_2700 : vector<16xi1>, vector<16xf32>
        %get3A_2702 = arith.constant 64 : index
        %get3A_2703 = tpu.vector_load %arg16[%get3A_2702] {strides = array<i32>} : memref<128xf32, #tpu.memory_space<vmem>>, vector<16xf32>,
        %mul3A_2704 = arith.mulf %select_n3A_2701, %get3A_2703 : vector<16xf32>
        %add3A_2705 = arith.addf %add3A_2680, %mul3A_2704 : vector<16xf32>
        %add3A_2706 = arith.constant 12 : i32
        %add3A_2707 = arith.addi %mul3A_149, %add3A_2706 : i32
        %get3A_2708 = arith.index_cast %rem3A_88 : i32 to index
        %get3A_2709 = arith.index_cast %add3A_2707 : i32 to index
        %get3A_2710 = arith.constant 80 : index
        %get3A_2711 = tpu.vector_load %arg12[%get3A_2708, %get3A_2709, %get3A_2710] {strides = array<i32>} : memref<2x128x128xf32, #tpu.memory_space<vmem>>, vector<16xf32>,
        %add3A_2712 = arith.constant 12 : i32
        %add3A_2713 = arith.addi %mul3A_149, %add3A_2712 : i32
        %get3A_2714 = arith.index_cast %rem3A_88 : i32 to index
        %get3A_2715 = arith.index_cast %add3A_2713 : i32 to index
        %get3A_2716 = arith.constant 80 : index
        %get3A_2717 = tpu.vector_load %arg13[%get3A_2714, %get3A_2715, %get3A_2716] {strides = array<i32>} : memref<2x128x128xf32, #tpu.memory_space<vmem>>, vector<16xf32>,
        %add3A_2718 = arith.addf %get3A_2711, %get3A_2717 : vector<16xf32>
        %gt3A_2719 = arith.constant 0.000000e+00 : f32
        %gt3A_2720 = vector.broadcast %gt3A_2719 : f32 to vector<16xf32>
        %gt3A_2721 = arith.cmpf ogt, %add3A_2718, %gt3A_2720 : vector<16xf32>
        %exp3A_2722 = math.exp %add3A_2718 : vector<16xf32>
        %sub3A_2723 = arith.constant 1.000000e+00 : f32
        %sub3A_2724 = vector.broadcast %sub3A_2723 : f32 to vector<16xf32>
        %sub3A_2725 = arith.subf %exp3A_2722, %sub3A_2724 : vector<16xf32>
        %select_n3A_2726 = arith.select %gt3A_2721, %add3A_2718, %sub3A_2725 : vector<16xi1>, vector<16xf32>
        %get3A_2727 = arith.constant 80 : index
        %get3A_2728 = tpu.vector_load %arg16[%get3A_2727] {strides = array<i32>} : memref<128xf32, #tpu.memory_space<vmem>>, vector<16xf32>,
        %mul3A_2729 = arith.mulf %select_n3A_2726, %get3A_2728 : vector<16xf32>
        %add3A_2730 = arith.addf %add3A_2705, %mul3A_2729 : vector<16xf32>
        %add3A_2731 = arith.constant 12 : i32
        %add3A_2732 = arith.addi %mul3A_149, %add3A_2731 : i32
        %get3A_2733 = arith.index_cast %rem3A_88 : i32 to index
        %get3A_2734 = arith.index_cast %add3A_2732 : i32 to index
        %get3A_2735 = arith.constant 96 : index
        %get3A_2736 = tpu.vector_load %arg12[%get3A_2733, %get3A_2734, %get3A_2735] {strides = array<i32>} : memref<2x128x128xf32, #tpu.memory_space<vmem>>, vector<16xf32>,
        %add3A_2737 = arith.constant 12 : i32
        %add3A_2738 = arith.addi %mul3A_149, %add3A_2737 : i32
        %get3A_2739 = arith.index_cast %rem3A_88 : i32 to index
        %get3A_2740 = arith.index_cast %add3A_2738 : i32 to index
        %get3A_2741 = arith.constant 96 : index
        %get3A_2742 = tpu.vector_load %arg13[%get3A_2739, %get3A_2740, %get3A_2741] {strides = array<i32>} : memref<2x128x128xf32, #tpu.memory_space<vmem>>, vector<16xf32>,
        %add3A_2743 = arith.addf %get3A_2736, %get3A_2742 : vector<16xf32>
        %gt3A_2744 = arith.constant 0.000000e+00 : f32
        %gt3A_2745 = vector.broadcast %gt3A_2744 : f32 to vector<16xf32>
        %gt3A_2746 = arith.cmpf ogt, %add3A_2743, %gt3A_2745 : vector<16xf32>
        %exp3A_2747 = math.exp %add3A_2743 : vector<16xf32>
        %sub3A_2748 = arith.constant 1.000000e+00 : f32
        %sub3A_2749 = vector.broadcast %sub3A_2748 : f32 to vector<16xf32>
        %sub3A_2750 = arith.subf %exp3A_2747, %sub3A_2749 : vector<16xf32>
        %select_n3A_2751 = arith.select %gt3A_2746, %add3A_2743, %sub3A_2750 : vector<16xi1>, vector<16xf32>
        %get3A_2752 = arith.constant 96 : index
        %get3A_2753 = tpu.vector_load %arg16[%get3A_2752] {strides = array<i32>} : memref<128xf32, #tpu.memory_space<vmem>>, vector<16xf32>,
        %mul3A_2754 = arith.mulf %select_n3A_2751, %get3A_2753 : vector<16xf32>
        %add3A_2755 = arith.addf %add3A_2730, %mul3A_2754 : vector<16xf32>
        %add3A_2756 = arith.constant 12 : i32
        %add3A_2757 = arith.addi %mul3A_149, %add3A_2756 : i32
        %get3A_2758 = arith.index_cast %rem3A_88 : i32 to index
        %get3A_2759 = arith.index_cast %add3A_2757 : i32 to index
        %get3A_2760 = arith.constant 112 : index
        %get3A_2761 = tpu.vector_load %arg12[%get3A_2758, %get3A_2759, %get3A_2760] {strides = array<i32>} : memref<2x128x128xf32, #tpu.memory_space<vmem>>, vector<16xf32>,
        %add3A_2762 = arith.constant 12 : i32
        %add3A_2763 = arith.addi %mul3A_149, %add3A_2762 : i32
        %get3A_2764 = arith.index_cast %rem3A_88 : i32 to index
        %get3A_2765 = arith.index_cast %add3A_2763 : i32 to index
        %get3A_2766 = arith.constant 112 : index
        %get3A_2767 = tpu.vector_load %arg13[%get3A_2764, %get3A_2765, %get3A_2766] {strides = array<i32>} : memref<2x128x128xf32, #tpu.memory_space<vmem>>, vector<16xf32>,
        %add3A_2768 = arith.addf %get3A_2761, %get3A_2767 : vector<16xf32>
        %gt3A_2769 = arith.constant 0.000000e+00 : f32
        %gt3A_2770 = vector.broadcast %gt3A_2769 : f32 to vector<16xf32>
        %gt3A_2771 = arith.cmpf ogt, %add3A_2768, %gt3A_2770 : vector<16xf32>
        %exp3A_2772 = math.exp %add3A_2768 : vector<16xf32>
        %sub3A_2773 = arith.constant 1.000000e+00 : f32
        %sub3A_2774 = vector.broadcast %sub3A_2773 : f32 to vector<16xf32>
        %sub3A_2775 = arith.subf %exp3A_2772, %sub3A_2774 : vector<16xf32>
        %select_n3A_2776 = arith.select %gt3A_2771, %add3A_2768, %sub3A_2775 : vector<16xi1>, vector<16xf32>
        %get3A_2777 = arith.constant 112 : index
        %get3A_2778 = tpu.vector_load %arg16[%get3A_2777] {strides = array<i32>} : memref<128xf32, #tpu.memory_space<vmem>>, vector<16xf32>,
        %mul3A_2779 = arith.mulf %select_n3A_2776, %get3A_2778 : vector<16xf32>
        %add3A_2780 = arith.addf %add3A_2755, %mul3A_2779 : vector<16xf32>
        %swap3A_2781 = arith.constant 12 : i32
        %swap3A_2782 = arith.index_cast %swap3A_2781 : i32 to index
        %swap3A_2783 = arith.constant 0 : index
        %swap3A_2784 = tpu.vector_load %arg18[%swap3A_2782, %swap3A_2783] {strides = array<i32>} : memref<16x16xf32, #tpu.memory_space<vmem>>, vector<16xf32>,
        tpu.vector_store %arg18[%swap3A_2782, %swap3A_2783], %add3A_2780 {strides = array<i32>} : memref<16x16xf32, #tpu.memory_space<vmem>>, vector<16xf32>,
        %add3A_2785 = arith.constant 13 : i32
        %add3A_2786 = arith.addi %mul3A_149, %add3A_2785 : i32
        %get3A_2787 = arith.index_cast %rem3A_88 : i32 to index
        %get3A_2788 = arith.index_cast %add3A_2786 : i32 to index
        %get3A_2789 = arith.constant 0 : index
        %get3A_2790 = tpu.vector_load %arg12[%get3A_2787, %get3A_2788, %get3A_2789] {strides = array<i32>} : memref<2x128x128xf32, #tpu.memory_space<vmem>>, vector<16xf32>,
        %add3A_2791 = arith.constant 13 : i32
        %add3A_2792 = arith.addi %mul3A_149, %add3A_2791 : i32
        %get3A_2793 = arith.index_cast %rem3A_88 : i32 to index
        %get3A_2794 = arith.index_cast %add3A_2792 : i32 to index
        %get3A_2795 = arith.constant 0 : index
        %get3A_2796 = tpu.vector_load %arg13[%get3A_2793, %get3A_2794, %get3A_2795] {strides = array<i32>} : memref<2x128x128xf32, #tpu.memory_space<vmem>>, vector<16xf32>,
        %add3A_2797 = arith.addf %get3A_2790, %get3A_2796 : vector<16xf32>
        %gt3A_2798 = arith.constant 0.000000e+00 : f32
        %gt3A_2799 = vector.broadcast %gt3A_2798 : f32 to vector<16xf32>
        %gt3A_2800 = arith.cmpf ogt, %add3A_2797, %gt3A_2799 : vector<16xf32>
        %exp3A_2801 = math.exp %add3A_2797 : vector<16xf32>
        %sub3A_2802 = arith.constant 1.000000e+00 : f32
        %sub3A_2803 = vector.broadcast %sub3A_2802 : f32 to vector<16xf32>
        %sub3A_2804 = arith.subf %exp3A_2801, %sub3A_2803 : vector<16xf32>
        %select_n3A_2805 = arith.select %gt3A_2800, %add3A_2797, %sub3A_2804 : vector<16xi1>, vector<16xf32>
        %get3A_2806 = arith.constant 0 : index
        %get3A_2807 = tpu.vector_load %arg16[%get3A_2806] {strides = array<i32>} : memref<128xf32, #tpu.memory_space<vmem>>, vector<16xf32>,
        %mul3A_2808 = arith.mulf %select_n3A_2805, %get3A_2807 : vector<16xf32>
        %add3A_2809 = arith.constant 13 : i32
        %add3A_2810 = arith.addi %mul3A_149, %add3A_2809 : i32
        %get3A_2811 = arith.index_cast %rem3A_88 : i32 to index
        %get3A_2812 = arith.index_cast %add3A_2810 : i32 to index
        %get3A_2813 = arith.constant 16 : index
        %get3A_2814 = tpu.vector_load %arg12[%get3A_2811, %get3A_2812, %get3A_2813] {strides = array<i32>} : memref<2x128x128xf32, #tpu.memory_space<vmem>>, vector<16xf32>,
        %add3A_2815 = arith.constant 13 : i32
        %add3A_2816 = arith.addi %mul3A_149, %add3A_2815 : i32
        %get3A_2817 = arith.index_cast %rem3A_88 : i32 to index
        %get3A_2818 = arith.index_cast %add3A_2816 : i32 to index
        %get3A_2819 = arith.constant 16 : index
        %get3A_2820 = tpu.vector_load %arg13[%get3A_2817, %get3A_2818, %get3A_2819] {strides = array<i32>} : memref<2x128x128xf32, #tpu.memory_space<vmem>>, vector<16xf32>,
        %add3A_2821 = arith.addf %get3A_2814, %get3A_2820 : vector<16xf32>
        %gt3A_2822 = arith.constant 0.000000e+00 : f32
        %gt3A_2823 = vector.broadcast %gt3A_2822 : f32 to vector<16xf32>
        %gt3A_2824 = arith.cmpf ogt, %add3A_2821, %gt3A_2823 : vector<16xf32>
        %exp3A_2825 = math.exp %add3A_2821 : vector<16xf32>
        %sub3A_2826 = arith.constant 1.000000e+00 : f32
        %sub3A_2827 = vector.broadcast %sub3A_2826 : f32 to vector<16xf32>
        %sub3A_2828 = arith.subf %exp3A_2825, %sub3A_2827 : vector<16xf32>
        %select_n3A_2829 = arith.select %gt3A_2824, %add3A_2821, %sub3A_2828 : vector<16xi1>, vector<16xf32>
        %get3A_2830 = arith.constant 16 : index
        %get3A_2831 = tpu.vector_load %arg16[%get3A_2830] {strides = array<i32>} : memref<128xf32, #tpu.memory_space<vmem>>, vector<16xf32>,
        %mul3A_2832 = arith.mulf %select_n3A_2829, %get3A_2831 : vector<16xf32>
        %add3A_2833 = arith.addf %mul3A_2808, %mul3A_2832 : vector<16xf32>
        %add3A_2834 = arith.constant 13 : i32
        %add3A_2835 = arith.addi %mul3A_149, %add3A_2834 : i32
        %get3A_2836 = arith.index_cast %rem3A_88 : i32 to index
        %get3A_2837 = arith.index_cast %add3A_2835 : i32 to index
        %get3A_2838 = arith.constant 32 : index
        %get3A_2839 = tpu.vector_load %arg12[%get3A_2836, %get3A_2837, %get3A_2838] {strides = array<i32>} : memref<2x128x128xf32, #tpu.memory_space<vmem>>, vector<16xf32>,
        %add3A_2840 = arith.constant 13 : i32
        %add3A_2841 = arith.addi %mul3A_149, %add3A_2840 : i32
        %get3A_2842 = arith.index_cast %rem3A_88 : i32 to index
        %get3A_2843 = arith.index_cast %add3A_2841 : i32 to index
        %get3A_2844 = arith.constant 32 : index
        %get3A_2845 = tpu.vector_load %arg13[%get3A_2842, %get3A_2843, %get3A_2844] {strides = array<i32>} : memref<2x128x128xf32, #tpu.memory_space<vmem>>, vector<16xf32>,
        %add3A_2846 = arith.addf %get3A_2839, %get3A_2845 : vector<16xf32>
        %gt3A_2847 = arith.constant 0.000000e+00 : f32
        %gt3A_2848 = vector.broadcast %gt3A_2847 : f32 to vector<16xf32>
        %gt3A_2849 = arith.cmpf ogt, %add3A_2846, %gt3A_2848 : vector<16xf32>
        %exp3A_2850 = math.exp %add3A_2846 : vector<16xf32>
        %sub3A_2851 = arith.constant 1.000000e+00 : f32
        %sub3A_2852 = vector.broadcast %sub3A_2851 : f32 to vector<16xf32>
        %sub3A_2853 = arith.subf %exp3A_2850, %sub3A_2852 : vector<16xf32>
        %select_n3A_2854 = arith.select %gt3A_2849, %add3A_2846, %sub3A_2853 : vector<16xi1>, vector<16xf32>
        %get3A_2855 = arith.constant 32 : index
        %get3A_2856 = tpu.vector_load %arg16[%get3A_2855] {strides = array<i32>} : memref<128xf32, #tpu.memory_space<vmem>>, vector<16xf32>,
        %mul3A_2857 = arith.mulf %select_n3A_2854, %get3A_2856 : vector<16xf32>
        %add3A_2858 = arith.addf %add3A_2833, %mul3A_2857 : vector<16xf32>
        %add3A_2859 = arith.constant 13 : i32
        %add3A_2860 = arith.addi %mul3A_149, %add3A_2859 : i32
        %get3A_2861 = arith.index_cast %rem3A_88 : i32 to index
        %get3A_2862 = arith.index_cast %add3A_2860 : i32 to index
        %get3A_2863 = arith.constant 48 : index
        %get3A_2864 = tpu.vector_load %arg12[%get3A_2861, %get3A_2862, %get3A_2863] {strides = array<i32>} : memref<2x128x128xf32, #tpu.memory_space<vmem>>, vector<16xf32>,
        %add3A_2865 = arith.constant 13 : i32
        %add3A_2866 = arith.addi %mul3A_149, %add3A_2865 : i32
        %get3A_2867 = arith.index_cast %rem3A_88 : i32 to index
        %get3A_2868 = arith.index_cast %add3A_2866 : i32 to index
        %get3A_2869 = arith.constant 48 : index
        %get3A_2870 = tpu.vector_load %arg13[%get3A_2867, %get3A_2868, %get3A_2869] {strides = array<i32>} : memref<2x128x128xf32, #tpu.memory_space<vmem>>, vector<16xf32>,
        %add3A_2871 = arith.addf %get3A_2864, %get3A_2870 : vector<16xf32>
        %gt3A_2872 = arith.constant 0.000000e+00 : f32
        %gt3A_2873 = vector.broadcast %gt3A_2872 : f32 to vector<16xf32>
        %gt3A_2874 = arith.cmpf ogt, %add3A_2871, %gt3A_2873 : vector<16xf32>
        %exp3A_2875 = math.exp %add3A_2871 : vector<16xf32>
        %sub3A_2876 = arith.constant 1.000000e+00 : f32
        %sub3A_2877 = vector.broadcast %sub3A_2876 : f32 to vector<16xf32>
        %sub3A_2878 = arith.subf %exp3A_2875, %sub3A_2877 : vector<16xf32>
        %select_n3A_2879 = arith.select %gt3A_2874, %add3A_2871, %sub3A_2878 : vector<16xi1>, vector<16xf32>
        %get3A_2880 = arith.constant 48 : index
        %get3A_2881 = tpu.vector_load %arg16[%get3A_2880] {strides = array<i32>} : memref<128xf32, #tpu.memory_space<vmem>>, vector<16xf32>,
        %mul3A_2882 = arith.mulf %select_n3A_2879, %get3A_2881 : vector<16xf32>
        %add3A_2883 = arith.addf %add3A_2858, %mul3A_2882 : vector<16xf32>
        %add3A_2884 = arith.constant 13 : i32
        %add3A_2885 = arith.addi %mul3A_149, %add3A_2884 : i32
        %get3A_2886 = arith.index_cast %rem3A_88 : i32 to index
        %get3A_2887 = arith.index_cast %add3A_2885 : i32 to index
        %get3A_2888 = arith.constant 64 : index
        %get3A_2889 = tpu.vector_load %arg12[%get3A_2886, %get3A_2887, %get3A_2888] {strides = array<i32>} : memref<2x128x128xf32, #tpu.memory_space<vmem>>, vector<16xf32>,
        %add3A_2890 = arith.constant 13 : i32
        %add3A_2891 = arith.addi %mul3A_149, %add3A_2890 : i32
        %get3A_2892 = arith.index_cast %rem3A_88 : i32 to index
        %get3A_2893 = arith.index_cast %add3A_2891 : i32 to index
        %get3A_2894 = arith.constant 64 : index
        %get3A_2895 = tpu.vector_load %arg13[%get3A_2892, %get3A_2893, %get3A_2894] {strides = array<i32>} : memref<2x128x128xf32, #tpu.memory_space<vmem>>, vector<16xf32>,
        %add3A_2896 = arith.addf %get3A_2889, %get3A_2895 : vector<16xf32>
        %gt3A_2897 = arith.constant 0.000000e+00 : f32
        %gt3A_2898 = vector.broadcast %gt3A_2897 : f32 to vector<16xf32>
        %gt3A_2899 = arith.cmpf ogt, %add3A_2896, %gt3A_2898 : vector<16xf32>
        %exp3A_2900 = math.exp %add3A_2896 : vector<16xf32>
        %sub3A_2901 = arith.constant 1.000000e+00 : f32
        %sub3A_2902 = vector.broadcast %sub3A_2901 : f32 to vector<16xf32>
        %sub3A_2903 = arith.subf %exp3A_2900, %sub3A_2902 : vector<16xf32>
        %select_n3A_2904 = arith.select %gt3A_2899, %add3A_2896, %sub3A_2903 : vector<16xi1>, vector<16xf32>
        %get3A_2905 = arith.constant 64 : index
        %get3A_2906 = tpu.vector_load %arg16[%get3A_2905] {strides = array<i32>} : memref<128xf32, #tpu.memory_space<vmem>>, vector<16xf32>,
        %mul3A_2907 = arith.mulf %select_n3A_2904, %get3A_2906 : vector<16xf32>
        %add3A_2908 = arith.addf %add3A_2883, %mul3A_2907 : vector<16xf32>
        %add3A_2909 = arith.constant 13 : i32
        %add3A_2910 = arith.addi %mul3A_149, %add3A_2909 : i32
        %get3A_2911 = arith.index_cast %rem3A_88 : i32 to index
        %get3A_2912 = arith.index_cast %add3A_2910 : i32 to index
        %get3A_2913 = arith.constant 80 : index
        %get3A_2914 = tpu.vector_load %arg12[%get3A_2911, %get3A_2912, %get3A_2913] {strides = array<i32>} : memref<2x128x128xf32, #tpu.memory_space<vmem>>, vector<16xf32>,
        %add3A_2915 = arith.constant 13 : i32
        %add3A_2916 = arith.addi %mul3A_149, %add3A_2915 : i32
        %get3A_2917 = arith.index_cast %rem3A_88 : i32 to index
        %get3A_2918 = arith.index_cast %add3A_2916 : i32 to index
        %get3A_2919 = arith.constant 80 : index
        %get3A_2920 = tpu.vector_load %arg13[%get3A_2917, %get3A_2918, %get3A_2919] {strides = array<i32>} : memref<2x128x128xf32, #tpu.memory_space<vmem>>, vector<16xf32>,
        %add3A_2921 = arith.addf %get3A_2914, %get3A_2920 : vector<16xf32>
        %gt3A_2922 = arith.constant 0.000000e+00 : f32
        %gt3A_2923 = vector.broadcast %gt3A_2922 : f32 to vector<16xf32>
        %gt3A_2924 = arith.cmpf ogt, %add3A_2921, %gt3A_2923 : vector<16xf32>
        %exp3A_2925 = math.exp %add3A_2921 : vector<16xf32>
        %sub3A_2926 = arith.constant 1.000000e+00 : f32
        %sub3A_2927 = vector.broadcast %sub3A_2926 : f32 to vector<16xf32>
        %sub3A_2928 = arith.subf %exp3A_2925, %sub3A_2927 : vector<16xf32>
        %select_n3A_2929 = arith.select %gt3A_2924, %add3A_2921, %sub3A_2928 : vector<16xi1>, vector<16xf32>
        %get3A_2930 = arith.constant 80 : index
        %get3A_2931 = tpu.vector_load %arg16[%get3A_2930] {strides = array<i32>} : memref<128xf32, #tpu.memory_space<vmem>>, vector<16xf32>,
        %mul3A_2932 = arith.mulf %select_n3A_2929, %get3A_2931 : vector<16xf32>
        %add3A_2933 = arith.addf %add3A_2908, %mul3A_2932 : vector<16xf32>
        %add3A_2934 = arith.constant 13 : i32
        %add3A_2935 = arith.addi %mul3A_149, %add3A_2934 : i32
        %get3A_2936 = arith.index_cast %rem3A_88 : i32 to index
        %get3A_2937 = arith.index_cast %add3A_2935 : i32 to index
        %get3A_2938 = arith.constant 96 : index
        %get3A_2939 = tpu.vector_load %arg12[%get3A_2936, %get3A_2937, %get3A_2938] {strides = array<i32>} : memref<2x128x128xf32, #tpu.memory_space<vmem>>, vector<16xf32>,
        %add3A_2940 = arith.constant 13 : i32
        %add3A_2941 = arith.addi %mul3A_149, %add3A_2940 : i32
        %get3A_2942 = arith.index_cast %rem3A_88 : i32 to index
        %get3A_2943 = arith.index_cast %add3A_2941 : i32 to index
        %get3A_2944 = arith.constant 96 : index
        %get3A_2945 = tpu.vector_load %arg13[%get3A_2942, %get3A_2943, %get3A_2944] {strides = array<i32>} : memref<2x128x128xf32, #tpu.memory_space<vmem>>, vector<16xf32>,
        %add3A_2946 = arith.addf %get3A_2939, %get3A_2945 : vector<16xf32>
        %gt3A_2947 = arith.constant 0.000000e+00 : f32
        %gt3A_2948 = vector.broadcast %gt3A_2947 : f32 to vector<16xf32>
        %gt3A_2949 = arith.cmpf ogt, %add3A_2946, %gt3A_2948 : vector<16xf32>
        %exp3A_2950 = math.exp %add3A_2946 : vector<16xf32>
        %sub3A_2951 = arith.constant 1.000000e+00 : f32
        %sub3A_2952 = vector.broadcast %sub3A_2951 : f32 to vector<16xf32>
        %sub3A_2953 = arith.subf %exp3A_2950, %sub3A_2952 : vector<16xf32>
        %select_n3A_2954 = arith.select %gt3A_2949, %add3A_2946, %sub3A_2953 : vector<16xi1>, vector<16xf32>
        %get3A_2955 = arith.constant 96 : index
        %get3A_2956 = tpu.vector_load %arg16[%get3A_2955] {strides = array<i32>} : memref<128xf32, #tpu.memory_space<vmem>>, vector<16xf32>,
        %mul3A_2957 = arith.mulf %select_n3A_2954, %get3A_2956 : vector<16xf32>
        %add3A_2958 = arith.addf %add3A_2933, %mul3A_2957 : vector<16xf32>
        %add3A_2959 = arith.constant 13 : i32
        %add3A_2960 = arith.addi %mul3A_149, %add3A_2959 : i32
        %get3A_2961 = arith.index_cast %rem3A_88 : i32 to index
        %get3A_2962 = arith.index_cast %add3A_2960 : i32 to index
        %get3A_2963 = arith.constant 112 : index
        %get3A_2964 = tpu.vector_load %arg12[%get3A_2961, %get3A_2962, %get3A_2963] {strides = array<i32>} : memref<2x128x128xf32, #tpu.memory_space<vmem>>, vector<16xf32>,
        %add3A_2965 = arith.constant 13 : i32
        %add3A_2966 = arith.addi %mul3A_149, %add3A_2965 : i32
        %get3A_2967 = arith.index_cast %rem3A_88 : i32 to index
        %get3A_2968 = arith.index_cast %add3A_2966 : i32 to index
        %get3A_2969 = arith.constant 112 : index
        %get3A_2970 = tpu.vector_load %arg13[%get3A_2967, %get3A_2968, %get3A_2969] {strides = array<i32>} : memref<2x128x128xf32, #tpu.memory_space<vmem>>, vector<16xf32>,
        %add3A_2971 = arith.addf %get3A_2964, %get3A_2970 : vector<16xf32>
        %gt3A_2972 = arith.constant 0.000000e+00 : f32
        %gt3A_2973 = vector.broadcast %gt3A_2972 : f32 to vector<16xf32>
        %gt3A_2974 = arith.cmpf ogt, %add3A_2971, %gt3A_2973 : vector<16xf32>
        %exp3A_2975 = math.exp %add3A_2971 : vector<16xf32>
        %sub3A_2976 = arith.constant 1.000000e+00 : f32
        %sub3A_2977 = vector.broadcast %sub3A_2976 : f32 to vector<16xf32>
        %sub3A_2978 = arith.subf %exp3A_2975, %sub3A_2977 : vector<16xf32>
        %select_n3A_2979 = arith.select %gt3A_2974, %add3A_2971, %sub3A_2978 : vector<16xi1>, vector<16xf32>
        %get3A_2980 = arith.constant 112 : index
        %get3A_2981 = tpu.vector_load %arg16[%get3A_2980] {strides = array<i32>} : memref<128xf32, #tpu.memory_space<vmem>>, vector<16xf32>,
        %mul3A_2982 = arith.mulf %select_n3A_2979, %get3A_2981 : vector<16xf32>
        %add3A_2983 = arith.addf %add3A_2958, %mul3A_2982 : vector<16xf32>
        %swap3A_2984 = arith.constant 13 : i32
        %swap3A_2985 = arith.index_cast %swap3A_2984 : i32 to index
        %swap3A_2986 = arith.constant 0 : index
        %swap3A_2987 = tpu.vector_load %arg18[%swap3A_2985, %swap3A_2986] {strides = array<i32>} : memref<16x16xf32, #tpu.memory_space<vmem>>, vector<16xf32>,
        tpu.vector_store %arg18[%swap3A_2985, %swap3A_2986], %add3A_2983 {strides = array<i32>} : memref<16x16xf32, #tpu.memory_space<vmem>>, vector<16xf32>,
        %add3A_2988 = arith.constant 14 : i32
        %add3A_2989 = arith.addi %mul3A_149, %add3A_2988 : i32
        %get3A_2990 = arith.index_cast %rem3A_88 : i32 to index
        %get3A_2991 = arith.index_cast %add3A_2989 : i32 to index
        %get3A_2992 = arith.constant 0 : index
        %get3A_2993 = tpu.vector_load %arg12[%get3A_2990, %get3A_2991, %get3A_2992] {strides = array<i32>} : memref<2x128x128xf32, #tpu.memory_space<vmem>>, vector<16xf32>,
        %add3A_2994 = arith.constant 14 : i32
        %add3A_2995 = arith.addi %mul3A_149, %add3A_2994 : i32
        %get3A_2996 = arith.index_cast %rem3A_88 : i32 to index
        %get3A_2997 = arith.index_cast %add3A_2995 : i32 to index
        %get3A_2998 = arith.constant 0 : index
        %get3A_2999 = tpu.vector_load %arg13[%get3A_2996, %get3A_2997, %get3A_2998] {strides = array<i32>} : memref<2x128x128xf32, #tpu.memory_space<vmem>>, vector<16xf32>,
        %add3A_3000 = arith.addf %get3A_2993, %get3A_2999 : vector<16xf32>
        %gt3A_3001 = arith.constant 0.000000e+00 : f32
        %gt3A_3002 = vector.broadcast %gt3A_3001 : f32 to vector<16xf32>
        %gt3A_3003 = arith.cmpf ogt, %add3A_3000, %gt3A_3002 : vector<16xf32>
        %exp3A_3004 = math.exp %add3A_3000 : vector<16xf32>
        %sub3A_3005 = arith.constant 1.000000e+00 : f32
        %sub3A_3006 = vector.broadcast %sub3A_3005 : f32 to vector<16xf32>
        %sub3A_3007 = arith.subf %exp3A_3004, %sub3A_3006 : vector<16xf32>
        %select_n3A_3008 = arith.select %gt3A_3003, %add3A_3000, %sub3A_3007 : vector<16xi1>, vector<16xf32>
        %get3A_3009 = arith.constant 0 : index
        %get3A_3010 = tpu.vector_load %arg16[%get3A_3009] {strides = array<i32>} : memref<128xf32, #tpu.memory_space<vmem>>, vector<16xf32>,
        %mul3A_3011 = arith.mulf %select_n3A_3008, %get3A_3010 : vector<16xf32>
        %add3A_3012 = arith.constant 14 : i32
        %add3A_3013 = arith.addi %mul3A_149, %add3A_3012 : i32
        %get3A_3014 = arith.index_cast %rem3A_88 : i32 to index
        %get3A_3015 = arith.index_cast %add3A_3013 : i32 to index
        %get3A_3016 = arith.constant 16 : index
        %get3A_3017 = tpu.vector_load %arg12[%get3A_3014, %get3A_3015, %get3A_3016] {strides = array<i32>} : memref<2x128x128xf32, #tpu.memory_space<vmem>>, vector<16xf32>,
        %add3A_3018 = arith.constant 14 : i32
        %add3A_3019 = arith.addi %mul3A_149, %add3A_3018 : i32
        %get3A_3020 = arith.index_cast %rem3A_88 : i32 to index
        %get3A_3021 = arith.index_cast %add3A_3019 : i32 to index
        %get3A_3022 = arith.constant 16 : index
        %get3A_3023 = tpu.vector_load %arg13[%get3A_3020, %get3A_3021, %get3A_3022] {strides = array<i32>} : memref<2x128x128xf32, #tpu.memory_space<vmem>>, vector<16xf32>,
        %add3A_3024 = arith.addf %get3A_3017, %get3A_3023 : vector<16xf32>
        %gt3A_3025 = arith.constant 0.000000e+00 : f32
        %gt3A_3026 = vector.broadcast %gt3A_3025 : f32 to vector<16xf32>
        %gt3A_3027 = arith.cmpf ogt, %add3A_3024, %gt3A_3026 : vector<16xf32>
        %exp3A_3028 = math.exp %add3A_3024 : vector<16xf32>
        %sub3A_3029 = arith.constant 1.000000e+00 : f32
        %sub3A_3030 = vector.broadcast %sub3A_3029 : f32 to vector<16xf32>
        %sub3A_3031 = arith.subf %exp3A_3028, %sub3A_3030 : vector<16xf32>
        %select_n3A_3032 = arith.select %gt3A_3027, %add3A_3024, %sub3A_3031 : vector<16xi1>, vector<16xf32>
        %get3A_3033 = arith.constant 16 : index
        %get3A_3034 = tpu.vector_load %arg16[%get3A_3033] {strides = array<i32>} : memref<128xf32, #tpu.memory_space<vmem>>, vector<16xf32>,
        %mul3A_3035 = arith.mulf %select_n3A_3032, %get3A_3034 : vector<16xf32>
        %add3A_3036 = arith.addf %mul3A_3011, %mul3A_3035 : vector<16xf32>
        %add3A_3037 = arith.constant 14 : i32
        %add3A_3038 = arith.addi %mul3A_149, %add3A_3037 : i32
        %get3A_3039 = arith.index_cast %rem3A_88 : i32 to index
        %get3A_3040 = arith.index_cast %add3A_3038 : i32 to index
        %get3A_3041 = arith.constant 32 : index
        %get3A_3042 = tpu.vector_load %arg12[%get3A_3039, %get3A_3040, %get3A_3041] {strides = array<i32>} : memref<2x128x128xf32, #tpu.memory_space<vmem>>, vector<16xf32>,
        %add3A_3043 = arith.constant 14 : i32
        %add3A_3044 = arith.addi %mul3A_149, %add3A_3043 : i32
        %get3A_3045 = arith.index_cast %rem3A_88 : i32 to index
        %get3A_3046 = arith.index_cast %add3A_3044 : i32 to index
        %get3A_3047 = arith.constant 32 : index
        %get3A_3048 = tpu.vector_load %arg13[%get3A_3045, %get3A_3046, %get3A_3047] {strides = array<i32>} : memref<2x128x128xf32, #tpu.memory_space<vmem>>, vector<16xf32>,
        %add3A_3049 = arith.addf %get3A_3042, %get3A_3048 : vector<16xf32>
        %gt3A_3050 = arith.constant 0.000000e+00 : f32
        %gt3A_3051 = vector.broadcast %gt3A_3050 : f32 to vector<16xf32>
        %gt3A_3052 = arith.cmpf ogt, %add3A_3049, %gt3A_3051 : vector<16xf32>
        %exp3A_3053 = math.exp %add3A_3049 : vector<16xf32>
        %sub3A_3054 = arith.constant 1.000000e+00 : f32
        %sub3A_3055 = vector.broadcast %sub3A_3054 : f32 to vector<16xf32>
        %sub3A_3056 = arith.subf %exp3A_3053, %sub3A_3055 : vector<16xf32>
        %select_n3A_3057 = arith.select %gt3A_3052, %add3A_3049, %sub3A_3056 : vector<16xi1>, vector<16xf32>
        %get3A_3058 = arith.constant 32 : index
        %get3A_3059 = tpu.vector_load %arg16[%get3A_3058] {strides = array<i32>} : memref<128xf32, #tpu.memory_space<vmem>>, vector<16xf32>,
        %mul3A_3060 = arith.mulf %select_n3A_3057, %get3A_3059 : vector<16xf32>
        %add3A_3061 = arith.addf %add3A_3036, %mul3A_3060 : vector<16xf32>
        %add3A_3062 = arith.constant 14 : i32
        %add3A_3063 = arith.addi %mul3A_149, %add3A_3062 : i32
        %get3A_3064 = arith.index_cast %rem3A_88 : i32 to index
        %get3A_3065 = arith.index_cast %add3A_3063 : i32 to index
        %get3A_3066 = arith.constant 48 : index
        %get3A_3067 = tpu.vector_load %arg12[%get3A_3064, %get3A_3065, %get3A_3066] {strides = array<i32>} : memref<2x128x128xf32, #tpu.memory_space<vmem>>, vector<16xf32>,
        %add3A_3068 = arith.constant 14 : i32
        %add3A_3069 = arith.addi %mul3A_149, %add3A_3068 : i32
        %get3A_3070 = arith.index_cast %rem3A_88 : i32 to index
        %get3A_3071 = arith.index_cast %add3A_3069 : i32 to index
        %get3A_3072 = arith.constant 48 : index
        %get3A_3073 = tpu.vector_load %arg13[%get3A_3070, %get3A_3071, %get3A_3072] {strides = array<i32>} : memref<2x128x128xf32, #tpu.memory_space<vmem>>, vector<16xf32>,
        %add3A_3074 = arith.addf %get3A_3067, %get3A_3073 : vector<16xf32>
        %gt3A_3075 = arith.constant 0.000000e+00 : f32
        %gt3A_3076 = vector.broadcast %gt3A_3075 : f32 to vector<16xf32>
        %gt3A_3077 = arith.cmpf ogt, %add3A_3074, %gt3A_3076 : vector<16xf32>
        %exp3A_3078 = math.exp %add3A_3074 : vector<16xf32>
        %sub3A_3079 = arith.constant 1.000000e+00 : f32
        %sub3A_3080 = vector.broadcast %sub3A_3079 : f32 to vector<16xf32>
        %sub3A_3081 = arith.subf %exp3A_3078, %sub3A_3080 : vector<16xf32>
        %select_n3A_3082 = arith.select %gt3A_3077, %add3A_3074, %sub3A_3081 : vector<16xi1>, vector<16xf32>
        %get3A_3083 = arith.constant 48 : index
        %get3A_3084 = tpu.vector_load %arg16[%get3A_3083] {strides = array<i32>} : memref<128xf32, #tpu.memory_space<vmem>>, vector<16xf32>,
        %mul3A_3085 = arith.mulf %select_n3A_3082, %get3A_3084 : vector<16xf32>
        %add3A_3086 = arith.addf %add3A_3061, %mul3A_3085 : vector<16xf32>
        %add3A_3087 = arith.constant 14 : i32
        %add3A_3088 = arith.addi %mul3A_149, %add3A_3087 : i32
        %get3A_3089 = arith.index_cast %rem3A_88 : i32 to index
        %get3A_3090 = arith.index_cast %add3A_3088 : i32 to index
        %get3A_3091 = arith.constant 64 : index
        %get3A_3092 = tpu.vector_load %arg12[%get3A_3089, %get3A_3090, %get3A_3091] {strides = array<i32>} : memref<2x128x128xf32, #tpu.memory_space<vmem>>, vector<16xf32>,
        %add3A_3093 = arith.constant 14 : i32
        %add3A_3094 = arith.addi %mul3A_149, %add3A_3093 : i32
        %get3A_3095 = arith.index_cast %rem3A_88 : i32 to index
        %get3A_3096 = arith.index_cast %add3A_3094 : i32 to index
        %get3A_3097 = arith.constant 64 : index
        %get3A_3098 = tpu.vector_load %arg13[%get3A_3095, %get3A_3096, %get3A_3097] {strides = array<i32>} : memref<2x128x128xf32, #tpu.memory_space<vmem>>, vector<16xf32>,
        %add3A_3099 = arith.addf %get3A_3092, %get3A_3098 : vector<16xf32>
        %gt3A_3100 = arith.constant 0.000000e+00 : f32
        %gt3A_3101 = vector.broadcast %gt3A_3100 : f32 to vector<16xf32>
        %gt3A_3102 = arith.cmpf ogt, %add3A_3099, %gt3A_3101 : vector<16xf32>
        %exp3A_3103 = math.exp %add3A_3099 : vector<16xf32>
        %sub3A_3104 = arith.constant 1.000000e+00 : f32
        %sub3A_3105 = vector.broadcast %sub3A_3104 : f32 to vector<16xf32>
        %sub3A_3106 = arith.subf %exp3A_3103, %sub3A_3105 : vector<16xf32>
        %select_n3A_3107 = arith.select %gt3A_3102, %add3A_3099, %sub3A_3106 : vector<16xi1>, vector<16xf32>
        %get3A_3108 = arith.constant 64 : index
        %get3A_3109 = tpu.vector_load %arg16[%get3A_3108] {strides = array<i32>} : memref<128xf32, #tpu.memory_space<vmem>>, vector<16xf32>,
        %mul3A_3110 = arith.mulf %select_n3A_3107, %get3A_3109 : vector<16xf32>
        %add3A_3111 = arith.addf %add3A_3086, %mul3A_3110 : vector<16xf32>
        %add3A_3112 = arith.constant 14 : i32
        %add3A_3113 = arith.addi %mul3A_149, %add3A_3112 : i32
        %get3A_3114 = arith.index_cast %rem3A_88 : i32 to index
        %get3A_3115 = arith.index_cast %add3A_3113 : i32 to index
        %get3A_3116 = arith.constant 80 : index
        %get3A_3117 = tpu.vector_load %arg12[%get3A_3114, %get3A_3115, %get3A_3116] {strides = array<i32>} : memref<2x128x128xf32, #tpu.memory_space<vmem>>, vector<16xf32>,
        %add3A_3118 = arith.constant 14 : i32
        %add3A_3119 = arith.addi %mul3A_149, %add3A_3118 : i32
        %get3A_3120 = arith.index_cast %rem3A_88 : i32 to index
        %get3A_3121 = arith.index_cast %add3A_3119 : i32 to index
        %get3A_3122 = arith.constant 80 : index
        %get3A_3123 = tpu.vector_load %arg13[%get3A_3120, %get3A_3121, %get3A_3122] {strides = array<i32>} : memref<2x128x128xf32, #tpu.memory_space<vmem>>, vector<16xf32>,
        %add3A_3124 = arith.addf %get3A_3117, %get3A_3123 : vector<16xf32>
        %gt3A_3125 = arith.constant 0.000000e+00 : f32
        %gt3A_3126 = vector.broadcast %gt3A_3125 : f32 to vector<16xf32>
        %gt3A_3127 = arith.cmpf ogt, %add3A_3124, %gt3A_3126 : vector<16xf32>
        %exp3A_3128 = math.exp %add3A_3124 : vector<16xf32>
        %sub3A_3129 = arith.constant 1.000000e+00 : f32
        %sub3A_3130 = vector.broadcast %sub3A_3129 : f32 to vector<16xf32>
        %sub3A_3131 = arith.subf %exp3A_3128, %sub3A_3130 : vector<16xf32>
        %select_n3A_3132 = arith.select %gt3A_3127, %add3A_3124, %sub3A_3131 : vector<16xi1>, vector<16xf32>
        %get3A_3133 = arith.constant 80 : index
        %get3A_3134 = tpu.vector_load %arg16[%get3A_3133] {strides = array<i32>} : memref<128xf32, #tpu.memory_space<vmem>>, vector<16xf32>,
        %mul3A_3135 = arith.mulf %select_n3A_3132, %get3A_3134 : vector<16xf32>
        %add3A_3136 = arith.addf %add3A_3111, %mul3A_3135 : vector<16xf32>
        %add3A_3137 = arith.constant 14 : i32
        %add3A_3138 = arith.addi %mul3A_149, %add3A_3137 : i32
        %get3A_3139 = arith.index_cast %rem3A_88 : i32 to index
        %get3A_3140 = arith.index_cast %add3A_3138 : i32 to index
        %get3A_3141 = arith.constant 96 : index
        %get3A_3142 = tpu.vector_load %arg12[%get3A_3139, %get3A_3140, %get3A_3141] {strides = array<i32>} : memref<2x128x128xf32, #tpu.memory_space<vmem>>, vector<16xf32>,
        %add3A_3143 = arith.constant 14 : i32
        %add3A_3144 = arith.addi %mul3A_149, %add3A_3143 : i32
        %get3A_3145 = arith.index_cast %rem3A_88 : i32 to index
        %get3A_3146 = arith.index_cast %add3A_3144 : i32 to index
        %get3A_3147 = arith.constant 96 : index
        %get3A_3148 = tpu.vector_load %arg13[%get3A_3145, %get3A_3146, %get3A_3147] {strides = array<i32>} : memref<2x128x128xf32, #tpu.memory_space<vmem>>, vector<16xf32>,
        %add3A_3149 = arith.addf %get3A_3142, %get3A_3148 : vector<16xf32>
        %gt3A_3150 = arith.constant 0.000000e+00 : f32
        %gt3A_3151 = vector.broadcast %gt3A_3150 : f32 to vector<16xf32>
        %gt3A_3152 = arith.cmpf ogt, %add3A_3149, %gt3A_3151 : vector<16xf32>
        %exp3A_3153 = math.exp %add3A_3149 : vector<16xf32>
        %sub3A_3154 = arith.constant 1.000000e+00 : f32
        %sub3A_3155 = vector.broadcast %sub3A_3154 : f32 to vector<16xf32>
        %sub3A_3156 = arith.subf %exp3A_3153, %sub3A_3155 : vector<16xf32>
        %select_n3A_3157 = arith.select %gt3A_3152, %add3A_3149, %sub3A_3156 : vector<16xi1>, vector<16xf32>
        %get3A_3158 = arith.constant 96 : index
        %get3A_3159 = tpu.vector_load %arg16[%get3A_3158] {strides = array<i32>} : memref<128xf32, #tpu.memory_space<vmem>>, vector<16xf32>,
        %mul3A_3160 = arith.mulf %select_n3A_3157, %get3A_3159 : vector<16xf32>
        %add3A_3161 = arith.addf %add3A_3136, %mul3A_3160 : vector<16xf32>
        %add3A_3162 = arith.constant 14 : i32
        %add3A_3163 = arith.addi %mul3A_149, %add3A_3162 : i32
        %get3A_3164 = arith.index_cast %rem3A_88 : i32 to index
        %get3A_3165 = arith.index_cast %add3A_3163 : i32 to index
        %get3A_3166 = arith.constant 112 : index
        %get3A_3167 = tpu.vector_load %arg12[%get3A_3164, %get3A_3165, %get3A_3166] {strides = array<i32>} : memref<2x128x128xf32, #tpu.memory_space<vmem>>, vector<16xf32>,
        %add3A_3168 = arith.constant 14 : i32
        %add3A_3169 = arith.addi %mul3A_149, %add3A_3168 : i32
        %get3A_3170 = arith.index_cast %rem3A_88 : i32 to index
        %get3A_3171 = arith.index_cast %add3A_3169 : i32 to index
        %get3A_3172 = arith.constant 112 : index
        %get3A_3173 = tpu.vector_load %arg13[%get3A_3170, %get3A_3171, %get3A_3172] {strides = array<i32>} : memref<2x128x128xf32, #tpu.memory_space<vmem>>, vector<16xf32>,
        %add3A_3174 = arith.addf %get3A_3167, %get3A_3173 : vector<16xf32>
        %gt3A_3175 = arith.constant 0.000000e+00 : f32
        %gt3A_3176 = vector.broadcast %gt3A_3175 : f32 to vector<16xf32>
        %gt3A_3177 = arith.cmpf ogt, %add3A_3174, %gt3A_3176 : vector<16xf32>
        %exp3A_3178 = math.exp %add3A_3174 : vector<16xf32>
        %sub3A_3179 = arith.constant 1.000000e+00 : f32
        %sub3A_3180 = vector.broadcast %sub3A_3179 : f32 to vector<16xf32>
        %sub3A_3181 = arith.subf %exp3A_3178, %sub3A_3180 : vector<16xf32>
        %select_n3A_3182 = arith.select %gt3A_3177, %add3A_3174, %sub3A_3181 : vector<16xi1>, vector<16xf32>
        %get3A_3183 = arith.constant 112 : index
        %get3A_3184 = tpu.vector_load %arg16[%get3A_3183] {strides = array<i32>} : memref<128xf32, #tpu.memory_space<vmem>>, vector<16xf32>,
        %mul3A_3185 = arith.mulf %select_n3A_3182, %get3A_3184 : vector<16xf32>
        %add3A_3186 = arith.addf %add3A_3161, %mul3A_3185 : vector<16xf32>
        %swap3A_3187 = arith.constant 14 : i32
        %swap3A_3188 = arith.index_cast %swap3A_3187 : i32 to index
        %swap3A_3189 = arith.constant 0 : index
        %swap3A_3190 = tpu.vector_load %arg18[%swap3A_3188, %swap3A_3189] {strides = array<i32>} : memref<16x16xf32, #tpu.memory_space<vmem>>, vector<16xf32>,
        tpu.vector_store %arg18[%swap3A_3188, %swap3A_3189], %add3A_3186 {strides = array<i32>} : memref<16x16xf32, #tpu.memory_space<vmem>>, vector<16xf32>,
        %add3A_3191 = arith.constant 15 : i32
        %add3A_3192 = arith.addi %mul3A_149, %add3A_3191 : i32
        %get3A_3193 = arith.index_cast %rem3A_88 : i32 to index
        %get3A_3194 = arith.index_cast %add3A_3192 : i32 to index
        %get3A_3195 = arith.constant 0 : index
        %get3A_3196 = tpu.vector_load %arg12[%get3A_3193, %get3A_3194, %get3A_3195] {strides = array<i32>} : memref<2x128x128xf32, #tpu.memory_space<vmem>>, vector<16xf32>,
        %add3A_3197 = arith.constant 15 : i32
        %add3A_3198 = arith.addi %mul3A_149, %add3A_3197 : i32
        %get3A_3199 = arith.index_cast %rem3A_88 : i32 to index
        %get3A_3200 = arith.index_cast %add3A_3198 : i32 to index
        %get3A_3201 = arith.constant 0 : index
        %get3A_3202 = tpu.vector_load %arg13[%get3A_3199, %get3A_3200, %get3A_3201] {strides = array<i32>} : memref<2x128x128xf32, #tpu.memory_space<vmem>>, vector<16xf32>,
        %add3A_3203 = arith.addf %get3A_3196, %get3A_3202 : vector<16xf32>
        %gt3A_3204 = arith.constant 0.000000e+00 : f32
        %gt3A_3205 = vector.broadcast %gt3A_3204 : f32 to vector<16xf32>
        %gt3A_3206 = arith.cmpf ogt, %add3A_3203, %gt3A_3205 : vector<16xf32>
        %exp3A_3207 = math.exp %add3A_3203 : vector<16xf32>
        %sub3A_3208 = arith.constant 1.000000e+00 : f32
        %sub3A_3209 = vector.broadcast %sub3A_3208 : f32 to vector<16xf32>
        %sub3A_3210 = arith.subf %exp3A_3207, %sub3A_3209 : vector<16xf32>
        %select_n3A_3211 = arith.select %gt3A_3206, %add3A_3203, %sub3A_3210 : vector<16xi1>, vector<16xf32>
        %get3A_3212 = arith.constant 0 : index
        %get3A_3213 = tpu.vector_load %arg16[%get3A_3212] {strides = array<i32>} : memref<128xf32, #tpu.memory_space<vmem>>, vector<16xf32>,
        %mul3A_3214 = arith.mulf %select_n3A_3211, %get3A_3213 : vector<16xf32>
        %add3A_3215 = arith.constant 15 : i32
        %add3A_3216 = arith.addi %mul3A_149, %add3A_3215 : i32
        %get3A_3217 = arith.index_cast %rem3A_88 : i32 to index
        %get3A_3218 = arith.index_cast %add3A_3216 : i32 to index
        %get3A_3219 = arith.constant 16 : index
        %get3A_3220 = tpu.vector_load %arg12[%get3A_3217, %get3A_3218, %get3A_3219] {strides = array<i32>} : memref<2x128x128xf32, #tpu.memory_space<vmem>>, vector<16xf32>,
        %add3A_3221 = arith.constant 15 : i32
        %add3A_3222 = arith.addi %mul3A_149, %add3A_3221 : i32
        %get3A_3223 = arith.index_cast %rem3A_88 : i32 to index
        %get3A_3224 = arith.index_cast %add3A_3222 : i32 to index
        %get3A_3225 = arith.constant 16 : index
        %get3A_3226 = tpu.vector_load %arg13[%get3A_3223, %get3A_3224, %get3A_3225] {strides = array<i32>} : memref<2x128x128xf32, #tpu.memory_space<vmem>>, vector<16xf32>,
        %add3A_3227 = arith.addf %get3A_3220, %get3A_3226 : vector<16xf32>
        %gt3A_3228 = arith.constant 0.000000e+00 : f32
        %gt3A_3229 = vector.broadcast %gt3A_3228 : f32 to vector<16xf32>
        %gt3A_3230 = arith.cmpf ogt, %add3A_3227, %gt3A_3229 : vector<16xf32>
        %exp3A_3231 = math.exp %add3A_3227 : vector<16xf32>
        %sub3A_3232 = arith.constant 1.000000e+00 : f32
        %sub3A_3233 = vector.broadcast %sub3A_3232 : f32 to vector<16xf32>
        %sub3A_3234 = arith.subf %exp3A_3231, %sub3A_3233 : vector<16xf32>
        %select_n3A_3235 = arith.select %gt3A_3230, %add3A_3227, %sub3A_3234 : vector<16xi1>, vector<16xf32>
        %get3A_3236 = arith.constant 16 : index
        %get3A_3237 = tpu.vector_load %arg16[%get3A_3236] {strides = array<i32>} : memref<128xf32, #tpu.memory_space<vmem>>, vector<16xf32>,
        %mul3A_3238 = arith.mulf %select_n3A_3235, %get3A_3237 : vector<16xf32>
        %add3A_3239 = arith.addf %mul3A_3214, %mul3A_3238 : vector<16xf32>
        %add3A_3240 = arith.constant 15 : i32
        %add3A_3241 = arith.addi %mul3A_149, %add3A_3240 : i32
        %get3A_3242 = arith.index_cast %rem3A_88 : i32 to index
        %get3A_3243 = arith.index_cast %add3A_3241 : i32 to index
        %get3A_3244 = arith.constant 32 : index
        %get3A_3245 = tpu.vector_load %arg12[%get3A_3242, %get3A_3243, %get3A_3244] {strides = array<i32>} : memref<2x128x128xf32, #tpu.memory_space<vmem>>, vector<16xf32>,
        %add3A_3246 = arith.constant 15 : i32
        %add3A_3247 = arith.addi %mul3A_149, %add3A_3246 : i32
        %get3A_3248 = arith.index_cast %rem3A_88 : i32 to index
        %get3A_3249 = arith.index_cast %add3A_3247 : i32 to index
        %get3A_3250 = arith.constant 32 : index
        %get3A_3251 = tpu.vector_load %arg13[%get3A_3248, %get3A_3249, %get3A_3250] {strides = array<i32>} : memref<2x128x128xf32, #tpu.memory_space<vmem>>, vector<16xf32>,
        %add3A_3252 = arith.addf %get3A_3245, %get3A_3251 : vector<16xf32>
        %gt3A_3253 = arith.constant 0.000000e+00 : f32
        %gt3A_3254 = vector.broadcast %gt3A_3253 : f32 to vector<16xf32>
        %gt3A_3255 = arith.cmpf ogt, %add3A_3252, %gt3A_3254 : vector<16xf32>
        %exp3A_3256 = math.exp %add3A_3252 : vector<16xf32>
        %sub3A_3257 = arith.constant 1.000000e+00 : f32
        %sub3A_3258 = vector.broadcast %sub3A_3257 : f32 to vector<16xf32>
        %sub3A_3259 = arith.subf %exp3A_3256, %sub3A_3258 : vector<16xf32>
        %select_n3A_3260 = arith.select %gt3A_3255, %add3A_3252, %sub3A_3259 : vector<16xi1>, vector<16xf32>
        %get3A_3261 = arith.constant 32 : index
        %get3A_3262 = tpu.vector_load %arg16[%get3A_3261] {strides = array<i32>} : memref<128xf32, #tpu.memory_space<vmem>>, vector<16xf32>,
        %mul3A_3263 = arith.mulf %select_n3A_3260, %get3A_3262 : vector<16xf32>
        %add3A_3264 = arith.addf %add3A_3239, %mul3A_3263 : vector<16xf32>
        %add3A_3265 = arith.constant 15 : i32
        %add3A_3266 = arith.addi %mul3A_149, %add3A_3265 : i32
        %get3A_3267 = arith.index_cast %rem3A_88 : i32 to index
        %get3A_3268 = arith.index_cast %add3A_3266 : i32 to index
        %get3A_3269 = arith.constant 48 : index
        %get3A_3270 = tpu.vector_load %arg12[%get3A_3267, %get3A_3268, %get3A_3269] {strides = array<i32>} : memref<2x128x128xf32, #tpu.memory_space<vmem>>, vector<16xf32>,
        %add3A_3271 = arith.constant 15 : i32
        %add3A_3272 = arith.addi %mul3A_149, %add3A_3271 : i32
        %get3A_3273 = arith.index_cast %rem3A_88 : i32 to index
        %get3A_3274 = arith.index_cast %add3A_3272 : i32 to index
        %get3A_3275 = arith.constant 48 : index
        %get3A_3276 = tpu.vector_load %arg13[%get3A_3273, %get3A_3274, %get3A_3275] {strides = array<i32>} : memref<2x128x128xf32, #tpu.memory_space<vmem>>, vector<16xf32>,
        %add3A_3277 = arith.addf %get3A_3270, %get3A_3276 : vector<16xf32>
        %gt3A_3278 = arith.constant 0.000000e+00 : f32
        %gt3A_3279 = vector.broadcast %gt3A_3278 : f32 to vector<16xf32>
        %gt3A_3280 = arith.cmpf ogt, %add3A_3277, %gt3A_3279 : vector<16xf32>
        %exp3A_3281 = math.exp %add3A_3277 : vector<16xf32>
        %sub3A_3282 = arith.constant 1.000000e+00 : f32
        %sub3A_3283 = vector.broadcast %sub3A_3282 : f32 to vector<16xf32>
        %sub3A_3284 = arith.subf %exp3A_3281, %sub3A_3283 : vector<16xf32>
        %select_n3A_3285 = arith.select %gt3A_3280, %add3A_3277, %sub3A_3284 : vector<16xi1>, vector<16xf32>
        %get3A_3286 = arith.constant 48 : index
        %get3A_3287 = tpu.vector_load %arg16[%get3A_3286] {strides = array<i32>} : memref<128xf32, #tpu.memory_space<vmem>>, vector<16xf32>,
        %mul3A_3288 = arith.mulf %select_n3A_3285, %get3A_3287 : vector<16xf32>
        %add3A_3289 = arith.addf %add3A_3264, %mul3A_3288 : vector<16xf32>
        %add3A_3290 = arith.constant 15 : i32
        %add3A_3291 = arith.addi %mul3A_149, %add3A_3290 : i32
        %get3A_3292 = arith.index_cast %rem3A_88 : i32 to index
        %get3A_3293 = arith.index_cast %add3A_3291 : i32 to index
        %get3A_3294 = arith.constant 64 : index
        %get3A_3295 = tpu.vector_load %arg12[%get3A_3292, %get3A_3293, %get3A_3294] {strides = array<i32>} : memref<2x128x128xf32, #tpu.memory_space<vmem>>, vector<16xf32>,
        %add3A_3296 = arith.constant 15 : i32
        %add3A_3297 = arith.addi %mul3A_149, %add3A_3296 : i32
        %get3A_3298 = arith.index_cast %rem3A_88 : i32 to index
        %get3A_3299 = arith.index_cast %add3A_3297 : i32 to index
        %get3A_3300 = arith.constant 64 : index
        %get3A_3301 = tpu.vector_load %arg13[%get3A_3298, %get3A_3299, %get3A_3300] {strides = array<i32>} : memref<2x128x128xf32, #tpu.memory_space<vmem>>, vector<16xf32>,
        %add3A_3302 = arith.addf %get3A_3295, %get3A_3301 : vector<16xf32>
        %gt3A_3303 = arith.constant 0.000000e+00 : f32
        %gt3A_3304 = vector.broadcast %gt3A_3303 : f32 to vector<16xf32>
        %gt3A_3305 = arith.cmpf ogt, %add3A_3302, %gt3A_3304 : vector<16xf32>
        %exp3A_3306 = math.exp %add3A_3302 : vector<16xf32>
        %sub3A_3307 = arith.constant 1.000000e+00 : f32
        %sub3A_3308 = vector.broadcast %sub3A_3307 : f32 to vector<16xf32>
        %sub3A_3309 = arith.subf %exp3A_3306, %sub3A_3308 : vector<16xf32>
        %select_n3A_3310 = arith.select %gt3A_3305, %add3A_3302, %sub3A_3309 : vector<16xi1>, vector<16xf32>
        %get3A_3311 = arith.constant 64 : index
        %get3A_3312 = tpu.vector_load %arg16[%get3A_3311] {strides = array<i32>} : memref<128xf32, #tpu.memory_space<vmem>>, vector<16xf32>,
        %mul3A_3313 = arith.mulf %select_n3A_3310, %get3A_3312 : vector<16xf32>
        %add3A_3314 = arith.addf %add3A_3289, %mul3A_3313 : vector<16xf32>
        %add3A_3315 = arith.constant 15 : i32
        %add3A_3316 = arith.addi %mul3A_149, %add3A_3315 : i32
        %get3A_3317 = arith.index_cast %rem3A_88 : i32 to index
        %get3A_3318 = arith.index_cast %add3A_3316 : i32 to index
        %get3A_3319 = arith.constant 80 : index
        %get3A_3320 = tpu.vector_load %arg12[%get3A_3317, %get3A_3318, %get3A_3319] {strides = array<i32>} : memref<2x128x128xf32, #tpu.memory_space<vmem>>, vector<16xf32>,
        %add3A_3321 = arith.constant 15 : i32
        %add3A_3322 = arith.addi %mul3A_149, %add3A_3321 : i32
        %get3A_3323 = arith.index_cast %rem3A_88 : i32 to index
        %get3A_3324 = arith.index_cast %add3A_3322 : i32 to index
        %get3A_3325 = arith.constant 80 : index
        %get3A_3326 = tpu.vector_load %arg13[%get3A_3323, %get3A_3324, %get3A_3325] {strides = array<i32>} : memref<2x128x128xf32, #tpu.memory_space<vmem>>, vector<16xf32>,
        %add3A_3327 = arith.addf %get3A_3320, %get3A_3326 : vector<16xf32>
        %gt3A_3328 = arith.constant 0.000000e+00 : f32
        %gt3A_3329 = vector.broadcast %gt3A_3328 : f32 to vector<16xf32>
        %gt3A_3330 = arith.cmpf ogt, %add3A_3327, %gt3A_3329 : vector<16xf32>
        %exp3A_3331 = math.exp %add3A_3327 : vector<16xf32>
        %sub3A_3332 = arith.constant 1.000000e+00 : f32
        %sub3A_3333 = vector.broadcast %sub3A_3332 : f32 to vector<16xf32>
        %sub3A_3334 = arith.subf %exp3A_3331, %sub3A_3333 : vector<16xf32>
        %select_n3A_3335 = arith.select %gt3A_3330, %add3A_3327, %sub3A_3334 : vector<16xi1>, vector<16xf32>
        %get3A_3336 = arith.constant 80 : index
        %get3A_3337 = tpu.vector_load %arg16[%get3A_3336] {strides = array<i32>} : memref<128xf32, #tpu.memory_space<vmem>>, vector<16xf32>,
        %mul3A_3338 = arith.mulf %select_n3A_3335, %get3A_3337 : vector<16xf32>
        %add3A_3339 = arith.addf %add3A_3314, %mul3A_3338 : vector<16xf32>
        %add3A_3340 = arith.constant 15 : i32
        %add3A_3341 = arith.addi %mul3A_149, %add3A_3340 : i32
        %get3A_3342 = arith.index_cast %rem3A_88 : i32 to index
        %get3A_3343 = arith.index_cast %add3A_3341 : i32 to index
        %get3A_3344 = arith.constant 96 : index
        %get3A_3345 = tpu.vector_load %arg12[%get3A_3342, %get3A_3343, %get3A_3344] {strides = array<i32>} : memref<2x128x128xf32, #tpu.memory_space<vmem>>, vector<16xf32>,
        %add3A_3346 = arith.constant 15 : i32
        %add3A_3347 = arith.addi %mul3A_149, %add3A_3346 : i32
        %get3A_3348 = arith.index_cast %rem3A_88 : i32 to index
        %get3A_3349 = arith.index_cast %add3A_3347 : i32 to index
        %get3A_3350 = arith.constant 96 : index
        %get3A_3351 = tpu.vector_load %arg13[%get3A_3348, %get3A_3349, %get3A_3350] {strides = array<i32>} : memref<2x128x128xf32, #tpu.memory_space<vmem>>, vector<16xf32>,
        %add3A_3352 = arith.addf %get3A_3345, %get3A_3351 : vector<16xf32>
        %gt3A_3353 = arith.constant 0.000000e+00 : f32
        %gt3A_3354 = vector.broadcast %gt3A_3353 : f32 to vector<16xf32>
        %gt3A_3355 = arith.cmpf ogt, %add3A_3352, %gt3A_3354 : vector<16xf32>
        %exp3A_3356 = math.exp %add3A_3352 : vector<16xf32>
        %sub3A_3357 = arith.constant 1.000000e+00 : f32
        %sub3A_3358 = vector.broadcast %sub3A_3357 : f32 to vector<16xf32>
        %sub3A_3359 = arith.subf %exp3A_3356, %sub3A_3358 : vector<16xf32>
        %select_n3A_3360 = arith.select %gt3A_3355, %add3A_3352, %sub3A_3359 : vector<16xi1>, vector<16xf32>
        %get3A_3361 = arith.constant 96 : index
        %get3A_3362 = tpu.vector_load %arg16[%get3A_3361] {strides = array<i32>} : memref<128xf32, #tpu.memory_space<vmem>>, vector<16xf32>,
        %mul3A_3363 = arith.mulf %select_n3A_3360, %get3A_3362 : vector<16xf32>
        %add3A_3364 = arith.addf %add3A_3339, %mul3A_3363 : vector<16xf32>
        %add3A_3365 = arith.constant 15 : i32
        %add3A_3366 = arith.addi %mul3A_149, %add3A_3365 : i32
        %get3A_3367 = arith.index_cast %rem3A_88 : i32 to index
        %get3A_3368 = arith.index_cast %add3A_3366 : i32 to index
        %get3A_3369 = arith.constant 112 : index
        %get3A_3370 = tpu.vector_load %arg12[%get3A_3367, %get3A_3368, %get3A_3369] {strides = array<i32>} : memref<2x128x128xf32, #tpu.memory_space<vmem>>, vector<16xf32>,
        %add3A_3371 = arith.constant 15 : i32
        %add3A_3372 = arith.addi %mul3A_149, %add3A_3371 : i32
        %get3A_3373 = arith.index_cast %rem3A_88 : i32 to index
        %get3A_3374 = arith.index_cast %add3A_3372 : i32 to index
        %get3A_3375 = arith.constant 112 : index
        %get3A_3376 = tpu.vector_load %arg13[%get3A_3373, %get3A_3374, %get3A_3375] {strides = array<i32>} : memref<2x128x128xf32, #tpu.memory_space<vmem>>, vector<16xf32>,
        %add3A_3377 = arith.addf %get3A_3370, %get3A_3376 : vector<16xf32>
        %gt3A_3378 = arith.constant 0.000000e+00 : f32
        %gt3A_3379 = vector.broadcast %gt3A_3378 : f32 to vector<16xf32>
        %gt3A_3380 = arith.cmpf ogt, %add3A_3377, %gt3A_3379 : vector<16xf32>
        %exp3A_3381 = math.exp %add3A_3377 : vector<16xf32>
        %sub3A_3382 = arith.constant 1.000000e+00 : f32
        %sub3A_3383 = vector.broadcast %sub3A_3382 : f32 to vector<16xf32>
        %sub3A_3384 = arith.subf %exp3A_3381, %sub3A_3383 : vector<16xf32>
        %select_n3A_3385 = arith.select %gt3A_3380, %add3A_3377, %sub3A_3384 : vector<16xi1>, vector<16xf32>
        %get3A_3386 = arith.constant 112 : index
        %get3A_3387 = tpu.vector_load %arg16[%get3A_3386] {strides = array<i32>} : memref<128xf32, #tpu.memory_space<vmem>>, vector<16xf32>,
        %mul3A_3388 = arith.mulf %select_n3A_3385, %get3A_3387 : vector<16xf32>
        %add3A_3389 = arith.addf %add3A_3364, %mul3A_3388 : vector<16xf32>
        %swap3A_3390 = arith.constant 15 : i32
        %swap3A_3391 = arith.index_cast %swap3A_3390 : i32 to index
        %swap3A_3392 = arith.constant 0 : index
        %swap3A_3393 = tpu.vector_load %arg18[%swap3A_3391, %swap3A_3392] {strides = array<i32>} : memref<16x16xf32, #tpu.memory_space<vmem>>, vector<16xf32>,
        tpu.vector_store %arg18[%swap3A_3391, %swap3A_3392], %add3A_3389 {strides = array<i32>} : memref<16x16xf32, #tpu.memory_space<vmem>>, vector<16xf32>,
        %broadcast_in_dim3A = arith.constant 0 : i32
        %broadcast_in_dim3A_3394 = vector.broadcast %broadcast_in_dim3A : i32 to vector<16xi32>
        %gather3A = tpu.vector_load_idx %arg18[%iota3A, %broadcast_in_dim3A_3394] : memref<16x16xf32, #tpu.memory_space<vmem>>[vector<16xi32>, vector<16xi32>], vector<16xf32>,
        %broadcast_in_dim3A_3395 = arith.constant 1 : i32
        %broadcast_in_dim3A_3396 = vector.broadcast %broadcast_in_dim3A_3395 : i32 to vector<16xi32>
        %gather3A_3397 = tpu.vector_load_idx %arg18[%iota3A, %broadcast_in_dim3A_3396] : memref<16x16xf32, #tpu.memory_space<vmem>>[vector<16xi32>, vector<16xi32>], vector<16xf32>,
        %add3A_3398 = arith.addf %gather3A, %gather3A_3397 : vector<16xf32>
        %broadcast_in_dim3A_3399 = arith.constant 2 : i32
        %broadcast_in_dim3A_3400 = vector.broadcast %broadcast_in_dim3A_3399 : i32 to vector<16xi32>
        %gather3A_3401 = tpu.vector_load_idx %arg18[%iota3A, %broadcast_in_dim3A_3400] : memref<16x16xf32, #tpu.memory_space<vmem>>[vector<16xi32>, vector<16xi32>], vector<16xf32>,
        %add3A_3402 = arith.addf %add3A_3398, %gather3A_3401 : vector<16xf32>
        %broadcast_in_dim3A_3403 = arith.constant 3 : i32
        %broadcast_in_dim3A_3404 = vector.broadcast %broadcast_in_dim3A_3403 : i32 to vector<16xi32>
        %gather3A_3405 = tpu.vector_load_idx %arg18[%iota3A, %broadcast_in_dim3A_3404] : memref<16x16xf32, #tpu.memory_space<vmem>>[vector<16xi32>, vector<16xi32>], vector<16xf32>,
        %add3A_3406 = arith.addf %add3A_3402, %gather3A_3405 : vector<16xf32>
        %broadcast_in_dim3A_3407 = arith.constant 4 : i32
        %broadcast_in_dim3A_3408 = vector.broadcast %broadcast_in_dim3A_3407 : i32 to vector<16xi32>
        %gather3A_3409 = tpu.vector_load_idx %arg18[%iota3A, %broadcast_in_dim3A_3408] : memref<16x16xf32, #tpu.memory_space<vmem>>[vector<16xi32>, vector<16xi32>], vector<16xf32>,
        %add3A_3410 = arith.addf %add3A_3406, %gather3A_3409 : vector<16xf32>
        %broadcast_in_dim3A_3411 = arith.constant 5 : i32
        %broadcast_in_dim3A_3412 = vector.broadcast %broadcast_in_dim3A_3411 : i32 to vector<16xi32>
        %gather3A_3413 = tpu.vector_load_idx %arg18[%iota3A, %broadcast_in_dim3A_3412] : memref<16x16xf32, #tpu.memory_space<vmem>>[vector<16xi32>, vector<16xi32>], vector<16xf32>,
        %add3A_3414 = arith.addf %add3A_3410, %gather3A_3413 : vector<16xf32>
        %broadcast_in_dim3A_3415 = arith.constant 6 : i32
        %broadcast_in_dim3A_3416 = vector.broadcast %broadcast_in_dim3A_3415 : i32 to vector<16xi32>
        %gather3A_3417 = tpu.vector_load_idx %arg18[%iota3A, %broadcast_in_dim3A_3416] : memref<16x16xf32, #tpu.memory_space<vmem>>[vector<16xi32>, vector<16xi32>], vector<16xf32>,
        %add3A_3418 = arith.addf %add3A_3414, %gather3A_3417 : vector<16xf32>
        %broadcast_in_dim3A_3419 = arith.constant 7 : i32
        %broadcast_in_dim3A_3420 = vector.broadcast %broadcast_in_dim3A_3419 : i32 to vector<16xi32>
        %gather3A_3421 = tpu.vector_load_idx %arg18[%iota3A, %broadcast_in_dim3A_3420] : memref<16x16xf32, #tpu.memory_space<vmem>>[vector<16xi32>, vector<16xi32>], vector<16xf32>,
        %add3A_3422 = arith.addf %add3A_3418, %gather3A_3421 : vector<16xf32>
        %broadcast_in_dim3A_3423 = arith.constant 8 : i32
        %broadcast_in_dim3A_3424 = vector.broadcast %broadcast_in_dim3A_3423 : i32 to vector<16xi32>
        %gather3A_3425 = tpu.vector_load_idx %arg18[%iota3A, %broadcast_in_dim3A_3424] : memref<16x16xf32, #tpu.memory_space<vmem>>[vector<16xi32>, vector<16xi32>], vector<16xf32>,
        %add3A_3426 = arith.addf %add3A_3422, %gather3A_3425 : vector<16xf32>
        %broadcast_in_dim3A_3427 = arith.constant 9 : i32
        %broadcast_in_dim3A_3428 = vector.broadcast %broadcast_in_dim3A_3427 : i32 to vector<16xi32>
        %gather3A_3429 = tpu.vector_load_idx %arg18[%iota3A, %broadcast_in_dim3A_3428] : memref<16x16xf32, #tpu.memory_space<vmem>>[vector<16xi32>, vector<16xi32>], vector<16xf32>,
        %add3A_3430 = arith.addf %add3A_3426, %gather3A_3429 : vector<16xf32>
        %broadcast_in_dim3A_3431 = arith.constant 10 : i32
        %broadcast_in_dim3A_3432 = vector.broadcast %broadcast_in_dim3A_3431 : i32 to vector<16xi32>
        %gather3A_3433 = tpu.vector_load_idx %arg18[%iota3A, %broadcast_in_dim3A_3432] : memref<16x16xf32, #tpu.memory_space<vmem>>[vector<16xi32>, vector<16xi32>], vector<16xf32>,
        %add3A_3434 = arith.addf %add3A_3430, %gather3A_3433 : vector<16xf32>
        %broadcast_in_dim3A_3435 = arith.constant 11 : i32
        %broadcast_in_dim3A_3436 = vector.broadcast %broadcast_in_dim3A_3435 : i32 to vector<16xi32>
        %gather3A_3437 = tpu.vector_load_idx %arg18[%iota3A, %broadcast_in_dim3A_3436] : memref<16x16xf32, #tpu.memory_space<vmem>>[vector<16xi32>, vector<16xi32>], vector<16xf32>,
        %add3A_3438 = arith.addf %add3A_3434, %gather3A_3437 : vector<16xf32>
        %broadcast_in_dim3A_3439 = arith.constant 12 : i32
        %broadcast_in_dim3A_3440 = vector.broadcast %broadcast_in_dim3A_3439 : i32 to vector<16xi32>
        %gather3A_3441 = tpu.vector_load_idx %arg18[%iota3A, %broadcast_in_dim3A_3440] : memref<16x16xf32, #tpu.memory_space<vmem>>[vector<16xi32>, vector<16xi32>], vector<16xf32>,
        %add3A_3442 = arith.addf %add3A_3438, %gather3A_3441 : vector<16xf32>
        %broadcast_in_dim3A_3443 = arith.constant 13 : i32
        %broadcast_in_dim3A_3444 = vector.broadcast %broadcast_in_dim3A_3443 : i32 to vector<16xi32>
        %gather3A_3445 = tpu.vector_load_idx %arg18[%iota3A, %broadcast_in_dim3A_3444] : memref<16x16xf32, #tpu.memory_space<vmem>>[vector<16xi32>, vector<16xi32>], vector<16xf32>,
        %add3A_3446 = arith.addf %add3A_3442, %gather3A_3445 : vector<16xf32>
        %broadcast_in_dim3A_3447 = arith.constant 14 : i32
        %broadcast_in_dim3A_3448 = vector.broadcast %broadcast_in_dim3A_3447 : i32 to vector<16xi32>
        %gather3A_3449 = tpu.vector_load_idx %arg18[%iota3A, %broadcast_in_dim3A_3448] : memref<16x16xf32, #tpu.memory_space<vmem>>[vector<16xi32>, vector<16xi32>], vector<16xf32>,
        %add3A_3450 = arith.addf %add3A_3446, %gather3A_3449 : vector<16xf32>
        %broadcast_in_dim3A_3451 = arith.constant 15 : i32
        %broadcast_in_dim3A_3452 = vector.broadcast %broadcast_in_dim3A_3451 : i32 to vector<16xi32>
        %gather3A_3453 = tpu.vector_load_idx %arg18[%iota3A, %broadcast_in_dim3A_3452] : memref<16x16xf32, #tpu.memory_space<vmem>>[vector<16xi32>, vector<16xi32>], vector<16xf32>,
        %add3A_3454 = arith.addf %add3A_3450, %gather3A_3453 : vector<16xf32>
        %add3A_3455 = arith.addf %add3A_3454, %get3A_7 : vector<16xf32>
        %neg3A = arith.constant 0.000000e+00 : f32
        %neg3A_3456 = vector.broadcast %neg3A : f32 to vector<16xf32>
        %neg3A_3457 = arith.subf %neg3A_3456, %add3A_3455 : vector<16xf32>
        %exp3A_3458 = math.exp %neg3A_3457 : vector<16xf32>
        %add3A_3459 = arith.constant 1.000000e+00 : f32
        %add3A_3460 = vector.broadcast %add3A_3459 : f32 to vector<16xf32>
        %add3A_3461 = arith.addf %add3A_3460, %exp3A_3458 : vector<16xf32>
        %div3A = arith.constant 1.000000e+00 : f32
        %div3A_3462 = vector.broadcast %div3A : f32 to vector<16xf32>
        %div3A_3463 = arith.divf %div3A_3462, %add3A_3461 : vector<16xf32>
        %mul3A_3464 = arith.constant 128 : i32
        %mul3A_3465 = arith.muli %scan3A_87, %mul3A_3464 : i32
        %add3A_3466 = arith.addi %mul3A_3465, %mul3A_149 : i32
        %get3A_3467 = arith.index_cast %add3A_3466 : i32 to index
        %get3A_3468 = tpu.vector_load %arg10[%get3A_3467] {strides = array<i32>} : memref<5120xi32, #tpu.memory_space<vmem>>, vector<16xi32>,
        %mul3A_3469 = arith.constant 128 : i32
        %mul3A_3470 = arith.muli %scan3A_87, %mul3A_3469 : i32
        %add3A_3471 = arith.addi %mul3A_3470, %mul3A_149 : i32
        %get3A_3472 = arith.index_cast %add3A_3471 : i32 to index
        %get3A_3473 = tpu.vector_load %arg11[%get3A_3472] {strides = array<i32>} : memref<5120xi32, #tpu.memory_space<vmem>>, vector<16xi32>,
        %eq3A = arith.cmpi eq, %get3A_3468, %get3A_3473 : vector<16xi32>
        %jit3A = arith.constant 1.000000e+00 : f32
        %broadcast_in_dim3A_3474 = vector.broadcast %jit3A : f32 to vector<16xf32>
        %select_n3A_3475 = arith.select %eq3A, %broadcast_in_dim3A_3474, %div3A_3463 : vector<16xi1>, vector<16xf32>
        %swap3A_3476 = arith.index_cast %rem3A_88 : i32 to index
        %swap3A_3477 = arith.index_cast %mul3A_149 : i32 to index
        %swap3A_3478 = tpu.vector_load %arg14[%swap3A_3476, %swap3A_3477] {strides = array<i32>} : memref<2x128xf32, #tpu.memory_space<vmem>>, vector<16xf32>,
        tpu.vector_store %arg14[%swap3A_3476, %swap3A_3477], %select_n3A_3475 {strides = array<i32>} : memref<2x128xf32, #tpu.memory_space<vmem>>, vector<16xf32>,
        %mul3A_3479 = arith.constant 10000 : i32
        %mul3A_3480 = vector.broadcast %mul3A_3479 : i32 to vector<16xi32>
        %mul3A_3481 = arith.muli %get3A_3468, %mul3A_3480 : vector<16xi32>
        %add3A_3482 = arith.addi %mul3A_3481, %get3A_3473 : vector<16xi32>
        %swap3A_3483 = arith.index_cast %rem3A_88 : i32 to index
        %swap3A_3484 = arith.index_cast %mul3A_149 : i32 to index
        %swap3A_3485 = tpu.vector_load %arg15[%swap3A_3483, %swap3A_3484] {strides = array<i32>} : memref<2x128xi32, #tpu.memory_space<vmem>>, vector<16xi32>,
        tpu.vector_store %arg15[%swap3A_3483, %swap3A_3484], %add3A_3482 {strides = array<i32>} : memref<2x128xi32, #tpu.memory_space<vmem>>, vector<16xi32>,
      }
      %scan3A_121 = arith.constant 8 : i32
      %add3A_122 = arith.addi %mul3A_2, %scan3A_87 : i32
      %dma_start3A_123 = arith.constant 0 : i32
      %dma_start3A_124 = tpu.memref_slice %arg14[%rem3A_88, %dma_start3A_123] : memref<2x128xf32, #tpu.memory_space<vmem>> -> memref<1x128xf32, #tpu.memory_space<vmem>>
      %dma_start3A_125 = tpu.memref_squeeze %dma_start3A_124 : memref<1x128xf32, #tpu.memory_space<vmem>> -> memref<128xf32, #tpu.memory_space<vmem>>
      %dma_start3A_126 = arith.constant 0 : i32
      %dma_start3A_127 = tpu.memref_slice %arg8[%add3A_122, %dma_start3A_126] : memref<1280x128xf32, #tpu.memory_space<hbm>> -> memref<1x128xf32, #tpu.memory_space<hbm>>
      %dma_start3A_128 = tpu.memref_squeeze %dma_start3A_127 : memref<1x128xf32, #tpu.memory_space<hbm>> -> memref<128xf32, #tpu.memory_space<hbm>>
      %dma_start3A_129 = arith.constant 0 : i32
      %dma_start3A_130 = tpu.memref_slice %arg8[%add3A_122, %dma_start3A_129] : memref<1280x128xf32, #tpu.memory_space<hbm>> -> memref<1x128xf32, #tpu.memory_space<hbm>>
      %dma_start3A_131 = tpu.memref_squeeze %dma_start3A_130 : memref<1x128xf32, #tpu.memory_space<hbm>> -> memref<128xf32, #tpu.memory_space<hbm>>
      %dma_start3A_132 = arith.constant 0 : i32
      %dma_start3A_133 = tpu.memref_slice %arg14[%rem3A_88, %dma_start3A_132] : memref<2x128xf32, #tpu.memory_space<vmem>> -> memref<1x128xf32, #tpu.memory_space<vmem>>
      %dma_start3A_134 = tpu.memref_squeeze %dma_start3A_133 : memref<1x128xf32, #tpu.memory_space<vmem>> -> memref<128xf32, #tpu.memory_space<vmem>>
      tpu.enqueue_dma source(%dma_start3A_134 : memref<128xf32, #tpu.memory_space<vmem>>) target(%dma_start3A_131 : memref<128xf32, #tpu.memory_space<hbm>>) target_semaphore(%arg21 : memref<!tpu.dma_semaphore, #tpu.memory_space<semaphore_mem>>)
      %dma_start3A_135 = arith.constant 0 : i32
      %dma_start3A_136 = tpu.memref_slice %arg15[%rem3A_88, %dma_start3A_135] : memref<2x128xi32, #tpu.memory_space<vmem>> -> memref<1x128xi32, #tpu.memory_space<vmem>>
      %dma_start3A_137 = tpu.memref_squeeze %dma_start3A_136 : memref<1x128xi32, #tpu.memory_space<vmem>> -> memref<128xi32, #tpu.memory_space<vmem>>
      %dma_start3A_138 = arith.constant 0 : i32
      %dma_start3A_139 = tpu.memref_slice %arg9[%add3A_122, %dma_start3A_138] : memref<1280x128xi32, #tpu.memory_space<hbm>> -> memref<1x128xi32, #tpu.memory_space<hbm>>
      %dma_start3A_140 = tpu.memref_squeeze %dma_start3A_139 : memref<1x128xi32, #tpu.memory_space<hbm>> -> memref<128xi32, #tpu.memory_space<hbm>>
      %dma_start3A_141 = arith.constant 0 : i32
      %dma_start3A_142 = tpu.memref_slice %arg9[%add3A_122, %dma_start3A_141] : memref<1280x128xi32, #tpu.memory_space<hbm>> -> memref<1x128xi32, #tpu.memory_space<hbm>>
      %dma_start3A_143 = tpu.memref_squeeze %dma_start3A_142 : memref<1x128xi32, #tpu.memory_space<hbm>> -> memref<128xi32, #tpu.memory_space<hbm>>
      %dma_start3A_144 = arith.constant 0 : i32
      %dma_start3A_145 = tpu.memref_slice %arg15[%rem3A_88, %dma_start3A_144] : memref<2x128xi32, #tpu.memory_space<vmem>> -> memref<1x128xi32, #tpu.memory_space<vmem>>
      %dma_start3A_146 = tpu.memref_squeeze %dma_start3A_145 : memref<1x128xi32, #tpu.memory_space<vmem>> -> memref<128xi32, #tpu.memory_space<vmem>>
      tpu.enqueue_dma source(%dma_start3A_146 : memref<128xi32, #tpu.memory_space<vmem>>) target(%dma_start3A_143 : memref<128xi32, #tpu.memory_space<hbm>>) target_semaphore(%arg22 : memref<!tpu.dma_semaphore, #tpu.memory_space<semaphore_mem>>)
    }
    %scan3A_31 = arith.constant 40 : i32
    %dma_wait3A = arith.constant 0 : i32
    %dma_wait3A_32 = arith.constant 0 : i32
    %dma_wait3A_33 = arith.constant 0 : i32
    %dma_wait3A_34 = tpu.memref_slice %arg14[%dma_wait3A, %dma_wait3A_33] : memref<2x128xf32, #tpu.memory_space<vmem>> -> memref<1x128xf32, #tpu.memory_space<vmem>>
    %dma_wait3A_35 = tpu.memref_squeeze %dma_wait3A_34 : memref<1x128xf32, #tpu.memory_space<vmem>> -> memref<128xf32, #tpu.memory_space<vmem>>
    %dma_wait3A_36 = arith.constant 0 : i32
    %dma_wait3A_37 = tpu.memref_slice %arg8[%dma_wait3A_32, %dma_wait3A_36] : memref<1280x128xf32, #tpu.memory_space<hbm>> -> memref<1x128xf32, #tpu.memory_space<hbm>>
    %dma_wait3A_38 = tpu.memref_squeeze %dma_wait3A_37 : memref<1x128xf32, #tpu.memory_space<hbm>> -> memref<128xf32, #tpu.memory_space<hbm>>
    %dma_wait3A_39 = arith.constant 0 : i32
    %dma_wait3A_40 = tpu.memref_slice %arg8[%dma_wait3A_32, %dma_wait3A_39] : memref<1280x128xf32, #tpu.memory_space<hbm>> -> memref<1x128xf32, #tpu.memory_space<hbm>>
    %dma_wait3A_41 = tpu.memref_squeeze %dma_wait3A_40 : memref<1x128xf32, #tpu.memory_space<hbm>> -> memref<128xf32, #tpu.memory_space<hbm>>
    %dma_wait3A_42 = arith.constant 0 : i32
    %dma_wait3A_43 = tpu.memref_slice %arg14[%dma_wait3A, %dma_wait3A_42] : memref<2x128xf32, #tpu.memory_space<vmem>> -> memref<1x128xf32, #tpu.memory_space<vmem>>
    %dma_wait3A_44 = tpu.memref_squeeze %dma_wait3A_43 : memref<1x128xf32, #tpu.memory_space<vmem>> -> memref<128xf32, #tpu.memory_space<vmem>>
    tpu.wait_dma2 semaphore(%arg21 : memref<!tpu.dma_semaphore, #tpu.memory_space<semaphore_mem>>) src(%dma_wait3A_44 : memref<128xf32, #tpu.memory_space<vmem>>) dst(%dma_wait3A_41 : memref<128xf32, #tpu.memory_space<hbm>>)
    %dma_wait3A_45 = arith.constant 0 : i32
    %dma_wait3A_46 = arith.constant 0 : i32
    %dma_wait3A_47 = arith.constant 0 : i32
    %dma_wait3A_48 = tpu.memref_slice %arg15[%dma_wait3A_45, %dma_wait3A_47] : memref<2x128xi32, #tpu.memory_space<vmem>> -> memref<1x128xi32, #tpu.memory_space<vmem>>
    %dma_wait3A_49 = tpu.memref_squeeze %dma_wait3A_48 : memref<1x128xi32, #tpu.memory_space<vmem>> -> memref<128xi32, #tpu.memory_space<vmem>>
    %dma_wait3A_50 = arith.constant 0 : i32
    %dma_wait3A_51 = tpu.memref_slice %arg9[%dma_wait3A_46, %dma_wait3A_50] : memref<1280x128xi32, #tpu.memory_space<hbm>> -> memref<1x128xi32, #tpu.memory_space<hbm>>
    %dma_wait3A_52 = tpu.memref_squeeze %dma_wait3A_51 : memref<1x128xi32, #tpu.memory_space<hbm>> -> memref<128xi32, #tpu.memory_space<hbm>>
    %dma_wait3A_53 = arith.constant 0 : i32
    %dma_wait3A_54 = tpu.memref_slice %arg9[%dma_wait3A_46, %dma_wait3A_53] : memref<1280x128xi32, #tpu.memory_space<hbm>> -> memref<1x128xi32, #tpu.memory_space<hbm>>
    %dma_wait3A_55 = tpu.memref_squeeze %dma_wait3A_54 : memref<1x128xi32, #tpu.memory_space<hbm>> -> memref<128xi32, #tpu.memory_space<hbm>>
    %dma_wait3A_56 = arith.constant 0 : i32
    %dma_wait3A_57 = tpu.memref_slice %arg15[%dma_wait3A_45, %dma_wait3A_56] : memref<2x128xi32, #tpu.memory_space<vmem>> -> memref<1x128xi32, #tpu.memory_space<vmem>>
    %dma_wait3A_58 = tpu.memref_squeeze %dma_wait3A_57 : memref<1x128xi32, #tpu.memory_space<vmem>> -> memref<128xi32, #tpu.memory_space<vmem>>
    tpu.wait_dma2 semaphore(%arg22 : memref<!tpu.dma_semaphore, #tpu.memory_space<semaphore_mem>>) src(%dma_wait3A_58 : memref<128xi32, #tpu.memory_space<vmem>>) dst(%dma_wait3A_55 : memref<128xi32, #tpu.memory_space<hbm>>)
    %dma_wait3A_59 = arith.constant 1 : i32
    %dma_wait3A_60 = arith.constant 0 : i32
    %dma_wait3A_61 = arith.constant 0 : i32
    %dma_wait3A_62 = tpu.memref_slice %arg14[%dma_wait3A_59, %dma_wait3A_61] : memref<2x128xf32, #tpu.memory_space<vmem>> -> memref<1x128xf32, #tpu.memory_space<vmem>>
    %dma_wait3A_63 = tpu.memref_squeeze %dma_wait3A_62 : memref<1x128xf32, #tpu.memory_space<vmem>> -> memref<128xf32, #tpu.memory_space<vmem>>
    %dma_wait3A_64 = arith.constant 0 : i32
    %dma_wait3A_65 = tpu.memref_slice %arg8[%dma_wait3A_60, %dma_wait3A_64] : memref<1280x128xf32, #tpu.memory_space<hbm>> -> memref<1x128xf32, #tpu.memory_space<hbm>>
    %dma_wait3A_66 = tpu.memref_squeeze %dma_wait3A_65 : memref<1x128xf32, #tpu.memory_space<hbm>> -> memref<128xf32, #tpu.memory_space<hbm>>
    %dma_wait3A_67 = arith.constant 0 : i32
    %dma_wait3A_68 = tpu.memref_slice %arg8[%dma_wait3A_60, %dma_wait3A_67] : memref<1280x128xf32, #tpu.memory_space<hbm>> -> memref<1x128xf32, #tpu.memory_space<hbm>>
    %dma_wait3A_69 = tpu.memref_squeeze %dma_wait3A_68 : memref<1x128xf32, #tpu.memory_space<hbm>> -> memref<128xf32, #tpu.memory_space<hbm>>
    %dma_wait3A_70 = arith.constant 0 : i32
    %dma_wait3A_71 = tpu.memref_slice %arg14[%dma_wait3A_59, %dma_wait3A_70] : memref<2x128xf32, #tpu.memory_space<vmem>> -> memref<1x128xf32, #tpu.memory_space<vmem>>
    %dma_wait3A_72 = tpu.memref_squeeze %dma_wait3A_71 : memref<1x128xf32, #tpu.memory_space<vmem>> -> memref<128xf32, #tpu.memory_space<vmem>>
    tpu.wait_dma2 semaphore(%arg21 : memref<!tpu.dma_semaphore, #tpu.memory_space<semaphore_mem>>) src(%dma_wait3A_72 : memref<128xf32, #tpu.memory_space<vmem>>) dst(%dma_wait3A_69 : memref<128xf32, #tpu.memory_space<hbm>>)
    %dma_wait3A_73 = arith.constant 1 : i32
    %dma_wait3A_74 = arith.constant 0 : i32
    %dma_wait3A_75 = arith.constant 0 : i32
    %dma_wait3A_76 = tpu.memref_slice %arg15[%dma_wait3A_73, %dma_wait3A_75] : memref<2x128xi32, #tpu.memory_space<vmem>> -> memref<1x128xi32, #tpu.memory_space<vmem>>
    %dma_wait3A_77 = tpu.memref_squeeze %dma_wait3A_76 : memref<1x128xi32, #tpu.memory_space<vmem>> -> memref<128xi32, #tpu.memory_space<vmem>>
    %dma_wait3A_78 = arith.constant 0 : i32
    %dma_wait3A_79 = tpu.memref_slice %arg9[%dma_wait3A_74, %dma_wait3A_78] : memref<1280x128xi32, #tpu.memory_space<hbm>> -> memref<1x128xi32, #tpu.memory_space<hbm>>
    %dma_wait3A_80 = tpu.memref_squeeze %dma_wait3A_79 : memref<1x128xi32, #tpu.memory_space<hbm>> -> memref<128xi32, #tpu.memory_space<hbm>>
    %dma_wait3A_81 = arith.constant 0 : i32
    %dma_wait3A_82 = tpu.memref_slice %arg9[%dma_wait3A_74, %dma_wait3A_81] : memref<1280x128xi32, #tpu.memory_space<hbm>> -> memref<1x128xi32, #tpu.memory_space<hbm>>
    %dma_wait3A_83 = tpu.memref_squeeze %dma_wait3A_82 : memref<1x128xi32, #tpu.memory_space<hbm>> -> memref<128xi32, #tpu.memory_space<hbm>>
    %dma_wait3A_84 = arith.constant 0 : i32
    %dma_wait3A_85 = tpu.memref_slice %arg15[%dma_wait3A_73, %dma_wait3A_84] : memref<2x128xi32, #tpu.memory_space<vmem>> -> memref<1x128xi32, #tpu.memory_space<vmem>>
    %dma_wait3A_86 = tpu.memref_squeeze %dma_wait3A_85 : memref<1x128xi32, #tpu.memory_space<vmem>> -> memref<128xi32, #tpu.memory_space<vmem>>
    tpu.wait_dma2 semaphore(%arg22 : memref<!tpu.dma_semaphore, #tpu.memory_space<semaphore_mem>>) src(%dma_wait3A_86 : memref<128xi32, #tpu.memory_space<vmem>>) dst(%dma_wait3A_83 : memref<128xi32, #tpu.memory_space<hbm>>)
    return
  }
}

module attributes {stable_mosaic.version = 14 : i64} {
  func.func @_proj_body(%arg0: i32, %arg1: memref<2000x128xf32, #tpu.memory_space<vmem>>, %arg2: memref<128x256xf32, #tpu.memory_space<vmem>>, %arg3: memref<1x128xf32, #tpu.memory_space<vmem>>, %arg4: memref<2000x128xf32, #tpu.memory_space<vmem>>, %arg5: memref<2000x128xf32, #tpu.memory_space<vmem>>) attributes {dimension_semantics = [#tpu.dimension_semantics<arbitrary>], iteration_bounds = array<i64: 5>, scalar_prefetch = 0 : i64, scratch_operands = 0 : i64, tpu.core_type = #tpu.core_type<tc>, window_params = [{transform_indices = @transform_0, window_bounds = array<i64: 2000, 128>}, {pipeline_mode = #tpu.pipeline_mode<synchronous>, transform_indices = @transform_1, window_bounds = array<i64: 128, 256>}, {pipeline_mode = #tpu.pipeline_mode<synchronous>, transform_indices = @transform_2, window_bounds = array<i64: 1, 128>}, {transform_indices = @transform_3, window_bounds = array<i64: 2000, 128>}, {transform_indices = @transform_4, window_bounds = array<i64: 2000, 128>}]} {
    %get3A = arith.constant 0 : index
    %get3A_0 = arith.constant 0 : index
    %get3A_1 = vector.load %arg1[%get3A, %get3A_0] : memref<2000x128xf32, #tpu.memory_space<vmem>>, vector<2000x128xf32>
    %get3A_2 = arith.constant 0 : index
    %get3A_3 = arith.constant 0 : index
    %get3A_4 = vector.load %arg2[%get3A_2, %get3A_3] : memref<128x256xf32, #tpu.memory_space<vmem>>, vector<128x256xf32>
    %slice3A = vector.extract_strided_slice %get3A_4 {offsets = [0, 0], sizes = [128, 128], strides = [1, 1]} : vector<128x256xf32> to vector<128x128xf32>
    %dot_general3A = arith.constant dense<0.000000e+00> : vector<2000x128xf32>
    %dot_general3A_5 = tpu.matmul %get3A_1, %slice3A, %dot_general3A {dimension_numbers = #tpu.dot_dimension_numbers<[1], [1], [0], [0], [0, 0, 1, 0], [], []>, transpose_lhs_hint = false} : vector<2000x128xf32>, vector<128x128xf32>, vector<2000x128xf32> -> vector<2000x128xf32>
    %get3A_6 = arith.constant 0 : index
    %get3A_7 = arith.constant 0 : index
    %get3A_8 = vector.load %arg3[%get3A_6, %get3A_7] : memref<1x128xf32, #tpu.memory_space<vmem>>, vector<1x128xf32>
    %add3A = vector.broadcast %get3A_8 : vector<1x128xf32> to vector<2000x128xf32>
    %add3A_9 = arith.addf %dot_general3A_5, %add3A : vector<2000x128xf32>
    %swap3A = arith.constant 0 : index
    %swap3A_10 = arith.constant 0 : index
    %swap3A_11 = vector.load %arg4[%swap3A, %swap3A_10] : memref<2000x128xf32, #tpu.memory_space<vmem>>, vector<2000x128xf32>
    tpu.vector_store %arg4[%swap3A, %swap3A_10], %add3A_9 {strides = array<i32>} : memref<2000x128xf32, #tpu.memory_space<vmem>>, vector<2000x128xf32>,
    %slice3A_12 = vector.extract_strided_slice %get3A_4 {offsets = [0, 128], sizes = [128, 128], strides = [1, 1]} : vector<128x256xf32> to vector<128x128xf32>
    %dot_general3A_13 = arith.constant dense<0.000000e+00> : vector<2000x128xf32>
    %dot_general3A_14 = tpu.matmul %get3A_1, %slice3A_12, %dot_general3A_13 {dimension_numbers = #tpu.dot_dimension_numbers<[1], [1], [0], [0], [0, 0, 1, 0], [], []>, transpose_lhs_hint = false} : vector<2000x128xf32>, vector<128x128xf32>, vector<2000x128xf32> -> vector<2000x128xf32>
    %swap3A_15 = arith.constant 0 : index
    %swap3A_16 = arith.constant 0 : index
    %swap3A_17 = vector.load %arg5[%swap3A_15, %swap3A_16] : memref<2000x128xf32, #tpu.memory_space<vmem>>, vector<2000x128xf32>
    tpu.vector_store %arg5[%swap3A_15, %swap3A_16], %dot_general3A_14 {strides = array<i32>} : memref<2000x128xf32, #tpu.memory_space<vmem>>, vector<2000x128xf32>,
    return
  }
  func.func @transform_0(%arg0: i32) -> (i32, i32) {
    %c0_i32 = arith.constant 0 : i32
    %c0_i32_0 = arith.constant 0 : i32
    return %arg0, %c0_i32 : i32, i32
  }
  func.func @transform_1(%arg0: i32) -> (i32, i32) {
    %c0_i32 = arith.constant 0 : i32
    %c0_i32_0 = arith.constant 0 : i32
    %c0_i32_1 = arith.constant 0 : i32
    return %c0_i32, %c0_i32_0 : i32, i32
  }
  func.func @transform_2(%arg0: i32) -> (i32, i32) {
    %c0_i32 = arith.constant 0 : i32
    %c0_i32_0 = arith.constant 0 : i32
    %c0_i32_1 = arith.constant 0 : i32
    return %c0_i32, %c0_i32_0 : i32, i32
  }
  func.func @transform_3(%arg0: i32) -> (i32, i32) {
    %c0_i32 = arith.constant 0 : i32
    %c0_i32_0 = arith.constant 0 : i32
    return %arg0, %c0_i32 : i32, i32
  }
  func.func @transform_4(%arg0: i32) -> (i32, i32) {
    %c0_i32 = arith.constant 0 : i32
    %c0_i32_0 = arith.constant 0 : i32
    return %arg0, %c0_i32 : i32, i32
  }
}

module attributes {stable_mosaic.version = 14 : i64} {
  func.func @_init_body(%arg0: i32, %arg1: memref<4194304xf32, #tpu.memory_space<vmem>>) attributes {dimension_semantics = [#tpu.dimension_semantics<arbitrary>], iteration_bounds = array<i64: 24>, scalar_prefetch = 0 : i64, scratch_operands = 0 : i64, tpu.core_type = #tpu.core_type<tc>, window_params = [{transform_indices = @transform_0, window_bounds = array<i64: 4194304>}]} {
    %broadcast_in_dim3A = arith.constant 0.000000e+00 : f32
    %broadcast_in_dim3A_0 = vector.broadcast %broadcast_in_dim3A : f32 to vector<4194304xf32>
    %swap3A = arith.constant 0 : index
    %swap3A_1 = vector.load %arg1[%swap3A] : memref<4194304xf32, #tpu.memory_space<vmem>>, vector<4194304xf32>
    tpu.vector_store %arg1[%swap3A], %broadcast_in_dim3A_0 {strides = array<i32>} : memref<4194304xf32, #tpu.memory_space<vmem>>, vector<4194304xf32>,
    return
  }
  func.func @transform_0(%arg0: i32) -> i32 {
    %c0_i32 = arith.constant 0 : i32
    return %arg0 : i32
  }
}

</mosaic_0001>

<sc_bundles>
// kernel: kernel.6.cloned.1.call-start
scs
__scs_entry_jumppad:
0x0: {  	(pc) =	sbr.rel $0x88, $3  }
0x1: {  	(tag) =	ssettag $0x0;
	lr =	simm.s32 $0x1  }
0x2: {  	[smem:$0x3F9B] =	sst lr;
	_ =	strace $0xD0000000  }
0x3: {  	_ = 	snop  }
0x4: {  	_ = 	snop  }
0x5: {  	_ = 	snop  }
0x6: {  	_ = 	snop  }
0x7: {  	_ = 	snop  }
__scs_overlays_trampoline_lowered:
0x8: {  	[smem:$0x3FAA] =	sst s0  }
0x9: {  	[smem:$0x3FAB] =	sst s1  }
0xa: {  	[smem:$0x3FAC] =	sst s2  }
0xb: {  	[smem:$0x3FAD] =	sst s3  }
0xc: {  	[smem:$0x3FAE] =	sst s4  }
0xd: {  	[smem:$0x3FAF] =	sst s5  }
0xe: {  	[smem:$0x3FB0] =	sst s6  }
0xf: {  	[smem:$0x3FB1] =	sst s7  }
0x10: {  	[smem:$0x3FB2] =	sst s8  }
0x11: {  	[smem:$0x3FB3] =	sst s9;
	s0 =	simm.s32 @!p0 $0x0  }
0x12: {  	s1 =	sld [smem:$0x3F99];
	s0 =	simm.s32 @p0 $0x1  }
0x13: {  	[smem:$0x3FB4] =	sst s0;
	s0 =	simm.s32 @!p1 $0x0  }
0x14: {  	s2 =	sld [smem:$0x3F98];
	s0 =	simm.s32 @p1 $0x1  }
0x15: {  	[smem:$0x3FB5] =	sst s0;
	s0 =	simm.s32 @!p2 $0x0  }
0x16: {  	s3 =	sld [smem:$0x3FDB];
	s0 =	simm.s32 @p2 $0x1  }
0x17: {  	s4 =	simm.s32 $0x1BF5;
	[smem:$0x3FB7] =	sst s0  }
0x18: {  	s0 =	sld [smem:$0x3F9A];
	_ =	swait.ge [sflag:s4], $0x0  }
0x19: {  	s7 =	sld [smem:$0x3F9B]  }
0x1a: {  	s8 =	sadd.s32 $0xFFFFE003, lr  }
0x1b: {  	s9 =	sadd.s32 $0xFFFFFEF7, lr;
	s5 =	simm.s32 $0xFFFFFFFF;
	p2 =	slt.u32 s8, $0xFFFFF086  }
0x1c: {  	p1 =	slt.u32 s9, $0xF7A;
	s5 =	simm.s32 @!p2 $0x0  }
0x1d: {  	s5 =	simm.s32 @p1 $0x1;
	p0 =	seq.s32 s7, s2  }
0x1e: {  	s7 =	smul.u32 @!p0 $0xF7A, s2;
	p2 =	seq.s32 @!p0 s5, $0x0  }
0x1f: {  	s9 =	smul.u32 $0xF7A, s1;
	s8 =	simm.s32 @!p0 $0x1BF5;
	p2 =	por !p2, p0  }
0x20: {  	[sflag:s8] =	ssyncset.s32 @!p0 $0xFFFFF086;
	s6 =	sadd.s32 @!p0 s3, s7;
	s7 =	simm.s32 @!p0 $0x108  }
0x21: {  	s3 =	sadd.s32 s3, s9;
	s6 =	sadd.s32 @!p0 $0x88, s6;
	s7 =	simm.s32 @p2 $0x1082  }
0x22: {  	[simem:s7], [sflag:s8] =	dma.local @!p0 [hbm:s6], $0xF7A  }
0x23: {  	s9 =	sor.u32 $0xD0000000, s2;
	s6 =	simm.s32 $0x108;
	_ =	swait.ge @!p0 [sflag:s8], $0x0  }
0x24: {  	s3 =	sadd.s32 $0x88, s3;
	s6 =	simm.s32 @!p1 $0x1082;
	[sflag:s4] =	ssyncset.s32 $0xFFFFF086  }
0x25: {  	[simem:s6], [sflag:s4] =	dma.local [hbm:s3], $0xF7A  }
0x26: {  	[smem:$0x3F9B] =	sst s1;
	(tag) =	ssettag s2;
	_ =	strace s9  }
0x27: {  	s1 =	sld [smem:$0x3FAB]  }
0x28: {  	s2 =	sld [smem:$0x3FAC]  }
0x29: {  	s4 =	sld [smem:$0x3FAE]  }
0x2a: {  	p0 =	seq.s32 s5, $0x0;
	s5 =	sld [smem:$0x3FAF]  }
0x2b: {  	s6 =	sld [smem:$0x3FB0]  }
0x2c: {  	s7 =	sld [smem:$0x3FB1]  }
0x2d: {  	s3 =	simm.s32 $0x108;
	s8 =	sld [smem:$0x3FB2]  }
0x2e: {  	s3 =	simm.s32 @!p0 $0x1082;
	s9 =	sld [smem:$0x3FB3]  }
0x2f: {  	lr =	sadd.s32 s0, s3;
	s0 =	sld [smem:$0x3FAA]  }
0x30: {  	s3 =	sld [smem:$0x3FAD]  }
0x31: {  	[smem:$0x3FB6] =	sst s10  }
0x32: {  	s10 =	sld [smem:$0x3FB4];
	_ =	sdelay $0x3  }
0x33: {  	p0 =	seq.s32 s10, $0x1;
	s10 =	sld [smem:$0x3FB6];
	_ =	sdelay $0x3  }
0x34: {  	[smem:$0x3FB6] =	sst s10  }
0x35: {  	s10 =	sld [smem:$0x3FB5];
	_ =	sdelay $0x3  }
0x36: {  	p1 =	seq.s32 s10, $0x1;
	s10 =	sld [smem:$0x3FB6];
	_ =	sdelay $0x3  }
0x37: {  	[smem:$0x3FB6] =	sst s10  }
0x38: {  	s10 =	sld [smem:$0x3FB7]  }
0x39: {  	_ = 	snop;
	(pc) =	sbr.ind lr, $3  }
0x3a: {  	_ = 	snop  }
0x3b: {  	_ = 	snop  }
0x3c: {  	p2 =	seq.s32 s10, $0x1;
	s10 =	sld [smem:$0x3FB6]  }
0x3d: {  	_ =	shalt  }
0x3e: {  	_ =	shalt  }
0x3f: {  	_ =	shalt  }
0x40: {  	_ =	shalt  }
0x41: {  	_ =	shalt  }
0x42: {  	_ =	shalt  }
0x43: {  	_ =	shalt  }
0x44: {  	_ =	shalt  }
0x45: {  	_ =	shalt  }
0x46: {  	_ =	shalt  }
0x47: {  	_ =	shalt  }
0x48: {  	_ =	shalt  }
0x49: {  	_ =	shalt  }
0x4a: {  	_ =	shalt  }
0x4b: {  	_ =	shalt  }
0x4c: {  	_ =	shalt  }
0x4d: {  	_ =	shalt  }
0x4e: {  	_ =	shalt  }
0x4f: {  	_ =	shalt  }
0x50: {  	_ =	shalt  }
0x51: {  	_ =	shalt  }
0x52: {  	_ =	shalt  }
0x53: {  	_ =	shalt  }
0x54: {  	_ =	shalt  }
0x55: {  	_ =	shalt  }
0x56: {  	_ =	shalt  }
0x57: {  	_ =	shalt  }
0x58: {  	_ =	shalt  }
0x59: {  	_ =	shalt  }
0x5a: {  	_ =	shalt  }
0x5b: {  	_ =	shalt  }
0x5c: {  	_ =	shalt  }
0x5d: {  	_ =	shalt  }
0x5e: {  	_ =	shalt  }
0x5f: {  	_ =	shalt  }
0x60: {  	_ =	shalt  }
0x61: {  	_ =	shalt  }
0x62: {  	_ =	shalt  }
0x63: {  	_ =	shalt  }
0x64: {  	_ =	shalt  }
0x65: {  	_ =	shalt  }
0x66: {  	_ =	shalt  }
0x67: {  	_ =	shalt  }
0x68: {  	_ =	shalt  }
0x69: {  	_ =	shalt  }
0x6a: {  	_ =	shalt  }
0x6b: {  	_ =	shalt  }
0x6c: {  	_ =	shalt  }
0x6d: {  	_ =	shalt  }
0x6e: {  	_ =	shalt  }
0x6f: {  	_ =	shalt  }
0x70: {  	_ =	shalt  }
0x71: {  	_ =	shalt  }
0x72: {  	_ =	shalt  }
0x73: {  	_ =	shalt  }
0x74: {  	_ =	shalt  }
0x75: {  	_ =	shalt  }
0x76: {  	_ =	shalt  }
0x77: {  	_ =	shalt  }
0x78: {  	_ =	shalt  }
0x79: {  	_ =	shalt  }
0x7a: {  	_ =	shalt  }
0x7b: {  	_ =	shalt  }
0x7c: {  	_ =	shalt  }
0x7d: {  	_ =	shalt  }
0x7e: {  	_ =	shalt  }
0x7f: {  	_ =	shalt  }
0x80: {  	_ =	shalt  }
0x81: {  	_ =	shalt  }
0x82: {  	_ =	shalt  }
0x83: {  	_ =	shalt  }
0x84: {  	_ =	shalt  }
0x85: {  	_ =	shalt  }
0x86: {  	_ =	shalt  }
0x87: {  	_ =	shalt  }
.Lfunc_end0:
.L_simem_size_0:
called_computation_lowered:
.L_overlay_start_0:
0x88: {  	s2 =	sld [smem:$0x3FD9]  }
0x89: {  	s3 =	sld [smem:$0x3FFE];
	_ =	sdelay $0x1  }
0x8a: {  	s1 =	srdreg.scid  }
0x8b: {  	s0 =	sand.u32 $0x1, s1  }
0x8c: {  	s17 =	sshll.u32 s0, $0xA;
	s2 =	sadd.s32 s3, s2  }
0x8d: {  	s2 =	sadd.s32 s2, s17  }
0x8e: {  	[smem:$0x3FC2] =	sst s2  }
0x8f: {  	_ = 	snop  }
0x90: {  	s2 =	sld [smem:$0x3FC5]  }
0x91: {  	s18 =	sld [smem:$0x3FD0];
	(tm) =	ssettm $0x1  }
0x92: {  	s4 =	sld [smem:$0x3FFB];
	_ =	sdelay $0x3  }
0x93: {  	_ =	strace s4  }
0x94: {  	s4 =	sld [smem:$0x3FFC];
	_ =	sdelay $0x3  }
0x95: {  	_ =	strace s4  }
0x96: {  	s4 =	sld [smem:$0x3FFD];
	_ =	sdelay $0x3  }
0x97: {  	_ =	strace s4  }
0x98: {  	_ =	strace $0x8FFFFFFF  }
0x99: {  	s19 =	sld [smem:$0x3FDB];
	_ =	sdelay $0x1  }
0x9a: {  	s5 =	simm.s32 $_scs_section_size  }
0x9b: {  	s6 =	simm.s32 $_size__tile_overlayer_lowered;
	s7 =	simm.s32 $_tile_overlayer_lowered  }
0x9c: {  	s22 =	simm.s32 $0x1BFF;
	s21 =	sshll.u32 s7, $0x1;
	s4 =	sadd.s32 s5, s19  }
0x9d: {  	s8 =	simm.s32 $0x0;
	s20 =	sshll.u32 s6, $0x1;
	s6 =	sadd.s32 s21, s4  }
0x9e: {  	[timem:s8], [sflag:s22] =	dma.local [hbm:s6], s20  }
0x9f: {  	_ =	swait.ge [sflag:s22], s20  }
0xa0: {  	s5 =	ssub.s32 $0x0, s20;
	[sflag:s22] =	ssyncset.done $0x0  }
0xa1: {  	[sflag:s22] =	ssyncadd.s32 s5;
	_ =	sdelay $0x1  }
0xa2: {  	s23 =	simm.s32 $0x1B8B  }
0xa3: {  	_ =	swait.ge [sflag:s23], $0x1  }
0xa4: {  	[sflag:s23] =	ssyncset.done $0x0  }
0xa5: {  	s25 =	simm.s32 $0x1B8E;
	s24 =	sld [smem:$0x3FFE];
	[sflag:s23] =	ssyncadd.s32 $0xFFFFFFFF  }
0xa6: {  	s26 =	simm.s32 $execute0_lowered;
	[smem:$0x3FD2] =	sst s25  }
0xa7: {  	s6 =	sshll.u32 s26, $0x1;
	_ =	strace $0x80000046;
	[dreg:$0x1] =	wrdreg $0xFFFFFFFF  }
0xa8: {  	s28 =	simm.s32 $_size_execute0_lowered;
	s4 =	sadd.s32 s4, s6;
	[dreg:$0x0] =	wrdreg $0x0  }
0xa9: {  	s6 =	sshll.u32 s28, $0x1;
	[dreg:$0x2] =	wrdreg s4  }
0xaa: {  	[dreg:$0x3] =	wrdreg s6  }
0xab: {  	[dreg:$0x4] =	wrdreg $0xC0  }
0xac: {  	_ =	task [dreg:s8], $0x5FFFF  }
0xad: {  	[dreg:$0x1] =	wrdreg $0xFFFFFFFF  }
0xae: {  	[dreg:$0x0] =	wrdreg $0x60  }
0xaf: {  	[dreg:$0x2] =	wrdreg s18  }
0xb0: {  	[dreg:$0x3] =	wrdreg s24  }
0xb1: {  	[dreg:$0x4] =	wrdreg s2  }
0xb2: {  	[dreg:$0x5] =	wrdreg $0x9  }
0xb3: {  	_ =	task.clear_ibuf [dreg:s8], $0x6FFFF;
	_ =	strace $0x90000046  }
0xb4: {  	s29 =	simm.s32 $0x9;
	_ =	strace $0x80000048  }
0xb5: {  	_ =	swait.ge [sflag:s29], $0x1  }
0xb6: {  	[sflag:s29] =	ssyncadd.s32 $0xFFFFFFFF  }
0xb7: {  	_ =	strace $0x90000048  }
0xb8: {  	_ =	sfence  }
0xb9: {  	s30 =	sld [smem:$0x0];
	_ =	sdelay $0x2  }
0xba: {  	s31 =	sshll.u32 s1, $0xD;
	s1 =	sshrl.u32 s1, $0x2  }
0xbb: {  	s3 =	sand.u32 $0x4000, s31;
	s1 =	sadd.s32 s1, s30  }
0xbc: {  	s0 =	sor.u32 s3, s0;
	s1 =	sshll.u32 s1, $0x11  }
0xbd: {  	s0 =	sor.u32 s1, s0  }
0xbe: {  	s0 =	sadd.s32 $0x8F2B, s0  }
0xbf: {  	[sflag:s0] =	ssyncadd.remote.s32 $0x1  }
0xc0: {  	_ =	sfence.sel $0xFFFF  }
0xc1: {  	[dreg:$0x0] =	wrdreg $0xFFFFFFFF;
	(pc) =	sbr.abs _section_cstart, $3  }
0xc2: {  	[dreg:$0x1] =	wrdreg $0xFFFFFFFF  }
0xc3: {  	_ =	task.clear_ibuf [dreg:s8], $0x2FFFF;
	_ =	strace $0x9FFFFFFF  }
0xc4: {  	(tm) =	ssettm $0x7FFFFFFF  }
0xc5: {  	_ =	shalt  }
tec
execute0_lowered:
.L_overlay_start_1:
0x0: {  	(tag) =	ssettag $0x1  }
0x1: {  	s1 =	rddreg [dreg:$0x0]  }
0x2: {  	s0 =	rddreg [dreg:$0x1];
	s2 =	srdreg.scid  }
0x3: {  	s3 =	stileid.u32;
	s4 =	simm.s32 $0x0;
	s14 =	simm.s32 $0x5  }
0x4: {  	s20 =	simm.s32 $0x1;
	s2 =	sand.u32 $0x1, s2;
	s3 =	sshll.u32 s3, $0x1  }
0x5: {  	v0 =	vlaneseq.u32;
	s21 =	simm.s32 $0x2;
	s22 =	simm.s32 $0x12B00;
	s3 =	sor.u32 s2, s3  }
0x6: {  	[smem:$0x7FF] =	sst s4;
	s5 =	sadd.s32 $0xB400, s0;
	v0 =	vmul.u32 $0x80, v0;
	s6 =	smul.u32 $0x280, s3  }
0x7: {  	s7 =	sadd.s32 $0x32600, s0;
	s8 =	sadd.s32 $0x37800, s0;
	_ =	strace $0x80000047  }
0x8: {  	[dreg:$0x7] =	wrdreg s7;
	s2 =	ssub.s32 $0x2, s2;
	v1 =	vor.u32 $0x1, v0;
	v2 =	vor.u32 $0x2, v0;
	v3 =	vor.u32 $0x3, v0;
	s6 =	sadd.s32 s6, s0  }
0x9: {  	s7 =	sadd.s32 $0x32800, s0;
	s29 =	sshrl.u32 s2, $0x1;
	v4 =	vor.u32 $0x4, v0;
	v5 =	vor.u32 $0x5, v0;
	v6 =	vor.u32 $0x6, v0;
	s30 =	sadd.s32 $0x6400, s6  }
0xa: {  	v7 =	vor.u32 $0x7, v0;
	v8 =	vor.u32 $0x8, v0;
	v9 =	vor.u32 $0x9, v0;
	s0 =	ssub.s32 s2, s29;
	s31 =	sadd.s32 $0x1400, s6;
	[dreg:$0x8] =	wrdreg s30  }
0xb: {  	s24 =	simm.s32 $0x4;
	v10 =	vor.u32 $0xA, v0;
	v11 =	vor.u32 $0xB, v0;
	v12 =	vor.u32 $0xC, v0;
	s0 =	smax.u32 s0, $0x1;
	[dreg:$0x9] =	wrdreg s31  }
0xc: {  	s25 =	simm.s32 $0x0;
	s9 =	smul.u32 $0x28, s3;
	v13 =	vor.u32 $0xD, v0;
	v14 =	vor.u32 $0xE, v0;
	v15 =	vor.u32 $0xF, v0;
	[dreg:$0xa] =	wrdreg s0  }
.LBB2_1:
0xd: {  	s0 =	rddreg [dreg:$0x2];
	s2 =	simm.s32 $0x12A00  }
0xe: {  	[tilespmem:s2], [sflag:$0x5] =	stream.linear.gather [hbm4b:s0+s4], $0x80, $0x38;
	[tilespmem:$0x13300] =	vst v63  }
0xf: {  	_ =	swait.ge [sflag:s14], $0x80  }
0x10: {  	[sflag:s14] =	ssyncset.done $0x0  }
0x11: {  	s19 =	simm.s32 $0x12A80;
	s18 =	rddreg [dreg:$0x7];
	[sflag:s14] =	ssyncadd.s32 $0xFFFFFF80  }
0x12: {  	[tilespmem:s19], [sflag:$0x5] =	stream.linear.gather [hbm4b:s18+s4], $0x80, $0x38;
	[tilespmem:$0x13300] =	vst v63  }
0x13: {  	_ =	swait.ge [sflag:s14], $0x80  }
0x14: {  	[sflag:s14] =	ssyncset.done $0x0  }
0x15: {  	s23 =	rddreg [dreg:$0x8];
	[sflag:s14] =	ssyncadd.s32 $0xFFFFFF80  }
0x16: {  	[tilespmem:s4], [sflag:$0x5] =	stream.linear.gather [hbm4b:s23+s4], $0x1400, $0x38;
	[tilespmem:$0x13300] =	vst v63  }
0x17: {  	_ =	swait.ge [sflag:s14], $0x1400  }
0x18: {  	[sflag:s14] =	ssyncset.done $0x0  }
0x19: {  	s29 =	simm.s32 $0x1400;
	s26 =	rddreg [dreg:$0x9];
	[sflag:s14] =	ssyncadd.s32 $0xFFFFEC00  }
0x1a: {  	[tilespmem:s29], [sflag:$0x5] =	stream.linear.gather [hbm4b:s26+s4], $0x1400, $0x38;
	[tilespmem:$0x13300] =	vst v63  }
0x1b: {  	_ =	swait.ge [sflag:s14], $0x1400  }
0x1c: {  	[sflag:s14] =	ssyncset.done $0x0  }
0x1d: {  	s30 =	simm.s32 $0x80;
	s3 =	simm.s32 $0x2800;
	[sflag:s14] =	ssyncadd.s32 $0xFFFFEC00  }
0x1e: {  	v16 =	vld [tilespmem:$0x12A80];
	[tilespmem:s3], [sflag:$0x1] =	stream.indirect.gather [hbm4b:s1+s30], $0x80, s4, s30, $0xb8  }
0x1f: {  	s31 =	simm.s32 $0xA800;
	s28 =	simm.s32 $0x0  }
0x20: {  	[tilespmem:s31], [sflag:$0x2] =	stream.indirect.gather [hbm4b:s5+s30], $0x80, s29, s30, $0xb8;
	[tilespmem:$0x13300] =	vst v63  }
.LBB2_2:
0x21: {  	s6 =	sand.u32 $0x1, s28;
	p0 =	seq.s32 s28, $0x27  }
0x22: {  	s26 =	sadd.s32 $0x1, s28;
	s0 =	sshll.u32 @!p0 s6, $0xE  }
0x23: {  	s3 =	sshll.u32 @!p0 s26, $0x7;
	s10 =	simm.s32 @!p0 $0x80;
	s2 =	sxor.u32 @!p0 $0x6800, s0  }
0x24: {  	[tilespmem:s2], [sflag:$0x1] =	stream.indirect.gather @!p0 [hbm4b:s1+s10], $0x80, s3, s10, $0xb8;
	[tilespmem:$0x13300] =	vst v63  }
0x25: {  	s0 =	sxor.u32 @!p0 $0xE800, s0;
	s2 =	sadd.s32 @!p0 $0x1400, s3  }
0x26: {  	[tilespmem:s0], [sflag:$0x2] =	stream.indirect.gather @!p0 [hbm4b:s5+s10], $0x80, s2, s10, $0xb8;
	[tilespmem:$0x13300] =	vst v63  }
0x27: {  	_ =	swait.ge [sflag:s20], $0x4000  }
0x28: {  	s12 =	sshll.u32 s28, $0x7;
	s11 =	simm.s32 $0x0;
	[sflag:s20] =	ssyncset.done $0x0  }
0x29: {  	s29 =	sshll.u32 s6, $0xE;
	s30 =	sshll.u32 s6, $0x7;
	[sflag:s20] =	ssyncadd.s32 $0xFFFFC000  }
0x2a: {  	s18 =	sor.u32 $0x80, s29;
	s19 =	sor.u32 $0x100, s29;
	_ =	swait.ge [sflag:s21], $0x4000  }
0x2b: {  	s23 =	sor.u32 $0x180, s29;
	p0 =	slt.u32 s28, $0x2;
	[sflag:s21] =	ssyncset.done $0x0  }
0x2c: {  	s31 =	sor.u32 $0x200, s29;
	s0 =	simm.s32 @!p0 $0x3;
	[sflag:s21] =	ssyncadd.s32 $0xFFFFC000  }
0x2d: {  	s13 =	sor.u32 $0x400, s29;
	s15 =	sor.u32 $0x480, s29;
	_ =	swait.ge @!p0 [sflag:s0], $0x80  }
0x2e: {  	s16 =	sor.u32 $0x600, s29;
	s17 =	sor.u32 $0x680, s29;
	[sflag:s0] =	ssyncset.done @!p0 $0x0  }
0x2f: {  	s6 =	sor.u32 $0x700, s29;
	[sflag:s0] =	ssyncadd.s32 @!p0 $0xFFFFFF80;
	s0 =	simm.s32 @!p0 $0x4  }
0x30: {  	s3 =	sor.u32 $0x380, s29;
	_ =	swait.ge @!p0 [sflag:s0], $0x80;
	[dreg:$0x4] =	wrdreg s18  }
0x31: {  	s2 =	sor.u32 $0x280, s29;
	s10 =	sor.u32 $0x780, s29;
	[dreg:$0x5] =	wrdreg s19  }
0x32: {  	[dreg:$0x6] =	wrdreg s23;
	s18 =	sor.u32 $0x500, s29;
	[sflag:s0] =	ssyncset.done @!p0 $0x0  }
0x33: {  	v17 =	vmov s12;
	v18 =	vmov s30;
	s19 =	sor.u32 $0x580, s29;
	[sflag:s0] =	ssyncadd.s32 @!p0 $0xFFFFFF80;
	s0 =	sor.u32 $0x300, s29  }
.LBB2_3:
0x34: {  	s12 =	sshll.u32 s11, $0xB  }
0x35: {  	s23 =	sor.u32 s29, s12  }
0x36: {  	v19 =	vld [tilespmem:s23+$0x2800]  }
0x37: {  	v20 =	vld [tilespmem:s23+$0xA800]  }
0x38: {  	v21 =	vld [tilespmem:s23+$0x2810]  }
0x39: {  	v22 =	vld [tilespmem:s23+$0xA810]  }
0x3a: {  	v23 =	vld [tilespmem:s23+$0x2820]  }
0x3b: {  	v24 =	vld [tilespmem:s23+$0xA820]  }
0x3c: {  	v25 =	vld [tilespmem:s23+$0x2830]  }
0x3d: {  	v47 =	vld [tilespmem:s23+$0x2840]  }
0x3e: {  	v19 =	vadd.f32 v20, v19;
	v20 =	vld [tilespmem:s23+$0xA830]  }
0x3f: {  	v27 =	vld [tilespmem:s23+$0xA840];
	v21 =	vadd.f32 v22, v21  }
0x40: {  	v48 =	vld [tilespmem:s23+$0x2850];
	v26 =	vmul.f32 $1.442695020e+00, v19  }
0x41: {  	v49 =	vld [tilespmem:s23+$0xA850];
	v23 =	vadd.f32 v24, v23;
	v28 =	vmul.f32 $1.442695020e+00, v21  }
0x42: {  	v51 =	vld [tilespmem:s23+$0x2860];
	(erf) = vpow2.f32 v26  }
0x43: {  	v29 =	vld [tilespmem:s23+$0xA860];
	v50 =	vmul.f32 $1.442695020e+00, v23;
	(erf) = vpow2.f32 v28;
	v20 =	vadd.f32 v20, v25  }
0x44: {  	v53 =	vld [tilespmem:s23+$0x2870]  }
0x45: {  	v30 =	vld [tilespmem:s23+$0xA870];
	v22 =	vadd.f32 v27, v47;
	(erf) = vpow2.f32 v50;
	v52 =	vmul.f32 $1.442695020e+00, v20;
	_ =	sdelay $0x1  }
0x46: {  	v24 =	vadd.f32 v49, v48;
	v54 =	vmul.f32 $1.442695020e+00, v22;
	(erf) = vpow2.f32 v52;
	_ =	sdelay $0x1  }
0x47: {  	v26 =	vmul.f32 $1.442695020e+00, v24;
	v25 =	vadd.f32 v29, v51;
	(erf) = vpow2.f32 v54  }
0x48: {  	v55 =	vld [tilespmem:$0x12A00];
	v27 =	vadd.f32 v30, v53  }
0x49: {  	v31 =	vld [tilespmem:$0x12A10];
	v57 =	vmul.f32 $1.442695020e+00, v25;
	v56 =	vpop (erf);
	(erf) = vpow2.f32 v26  }
0x4a: {  	v59 =	vmul.f32 $1.442695020e+00, v27;
	v58 =	vpop (erf)  }
0x4b: {  	v32 =	vld [tilespmem:$0x12A20];
	v29 =	vadd.f32 $-1.000000000e+00, v56;
	(erf) = vpow2.f32 v57;
	v30 =	vadd.f32 $-1.000000000e+00, v58  }
0x4c: {  	vm0 =	vgt.f32 v19, $0.0e+00;
	vm8 =	vgt.f32 v21, $0.0e+00;
	v60 =	vpop (erf);
	(erf) = vpow2.f32 v59  }
0x4d: {  	v61 =	vld [tilespmem:$0x12A30];
	v19 =	vsel vm0, v19, v29;
	v29 =	vadd.f32 $-1.000000000e+00, v60;
	v21 =	vsel vm8, v21, v30  }
0x4e: {  	vm9 =	vgt.f32 v23, $0.0e+00;
	v19 =	vmul.f32 v19, v55;
	v21 =	vmul.f32 v21, v31;
	v62 =	vpop (erf)  }
0x4f: {  	v63 =	vld [tilespmem:$0x12A40];
	v23 =	vsel vm9, v23, v29;
	v26 =	vadd.f32 $-1.000000000e+00, v62  }
0x50: {  	vm10 =	vgt.f32 v20, $0.0e+00;
	v31 =	vmul.f32 v23, v32;
	v32 =	vpop (erf);
	v19 =	vadd.f32 v21, v19  }
0x51: {  	v33 =	vld [tilespmem:$0x12A50];
	v23 =	vadd.f32 $-1.000000000e+00, v32;
	v20 =	vsel vm10, v20, v26  }
0x52: {  	vm11 =	vgt.f32 v22, $0.0e+00;
	v19 =	vadd.f32 v31, v19;
	v20 =	vmul.f32 v20, v61;
	v34 =	vpop (erf)  }
0x53: {  	v35 =	vld [tilespmem:$0x12A60];
	v22 =	vsel vm11, v22, v23;
	v21 =	vadd.f32 $-1.000000000e+00, v34  }
0x54: {  	vm12 =	vgt.f32 v24, $0.0e+00;
	v36 =	vpop (erf);
	v19 =	vadd.f32 v20, v19;
	v20 =	vmul.f32 v22, v63  }
0x55: {  	v37 =	vld [tilespmem:$0x12A70];
	v22 =	vadd.f32 $-1.000000000e+00, v36;
	v21 =	vsel vm12, v24, v21  }
0x56: {  	vm13 =	vgt.f32 v25, $0.0e+00;
	v38 =	vpop (erf);
	v19 =	vadd.f32 v20, v19;
	v20 =	vmul.f32 v21, v33  }
0x57: {  	v22 =	vsel vm13, v25, v22;
	v21 =	vadd.f32 $-1.000000000e+00, v38  }
0x58: {  	vm14 =	vgt.f32 v27, $0.0e+00;
	v19 =	vadd.f32 v20, v19;
	v20 =	vmul.f32 v22, v35  }
0x59: {  	v21 =	vsel vm14, v27, v21  }
0x5a: {  	v19 =	vadd.f32 v20, v19;
	v20 =	vmul.f32 v21, v37;
	_ =	sdelay $0x1  }
0x5b: {  	v19 =	vadd.f32 v20, v19  }
0x5c: {  	s23 =	rddreg [dreg:$0x4]  }
0x5d: {  	s23 =	sor.u32 s23, s12;
	[tilespmem:$0x12B00] =	vst v19  }
0x5e: {  	v19 =	vld [tilespmem:s23+$0x2800]  }
0x5f: {  	v20 =	vld [tilespmem:s23+$0xA800]  }
0x60: {  	v39 =	vld [tilespmem:s23+$0x2810]  }
0x61: {  	v40 =	vld [tilespmem:s23+$0xA810]  }
0x62: {  	v41 =	vld [tilespmem:s23+$0x2820]  }
0x63: {  	v42 =	vld [tilespmem:s23+$0xA820]  }
0x64: {  	v43 =	vld [tilespmem:s23+$0x2830]  }
0x65: {  	v44 =	vld [tilespmem:s23+$0x2840]  }
0x66: {  	v19 =	vadd.f32 v20, v19;
	v20 =	vld [tilespmem:s23+$0xA830]  }
0x67: {  	v46 =	vld [tilespmem:s23+$0xA840];
	v21 =	vadd.f32 v40, v39  }
0x68: {  	v48 =	vld [tilespmem:s23+$0x2850];
	v45 =	vmul.f32 $1.442695020e+00, v19  }
0x69: {  	v49 =	vld [tilespmem:s23+$0xA850];
	v23 =	vadd.f32 v42, v41;
	v47 =	vmul.f32 $1.442695020e+00, v21  }
0x6a: {  	v51 =	vld [tilespmem:s23+$0x2860];
	(erf) = vpow2.f32 v45  }
0x6b: {  	v52 =	vld [tilespmem:s23+$0xA860];
	v50 =	vmul.f32 $1.442695020e+00, v23;
	(erf) = vpow2.f32 v47;
	v20 =	vadd.f32 v20, v43  }
0x6c: {  	v54 =	vld [tilespmem:s23+$0x2870]  }
0x6d: {  	v55 =	vld [tilespmem:s23+$0xA870];
	v22 =	vadd.f32 v46, v44;
	(erf) = vpow2.f32 v50;
	v53 =	vmul.f32 $1.442695020e+00, v20;
	_ =	sdelay $0x1  }
0x6e: {  	v24 =	vadd.f32 v49, v48;
	v56 =	vmul.f32 $1.442695020e+00, v22;
	(erf) = vpow2.f32 v53;
	_ =	sdelay $0x1  }
0x6f: {  	v25 =	vadd.f32 v52, v51;
	v26 =	vmul.f32 $1.442695020e+00, v24;
	(erf) = vpow2.f32 v56  }
0x70: {  	v57 =	vld [tilespmem:$0x12A00];
	v27 =	vadd.f32 v55, v54  }
0x71: {  	v59 =	vld [tilespmem:$0x12A10];
	v60 =	vmul.f32 $1.442695020e+00, v25;
	v58 =	vpop (erf);
	(erf) = vpow2.f32 v26  }
0x72: {  	v63 =	vmul.f32 $1.442695020e+00, v27;
	v61 =	vpop (erf)  }
0x73: {  	v62 =	vld [tilespmem:$0x12A20];
	v29 =	vadd.f32 $-1.000000000e+00, v58;
	(erf) = vpow2.f32 v60;
	v30 =	vadd.f32 $-1.000000000e+00, v61  }
0x74: {  	vm15 =	vgt.f32 v19, $0.0e+00;
	vm4 =	vgt.f32 v21, $0.0e+00;
	v33 =	vpop (erf);
	(erf) = vpow2.f32 v63  }
0x75: {  	v34 =	vld [tilespmem:$0x12A30];
	v19 =	vsel vm15, v19, v29;
	v29 =	vadd.f32 $-1.000000000e+00, v33;
	v21 =	vsel vm4, v21, v30  }
0x76: {  	vm5 =	vgt.f32 v23, $0.0e+00;
	v19 =	vmul.f32 v19, v57;
	v21 =	vmul.f32 v21, v59;
	v35 =	vpop (erf)  }
0x77: {  	v36 =	vld [tilespmem:$0x12A40];
	v23 =	vsel vm5, v23, v29;
	v26 =	vadd.f32 $-1.000000000e+00, v35  }
0x78: {  	vm6 =	vgt.f32 v20, $0.0e+00;
	v37 =	vmul.f32 v23, v62;
	v38 =	vpop (erf);
	v19 =	vadd.f32 v21, v19  }
0x79: {  	v39 =	vld [tilespmem:$0x12A50];
	v23 =	vadd.f32 $-1.000000000e+00, v38;
	v20 =	vsel vm6, v20, v26  }
0x7a: {  	vm7 =	vgt.f32 v22, $0.0e+00;
	v19 =	vadd.f32 v37, v19;
	v20 =	vmul.f32 v20, v34;
	v40 =	vpop (erf)  }
0x7b: {  	v41 =	vld [tilespmem:$0x12A60];
	v22 =	vsel vm7, v22, v23;
	v21 =	vadd.f32 $-1.000000000e+00, v40  }
0x7c: {  	vm8 =	vgt.f32 v24, $0.0e+00;
	v42 =	vpop (erf);
	v19 =	vadd.f32 v20, v19;
	v20 =	vmul.f32 v22, v36  }
0x7d: {  	v43 =	vld [tilespmem:$0x12A70];
	v22 =	vadd.f32 $-1.000000000e+00, v42;
	v21 =	vsel vm8, v24, v21  }
0x7e: {  	vm9 =	vgt.f32 v25, $0.0e+00;
	v44 =	vpop (erf);
	v19 =	vadd.f32 v20, v19;
	v20 =	vmul.f32 v21, v39  }
0x7f: {  	v22 =	vsel vm9, v25, v22;
	v21 =	vadd.f32 $-1.000000000e+00, v44  }
0x80: {  	vm10 =	vgt.f32 v27, $0.0e+00;
	v19 =	vadd.f32 v20, v19;
	v20 =	vmul.f32 v22, v41  }
0x81: {  	v21 =	vsel vm10, v27, v21  }
0x82: {  	v19 =	vadd.f32 v20, v19;
	v20 =	vmul.f32 v21, v43;
	_ =	sdelay $0x1  }
0x83: {  	v19 =	vadd.f32 v20, v19  }
0x84: {  	s23 =	rddreg [dreg:$0x5]  }
0x85: {  	s23 =	sor.u32 s23, s12;
	[tilespmem:$0x12B80] =	vst v19  }
0x86: {  	v19 =	vld [tilespmem:s23+$0x2800]  }
0x87: {  	v20 =	vld [tilespmem:s23+$0xA800]  }
0x88: {  	v45 =	vld [tilespmem:s23+$0x2810]  }
0x89: {  	v46 =	vld [tilespmem:s23+$0xA810]  }
0x8a: {  	v47 =	vld [tilespmem:s23+$0x2820]  }
0x8b: {  	v48 =	vld [tilespmem:s23+$0xA820]  }
0x8c: {  	v49 =	vld [tilespmem:s23+$0x2830]  }
0x8d: {  	v50 =	vld [tilespmem:s23+$0x2840]  }
0x8e: {  	v19 =	vadd.f32 v20, v19;
	v20 =	vld [tilespmem:s23+$0xA830]  }
0x8f: {  	v52 =	vld [tilespmem:s23+$0xA840];
	v21 =	vadd.f32 v46, v45  }
0x90: {  	v54 =	vld [tilespmem:s23+$0x2850];
	v51 =	vmul.f32 $1.442695020e+00, v19  }
0x91: {  	v55 =	vld [tilespmem:s23+$0xA850];
	v23 =	vadd.f32 v48, v47;
	v53 =	vmul.f32 $1.442695020e+00, v21  }
0x92: {  	v57 =	vld [tilespmem:s23+$0x2860];
	(erf) = vpow2.f32 v51  }
0x93: {  	v58 =	vld [tilespmem:s23+$0xA860];
	v56 =	vmul.f32 $1.442695020e+00, v23;
	(erf) = vpow2.f32 v53;
	v20 =	vadd.f32 v20, v49  }
0x94: {  	v60 =	vld [tilespmem:s23+$0x2870]  }
0x95: {  	v61 =	vld [tilespmem:s23+$0xA870];
	v22 =	vadd.f32 v52, v50;
	(erf) = vpow2.f32 v56;
	v59 =	vmul.f32 $1.442695020e+00, v20;
	_ =	sdelay $0x1  }
0x96: {  	v24 =	vadd.f32 v55, v54;
	v62 =	vmul.f32 $1.442695020e+00, v22;
	(erf) = vpow2.f32 v59;
	_ =	sdelay $0x1  }
0x97: {  	v25 =	vadd.f32 v58, v57;
	v26 =	vmul.f32 $1.442695020e+00, v24;
	(erf) = vpow2.f32 v62  }
0x98: {  	v63 =	vld [tilespmem:$0x12A00];
	v27 =	vadd.f32 v61, v60  }
0x99: {  	v36 =	vld [tilespmem:$0x12A10];
	v37 =	vmul.f32 $1.442695020e+00, v25;
	v35 =	vpop (erf);
	(erf) = vpow2.f32 v26  }
0x9a: {  	v40 =	vmul.f32 $1.442695020e+00, v27;
	v38 =	vpop (erf)  }
0x9b: {  	v39 =	vld [tilespmem:$0x12A20];
	v29 =	vadd.f32 $-1.000000000e+00, v35;
	(erf) = vpow2.f32 v37;
	v30 =	vadd.f32 $-1.000000000e+00, v38  }
0x9c: {  	vm11 =	vgt.f32 v19, $0.0e+00;
	vm12 =	vgt.f32 v21, $0.0e+00;
	v41 =	vpop (erf);
	(erf) = vpow2.f32 v40  }
0x9d: {  	v42 =	vld [tilespmem:$0x12A30];
	v19 =	vsel vm11, v19, v29;
	v29 =	vadd.f32 $-1.000000000e+00, v41;
	v21 =	vsel vm12, v21, v30  }
0x9e: {  	vm13 =	vgt.f32 v23, $0.0e+00;
	v19 =	vmul.f32 v19, v63;
	v21 =	vmul.f32 v21, v36;
	v43 =	vpop (erf)  }
0x9f: {  	v44 =	vld [tilespmem:$0x12A40];
	v23 =	vsel vm13, v23, v29;
	v26 =	vadd.f32 $-1.000000000e+00, v43  }
0xa0: {  	vm14 =	vgt.f32 v20, $0.0e+00;
	v45 =	vmul.f32 v23, v39;
	v46 =	vpop (erf);
	v19 =	vadd.f32 v21, v19  }
0xa1: {  	v47 =	vld [tilespmem:$0x12A50];
	v23 =	vadd.f32 $-1.000000000e+00, v46;
	v20 =	vsel vm14, v20, v26  }
0xa2: {  	vm15 =	vgt.f32 v22, $0.0e+00;
	v19 =	vadd.f32 v45, v19;
	v20 =	vmul.f32 v20, v42;
	v48 =	vpop (erf)  }
0xa3: {  	v49 =	vld [tilespmem:$0x12A60];
	v22 =	vsel vm15, v22, v23;
	v21 =	vadd.f32 $-1.000000000e+00, v48  }
0xa4: {  	vm4 =	vgt.f32 v24, $0.0e+00;
	v50 =	vpop (erf);
	v19 =	vadd.f32 v20, v19;
	v20 =	vmul.f32 v22, v44  }
0xa5: {  	v51 =	vld [tilespmem:$0x12A70];
	v22 =	vadd.f32 $-1.000000000e+00, v50;
	v21 =	vsel vm4, v24, v21  }
0xa6: {  	vm5 =	vgt.f32 v25, $0.0e+00;
	v52 =	vpop (erf);
	v19 =	vadd.f32 v20, v19;
	v20 =	vmul.f32 v21, v47  }
0xa7: {  	v22 =	vsel vm5, v25, v22;
	v21 =	vadd.f32 $-1.000000000e+00, v52  }
0xa8: {  	vm6 =	vgt.f32 v27, $0.0e+00;
	v19 =	vadd.f32 v20, v19;
	v20 =	vmul.f32 v22, v49  }
0xa9: {  	v21 =	vsel vm6, v27, v21  }
0xaa: {  	v19 =	vadd.f32 v20, v19;
	v20 =	vmul.f32 v21, v51;
	_ =	sdelay $0x1  }
0xab: {  	v19 =	vadd.f32 v20, v19  }
0xac: {  	s23 =	rddreg [dreg:$0x6]  }
0xad: {  	s23 =	sor.u32 s23, s12;
	[tilespmem:$0x12C00] =	vst v19  }
0xae: {  	v19 =	vld [tilespmem:s23+$0x2800]  }
0xaf: {  	v20 =	vld [tilespmem:s23+$0xA800]  }
0xb0: {  	v53 =	vld [tilespmem:s23+$0x2810]  }
0xb1: {  	v54 =	vld [tilespmem:s23+$0xA810]  }
0xb2: {  	v55 =	vld [tilespmem:s23+$0x2820]  }
0xb3: {  	v56 =	vld [tilespmem:s23+$0xA820]  }
0xb4: {  	v57 =	vld [tilespmem:s23+$0x2830]  }
0xb5: {  	v58 =	vld [tilespmem:s23+$0x2840]  }
0xb6: {  	v19 =	vadd.f32 v20, v19;
	v20 =	vld [tilespmem:s23+$0xA830]  }
0xb7: {  	v60 =	vld [tilespmem:s23+$0xA840];
	v21 =	vadd.f32 v54, v53  }
0xb8: {  	v62 =	vld [tilespmem:s23+$0x2850];
	v59 =	vmul.f32 $1.442695020e+00, v19  }
0xb9: {  	v63 =	vld [tilespmem:s23+$0xA850];
	v23 =	vadd.f32 v56, v55;
	v61 =	vmul.f32 $1.442695020e+00, v21  }
0xba: {  	v33 =	vld [tilespmem:s23+$0x2860];
	(erf) = vpow2.f32 v59  }
0xbb: {  	v34 =	vld [tilespmem:s23+$0xA860];
	v32 =	vmul.f32 $1.442695020e+00, v23;
	(erf) = vpow2.f32 v61;
	v20 =	vadd.f32 v20, v57  }
0xbc: {  	v36 =	vld [tilespmem:s23+$0x2870]  }
0xbd: {  	v37 =	vld [tilespmem:s23+$0xA870];
	v22 =	vadd.f32 v60, v58;
	(erf) = vpow2.f32 v32;
	v35 =	vmul.f32 $1.442695020e+00, v20;
	_ =	sdelay $0x1  }
0xbe: {  	v24 =	vadd.f32 v63, v62;
	v38 =	vmul.f32 $1.442695020e+00, v22;
	(erf) = vpow2.f32 v35;
	_ =	sdelay $0x1  }
0xbf: {  	v25 =	vadd.f32 v34, v33;
	v26 =	vmul.f32 $1.442695020e+00, v24;
	(erf) = vpow2.f32 v38  }
0xc0: {  	v41 =	vld [tilespmem:$0x12A10];
	v27 =	vadd.f32 v37, v36  }
0xc1: {  	v39 =	vld [tilespmem:$0x12A00];
	v42 =	vmul.f32 $1.442695020e+00, v25;
	v40 =	vpop (erf);
	(erf) = vpow2.f32 v26  }
0xc2: {  	v45 =	vmul.f32 $1.442695020e+00, v27;
	v43 =	vpop (erf)  }
0xc3: {  	v44 =	vld [tilespmem:$0x12A20];
	v29 =	vadd.f32 $-1.000000000e+00, v40;
	(erf) = vpow2.f32 v42;
	v30 =	vadd.f32 $-1.000000000e+00, v43  }
0xc4: {  	vm7 =	vgt.f32 v19, $0.0e+00;
	vm8 =	vgt.f32 v21, $0.0e+00;
	v46 =	vpop (erf);
	(erf) = vpow2.f32 v45  }
0xc5: {  	v47 =	vld [tilespmem:$0x12A30];
	v19 =	vsel vm7, v19, v29;
	v29 =	vadd.f32 $-1.000000000e+00, v46;
	v21 =	vsel vm8, v21, v30  }
0xc6: {  	vm9 =	vgt.f32 v23, $0.0e+00;
	v19 =	vmul.f32 v19, v39;
	v21 =	vmul.f32 v21, v41;
	v48 =	vpop (erf)  }
0xc7: {  	v49 =	vld [tilespmem:$0x12A40];
	v23 =	vsel vm9, v23, v29;
	v26 =	vadd.f32 $-1.000000000e+00, v48  }
0xc8: {  	vm10 =	vgt.f32 v20, $0.0e+00;
	v50 =	vmul.f32 v23, v44;
	v51 =	vpop (erf);
	v19 =	vadd.f32 v21, v19  }
0xc9: {  	v52 =	vld [tilespmem:$0x12A50];
	v23 =	vadd.f32 $-1.000000000e+00, v51;
	v20 =	vsel vm10, v20, v26  }
0xca: {  	vm11 =	vgt.f32 v22, $0.0e+00;
	v19 =	vadd.f32 v50, v19;
	v20 =	vmul.f32 v20, v47;
	v53 =	vpop (erf)  }
0xcb: {  	v54 =	vld [tilespmem:$0x12A60];
	v22 =	vsel vm11, v22, v23;
	v21 =	vadd.f32 $-1.000000000e+00, v53  }
0xcc: {  	vm12 =	vgt.f32 v24, $0.0e+00;
	v55 =	vpop (erf);
	v19 =	vadd.f32 v20, v19;
	v20 =	vmul.f32 v22, v49  }
0xcd: {  	v56 =	vld [tilespmem:$0x12A70];
	v22 =	vadd.f32 $-1.000000000e+00, v55;
	v21 =	vsel vm12, v24, v21  }
0xce: {  	vm13 =	vgt.f32 v25, $0.0e+00;
	v57 =	vpop (erf);
	v19 =	vadd.f32 v20, v19;
	v20 =	vmul.f32 v21, v52  }
0xcf: {  	v22 =	vsel vm13, v25, v22;
	v21 =	vadd.f32 $-1.000000000e+00, v57  }
0xd0: {  	vm14 =	vgt.f32 v27, $0.0e+00;
	v19 =	vadd.f32 v20, v19;
	v20 =	vmul.f32 v22, v54  }
0xd1: {  	v21 =	vsel vm14, v27, v21  }
0xd2: {  	v19 =	vadd.f32 v20, v19;
	v20 =	vmul.f32 v21, v56;
	_ =	sdelay $0x1  }
0xd3: {  	v19 =	vadd.f32 v20, v19;
	_ =	sdelay $0x1  }
0xd4: {  	s23 =	sor.u32 s31, s12;
	[tilespmem:$0x12C80] =	vst v19  }
0xd5: {  	v19 =	vld [tilespmem:s23+$0x2800]  }
0xd6: {  	v20 =	vld [tilespmem:s23+$0xA800]  }
0xd7: {  	v58 =	vld [tilespmem:s23+$0x2810]  }
0xd8: {  	v59 =	vld [tilespmem:s23+$0xA810]  }
0xd9: {  	v60 =	vld [tilespmem:s23+$0x2820]  }
0xda: {  	v61 =	vld [tilespmem:s23+$0xA820];
	_ =	sdelay $0x2  }
0xdb: {  	v19 =	vadd.f32 v20, v19  }
0xdc: {  	v20 =	vadd.f32 v59, v58  }
0xdd: {  	v63 =	vadd.f32 v61, v60;
	v62 =	vmul.f32 $1.442695020e+00, v19  }
0xde: {  	v39 =	vmul.f32 $1.442695020e+00, v20  }
0xdf: {  	v40 =	vmul.f32 $1.442695020e+00, v63;
	(erf) = vpow2.f32 v62  }
0xe0: {  	(erf) = vpow2.f32 v39  }
0xe1: {  	(erf) = vpow2.f32 v40;
	_ =	sdelay $0x5  }
0xe2: {  	v43 =	vld [tilespmem:$0x12A10]  }
0xe3: {  	v45 =	vld [tilespmem:$0x12A20];
	v42 =	vpop (erf)  }
0xe4: {  	v41 =	vld [tilespmem:$0x12A00];
	v44 =	vpop (erf)  }
0xe5: {  	v47 =	vld [tilespmem:s23+$0x2830];
	v46 =	vpop (erf)  }
0xe6: {  	v48 =	vld [tilespmem:s23+$0xA830]  }
0xe7: {  	v49 =	vld [tilespmem:s23+$0x2840]  }
0xe8: {  	v50 =	vld [tilespmem:s23+$0xA840]  }
0xe9: {  	v51 =	vld [tilespmem:s23+$0x2850]  }
0xea: {  	v33 =	vld [tilespmem:s23+$0xA850]  }
0xeb: {  	v52 =	vld [tilespmem:s23+$0x2860];
	v28 =	vadd.f32 v48, v47  }
0xec: {  	v34 =	vld [tilespmem:s23+$0xA860]  }
0xed: {  	v53 =	vld [tilespmem:s23+$0x2870];
	v30 =	vadd.f32 v50, v49;
	v35 =	vmul.f32 $1.442695020e+00, v28  }
0xee: {  	v36 =	vld [tilespmem:s23+$0xA870]  }
0xef: {  	v32 =	vadd.f32 v33, v51;
	v54 =	vmul.f32 $1.442695020e+00, v30;
	(erf) = vpow2.f32 v35;
	_ =	sdelay $0x1  }
0xf0: {  	v29 =	vadd.f32 v34, v52;
	v55 =	vmul.f32 $1.442695020e+00, v32;
	(erf) = vpow2.f32 v54;
	_ =	sdelay $0x1  }
0xf1: {  	v31 =	vadd.f32 v36, v53;
	v56 =	vmul.f32 $1.442695020e+00, v29;
	(erf) = vpow2.f32 v55  }
0xf2: {  	vm15 =	vgt.f32 v19, $0.0e+00;
	v23 =	vadd.f32 $-1.000000000e+00, v42  }
0xf3: {  	v25 =	vadd.f32 $-1.000000000e+00, v44;
	v57 =	vmul.f32 $1.442695020e+00, v31;
	(erf) = vpow2.f32 v56  }
0xf4: {  	vm4 =	vgt.f32 v20, $0.0e+00;
	v19 =	vsel vm15, v19, v23  }
0xf5: {  	v58 =	vadd.f32 $-1.000000000e+00, v46;
	v59 =	vld [tilespmem:$0x12A30];
	v20 =	vsel vm4, v20, v25;
	(erf) = vpow2.f32 v57  }
0xf6: {  	vm5 =	vgt.f32 v63, $0.0e+00;
	v19 =	vmul.f32 v19, v41;
	v20 =	vmul.f32 v20, v43;
	v60 =	vpop (erf)  }
0xf7: {  	v61 =	vld [tilespmem:$0x12A40];
	v22 =	vsel vm5, v63, v58;
	v21 =	vadd.f32 $-1.000000000e+00, v60  }
0xf8: {  	v19 =	vadd.f32 v20, v19;
	v20 =	vmul.f32 v22, v45;
	vm6 =	vgt.f32 v28, $0.0e+00;
	v62 =	vpop (erf)  }
0xf9: {  	v63 =	vld [tilespmem:$0x12A50];
	v22 =	vadd.f32 $-1.000000000e+00, v62;
	v21 =	vsel vm6, v28, v21  }
0xfa: {  	v19 =	vadd.f32 v20, v19;
	vm7 =	vgt.f32 v30, $0.0e+00;
	v27 =	vpop (erf);
	v20 =	vmul.f32 v21, v59  }
0xfb: {  	v28 =	vld [tilespmem:$0x12A60];
	v22 =	vsel vm7, v30, v22;
	v21 =	vadd.f32 $-1.000000000e+00, v27  }
0xfc: {  	vm8 =	vgt.f32 v32, $0.0e+00;
	v30 =	vpop (erf);
	v19 =	vadd.f32 v20, v19;
	v20 =	vmul.f32 v22, v61  }
0xfd: {  	v21 =	vsel vm8, v32, v21;
	v22 =	vadd.f32 $-1.000000000e+00, v30;
	v32 =	vld [tilespmem:$0x12A70]  }
0xfe: {  	vm9 =	vgt.f32 v29, $0.0e+00;
	v33 =	vpop (erf);
	v19 =	vadd.f32 v20, v19;
	v20 =	vmul.f32 v21, v63  }
0xff: {  	v22 =	vsel vm9, v29, v22;
	v21 =	vadd.f32 $-1.000000000e+00, v33  }
0x100: {  	vm10 =	vgt.f32 v31, $0.0e+00;
	v19 =	vadd.f32 v20, v19;
	v20 =	vmul.f32 v22, v28  }
0x101: {  	v21 =	vsel vm10, v31, v21  }
0x102: {  	v19 =	vadd.f32 v20, v19;
	v20 =	vmul.f32 v21, v32;
	_ =	sdelay $0x1  }
0x103: {  	v19 =	vadd.f32 v20, v19;
	_ =	sdelay $0x1  }
0x104: {  	s23 =	sor.u32 s2, s12;
	[tilespmem:$0x12D00] =	vst v19  }
0x105: {  	v19 =	vld [tilespmem:s23+$0x2800]  }
0x106: {  	v20 =	vld [tilespmem:s23+$0xA800]  }
0x107: {  	v34 =	vld [tilespmem:s23+$0x2810]  }
0x108: {  	v35 =	vld [tilespmem:s23+$0xA810]  }
0x109: {  	v36 =	vld [tilespmem:s23+$0x2820]  }
0x10a: {  	v37 =	vld [tilespmem:s23+$0xA820];
	_ =	sdelay $0x1  }
0x10b: {  	v38 =	vld [tilespmem:s23+$0x2830]  }
0x10c: {  	v19 =	vadd.f32 v20, v19;
	v20 =	vld [tilespmem:s23+$0xA830]  }
0x10d: {  	v39 =	vld [tilespmem:s23+$0x2840];
	v21 =	vadd.f32 v35, v34  }
0x10e: {  	v41 =	vld [tilespmem:s23+$0xA840];
	v23 =	vadd.f32 v37, v36;
	v40 =	vmul.f32 $1.442695020e+00, v19  }
0x10f: {  	v43 =	vld [tilespmem:s23+$0x2850];
	v42 =	vmul.f32 $1.442695020e+00, v21  }
0x110: {  	v44 =	vld [tilespmem:s23+$0xA850];
	v45 =	vmul.f32 $1.442695020e+00, v23;
	(erf) = vpow2.f32 v40  }
0x111: {  	v46 =	vld [tilespmem:s23+$0x2860];
	(erf) = vpow2.f32 v42;
	v20 =	vadd.f32 v20, v38  }
0x112: {  	v47 =	vld [tilespmem:s23+$0xA860];
	(erf) = vpow2.f32 v45  }
0x113: {  	v49 =	vld [tilespmem:s23+$0x2870];
	v22 =	vadd.f32 v41, v39;
	v48 =	vmul.f32 $1.442695020e+00, v20  }
0x114: {  	v50 =	vld [tilespmem:s23+$0xA870]  }
0x115: {  	v24 =	vadd.f32 v44, v43;
	v51 =	vmul.f32 $1.442695020e+00, v22;
	(erf) = vpow2.f32 v48;
	_ =	sdelay $0x1  }
0x116: {  	v25 =	vadd.f32 v47, v46;
	v26 =	vmul.f32 $1.442695020e+00, v24;
	(erf) = vpow2.f32 v51  }
0x117: {  	v52 =	vld [tilespmem:$0x12A00]  }
0x118: {  	v54 =	vld [tilespmem:$0x12A10];
	v27 =	vadd.f32 v50, v49;
	v55 =	vmul.f32 $1.442695020e+00, v25;
	v53 =	vpop (erf);
	(erf) = vpow2.f32 v26  }
0x119: {  	vm11 =	vgt.f32 v19, $0.0e+00;
	v29 =	vadd.f32 $-1.000000000e+00, v53;
	v56 =	vpop (erf)  }
0x11a: {  	v57 =	vld [tilespmem:$0x12A20];
	v58 =	vmul.f32 $1.442695020e+00, v27;
	(erf) = vpow2.f32 v55;
	v30 =	vadd.f32 $-1.000000000e+00, v56;
	v59 =	vpop (erf)  }
0x11b: {  	vm12 =	vgt.f32 v21, $0.0e+00;
	v19 =	vsel vm11, v19, v29;
	v29 =	vadd.f32 $-1.000000000e+00, v59  }
0x11c: {  	v60 =	vld [tilespmem:$0x12A30];
	(erf) = vpow2.f32 v58;
	v21 =	vsel vm12, v21, v30  }
0x11d: {  	vm13 =	vgt.f32 v23, $0.0e+00;
	v19 =	vmul.f32 v19, v52;
	v21 =	vmul.f32 v21, v54;
	v61 =	vpop (erf)  }
0x11e: {  	v62 =	vld [tilespmem:$0x12A40];
	v23 =	vsel vm13, v23, v29;
	v26 =	vadd.f32 $-1.000000000e+00, v61  }
0x11f: {  	vm14 =	vgt.f32 v20, $0.0e+00;
	v63 =	vmul.f32 v23, v57;
	v19 =	vadd.f32 v21, v19;
	v29 =	vpop (erf)  }
0x120: {  	v31 =	vld [tilespmem:$0x12A50];
	v20 =	vsel vm14, v20, v26;
	v23 =	vadd.f32 $-1.000000000e+00, v29  }
0x121: {  	vm15 =	vgt.f32 v22, $0.0e+00;
	v19 =	vadd.f32 v63, v19;
	v20 =	vmul.f32 v20, v60;
	v32 =	vpop (erf)  }
0x122: {  	v33 =	vld [tilespmem:$0x12A60];
	v22 =	vsel vm15, v22, v23;
	v21 =	vadd.f32 $-1.000000000e+00, v32  }
0x123: {  	vm4 =	vgt.f32 v24, $0.0e+00;
	v34 =	vpop (erf);
	v19 =	vadd.f32 v20, v19;
	v20 =	vmul.f32 v22, v62  }
0x124: {  	v35 =	vld [tilespmem:$0x12A70];
	v22 =	vadd.f32 $-1.000000000e+00, v34;
	v21 =	vsel vm4, v24, v21  }
0x125: {  	vm5 =	vgt.f32 v25, $0.0e+00;
	v36 =	vpop (erf);
	v19 =	vadd.f32 v20, v19;
	v20 =	vmul.f32 v21, v31  }
0x126: {  	v22 =	vsel vm5, v25, v22;
	v21 =	vadd.f32 $-1.000000000e+00, v36  }
0x127: {  	vm6 =	vgt.f32 v27, $0.0e+00;
	v19 =	vadd.f32 v20, v19;
	v20 =	vmul.f32 v22, v33  }
0x128: {  	v21 =	vsel vm6, v27, v21  }
0x129: {  	v19 =	vadd.f32 v20, v19;
	v20 =	vmul.f32 v21, v35;
	_ =	sdelay $0x1  }
0x12a: {  	v19 =	vadd.f32 v20, v19;
	_ =	sdelay $0x1  }
0x12b: {  	s23 =	sor.u32 s0, s12;
	[tilespmem:$0x12D80] =	vst v19  }
0x12c: {  	v19 =	vld [tilespmem:s23+$0x2800]  }
0x12d: {  	v20 =	vld [tilespmem:s23+$0xA800]  }
0x12e: {  	v37 =	vld [tilespmem:s23+$0x2810]  }
0x12f: {  	v38 =	vld [tilespmem:s23+$0xA810]  }
0x130: {  	v39 =	vld [tilespmem:s23+$0x2820]  }
0x131: {  	v40 =	vld [tilespmem:s23+$0xA820]  }
0x132: {  	v41 =	vld [tilespmem:s23+$0x2830]  }
0x133: {  	v42 =	vld [tilespmem:s23+$0x2840]  }
0x134: {  	v19 =	vadd.f32 v20, v19;
	v20 =	vld [tilespmem:s23+$0xA830]  }
0x135: {  	v44 =	vld [tilespmem:s23+$0xA840];
	v21 =	vadd.f32 v38, v37  }
0x136: {  	v46 =	vld [tilespmem:s23+$0x2850];
	v43 =	vmul.f32 $1.442695020e+00, v19  }
0x137: {  	v47 =	vld [tilespmem:s23+$0xA850];
	v23 =	vadd.f32 v40, v39;
	v45 =	vmul.f32 $1.442695020e+00, v21  }
0x138: {  	v49 =	vld [tilespmem:s23+$0x2860];
	(erf) = vpow2.f32 v43  }
0x139: {  	v50 =	vld [tilespmem:s23+$0xA860];
	v48 =	vmul.f32 $1.442695020e+00, v23;
	(erf) = vpow2.f32 v45;
	v20 =	vadd.f32 v20, v41  }
0x13a: {  	v52 =	vld [tilespmem:s23+$0x2870]  }
0x13b: {  	v53 =	vld [tilespmem:s23+$0xA870];
	v22 =	vadd.f32 v44, v42;
	(erf) = vpow2.f32 v48;
	v51 =	vmul.f32 $1.442695020e+00, v20;
	_ =	sdelay $0x1  }
0x13c: {  	v24 =	vadd.f32 v47, v46;
	v54 =	vmul.f32 $1.442695020e+00, v22;
	(erf) = vpow2.f32 v51;
	_ =	sdelay $0x1  }
0x13d: {  	v25 =	vadd.f32 v50, v49;
	v26 =	vmul.f32 $1.442695020e+00, v24;
	(erf) = vpow2.f32 v54  }
0x13e: {  	v55 =	vld [tilespmem:$0x12A00];
	v27 =	vadd.f32 v53, v52  }
0x13f: {  	v57 =	vld [tilespmem:$0x12A10];
	v58 =	vmul.f32 $1.442695020e+00, v25;
	v56 =	vpop (erf);
	(erf) = vpow2.f32 v26  }
0x140: {  	v61 =	vmul.f32 $1.442695020e+00, v27;
	v59 =	vpop (erf)  }
0x141: {  	v60 =	vld [tilespmem:$0x12A20];
	v29 =	vadd.f32 $-1.000000000e+00, v56;
	(erf) = vpow2.f32 v58;
	v30 =	vadd.f32 $-1.000000000e+00, v59  }
0x142: {  	vm7 =	vgt.f32 v19, $0.0e+00;
	vm8 =	vgt.f32 v21, $0.0e+00;
	v62 =	vpop (erf);
	(erf) = vpow2.f32 v61  }
0x143: {  	v63 =	vld [tilespmem:$0x12A30];
	v19 =	vsel vm7, v19, v29;
	v29 =	vadd.f32 $-1.000000000e+00, v62;
	v21 =	vsel vm8, v21, v30  }
0x144: {  	vm9 =	vgt.f32 v23, $0.0e+00;
	v19 =	vmul.f32 v19, v55;
	v21 =	vmul.f32 v21, v57;
	v31 =	vpop (erf)  }
0x145: {  	v33 =	vld [tilespmem:$0x12A40];
	v23 =	vsel vm9, v23, v29;
	v26 =	vadd.f32 $-1.000000000e+00, v31  }
0x146: {  	vm10 =	vgt.f32 v20, $0.0e+00;
	v34 =	vmul.f32 v23, v60;
	v35 =	vpop (erf);
	v19 =	vadd.f32 v21, v19  }
0x147: {  	v36 =	vld [tilespmem:$0x12A50];
	v23 =	vadd.f32 $-1.000000000e+00, v35;
	v20 =	vsel vm10, v20, v26  }
0x148: {  	vm11 =	vgt.f32 v22, $0.0e+00;
	v19 =	vadd.f32 v34, v19;
	v20 =	vmul.f32 v20, v63;
	v37 =	vpop (erf)  }
0x149: {  	v38 =	vld [tilespmem:$0x12A60];
	v22 =	vsel vm11, v22, v23;
	v21 =	vadd.f32 $-1.000000000e+00, v37  }
0x14a: {  	vm12 =	vgt.f32 v24, $0.0e+00;
	v39 =	vpop (erf);
	v19 =	vadd.f32 v20, v19;
	v20 =	vmul.f32 v22, v33  }
0x14b: {  	v40 =	vld [tilespmem:$0x12A70];
	v22 =	vadd.f32 $-1.000000000e+00, v39;
	v21 =	vsel vm12, v24, v21  }
0x14c: {  	vm13 =	vgt.f32 v25, $0.0e+00;
	v41 =	vpop (erf);
	v19 =	vadd.f32 v20, v19;
	v20 =	vmul.f32 v21, v36  }
0x14d: {  	v22 =	vsel vm13, v25, v22;
	v21 =	vadd.f32 $-1.000000000e+00, v41  }
0x14e: {  	vm14 =	vgt.f32 v27, $0.0e+00;
	v19 =	vadd.f32 v20, v19;
	v20 =	vmul.f32 v22, v38  }
0x14f: {  	v21 =	vsel vm14, v27, v21  }
0x150: {  	v19 =	vadd.f32 v20, v19;
	v20 =	vmul.f32 v21, v40;
	_ =	sdelay $0x1  }
0x151: {  	v19 =	vadd.f32 v20, v19;
	_ =	sdelay $0x1  }
0x152: {  	s23 =	sor.u32 s3, s12;
	[tilespmem:$0x12E00] =	vst v19  }
0x153: {  	v19 =	vld [tilespmem:s23+$0x2800]  }
0x154: {  	v20 =	vld [tilespmem:s23+$0xA800]  }
0x155: {  	v42 =	vld [tilespmem:s23+$0x2810]  }
0x156: {  	v43 =	vld [tilespmem:s23+$0xA810]  }
0x157: {  	v44 =	vld [tilespmem:s23+$0x2820]  }
0x158: {  	v45 =	vld [tilespmem:s23+$0xA820]  }
0x159: {  	v46 =	vld [tilespmem:s23+$0x2830]  }
0x15a: {  	v47 =	vld [tilespmem:s23+$0x2840]  }
0x15b: {  	v19 =	vadd.f32 v20, v19;
	v20 =	vld [tilespmem:s23+$0xA830]  }
0x15c: {  	v49 =	vld [tilespmem:s23+$0xA840];
	v21 =	vadd.f32 v43, v42  }
0x15d: {  	v51 =	vld [tilespmem:s23+$0x2850];
	v48 =	vmul.f32 $1.442695020e+00, v19  }
0x15e: {  	v52 =	vld [tilespmem:s23+$0xA850];
	v23 =	vadd.f32 v45, v44;
	v50 =	vmul.f32 $1.442695020e+00, v21  }
0x15f: {  	v54 =	vld [tilespmem:s23+$0x2860];
	(erf) = vpow2.f32 v48  }
0x160: {  	v55 =	vld [tilespmem:s23+$0xA860];
	v53 =	vmul.f32 $1.442695020e+00, v23;
	(erf) = vpow2.f32 v50;
	v20 =	vadd.f32 v20, v46  }
0x161: {  	v57 =	vld [tilespmem:s23+$0x2870]  }
0x162: {  	v58 =	vld [tilespmem:s23+$0xA870];
	v22 =	vadd.f32 v49, v47;
	(erf) = vpow2.f32 v53;
	v56 =	vmul.f32 $1.442695020e+00, v20;
	_ =	sdelay $0x1  }
0x163: {  	v24 =	vadd.f32 v52, v51;
	v59 =	vmul.f32 $1.442695020e+00, v22;
	(erf) = vpow2.f32 v56;
	_ =	sdelay $0x1  }
0x164: {  	v25 =	vadd.f32 v55, v54;
	v26 =	vmul.f32 $1.442695020e+00, v24;
	(erf) = vpow2.f32 v59  }
0x165: {  	v62 =	vld [tilespmem:$0x12A10];
	v27 =	vadd.f32 v58, v57  }
0x166: {  	v60 =	vld [tilespmem:$0x12A00];
	v63 =	vmul.f32 $1.442695020e+00, v25;
	v61 =	vpop (erf);
	(erf) = vpow2.f32 v26  }
0x167: {  	v37 =	vmul.f32 $1.442695020e+00, v27;
	v35 =	vpop (erf)  }
0x168: {  	v36 =	vld [tilespmem:$0x12A20];
	v29 =	vadd.f32 $-1.000000000e+00, v61;
	(erf) = vpow2.f32 v63;
	v30 =	vadd.f32 $-1.000000000e+00, v35  }
0x169: {  	vm15 =	vgt.f32 v19, $0.0e+00;
	vm4 =	vgt.f32 v21, $0.0e+00;
	v38 =	vpop (erf);
	(erf) = vpow2.f32 v37  }
0x16a: {  	v39 =	vld [tilespmem:$0x12A30];
	v19 =	vsel vm15, v19, v29;
	v29 =	vadd.f32 $-1.000000000e+00, v38;
	v21 =	vsel vm4, v21, v30  }
0x16b: {  	vm5 =	vgt.f32 v23, $0.0e+00;
	v19 =	vmul.f32 v19, v60;
	v21 =	vmul.f32 v21, v62;
	v40 =	vpop (erf)  }
0x16c: {  	v41 =	vld [tilespmem:$0x12A40];
	v23 =	vsel vm5, v23, v29;
	v26 =	vadd.f32 $-1.000000000e+00, v40  }
0x16d: {  	vm6 =	vgt.f32 v20, $0.0e+00;
	v42 =	vmul.f32 v23, v36;
	v43 =	vpop (erf);
	v19 =	vadd.f32 v21, v19  }
0x16e: {  	v44 =	vld [tilespmem:$0x12A50];
	v23 =	vadd.f32 $-1.000000000e+00, v43;
	v20 =	vsel vm6, v20, v26  }
0x16f: {  	vm7 =	vgt.f32 v22, $0.0e+00;
	v19 =	vadd.f32 v42, v19;
	v20 =	vmul.f32 v20, v39;
	v45 =	vpop (erf)  }
0x170: {  	v46 =	vld [tilespmem:$0x12A60];
	v22 =	vsel vm7, v22, v23;
	v21 =	vadd.f32 $-1.000000000e+00, v45  }
0x171: {  	vm8 =	vgt.f32 v24, $0.0e+00;
	v47 =	vpop (erf);
	v19 =	vadd.f32 v20, v19;
	v20 =	vmul.f32 v22, v41  }
0x172: {  	v48 =	vld [tilespmem:$0x12A70];
	v22 =	vadd.f32 $-1.000000000e+00, v47;
	v21 =	vsel vm8, v24, v21  }
0x173: {  	vm9 =	vgt.f32 v25, $0.0e+00;
	v49 =	vpop (erf);
	v19 =	vadd.f32 v20, v19;
	v20 =	vmul.f32 v21, v44  }
0x174: {  	v22 =	vsel vm9, v25, v22;
	v21 =	vadd.f32 $-1.000000000e+00, v49  }
0x175: {  	vm10 =	vgt.f32 v27, $0.0e+00;
	v19 =	vadd.f32 v20, v19;
	v20 =	vmul.f32 v22, v46  }
0x176: {  	v21 =	vsel vm10, v27, v21  }
0x177: {  	v19 =	vadd.f32 v20, v19;
	v20 =	vmul.f32 v21, v48;
	_ =	sdelay $0x1  }
0x178: {  	v19 =	vadd.f32 v20, v19;
	_ =	sdelay $0x1  }
0x179: {  	s23 =	sor.u32 s13, s12;
	[tilespmem:$0x12E80] =	vst v19  }
0x17a: {  	v19 =	vld [tilespmem:s23+$0x2800]  }
0x17b: {  	v20 =	vld [tilespmem:s23+$0xA800]  }
0x17c: {  	v50 =	vld [tilespmem:s23+$0x2810]  }
0x17d: {  	v51 =	vld [tilespmem:s23+$0xA810]  }
0x17e: {  	v52 =	vld [tilespmem:s23+$0x2820]  }
0x17f: {  	v53 =	vld [tilespmem:s23+$0xA820]  }
0x180: {  	v54 =	vld [tilespmem:s23+$0x2830]  }
0x181: {  	v55 =	vld [tilespmem:s23+$0x2840]  }
0x182: {  	v19 =	vadd.f32 v20, v19;
	v20 =	vld [tilespmem:s23+$0xA830]  }
0x183: {  	v57 =	vld [tilespmem:s23+$0xA840];
	v21 =	vadd.f32 v51, v50  }
0x184: {  	v59 =	vld [tilespmem:s23+$0x2850];
	v56 =	vmul.f32 $1.442695020e+00, v19  }
0x185: {  	v60 =	vld [tilespmem:s23+$0xA850];
	v23 =	vadd.f32 v53, v52;
	v58 =	vmul.f32 $1.442695020e+00, v21  }
0x186: {  	v62 =	vld [tilespmem:s23+$0x2860];
	(erf) = vpow2.f32 v56  }
0x187: {  	v63 =	vld [tilespmem:s23+$0xA860];
	v61 =	vmul.f32 $1.442695020e+00, v23;
	(erf) = vpow2.f32 v58;
	v20 =	vadd.f32 v20, v54  }
0x188: {  	v34 =	vld [tilespmem:s23+$0x2870]  }
0x189: {  	v35 =	vld [tilespmem:s23+$0xA870];
	v22 =	vadd.f32 v57, v55;
	(erf) = vpow2.f32 v61;
	v33 =	vmul.f32 $1.442695020e+00, v20;
	_ =	sdelay $0x1  }
0x18a: {  	v24 =	vadd.f32 v60, v59;
	v36 =	vmul.f32 $1.442695020e+00, v22;
	(erf) = vpow2.f32 v33;
	_ =	sdelay $0x1  }
0x18b: {  	v25 =	vadd.f32 v63, v62;
	v26 =	vmul.f32 $1.442695020e+00, v24;
	(erf) = vpow2.f32 v36  }
0x18c: {  	v37 =	vld [tilespmem:$0x12A00];
	v27 =	vadd.f32 v35, v34  }
0x18d: {  	v39 =	vld [tilespmem:$0x12A10];
	v40 =	vmul.f32 $1.442695020e+00, v25;
	v38 =	vpop (erf);
	(erf) = vpow2.f32 v26  }
0x18e: {  	v43 =	vmul.f32 $1.442695020e+00, v27;
	v41 =	vpop (erf)  }
0x18f: {  	v42 =	vld [tilespmem:$0x12A20];
	v29 =	vadd.f32 $-1.000000000e+00, v38;
	(erf) = vpow2.f32 v40;
	v30 =	vadd.f32 $-1.000000000e+00, v41  }
0x190: {  	vm11 =	vgt.f32 v19, $0.0e+00;
	vm12 =	vgt.f32 v21, $0.0e+00;
	v44 =	vpop (erf);
	(erf) = vpow2.f32 v43  }
0x191: {  	v45 =	vld [tilespmem:$0x12A30];
	v19 =	vsel vm11, v19, v29;
	v29 =	vadd.f32 $-1.000000000e+00, v44;
	v21 =	vsel vm12, v21, v30  }
0x192: {  	vm13 =	vgt.f32 v23, $0.0e+00;
	v19 =	vmul.f32 v19, v37;
	v21 =	vmul.f32 v21, v39;
	v46 =	vpop (erf)  }
0x193: {  	v47 =	vld [tilespmem:$0x12A40];
	v23 =	vsel vm13, v23, v29;
	v26 =	vadd.f32 $-1.000000000e+00, v46  }
0x194: {  	vm14 =	vgt.f32 v20, $0.0e+00;
	v48 =	vmul.f32 v23, v42;
	v49 =	vpop (erf);
	v19 =	vadd.f32 v21, v19  }
0x195: {  	v50 =	vld [tilespmem:$0x12A50];
	v23 =	vadd.f32 $-1.000000000e+00, v49;
	v20 =	vsel vm14, v20, v26  }
0x196: {  	vm15 =	vgt.f32 v22, $0.0e+00;
	v19 =	vadd.f32 v48, v19;
	v20 =	vmul.f32 v20, v45;
	v51 =	vpop (erf)  }
0x197: {  	v52 =	vld [tilespmem:$0x12A60];
	v22 =	vsel vm15, v22, v23;
	v21 =	vadd.f32 $-1.000000000e+00, v51  }
0x198: {  	vm4 =	vgt.f32 v24, $0.0e+00;
	v53 =	vpop (erf);
	v19 =	vadd.f32 v20, v19;
	v20 =	vmul.f32 v22, v47  }
0x199: {  	v54 =	vld [tilespmem:$0x12A70];
	v22 =	vadd.f32 $-1.000000000e+00, v53;
	v21 =	vsel vm4, v24, v21  }
0x19a: {  	vm5 =	vgt.f32 v25, $0.0e+00;
	v55 =	vpop (erf);
	v19 =	vadd.f32 v20, v19;
	v20 =	vmul.f32 v21, v50  }
0x19b: {  	v22 =	vsel vm5, v25, v22;
	v21 =	vadd.f32 $-1.000000000e+00, v55  }
0x19c: {  	vm6 =	vgt.f32 v27, $0.0e+00;
	v19 =	vadd.f32 v20, v19;
	v20 =	vmul.f32 v22, v52  }
0x19d: {  	v21 =	vsel vm6, v27, v21  }
0x19e: {  	v19 =	vadd.f32 v20, v19;
	v20 =	vmul.f32 v21, v54;
	_ =	sdelay $0x1  }
0x19f: {  	v19 =	vadd.f32 v20, v19;
	_ =	sdelay $0x1  }
0x1a0: {  	s23 =	sor.u32 s15, s12;
	[tilespmem:$0x12F00] =	vst v19  }
0x1a1: {  	v19 =	vld [tilespmem:s23+$0x2800]  }
0x1a2: {  	v20 =	vld [tilespmem:s23+$0xA800]  }
0x1a3: {  	v56 =	vld [tilespmem:s23+$0x2810]  }
0x1a4: {  	v57 =	vld [tilespmem:s23+$0xA810]  }
0x1a5: {  	v58 =	vld [tilespmem:s23+$0x2820]  }
0x1a6: {  	v59 =	vld [tilespmem:s23+$0xA820]  }
0x1a7: {  	v60 =	vld [tilespmem:s23+$0x2830]  }
0x1a8: {  	v61 =	vld [tilespmem:s23+$0x2840]  }
0x1a9: {  	v19 =	vadd.f32 v20, v19;
	v20 =	vld [tilespmem:s23+$0xA830]  }
0x1aa: {  	v63 =	vld [tilespmem:s23+$0xA840];
	v21 =	vadd.f32 v57, v56  }
0x1ab: {  	v33 =	vld [tilespmem:s23+$0x2850];
	v62 =	vmul.f32 $1.442695020e+00, v19  }
0x1ac: {  	v34 =	vld [tilespmem:s23+$0xA850];
	v23 =	vadd.f32 v59, v58;
	v32 =	vmul.f32 $1.442695020e+00, v21  }
0x1ad: {  	v36 =	vld [tilespmem:s23+$0x2860];
	(erf) = vpow2.f32 v62  }
0x1ae: {  	v37 =	vld [tilespmem:s23+$0xA860];
	v35 =	vmul.f32 $1.442695020e+00, v23;
	(erf) = vpow2.f32 v32;
	v20 =	vadd.f32 v20, v60  }
0x1af: {  	v39 =	vld [tilespmem:s23+$0x2870]  }
0x1b0: {  	v40 =	vld [tilespmem:s23+$0xA870];
	v22 =	vadd.f32 v63, v61;
	(erf) = vpow2.f32 v35;
	v38 =	vmul.f32 $1.442695020e+00, v20;
	_ =	sdelay $0x1  }
0x1b1: {  	v24 =	vadd.f32 v34, v33;
	v41 =	vmul.f32 $1.442695020e+00, v22;
	(erf) = vpow2.f32 v38;
	_ =	sdelay $0x1  }
0x1b2: {  	v25 =	vadd.f32 v37, v36;
	v26 =	vmul.f32 $1.442695020e+00, v24;
	(erf) = vpow2.f32 v41  }
0x1b3: {  	v44 =	vld [tilespmem:$0x12A10];
	v27 =	vadd.f32 v40, v39  }
0x1b4: {  	v42 =	vld [tilespmem:$0x12A00];
	v45 =	vmul.f32 $1.442695020e+00, v25;
	v43 =	vpop (erf);
	(erf) = vpow2.f32 v26  }
0x1b5: {  	v48 =	vmul.f32 $1.442695020e+00, v27;
	v46 =	vpop (erf)  }
0x1b6: {  	v47 =	vld [tilespmem:$0x12A20];
	v29 =	vadd.f32 $-1.000000000e+00, v43;
	(erf) = vpow2.f32 v45;
	v30 =	vadd.f32 $-1.000000000e+00, v46  }
0x1b7: {  	vm7 =	vgt.f32 v19, $0.0e+00;
	vm8 =	vgt.f32 v21, $0.0e+00;
	v49 =	vpop (erf);
	(erf) = vpow2.f32 v48  }
0x1b8: {  	v50 =	vld [tilespmem:$0x12A30];
	v19 =	vsel vm7, v19, v29;
	v29 =	vadd.f32 $-1.000000000e+00, v49;
	v21 =	vsel vm8, v21, v30  }
0x1b9: {  	vm9 =	vgt.f32 v23, $0.0e+00;
	v19 =	vmul.f32 v19, v42;
	v21 =	vmul.f32 v21, v44;
	v51 =	vpop (erf)  }
0x1ba: {  	v52 =	vld [tilespmem:$0x12A40];
	v23 =	vsel vm9, v23, v29;
	v26 =	vadd.f32 $-1.000000000e+00, v51  }
0x1bb: {  	vm10 =	vgt.f32 v20, $0.0e+00;
	v53 =	vmul.f32 v23, v47;
	v54 =	vpop (erf);
	v19 =	vadd.f32 v21, v19  }
0x1bc: {  	v55 =	vld [tilespmem:$0x12A50];
	v23 =	vadd.f32 $-1.000000000e+00, v54;
	v20 =	vsel vm10, v20, v26  }
0x1bd: {  	vm11 =	vgt.f32 v22, $0.0e+00;
	v19 =	vadd.f32 v53, v19;
	v20 =	vmul.f32 v20, v50;
	v56 =	vpop (erf)  }
0x1be: {  	v57 =	vld [tilespmem:$0x12A60];
	v22 =	vsel vm11, v22, v23;
	v21 =	vadd.f32 $-1.000000000e+00, v56  }
0x1bf: {  	vm12 =	vgt.f32 v24, $0.0e+00;
	v58 =	vpop (erf);
	v19 =	vadd.f32 v20, v19;
	v20 =	vmul.f32 v22, v52  }
0x1c0: {  	v59 =	vld [tilespmem:$0x12A70];
	v22 =	vadd.f32 $-1.000000000e+00, v58;
	v21 =	vsel vm12, v24, v21  }
0x1c1: {  	vm13 =	vgt.f32 v25, $0.0e+00;
	v60 =	vpop (erf);
	v19 =	vadd.f32 v20, v19;
	v20 =	vmul.f32 v21, v55  }
0x1c2: {  	v22 =	vsel vm13, v25, v22;
	v21 =	vadd.f32 $-1.000000000e+00, v60  }
0x1c3: {  	vm14 =	vgt.f32 v27, $0.0e+00;
	v19 =	vadd.f32 v20, v19;
	v20 =	vmul.f32 v22, v57  }
0x1c4: {  	v21 =	vsel vm14, v27, v21  }
0x1c5: {  	v19 =	vadd.f32 v20, v19;
	v20 =	vmul.f32 v21, v59;
	_ =	sdelay $0x1  }
0x1c6: {  	v19 =	vadd.f32 v20, v19;
	_ =	sdelay $0x1  }
0x1c7: {  	s23 =	sor.u32 s18, s12;
	[tilespmem:$0x12F80] =	vst v19  }
0x1c8: {  	v19 =	vld [tilespmem:s23+$0x2800]  }
0x1c9: {  	v20 =	vld [tilespmem:s23+$0xA800]  }
0x1ca: {  	v61 =	vld [tilespmem:s23+$0x2810]  }
0x1cb: {  	v62 =	vld [tilespmem:s23+$0xA810]  }
0x1cc: {  	v63 =	vld [tilespmem:s23+$0x2820]  }
0x1cd: {  	v32 =	vld [tilespmem:s23+$0xA820]  }
0x1ce: {  	v33 =	vld [tilespmem:s23+$0x2830]  }
0x1cf: {  	v34 =	vld [tilespmem:s23+$0x2840]  }
0x1d0: {  	v19 =	vadd.f32 v20, v19;
	v20 =	vld [tilespmem:s23+$0xA830]  }
0x1d1: {  	v36 =	vld [tilespmem:s23+$0xA840];
	v21 =	vadd.f32 v62, v61  }
0x1d2: {  	v38 =	vld [tilespmem:s23+$0x2850];
	v35 =	vmul.f32 $1.442695020e+00, v19  }
0x1d3: {  	v39 =	vld [tilespmem:s23+$0xA850];
	v23 =	vadd.f32 v32, v63;
	v37 =	vmul.f32 $1.442695020e+00, v21  }
0x1d4: {  	v41 =	vld [tilespmem:s23+$0x2860];
	(erf) = vpow2.f32 v35  }
0x1d5: {  	v42 =	vld [tilespmem:s23+$0xA860];
	v40 =	vmul.f32 $1.442695020e+00, v23;
	(erf) = vpow2.f32 v37;
	v20 =	vadd.f32 v20, v33  }
0x1d6: {  	v44 =	vld [tilespmem:s23+$0x2870]  }
0x1d7: {  	v45 =	vld [tilespmem:s23+$0xA870];
	v22 =	vadd.f32 v36, v34;
	(erf) = vpow2.f32 v40;
	v43 =	vmul.f32 $1.442695020e+00, v20;
	_ =	sdelay $0x1  }
0x1d8: {  	v24 =	vadd.f32 v39, v38;
	v46 =	vmul.f32 $1.442695020e+00, v22;
	(erf) = vpow2.f32 v43;
	_ =	sdelay $0x1  }
0x1d9: {  	v25 =	vadd.f32 v42, v41;
	v26 =	vmul.f32 $1.442695020e+00, v24;
	(erf) = vpow2.f32 v46  }
0x1da: {  	v49 =	vld [tilespmem:$0x12A10];
	v27 =	vadd.f32 v45, v44  }
0x1db: {  	v47 =	vld [tilespmem:$0x12A00];
	v50 =	vmul.f32 $1.442695020e+00, v25;
	v48 =	vpop (erf);
	(erf) = vpow2.f32 v26  }
0x1dc: {  	v53 =	vmul.f32 $1.442695020e+00, v27;
	v51 =	vpop (erf)  }
0x1dd: {  	v52 =	vld [tilespmem:$0x12A20];
	v29 =	vadd.f32 $-1.000000000e+00, v48;
	(erf) = vpow2.f32 v50;
	v30 =	vadd.f32 $-1.000000000e+00, v51  }
0x1de: {  	vm15 =	vgt.f32 v19, $0.0e+00;
	vm4 =	vgt.f32 v21, $0.0e+00;
	v54 =	vpop (erf);
	(erf) = vpow2.f32 v53  }
0x1df: {  	v55 =	vld [tilespmem:$0x12A30];
	v19 =	vsel vm15, v19, v29;
	v29 =	vadd.f32 $-1.000000000e+00, v54;
	v21 =	vsel vm4, v21, v30  }
0x1e0: {  	vm5 =	vgt.f32 v23, $0.0e+00;
	v19 =	vmul.f32 v19, v47;
	v21 =	vmul.f32 v21, v49;
	v56 =	vpop (erf)  }
0x1e1: {  	v57 =	vld [tilespmem:$0x12A40];
	v23 =	vsel vm5, v23, v29;
	v26 =	vadd.f32 $-1.000000000e+00, v56  }
0x1e2: {  	vm6 =	vgt.f32 v20, $0.0e+00;
	v58 =	vmul.f32 v23, v52;
	v59 =	vpop (erf);
	v19 =	vadd.f32 v21, v19  }
0x1e3: {  	v60 =	vld [tilespmem:$0x12A50];
	v23 =	vadd.f32 $-1.000000000e+00, v59;
	v20 =	vsel vm6, v20, v26  }
0x1e4: {  	vm7 =	vgt.f32 v22, $0.0e+00;
	v19 =	vadd.f32 v58, v19;
	v20 =	vmul.f32 v20, v55;
	v61 =	vpop (erf)  }
0x1e5: {  	v62 =	vld [tilespmem:$0x12A60];
	v22 =	vsel vm7, v22, v23;
	v21 =	vadd.f32 $-1.000000000e+00, v61  }
0x1e6: {  	vm8 =	vgt.f32 v24, $0.0e+00;
	v63 =	vpop (erf);
	v19 =	vadd.f32 v20, v19;
	v20 =	vmul.f32 v22, v57  }
0x1e7: {  	v28 =	vld [tilespmem:$0x12A70];
	v22 =	vadd.f32 $-1.000000000e+00, v63;
	v21 =	vsel vm8, v24, v21  }
0x1e8: {  	vm9 =	vgt.f32 v25, $0.0e+00;
	v29 =	vpop (erf);
	v19 =	vadd.f32 v20, v19;
	v20 =	vmul.f32 v21, v60  }
0x1e9: {  	v22 =	vsel vm9, v25, v22;
	v21 =	vadd.f32 $-1.000000000e+00, v29  }
0x1ea: {  	vm10 =	vgt.f32 v27, $0.0e+00;
	v19 =	vadd.f32 v20, v19;
	v20 =	vmul.f32 v22, v62  }
0x1eb: {  	v21 =	vsel vm10, v27, v21  }
0x1ec: {  	v19 =	vadd.f32 v20, v19;
	v20 =	vmul.f32 v21, v28;
	_ =	sdelay $0x1  }
0x1ed: {  	v19 =	vadd.f32 v20, v19;
	_ =	sdelay $0x1  }
0x1ee: {  	s23 =	sor.u32 s19, s12;
	[tilespmem:$0x13000] =	vst v19  }
0x1ef: {  	v19 =	vld [tilespmem:s23+$0x2800]  }
0x1f0: {  	v20 =	vld [tilespmem:s23+$0xA800]  }
0x1f1: {  	v30 =	vld [tilespmem:s23+$0x2810]  }
0x1f2: {  	v31 =	vld [tilespmem:s23+$0xA810]  }
0x1f3: {  	v32 =	vld [tilespmem:s23+$0x2820]  }
0x1f4: {  	v33 =	vld [tilespmem:s23+$0xA820]  }
0x1f5: {  	v34 =	vld [tilespmem:s23+$0x2830]  }
0x1f6: {  	v35 =	vld [tilespmem:s23+$0x2840]  }
0x1f7: {  	v19 =	vadd.f32 v20, v19;
	v20 =	vld [tilespmem:s23+$0xA830]  }
0x1f8: {  	v37 =	vld [tilespmem:s23+$0xA840];
	v21 =	vadd.f32 v31, v30  }
0x1f9: {  	v39 =	vld [tilespmem:s23+$0x2850];
	v36 =	vmul.f32 $1.442695020e+00, v19  }
0x1fa: {  	v40 =	vld [tilespmem:s23+$0xA850];
	v23 =	vadd.f32 v33, v32;
	v38 =	vmul.f32 $1.442695020e+00, v21  }
0x1fb: {  	v42 =	vld [tilespmem:s23+$0x2860];
	(erf) = vpow2.f32 v36  }
0x1fc: {  	v43 =	vld [tilespmem:s23+$0xA860];
	v41 =	vmul.f32 $1.442695020e+00, v23;
	(erf) = vpow2.f32 v38;
	v20 =	vadd.f32 v20, v34  }
0x1fd: {  	v45 =	vld [tilespmem:s23+$0x2870]  }
0x1fe: {  	v46 =	vld [tilespmem:s23+$0xA870];
	v22 =	vadd.f32 v37, v35;
	(erf) = vpow2.f32 v41;
	v44 =	vmul.f32 $1.442695020e+00, v20;
	_ =	sdelay $0x1  }
0x1ff: {  	v24 =	vadd.f32 v40, v39;
	v47 =	vmul.f32 $1.442695020e+00, v22;
	(erf) = vpow2.f32 v44;
	_ =	sdelay $0x1  }
0x200: {  	v25 =	vadd.f32 v43, v42;
	v26 =	vmul.f32 $1.442695020e+00, v24;
	(erf) = vpow2.f32 v47  }
0x201: {  	v48 =	vld [tilespmem:$0x12A00];
	v27 =	vadd.f32 v46, v45  }
0x202: {  	v50 =	vld [tilespmem:$0x12A10];
	v51 =	vmul.f32 $1.442695020e+00, v25;
	v49 =	vpop (erf);
	(erf) = vpow2.f32 v26  }
0x203: {  	v54 =	vmul.f32 $1.442695020e+00, v27;
	v52 =	vpop (erf)  }
0x204: {  	v53 =	vld [tilespmem:$0x12A20];
	v29 =	vadd.f32 $-1.000000000e+00, v49;
	(erf) = vpow2.f32 v51;
	v30 =	vadd.f32 $-1.000000000e+00, v52  }
0x205: {  	vm11 =	vgt.f32 v19, $0.0e+00;
	vm12 =	vgt.f32 v21, $0.0e+00;
	v55 =	vpop (erf);
	(erf) = vpow2.f32 v54  }
0x206: {  	v56 =	vld [tilespmem:$0x12A30];
	v19 =	vsel vm11, v19, v29;
	v29 =	vadd.f32 $-1.000000000e+00, v55;
	v21 =	vsel vm12, v21, v30  }
0x207: {  	vm13 =	vgt.f32 v23, $0.0e+00;
	v19 =	vmul.f32 v19, v48;
	v21 =	vmul.f32 v21, v50;
	v57 =	vpop (erf)  }
0x208: {  	v58 =	vld [tilespmem:$0x12A40];
	v23 =	vsel vm13, v23, v29;
	v26 =	vadd.f32 $-1.000000000e+00, v57  }
0x209: {  	vm14 =	vgt.f32 v20, $0.0e+00;
	v59 =	vmul.f32 v23, v53;
	v60 =	vpop (erf);
	v19 =	vadd.f32 v21, v19  }
0x20a: {  	v61 =	vld [tilespmem:$0x12A50];
	v23 =	vadd.f32 $-1.000000000e+00, v60;
	v20 =	vsel vm14, v20, v26  }
0x20b: {  	vm15 =	vgt.f32 v22, $0.0e+00;
	v19 =	vadd.f32 v59, v19;
	v20 =	vmul.f32 v20, v56;
	v62 =	vpop (erf)  }
0x20c: {  	v63 =	vld [tilespmem:$0x12A60];
	v22 =	vsel vm15, v22, v23;
	v21 =	vadd.f32 $-1.000000000e+00, v62  }
0x20d: {  	vm4 =	vgt.f32 v24, $0.0e+00;
	v28 =	vpop (erf);
	v19 =	vadd.f32 v20, v19;
	v20 =	vmul.f32 v22, v58  }
0x20e: {  	v29 =	vld [tilespmem:$0x12A70];
	v22 =	vadd.f32 $-1.000000000e+00, v28;
	v21 =	vsel vm4, v24, v21  }
0x20f: {  	vm5 =	vgt.f32 v25, $0.0e+00;
	v30 =	vpop (erf);
	v19 =	vadd.f32 v20, v19;
	v20 =	vmul.f32 v21, v61  }
0x210: {  	v22 =	vsel vm5, v25, v22;
	v21 =	vadd.f32 $-1.000000000e+00, v30  }
0x211: {  	vm6 =	vgt.f32 v27, $0.0e+00;
	v19 =	vadd.f32 v20, v19;
	v20 =	vmul.f32 v22, v63  }
0x212: {  	v21 =	vsel vm6, v27, v21  }
0x213: {  	v19 =	vadd.f32 v20, v19;
	v20 =	vmul.f32 v21, v29;
	_ =	sdelay $0x1  }
0x214: {  	v19 =	vadd.f32 v20, v19;
	_ =	sdelay $0x1  }
0x215: {  	s23 =	sor.u32 s16, s12;
	[tilespmem:$0x13080] =	vst v19  }
0x216: {  	v19 =	vld [tilespmem:s23+$0x2800]  }
0x217: {  	v20 =	vld [tilespmem:s23+$0xA800]  }
0x218: {  	v31 =	vld [tilespmem:s23+$0x2810]  }
0x219: {  	v32 =	vld [tilespmem:s23+$0xA810]  }
0x21a: {  	v33 =	vld [tilespmem:s23+$0x2820]  }
0x21b: {  	v34 =	vld [tilespmem:s23+$0xA820]  }
0x21c: {  	v35 =	vld [tilespmem:s23+$0x2830]  }
0x21d: {  	v36 =	vld [tilespmem:s23+$0x2840]  }
0x21e: {  	v19 =	vadd.f32 v20, v19;
	v20 =	vld [tilespmem:s23+$0xA830]  }
0x21f: {  	v38 =	vld [tilespmem:s23+$0xA840];
	v21 =	vadd.f32 v32, v31  }
0x220: {  	v40 =	vld [tilespmem:s23+$0x2850];
	v37 =	vmul.f32 $1.442695020e+00, v19  }
0x221: {  	v41 =	vld [tilespmem:s23+$0xA850];
	v23 =	vadd.f32 v34, v33;
	v39 =	vmul.f32 $1.442695020e+00, v21  }
0x222: {  	v43 =	vld [tilespmem:s23+$0x2860];
	(erf) = vpow2.f32 v37  }
0x223: {  	v44 =	vld [tilespmem:s23+$0xA860];
	v42 =	vmul.f32 $1.442695020e+00, v23;
	(erf) = vpow2.f32 v39;
	v20 =	vadd.f32 v20, v35  }
0x224: {  	v46 =	vld [tilespmem:s23+$0x2870]  }
0x225: {  	v47 =	vld [tilespmem:s23+$0xA870];
	v22 =	vadd.f32 v38, v36;
	(erf) = vpow2.f32 v42;
	v45 =	vmul.f32 $1.442695020e+00, v20;
	_ =	sdelay $0x1  }
0x226: {  	v24 =	vadd.f32 v41, v40;
	v48 =	vmul.f32 $1.442695020e+00, v22;
	(erf) = vpow2.f32 v45;
	_ =	sdelay $0x1  }
0x227: {  	v25 =	vadd.f32 v44, v43;
	v26 =	vmul.f32 $1.442695020e+00, v24;
	(erf) = vpow2.f32 v48  }
0x228: {  	v49 =	vld [tilespmem:$0x12A00];
	v27 =	vadd.f32 v47, v46  }
0x229: {  	v51 =	vld [tilespmem:$0x12A10];
	v52 =	vmul.f32 $1.442695020e+00, v25;
	v50 =	vpop (erf);
	(erf) = vpow2.f32 v26  }
0x22a: {  	v55 =	vmul.f32 $1.442695020e+00, v27;
	v53 =	vpop (erf)  }
0x22b: {  	v54 =	vld [tilespmem:$0x12A20];
	v29 =	vadd.f32 $-1.000000000e+00, v50;
	(erf) = vpow2.f32 v52;
	v30 =	vadd.f32 $-1.000000000e+00, v53  }
0x22c: {  	vm7 =	vgt.f32 v19, $0.0e+00;
	vm8 =	vgt.f32 v21, $0.0e+00;
	v56 =	vpop (erf);
	(erf) = vpow2.f32 v55  }
0x22d: {  	v57 =	vld [tilespmem:$0x12A30];
	v19 =	vsel vm7, v19, v29;
	v29 =	vadd.f32 $-1.000000000e+00, v56;
	v21 =	vsel vm8, v21, v30  }
0x22e: {  	vm9 =	vgt.f32 v23, $0.0e+00;
	v19 =	vmul.f32 v19, v49;
	v21 =	vmul.f32 v21, v51;
	v58 =	vpop (erf)  }
0x22f: {  	v59 =	vld [tilespmem:$0x12A40];
	v23 =	vsel vm9, v23, v29;
	v26 =	vadd.f32 $-1.000000000e+00, v58  }
0x230: {  	vm10 =	vgt.f32 v20, $0.0e+00;
	v60 =	vmul.f32 v23, v54;
	v61 =	vpop (erf);
	v19 =	vadd.f32 v21, v19  }
0x231: {  	v62 =	vld [tilespmem:$0x12A50];
	v23 =	vadd.f32 $-1.000000000e+00, v61;
	v20 =	vsel vm10, v20, v26  }
0x232: {  	vm11 =	vgt.f32 v22, $0.0e+00;
	v19 =	vadd.f32 v60, v19;
	v20 =	vmul.f32 v20, v57;
	v63 =	vpop (erf)  }
0x233: {  	v29 =	vld [tilespmem:$0x12A60];
	v22 =	vsel vm11, v22, v23;
	v21 =	vadd.f32 $-1.000000000e+00, v63  }
0x234: {  	vm12 =	vgt.f32 v24, $0.0e+00;
	v30 =	vpop (erf);
	v19 =	vadd.f32 v20, v19;
	v20 =	vmul.f32 v22, v59  }
0x235: {  	v31 =	vld [tilespmem:$0x12A70];
	v22 =	vadd.f32 $-1.000000000e+00, v30;
	v21 =	vsel vm12, v24, v21  }
0x236: {  	vm13 =	vgt.f32 v25, $0.0e+00;
	v32 =	vpop (erf);
	v19 =	vadd.f32 v20, v19;
	v20 =	vmul.f32 v21, v62  }
0x237: {  	v22 =	vsel vm13, v25, v22;
	v21 =	vadd.f32 $-1.000000000e+00, v32  }
0x238: {  	vm14 =	vgt.f32 v27, $0.0e+00;
	v19 =	vadd.f32 v20, v19;
	v20 =	vmul.f32 v22, v29  }
0x239: {  	v21 =	vsel vm14, v27, v21  }
0x23a: {  	v19 =	vadd.f32 v20, v19;
	v20 =	vmul.f32 v21, v31;
	_ =	sdelay $0x1  }
0x23b: {  	v19 =	vadd.f32 v20, v19;
	_ =	sdelay $0x1  }
0x23c: {  	s23 =	sor.u32 s17, s12;
	[tilespmem:$0x13100] =	vst v19  }
0x23d: {  	v19 =	vld [tilespmem:s23+$0x2800]  }
0x23e: {  	v20 =	vld [tilespmem:s23+$0xA800]  }
0x23f: {  	v33 =	vld [tilespmem:s23+$0x2810]  }
0x240: {  	v34 =	vld [tilespmem:s23+$0xA810]  }
0x241: {  	v35 =	vld [tilespmem:s23+$0x2820]  }
0x242: {  	v36 =	vld [tilespmem:s23+$0xA820]  }
0x243: {  	v37 =	vld [tilespmem:s23+$0x2830]  }
0x244: {  	v38 =	vld [tilespmem:s23+$0x2840]  }
0x245: {  	v19 =	vadd.f32 v20, v19;
	v20 =	vld [tilespmem:s23+$0xA830]  }
0x246: {  	v40 =	vld [tilespmem:s23+$0xA840];
	v21 =	vadd.f32 v34, v33  }
0x247: {  	v42 =	vld [tilespmem:s23+$0x2850];
	v39 =	vmul.f32 $1.442695020e+00, v19  }
0x248: {  	v43 =	vld [tilespmem:s23+$0xA850];
	v23 =	vadd.f32 v36, v35;
	v41 =	vmul.f32 $1.442695020e+00, v21  }
0x249: {  	v45 =	vld [tilespmem:s23+$0x2860];
	(erf) = vpow2.f32 v39  }
0x24a: {  	v46 =	vld [tilespmem:s23+$0xA860];
	v44 =	vmul.f32 $1.442695020e+00, v23;
	(erf) = vpow2.f32 v41;
	v20 =	vadd.f32 v20, v37  }
0x24b: {  	v48 =	vld [tilespmem:s23+$0x2870]  }
0x24c: {  	v49 =	vld [tilespmem:s23+$0xA870];
	v22 =	vadd.f32 v40, v38;
	(erf) = vpow2.f32 v44;
	v47 =	vmul.f32 $1.442695020e+00, v20;
	_ =	sdelay $0x1  }
0x24d: {  	v24 =	vadd.f32 v43, v42;
	v50 =	vmul.f32 $1.442695020e+00, v22;
	(erf) = vpow2.f32 v47;
	_ =	sdelay $0x1  }
0x24e: {  	v25 =	vadd.f32 v46, v45;
	v26 =	vmul.f32 $1.442695020e+00, v24;
	(erf) = vpow2.f32 v50  }
0x24f: {  	v53 =	vld [tilespmem:$0x12A10];
	v27 =	vadd.f32 v49, v48  }
0x250: {  	v51 =	vld [tilespmem:$0x12A00];
	v54 =	vmul.f32 $1.442695020e+00, v25;
	v52 =	vpop (erf);
	(erf) = vpow2.f32 v26  }
0x251: {  	v57 =	vmul.f32 $1.442695020e+00, v27;
	v55 =	vpop (erf)  }
0x252: {  	v56 =	vld [tilespmem:$0x12A20];
	v29 =	vadd.f32 $-1.000000000e+00, v52;
	(erf) = vpow2.f32 v54;
	v30 =	vadd.f32 $-1.000000000e+00, v55  }
0x253: {  	vm15 =	vgt.f32 v19, $0.0e+00;
	vm4 =	vgt.f32 v21, $0.0e+00;
	v58 =	vpop (erf);
	(erf) = vpow2.f32 v57  }
0x254: {  	v59 =	vld [tilespmem:$0x12A30];
	v19 =	vsel vm15, v19, v29;
	v29 =	vadd.f32 $-1.000000000e+00, v58;
	v21 =	vsel vm4, v21, v30  }
0x255: {  	vm5 =	vgt.f32 v23, $0.0e+00;
	v19 =	vmul.f32 v19, v51;
	v21 =	vmul.f32 v21, v53;
	v60 =	vpop (erf)  }
0x256: {  	v61 =	vld [tilespmem:$0x12A40];
	v23 =	vsel vm5, v23, v29;
	v26 =	vadd.f32 $-1.000000000e+00, v60  }
0x257: {  	vm6 =	vgt.f32 v20, $0.0e+00;
	v62 =	vmul.f32 v23, v56;
	v63 =	vpop (erf);
	v19 =	vadd.f32 v21, v19  }
0x258: {  	v29 =	vld [tilespmem:$0x12A50];
	v23 =	vadd.f32 $-1.000000000e+00, v63;
	v20 =	vsel vm6, v20, v26  }
0x259: {  	vm7 =	vgt.f32 v22, $0.0e+00;
	v19 =	vadd.f32 v62, v19;
	v20 =	vmul.f32 v20, v59;
	v30 =	vpop (erf)  }
0x25a: {  	v31 =	vld [tilespmem:$0x12A60];
	v22 =	vsel vm7, v22, v23;
	v21 =	vadd.f32 $-1.000000000e+00, v30  }
0x25b: {  	vm8 =	vgt.f32 v24, $0.0e+00;
	v32 =	vpop (erf);
	v19 =	vadd.f32 v20, v19;
	v20 =	vmul.f32 v22, v61  }
0x25c: {  	v33 =	vld [tilespmem:$0x12A70];
	v22 =	vadd.f32 $-1.000000000e+00, v32;
	v21 =	vsel vm8, v24, v21  }
0x25d: {  	vm9 =	vgt.f32 v25, $0.0e+00;
	v34 =	vpop (erf);
	v19 =	vadd.f32 v20, v19;
	v20 =	vmul.f32 v21, v29  }
0x25e: {  	v22 =	vsel vm9, v25, v22;
	v21 =	vadd.f32 $-1.000000000e+00, v34  }
0x25f: {  	vm10 =	vgt.f32 v27, $0.0e+00;
	v19 =	vadd.f32 v20, v19;
	v20 =	vmul.f32 v22, v31  }
0x260: {  	v21 =	vsel vm10, v27, v21  }
0x261: {  	v19 =	vadd.f32 v20, v19;
	v20 =	vmul.f32 v21, v33;
	_ =	sdelay $0x1  }
0x262: {  	v19 =	vadd.f32 v20, v19;
	_ =	sdelay $0x1  }
0x263: {  	s23 =	sor.u32 s6, s12;
	[tilespmem:$0x13180] =	vst v19  }
0x264: {  	v19 =	vld [tilespmem:s23+$0x2800]  }
0x265: {  	v20 =	vld [tilespmem:s23+$0xA800]  }
0x266: {  	v35 =	vld [tilespmem:s23+$0x2810]  }
0x267: {  	v36 =	vld [tilespmem:s23+$0xA810]  }
0x268: {  	v37 =	vld [tilespmem:s23+$0x2820]  }
0x269: {  	v38 =	vld [tilespmem:s23+$0xA820]  }
0x26a: {  	v39 =	vld [tilespmem:s23+$0x2830]  }
0x26b: {  	v40 =	vld [tilespmem:s23+$0x2840]  }
0x26c: {  	v19 =	vadd.f32 v20, v19;
	v20 =	vld [tilespmem:s23+$0xA830]  }
0x26d: {  	v42 =	vld [tilespmem:s23+$0xA840];
	v21 =	vadd.f32 v36, v35  }
0x26e: {  	v44 =	vld [tilespmem:s23+$0x2850];
	v41 =	vmul.f32 $1.442695020e+00, v19  }
0x26f: {  	v45 =	vld [tilespmem:s23+$0xA850];
	v23 =	vadd.f32 v38, v37;
	v43 =	vmul.f32 $1.442695020e+00, v21  }
0x270: {  	v47 =	vld [tilespmem:s23+$0x2860];
	(erf) = vpow2.f32 v41  }
0x271: {  	v48 =	vld [tilespmem:s23+$0xA860];
	v46 =	vmul.f32 $1.442695020e+00, v23;
	(erf) = vpow2.f32 v43;
	v20 =	vadd.f32 v20, v39  }
0x272: {  	v50 =	vld [tilespmem:s23+$0x2870]  }
0x273: {  	v51 =	vld [tilespmem:s23+$0xA870];
	v22 =	vadd.f32 v42, v40;
	(erf) = vpow2.f32 v46;
	v49 =	vmul.f32 $1.442695020e+00, v20;
	_ =	sdelay $0x1  }
0x274: {  	v24 =	vadd.f32 v45, v44;
	v52 =	vmul.f32 $1.442695020e+00, v22;
	(erf) = vpow2.f32 v49;
	_ =	sdelay $0x1  }
0x275: {  	v25 =	vadd.f32 v48, v47;
	v26 =	vmul.f32 $1.442695020e+00, v24;
	(erf) = vpow2.f32 v52  }
0x276: {  	v55 =	vld [tilespmem:$0x12A10];
	v27 =	vadd.f32 v51, v50  }
0x277: {  	v53 =	vld [tilespmem:$0x12A00];
	v56 =	vmul.f32 $1.442695020e+00, v25;
	v54 =	vpop (erf);
	(erf) = vpow2.f32 v26  }
0x278: {  	v59 =	vmul.f32 $1.442695020e+00, v27;
	v57 =	vpop (erf)  }
0x279: {  	v58 =	vld [tilespmem:$0x12A20];
	v29 =	vadd.f32 $-1.000000000e+00, v54;
	(erf) = vpow2.f32 v56;
	v30 =	vadd.f32 $-1.000000000e+00, v57  }
0x27a: {  	vm11 =	vgt.f32 v19, $0.0e+00;
	vm12 =	vgt.f32 v21, $0.0e+00;
	v60 =	vpop (erf);
	(erf) = vpow2.f32 v59  }
0x27b: {  	v61 =	vld [tilespmem:$0x12A30];
	v19 =	vsel vm11, v19, v29;
	v29 =	vadd.f32 $-1.000000000e+00, v60;
	v21 =	vsel vm12, v21, v30  }
0x27c: {  	vm13 =	vgt.f32 v23, $0.0e+00;
	v19 =	vmul.f32 v19, v53;
	v21 =	vmul.f32 v21, v55;
	v62 =	vpop (erf)  }
0x27d: {  	v63 =	vld [tilespmem:$0x12A40];
	v23 =	vsel vm13, v23, v29;
	v26 =	vadd.f32 $-1.000000000e+00, v62  }
0x27e: {  	vm14 =	vgt.f32 v20, $0.0e+00;
	v32 =	vmul.f32 v23, v58;
	v33 =	vpop (erf);
	v19 =	vadd.f32 v21, v19  }
0x27f: {  	v34 =	vld [tilespmem:$0x12A50];
	v23 =	vadd.f32 $-1.000000000e+00, v33;
	v20 =	vsel vm14, v20, v26  }
0x280: {  	vm15 =	vgt.f32 v22, $0.0e+00;
	v19 =	vadd.f32 v32, v19;
	v20 =	vmul.f32 v20, v61;
	v35 =	vpop (erf)  }
0x281: {  	v36 =	vld [tilespmem:$0x12A60];
	v22 =	vsel vm15, v22, v23;
	v21 =	vadd.f32 $-1.000000000e+00, v35  }
0x282: {  	vm4 =	vgt.f32 v24, $0.0e+00;
	v37 =	vpop (erf);
	v19 =	vadd.f32 v20, v19;
	v20 =	vmul.f32 v22, v63  }
0x283: {  	v38 =	vld [tilespmem:$0x12A70];
	v22 =	vadd.f32 $-1.000000000e+00, v37;
	v21 =	vsel vm4, v24, v21  }
0x284: {  	vm5 =	vgt.f32 v25, $0.0e+00;
	v39 =	vpop (erf);
	v19 =	vadd.f32 v20, v19;
	v20 =	vmul.f32 v21, v34  }
0x285: {  	v22 =	vsel vm5, v25, v22;
	v21 =	vadd.f32 $-1.000000000e+00, v39  }
0x286: {  	vm6 =	vgt.f32 v27, $0.0e+00;
	v19 =	vadd.f32 v20, v19;
	v20 =	vmul.f32 v22, v36  }
0x287: {  	v21 =	vsel vm6, v27, v21  }
0x288: {  	v19 =	vadd.f32 v20, v19;
	v20 =	vmul.f32 v21, v38;
	_ =	sdelay $0x1  }
0x289: {  	v19 =	vadd.f32 v20, v19;
	_ =	sdelay $0x1  }
0x28a: {  	s12 =	sor.u32 s10, s12;
	[tilespmem:$0x13200] =	vst v19  }
0x28b: {  	v19 =	vld [tilespmem:s12+$0x2800]  }
0x28c: {  	v20 =	vld [tilespmem:s12+$0xA800]  }
0x28d: {  	v40 =	vld [tilespmem:s12+$0x2810]  }
0x28e: {  	v41 =	vld [tilespmem:s12+$0xA810]  }
0x28f: {  	v42 =	vld [tilespmem:s12+$0x2820]  }
0x290: {  	v43 =	vld [tilespmem:s12+$0xA820]  }
0x291: {  	v44 =	vld [tilespmem:s12+$0x2830]  }
0x292: {  	v45 =	vld [tilespmem:s12+$0x2840]  }
0x293: {  	v19 =	vadd.f32 v20, v19;
	v20 =	vld [tilespmem:s12+$0xA830]  }
0x294: {  	v47 =	vld [tilespmem:s12+$0xA840];
	v21 =	vadd.f32 v41, v40  }
0x295: {  	v49 =	vld [tilespmem:s12+$0x2850];
	v46 =	vmul.f32 $1.442695020e+00, v19  }
0x296: {  	v50 =	vld [tilespmem:s12+$0xA850];
	v23 =	vadd.f32 v43, v42;
	v48 =	vmul.f32 $1.442695020e+00, v21  }
0x297: {  	v52 =	vld [tilespmem:s12+$0x2860];
	(erf) = vpow2.f32 v46  }
0x298: {  	v53 =	vld [tilespmem:s12+$0xA860];
	v51 =	vmul.f32 $1.442695020e+00, v23;
	(erf) = vpow2.f32 v48;
	v20 =	vadd.f32 v20, v44  }
0x299: {  	v55 =	vld [tilespmem:s12+$0x2870]  }
0x29a: {  	v56 =	vld [tilespmem:s12+$0xA870];
	v22 =	vadd.f32 v47, v45;
	(erf) = vpow2.f32 v51;
	v54 =	vmul.f32 $1.442695020e+00, v20;
	_ =	sdelay $0x1  }
0x29b: {  	v24 =	vadd.f32 v50, v49;
	v57 =	vmul.f32 $1.442695020e+00, v22;
	(erf) = vpow2.f32 v54;
	_ =	sdelay $0x1  }
0x29c: {  	v25 =	vadd.f32 v53, v52;
	v26 =	vmul.f32 $1.442695020e+00, v24;
	(erf) = vpow2.f32 v57  }
0x29d: {  	v60 =	vld [tilespmem:$0x12A10];
	v27 =	vadd.f32 v56, v55  }
0x29e: {  	v58 =	vld [tilespmem:$0x12A00];
	v61 =	vmul.f32 $1.442695020e+00, v25;
	v59 =	vpop (erf);
	(erf) = vpow2.f32 v26  }
0x29f: {  	v35 =	vmul.f32 $1.442695020e+00, v27;
	v62 =	vpop (erf)  }
0x2a0: {  	v63 =	vld [tilespmem:$0x12A20];
	v29 =	vadd.f32 $-1.000000000e+00, v59;
	(erf) = vpow2.f32 v61;
	v30 =	vadd.f32 $-1.000000000e+00, v62  }
0x2a1: {  	vm7 =	vgt.f32 v19, $0.0e+00;
	vm8 =	vgt.f32 v21, $0.0e+00;
	v36 =	vpop (erf);
	(erf) = vpow2.f32 v35  }
0x2a2: {  	v37 =	vld [tilespmem:$0x12A30];
	v19 =	vsel vm7, v19, v29;
	v29 =	vadd.f32 $-1.000000000e+00, v36;
	v21 =	vsel vm8, v21, v30  }
0x2a3: {  	vm9 =	vgt.f32 v23, $0.0e+00;
	v19 =	vmul.f32 v19, v58;
	v38 =	vpop (erf);
	v21 =	vmul.f32 v21, v60  }
0x2a4: {  	v39 =	vld [tilespmem:$0x12A40];
	v23 =	vsel vm9, v23, v29;
	v26 =	vadd.f32 $-1.000000000e+00, v38  }
0x2a5: {  	vm10 =	vgt.f32 v20, $0.0e+00;
	v40 =	vpop (erf);
	v41 =	vmul.f32 v23, v63;
	v19 =	vadd.f32 v21, v19  }
0x2a6: {  	v43 =	vld [tilespmem:$0x12A50];
	v42 =	vadd.f32 $-1.000000000e+00, v40;
	v20 =	vsel vm10, v20, v26  }
0x2a7: {  	vm11 =	vgt.f32 v22, $0.0e+00;
	v44 =	vpop (erf);
	v19 =	vadd.f32 v41, v19;
	v20 =	vmul.f32 v20, v37  }
0x2a8: {  	v47 =	vld [tilespmem:$0x12A60];
	v45 =	vsel vm11, v22, v42;
	v46 =	vadd.f32 $-1.000000000e+00, v44  }
0x2a9: {  	vm12 =	vgt.f32 v24, $0.0e+00;
	v48 =	vpop (erf);
	v19 =	vadd.f32 v20, v19;
	v20 =	vmul.f32 v45, v39  }
0x2aa: {  	v51 =	vld [tilespmem:$0x12A70];
	v50 =	vadd.f32 $-1.000000000e+00, v48;
	v49 =	vsel vm12, v24, v46  }
0x2ab: {  	vm13 =	vgt.f32 v25, $0.0e+00;
	v52 =	vpop (erf);
	v19 =	vadd.f32 v20, v19;
	v20 =	vmul.f32 v49, v43  }
0x2ac: {  	v21 =	vadd.f32 $-1.000000000e+00, v52;
	v22 =	vsel vm13, v25, v50  }
0x2ad: {  	vm14 =	vgt.f32 v27, $0.0e+00;
	v19 =	vadd.f32 v20, v19;
	v20 =	vmul.f32 v22, v47  }
0x2ae: {  	v21 =	vsel vm14, v27, v21  }
0x2af: {  	v19 =	vadd.f32 v20, v19;
	v20 =	vmul.f32 v21, v51;
	_ =	sdelay $0x1  }
0x2b0: {  	v19 =	vadd.f32 v20, v19;
	_ =	sdelay $0x1  }
0x2b1: {  	[tilespmem:$0x13280] =	vst v19  }
0x2b2: {  	v19 =	vld.idx.msk [tilespmem:v0+s22+$0x0], $0xffff  }
0x2b3: {  	v20 =	vld.idx.msk [tilespmem:v1+s22+$0x0], $0xffff;
	_ =	sdelay $0x1  }
0x2b4: {  	v53 =	vld.idx.msk [tilespmem:v2+s22+$0x0], $0xffff;
	_ =	sdelay $0x1  }
0x2b5: {  	v54 =	vld.idx.msk [tilespmem:v3+s22+$0x0], $0xffff  }
0x2b6: {  	v19 =	vadd.f32 v20, v19  }
0x2b7: {  	v20 =	vld.idx.msk [tilespmem:v4+s22+$0x0], $0xffff  }
0x2b8: {  	v19 =	vadd.f32 v53, v19  }
0x2b9: {  	v55 =	vld.idx.msk [tilespmem:v5+s22+$0x0], $0xffff  }
0x2ba: {  	v19 =	vadd.f32 v54, v19  }
0x2bb: {  	v56 =	vld.idx.msk [tilespmem:v6+s22+$0x0], $0xffff  }
0x2bc: {  	v19 =	vadd.f32 v20, v19  }
0x2bd: {  	v20 =	vld.idx.msk [tilespmem:v7+s22+$0x0], $0xffff  }
0x2be: {  	v19 =	vadd.f32 v55, v19  }
0x2bf: {  	v57 =	vld.idx.msk [tilespmem:v8+s22+$0x0], $0xffff  }
0x2c0: {  	v19 =	vadd.f32 v56, v19  }
0x2c1: {  	v58 =	vld.idx.msk [tilespmem:v9+s22+$0x0], $0xffff  }
0x2c2: {  	v19 =	vadd.f32 v20, v19  }
0x2c3: {  	v20 =	vld.idx.msk [tilespmem:v10+s22+$0x0], $0xffff  }
0x2c4: {  	v19 =	vadd.f32 v57, v19  }
0x2c5: {  	v59 =	vld.idx.msk [tilespmem:v11+s22+$0x0], $0xffff  }
0x2c6: {  	v19 =	vadd.f32 v58, v19  }
0x2c7: {  	v60 =	vld.idx.msk [tilespmem:v12+s22+$0x0], $0xffff  }
0x2c8: {  	v19 =	vadd.f32 v20, v19  }
0x2c9: {  	v20 =	vld.idx.msk [tilespmem:v13+s22+$0x0], $0xffff  }
0x2ca: {  	v19 =	vadd.f32 v59, v19  }
0x2cb: {  	v61 =	vld.idx.msk [tilespmem:v14+s22+$0x0], $0xffff  }
0x2cc: {  	v19 =	vadd.f32 v60, v19  }
0x2cd: {  	v62 =	vld.idx.msk [tilespmem:v15+s22+$0x0], $0xffff  }
0x2ce: {  	v19 =	vadd.f32 v20, v19;
	_ =	sdelay $0x1  }
0x2cf: {  	v19 =	vadd.f32 v61, v19;
	_ =	sdelay $0x1  }
0x2d0: {  	v19 =	vadd.f32 v62, v19;
	_ =	sdelay $0x1  }
0x2d1: {  	v19 =	vadd.f32 v19, v16;
	_ =	sdelay $0x1  }
0x2d2: {  	v19 =	vsub.f32 $0.0e+00, v19;
	_ =	sdelay $0x1  }
0x2d3: {  	v19 =	vmul.f32 $1.442695020e+00, v19;
	_ =	sdelay $0x1  }
0x2d4: {  	(erf) = vpow2.f32 v19;
	_ =	sdelay $0x8  }
0x2d5: {  	v19 =	vpop (erf)  }
0x2d6: {  	v19 =	vadd.f32 $1.000000000e+00, v19;
	_ =	sdelay $0x1  }
0x2d7: {  	(erf) = vrcp.f32 v19;
	_ =	sdelay $0x1  }
0x2d8: {  	s23 =	sshll.u32 s11, $0x4  }
0x2d9: {  	v20 =	vld.idx.msk [tilespmem:v17+s23+$0x1400 ss:$0x1], $0xffff  }
0x2da: {  	v19 =	vld.idx.msk [tilespmem:v17+s23+$0x0 ss:$0x1], $0xffff;
	_ =	sdelay $0x2  }
0x2db: {  	p0 =	sne.s32 s11, $0x7  }
.Ltmp0:
0x2dc: {  	_ = 	snop;
	(pc) =	sbr.rel @p0 .LBB2_3-.Ltmp0, $4  }
0x2dd: {  	vm15 =	veq.s32 v19, v20;
	v19 =	vmul.u32 $0x2710, v19;
	v63 =	vpop (erf)  }
0x2de: {  	v21 =	vsel vm15, $0x3F800000, v63  }
0x2df: {  	v19 =	vadd.s32 v20, v19;
	[tilespmem:v18+s23+$0x12800 ss:$0x1] =	vst.idx.msk $0xffff, v21  }
0x2e0: {  	s11 =	sadd.s32 $0x1, s11;
	[tilespmem:v18+s23+$0x12900 ss:$0x1] =	vst.idx.msk $0xffff, v19  }
0x2e1: {  	s0 =	sadd.s32 s9, s28  }
0x2e2: {  	s2 =	sshll.u32 s28, $0x4;
	s0 =	sshll.u32 s0, $0x4  }
0x2e3: {  	p0 =	sne.s32 s26, $0x28;
	s2 =	sand.u32 $0x70, s2;
	s0 =	sand.u32 $0xFFFFF80, s0  }
.Ltmp1:
0x2e4: {  	s0 =	sor.u32 s2, s0;
	(pc) =	sbr.rel @p0 .LBB2_2-.Ltmp1, $4  }
0x2e5: {  	s3 =	sor.u32 $0x12800, s30;
	s2 =	sadd.s32 s7, s0  }
0x2e6: {  	[hbm4b:s2+s4] =	stream.linear.scatter [tilespmem:s3], [sflag:$0x3], $0x80, $0x38;
	[tilespmem:$0x13300] =	vst v63  }
0x2e7: {  	s31 =	sor.u32 $0x12900, s30;
	s28 =	smov.u32 s26;
	s0 =	sadd.s32 s8, s0  }
0x2e8: {  	[hbm4b:s0+s4] =	stream.linear.scatter [tilespmem:s31], [sflag:$0x4], $0x80, $0x38;
	[tilespmem:$0x13300] =	vst v63  }
0x2e9: {  	s0 =	simm.s32 $0x3  }
0x2ea: {  	_ =	swait.ge [sflag:s0], $0x80  }
0x2eb: {  	[sflag:s0] =	ssyncset.done $0x0  }
0x2ec: {  	[sflag:s0] =	ssyncadd.s32 $0xFFFFFF80  }
0x2ed: {  	_ =	swait.ge [sflag:s24], $0x80  }
0x2ee: {  	[sflag:s24] =	ssyncset.done $0x0  }
0x2ef: {  	[sflag:s24] =	ssyncadd.s32 $0xFFFFFF80  }
0x2f0: {  	_ =	swait.ge [sflag:s0], $0x80  }
0x2f1: {  	[sflag:s0] =	ssyncset.done $0x0  }
0x2f2: {  	[sflag:s0] =	ssyncadd.s32 $0xFFFFFF80  }
0x2f3: {  	_ =	swait.ge [sflag:s24], $0x80  }
0x2f4: {  	s25 =	sadd.s32 $0x1, s25;
	s31 =	rddreg [dreg:$0xa]  }
0x2f5: {  	p0 =	sne.s32 s25, s31  }
.Ltmp2:
0x2f6: {  	_ = 	snop;
	(pc) =	sbr.rel @p0 .LBB2_1-.Ltmp2, $3  }
0x2f7: {  	_ =	sdelay $0x1  }
0x2f8: {  	[sflag:s24] =	ssyncset.done $0x0  }
0x2f9: {  	[sflag:s24] =	ssyncadd.s32 $0xFFFFFF80  }
0x2fa: {  	_ =	sfence.sel $0x180000  }
0x2fb: {  	[bflag:$0x0] =	sbarrier.arrive $0xFFFF  }
0x2fc: {  	_ =	strace $0x90000047  }
0x2fd: {  	s0 =	stileid.u32;
	[bflag:$0x2] =	sbarrier.arrive $0xFFFF  }
0x2fe: {  	p0 =	sne.s32 s0, $0x0;
	s0 =	rddreg [dreg:$0x3]  }
0x2ff: {  	s0 =	sadd.s32 @!p0 $0x100000, s0  }
0x300: {  	[sflag:s0] =	ssyncadd.tile.s32 @!p0 $0x1;
	_ =	shalt  }
.Lfunc_end2:
_tile_overlayer_lowered:
.L_overlay_start_2:
0x301: {  	(tag) =	ssettag $0x2  }
0x302: {  	s0 =	rddreg [dreg:$0x0];
	s2 =	stileid.u32  }
0x303: {  	s1 =	rddreg [dreg:$0x1];
	p0 =	sne.s32 s2, $0x0  }
0x304: {  	s3 =	rddreg [dreg:$0x2];
	[bflag:$0x3] =	sbarrier.arrive $0xFFFF;
	s2 =	simm.s32 @!p0 $0x1C05  }
0x305: {  	[timem:s3], [sflag:s2] =	dma.local @!p0 [hbm:s0], s1  }
0x306: {  	s0 =	simm.s32 @!p0 $0x5  }
0x307: {  	_ =	swait.ge @!p0 [sflag:s0], s1  }
0x308: {  	s1 =	ssub.s32 @!p0 $0x0, s1;
	[sflag:s0] =	ssyncset.done @!p0 $0x0  }
0x309: {  	[sflag:s0] =	ssyncadd.s32 @!p0 s1  }
0x30a: {  	[bflag:$0x3] =	sbarrier.arrive $0xFFFF  }
0x30b: {  	_ =	shalt  }

// kernel: kernel.9.cloned.1.call-start
scs
__scs_entry_jumppad:
0x0: {  	(pc) =	sbr.rel $0x88, $3  }
0x1: {  	(tag) =	ssettag $0x0;
	lr =	simm.s32 $0x1  }
0x2: {  	[smem:$0x3F9B] =	sst lr;
	_ =	strace $0xD0000000  }
0x3: {  	_ = 	snop  }
0x4: {  	_ = 	snop  }
0x5: {  	_ = 	snop  }
0x6: {  	_ = 	snop  }
0x7: {  	_ = 	snop  }
__scs_overlays_trampoline_lowered:
0x8: {  	[smem:$0x3FAA] =	sst s0  }
0x9: {  	[smem:$0x3FAB] =	sst s1  }
0xa: {  	[smem:$0x3FAC] =	sst s2  }
0xb: {  	[smem:$0x3FAD] =	sst s3  }
0xc: {  	[smem:$0x3FAE] =	sst s4  }
0xd: {  	[smem:$0x3FAF] =	sst s5  }
0xe: {  	[smem:$0x3FB0] =	sst s6  }
0xf: {  	[smem:$0x3FB1] =	sst s7  }
0x10: {  	[smem:$0x3FB2] =	sst s8  }
0x11: {  	[smem:$0x3FB3] =	sst s9;
	s0 =	simm.s32 @!p0 $0x0  }
0x12: {  	s1 =	sld [smem:$0x3F99];
	s0 =	simm.s32 @p0 $0x1  }
0x13: {  	[smem:$0x3FB4] =	sst s0;
	s0 =	simm.s32 @!p1 $0x0  }
0x14: {  	s2 =	sld [smem:$0x3F98];
	s0 =	simm.s32 @p1 $0x1  }
0x15: {  	[smem:$0x3FB5] =	sst s0;
	s0 =	simm.s32 @!p2 $0x0  }
0x16: {  	s3 =	sld [smem:$0x3FDB];
	s0 =	simm.s32 @p2 $0x1  }
0x17: {  	s4 =	simm.s32 $0x1BF5;
	[smem:$0x3FB7] =	sst s0  }
0x18: {  	s0 =	sld [smem:$0x3F9A];
	_ =	swait.ge [sflag:s4], $0x0  }
0x19: {  	s7 =	sld [smem:$0x3F9B]  }
0x1a: {  	s8 =	sadd.s32 $0xFFFFE003, lr  }
0x1b: {  	s9 =	sadd.s32 $0xFFFFFEF7, lr;
	s5 =	simm.s32 $0xFFFFFFFF;
	p2 =	slt.u32 s8, $0xFFFFF086  }
0x1c: {  	p1 =	slt.u32 s9, $0xF7A;
	s5 =	simm.s32 @!p2 $0x0  }
0x1d: {  	s5 =	simm.s32 @p1 $0x1;
	p0 =	seq.s32 s7, s2  }
0x1e: {  	s7 =	smul.u32 @!p0 $0xF7A, s2;
	p2 =	seq.s32 @!p0 s5, $0x0  }
0x1f: {  	s9 =	smul.u32 $0xF7A, s1;
	s8 =	simm.s32 @!p0 $0x1BF5;
	p2 =	por !p2, p0  }
0x20: {  	[sflag:s8] =	ssyncset.s32 @!p0 $0xFFFFF086;
	s6 =	sadd.s32 @!p0 s3, s7;
	s7 =	simm.s32 @!p0 $0x108  }
0x21: {  	s3 =	sadd.s32 s3, s9;
	s6 =	sadd.s32 @!p0 $0x88, s6;
	s7 =	simm.s32 @p2 $0x1082  }
0x22: {  	[simem:s7], [sflag:s8] =	dma.local @!p0 [hbm:s6], $0xF7A  }
0x23: {  	s9 =	sor.u32 $0xD0000000, s2;
	s6 =	simm.s32 $0x108;
	_ =	swait.ge @!p0 [sflag:s8], $0x0  }
0x24: {  	s3 =	sadd.s32 $0x88, s3;
	s6 =	simm.s32 @!p1 $0x1082;
	[sflag:s4] =	ssyncset.s32 $0xFFFFF086  }
0x25: {  	[simem:s6], [sflag:s4] =	dma.local [hbm:s3], $0xF7A  }
0x26: {  	[smem:$0x3F9B] =	sst s1;
	(tag) =	ssettag s2;
	_ =	strace s9  }
0x27: {  	s1 =	sld [smem:$0x3FAB]  }
0x28: {  	s2 =	sld [smem:$0x3FAC]  }
0x29: {  	s4 =	sld [smem:$0x3FAE]  }
0x2a: {  	p0 =	seq.s32 s5, $0x0;
	s5 =	sld [smem:$0x3FAF]  }
0x2b: {  	s6 =	sld [smem:$0x3FB0]  }
0x2c: {  	s7 =	sld [smem:$0x3FB1]  }
0x2d: {  	s3 =	simm.s32 $0x108;
	s8 =	sld [smem:$0x3FB2]  }
0x2e: {  	s3 =	simm.s32 @!p0 $0x1082;
	s9 =	sld [smem:$0x3FB3]  }
0x2f: {  	lr =	sadd.s32 s0, s3;
	s0 =	sld [smem:$0x3FAA]  }
0x30: {  	s3 =	sld [smem:$0x3FAD]  }
0x31: {  	[smem:$0x3FB6] =	sst s10  }
0x32: {  	s10 =	sld [smem:$0x3FB4];
	_ =	sdelay $0x3  }
0x33: {  	p0 =	seq.s32 s10, $0x1;
	s10 =	sld [smem:$0x3FB6];
	_ =	sdelay $0x3  }
0x34: {  	[smem:$0x3FB6] =	sst s10  }
0x35: {  	s10 =	sld [smem:$0x3FB5];
	_ =	sdelay $0x3  }
0x36: {  	p1 =	seq.s32 s10, $0x1;
	s10 =	sld [smem:$0x3FB6];
	_ =	sdelay $0x3  }
0x37: {  	[smem:$0x3FB6] =	sst s10  }
0x38: {  	s10 =	sld [smem:$0x3FB7]  }
0x39: {  	_ = 	snop;
	(pc) =	sbr.ind lr, $3  }
0x3a: {  	_ = 	snop  }
0x3b: {  	_ = 	snop  }
0x3c: {  	p2 =	seq.s32 s10, $0x1;
	s10 =	sld [smem:$0x3FB6]  }
0x3d: {  	_ =	shalt  }
0x3e: {  	_ =	shalt  }
0x3f: {  	_ =	shalt  }
0x40: {  	_ =	shalt  }
0x41: {  	_ =	shalt  }
0x42: {  	_ =	shalt  }
0x43: {  	_ =	shalt  }
0x44: {  	_ =	shalt  }
0x45: {  	_ =	shalt  }
0x46: {  	_ =	shalt  }
0x47: {  	_ =	shalt  }
0x48: {  	_ =	shalt  }
0x49: {  	_ =	shalt  }
0x4a: {  	_ =	shalt  }
0x4b: {  	_ =	shalt  }
0x4c: {  	_ =	shalt  }
0x4d: {  	_ =	shalt  }
0x4e: {  	_ =	shalt  }
0x4f: {  	_ =	shalt  }
0x50: {  	_ =	shalt  }
0x51: {  	_ =	shalt  }
0x52: {  	_ =	shalt  }
0x53: {  	_ =	shalt  }
0x54: {  	_ =	shalt  }
0x55: {  	_ =	shalt  }
0x56: {  	_ =	shalt  }
0x57: {  	_ =	shalt  }
0x58: {  	_ =	shalt  }
0x59: {  	_ =	shalt  }
0x5a: {  	_ =	shalt  }
0x5b: {  	_ =	shalt  }
0x5c: {  	_ =	shalt  }
0x5d: {  	_ =	shalt  }
0x5e: {  	_ =	shalt  }
0x5f: {  	_ =	shalt  }
0x60: {  	_ =	shalt  }
0x61: {  	_ =	shalt  }
0x62: {  	_ =	shalt  }
0x63: {  	_ =	shalt  }
0x64: {  	_ =	shalt  }
0x65: {  	_ =	shalt  }
0x66: {  	_ =	shalt  }
0x67: {  	_ =	shalt  }
0x68: {  	_ =	shalt  }
0x69: {  	_ =	shalt  }
0x6a: {  	_ =	shalt  }
0x6b: {  	_ =	shalt  }
0x6c: {  	_ =	shalt  }
0x6d: {  	_ =	shalt  }
0x6e: {  	_ =	shalt  }
0x6f: {  	_ =	shalt  }
0x70: {  	_ =	shalt  }
0x71: {  	_ =	shalt  }
0x72: {  	_ =	shalt  }
0x73: {  	_ =	shalt  }
0x74: {  	_ =	shalt  }
0x75: {  	_ =	shalt  }
0x76: {  	_ =	shalt  }
0x77: {  	_ =	shalt  }
0x78: {  	_ =	shalt  }
0x79: {  	_ =	shalt  }
0x7a: {  	_ =	shalt  }
0x7b: {  	_ =	shalt  }
0x7c: {  	_ =	shalt  }
0x7d: {  	_ =	shalt  }
0x7e: {  	_ =	shalt  }
0x7f: {  	_ =	shalt  }
0x80: {  	_ =	shalt  }
0x81: {  	_ =	shalt  }
0x82: {  	_ =	shalt  }
0x83: {  	_ =	shalt  }
0x84: {  	_ =	shalt  }
0x85: {  	_ =	shalt  }
0x86: {  	_ =	shalt  }
0x87: {  	_ =	shalt  }
.Lfunc_end0:
.L_simem_size_0:
called_computation.1_lowered:
.L_overlay_start_0:
0x88: {  	s2 =	sld [smem:$0x3FD9]  }
0x89: {  	s3 =	sld [smem:$0x3FFE];
	_ =	sdelay $0x1  }
0x8a: {  	s1 =	srdreg.scid  }
0x8b: {  	s0 =	sand.u32 $0x1, s1  }
0x8c: {  	s17 =	sshll.u32 s0, $0xA;
	s2 =	sadd.s32 s3, s2  }
0x8d: {  	s2 =	sadd.s32 s2, s17  }
0x8e: {  	[smem:$0x3FC2] =	sst s2  }
0x8f: {  	_ = 	snop  }
0x90: {  	s2 =	sld [smem:$0x3FD0];
	(tm) =	ssettm $0x1  }
0x91: {  	s18 =	sld [smem:$0x3FFB];
	_ =	sdelay $0x3  }
0x92: {  	_ =	strace s18  }
0x93: {  	s3 =	sld [smem:$0x3FFC];
	_ =	sdelay $0x3  }
0x94: {  	_ =	strace s3  }
0x95: {  	s3 =	sld [smem:$0x3FFD];
	_ =	sdelay $0x3  }
0x96: {  	_ =	strace s3  }
0x97: {  	_ =	strace $0x8FFFFFFF  }
0x98: {  	s19 =	sld [smem:$0x3FDB];
	_ =	sdelay $0x1  }
0x99: {  	s4 =	simm.s32 $_scs_section_size  }
0x9a: {  	s5 =	simm.s32 $_size__tile_overlayer_lowered;
	s6 =	simm.s32 $_tile_overlayer_lowered  }
0x9b: {  	s22 =	simm.s32 $0x1BFF;
	s21 =	sshll.u32 s6, $0x1;
	s3 =	sadd.s32 s4, s19  }
0x9c: {  	s7 =	simm.s32 $0x0;
	s20 =	sshll.u32 s5, $0x1;
	s5 =	sadd.s32 s21, s3  }
0x9d: {  	[timem:s7], [sflag:s22] =	dma.local [hbm:s5], s20  }
0x9e: {  	_ =	swait.ge [sflag:s22], s20  }
0x9f: {  	s4 =	ssub.s32 $0x0, s20;
	[sflag:s22] =	ssyncset.done $0x0  }
0xa0: {  	[sflag:s22] =	ssyncadd.s32 s4;
	_ =	sdelay $0x1  }
0xa1: {  	s23 =	simm.s32 $0x1B8B  }
0xa2: {  	_ =	swait.ge [sflag:s23], $0x1  }
0xa3: {  	[sflag:s23] =	ssyncset.done $0x0  }
0xa4: {  	s25 =	simm.s32 $0x1B8E;
	s24 =	sld [smem:$0x3FFE];
	[sflag:s23] =	ssyncadd.s32 $0xFFFFFFFF  }
0xa5: {  	s26 =	simm.s32 $execute0_lowered;
	[smem:$0x3FD2] =	sst s25  }
0xa6: {  	s5 =	sshll.u32 s26, $0x1;
	_ =	strace $0x80000049;
	[dreg:$0x1] =	wrdreg $0xFFFFFFFF  }
0xa7: {  	s28 =	simm.s32 $_size_execute0_lowered;
	s3 =	sadd.s32 s3, s5;
	[dreg:$0x0] =	wrdreg $0x0  }
0xa8: {  	s5 =	sshll.u32 s28, $0x1;
	[dreg:$0x2] =	wrdreg s3  }
0xa9: {  	[dreg:$0x3] =	wrdreg s5  }
0xaa: {  	[dreg:$0x4] =	wrdreg $0xC0  }
0xab: {  	_ =	task [dreg:s7], $0x5FFFF  }
0xac: {  	[dreg:$0x1] =	wrdreg $0xFFFFFFFF  }
0xad: {  	[dreg:$0x0] =	wrdreg $0x60  }
0xae: {  	[dreg:$0x2] =	wrdreg s2  }
0xaf: {  	[dreg:$0x3] =	wrdreg s24  }
0xb0: {  	[dreg:$0x4] =	wrdreg $0x9  }
0xb1: {  	_ =	task.clear_ibuf [dreg:s7], $0x5FFFF;
	_ =	strace $0x90000049  }
0xb2: {  	s29 =	simm.s32 $0x9;
	_ =	strace $0x8000004B  }
0xb3: {  	_ =	swait.ge [sflag:s29], $0x1  }
0xb4: {  	[sflag:s29] =	ssyncadd.s32 $0xFFFFFFFF  }
0xb5: {  	_ =	strace $0x9000004B  }
0xb6: {  	_ =	sfence  }
0xb7: {  	s30 =	sld [smem:$0x0];
	_ =	sdelay $0x2  }
0xb8: {  	s31 =	sshll.u32 s1, $0xD;
	s1 =	sshrl.u32 s1, $0x2  }
0xb9: {  	s3 =	sand.u32 $0x4000, s31;
	s1 =	sadd.s32 s1, s30  }
0xba: {  	s0 =	sor.u32 s3, s0;
	s1 =	sshll.u32 s1, $0x11  }
0xbb: {  	s0 =	sor.u32 s1, s0  }
0xbc: {  	s0 =	sadd.s32 $0x8F2B, s0  }
0xbd: {  	[sflag:s0] =	ssyncadd.remote.s32 $0x1  }
0xbe: {  	_ =	sfence.sel $0xFFFF  }
0xbf: {  	[dreg:$0x0] =	wrdreg $0xFFFFFFFF;
	(pc) =	sbr.abs _section_cstart, $3  }
0xc0: {  	[dreg:$0x1] =	wrdreg $0xFFFFFFFF  }
0xc1: {  	_ =	task.clear_ibuf [dreg:s7], $0x2FFFF;
	_ =	strace $0x9FFFFFFF  }
0xc2: {  	(tm) =	ssettm $0x7FFFFFFF  }
0xc3: {  	_ =	shalt  }
tec
execute0_lowered:
.L_overlay_start_1:
0x0: {  	(tag) =	ssettag $0x1  }
0x1: {  	s7 =	rddreg [dreg:$0x0];
	s0 =	stileid.u32  }
0x2: {  	s1 =	srdreg.scid;
	s3 =	rddreg [dreg:$0x1]  }
0x3: {  	s10 =	simm.s32 $0x2;
	s11 =	simm.s32 $0x0;
	s2 =	smul.u32 $0x2B, s0  }
0x4: {  	s5 =	sand.u32 $0x1, s1;
	s4 =	smul.u32 $0x2A, s0;
	s1 =	rddreg [dreg:$0x2]  }
0x5: {  	p0 =	seq.s32 s5, $0x0;
	s30 =	ssub.s32 $0x2, s5;
	s5 =	sor.u32 $0x2A, s5  }
0x6: {  	s6 =	sadd.s32 $0x2A0, s2;
	s2 =	simm.s32 $0x0;
	s31 =	sshrl.u32 s30, $0x1  }
0x7: {  	s6 =	smov.u32 @p0 s4;
	[smem:$0x7FF] =	sst s2;
	s4 =	ssub.s32 s30, s31  }
0x8: {  	s8 =	sshll.u32 s6, $0x4;
	_ =	strace $0x8000004A;
	s4 =	smax.u32 s4, $0x1  }
0x9: {  	s9 =	sadd.s32 s8, s3;
	s3 =	sadd.s32 $0x3C800, s3;
	s7 =	sadd.s32 s8, s7  }
0xa: {  	s8 =	simm.s32 $0x1;
	s6 =	sadd.s32 $0x1200, s9;
	s9 =	simm.s32 $0x80  }
.LBB2_1:
0xb: {  	p0 =	sne.s32 s5, $0x1  }
.Ltmp0:
0xc: {  	_ = 	snop;
	(pc) =	sbr.rel @!p0 .LBB2_3-.Ltmp0, $4  }
0xd: {  	[tilespmem:s2], [sflag:$0x1] =	stream.linear.gather [hbm4b:s7+s2], $0x80, $0x38;
	[tilespmem:$0x5800] =	vst v63  }
0xe: {  	s12 =	simm.s32 $0x2C00;
	s13 =	sadd.s32 $0xFFFFFFFF, s5  }
0xf: {  	s14 =	simm.s32 $0x80;
	s15 =	sadd.s32 $0x10, s7;
	s16 =	smov.u32 s6  }
0x10: {  	[tilespmem:s12], [sflag:$0x1] =	stream.linear.gather [hbm4b:s6+s2], $0x80, $0x38;
	[tilespmem:$0x5800] =	vst v63  }
.LBB2_2:
0x11: {  	[tilespmem:s14], [sflag:$0x1] =	stream.linear.gather [hbm4b:s15+s2], $0x80, $0x38;
	[tilespmem:$0x5800] =	vst v63  }
0x12: {  	p1 =	sne.s32 s13, $0x1  }
.Ltmp1:
0x13: {  	s13 =	sadd.s32 $0xFFFFFFFF, s13;
	(pc) =	sbr.rel @p1 .LBB2_2-.Ltmp1, $4  }
0x14: {  	s12 =	sadd.s32 $0x80, s12;
	s16 =	sadd.s32 $0x10, s16  }
0x15: {  	[tilespmem:s12], [sflag:$0x1] =	stream.linear.gather [hbm4b:s16+s2], $0x80, $0x38;
	[tilespmem:$0x5800] =	vst v63  }
0x16: {  	_ = 	snop  }
0x17: {  	s14 =	sadd.s32 $0x80, s14;
	s15 =	sadd.s32 $0x10, s15  }
.LBB2_3:
.Ltmp2:
0x18: {  	_ =	swait.ge [sflag:s8], $0x80;
	(pc) =	sbr.rel @!p0 .LBB2_5-.Ltmp2, $4  }
0x19: {  	[sflag:s8] =	ssyncset.done $0x0  }
0x1a: {  	[sflag:s8] =	ssyncadd.s32 $0xFFFFFF80  }
0x1b: {  	_ =	swait.ge [sflag:s8], $0x80  }
0x1c: {  	s12 =	sadd.s32 $0xFFFFFFFF, s5;
	[sflag:s8] =	ssyncset.done $0x0  }
.LBB2_4:
0x1d: {  	p1 =	sne.s32 s12, $0x1;
	s12 =	sadd.s32 $0xFFFFFFFF, s12;
	[sflag:s8] =	ssyncadd.s32 $0xFFFFFF80  }
.Ltmp3:
0x1e: {  	_ =	swait.ge [sflag:s8], $0x80;
	(pc) =	sbr.rel @p1 .LBB2_4-.Ltmp3, $4  }
0x1f: {  	[sflag:s8] =	ssyncset.done $0x0  }
0x20: {  	[sflag:s8] =	ssyncadd.s32 $0xFFFFFF80  }
0x21: {  	_ =	swait.ge [sflag:s8], $0x80  }
0x22: {  	[sflag:s8] =	ssyncset.done $0x0  }
.LBB2_5:
.Ltmp4:
0x23: {  	(pc) =	sbr.rel @!p0 .LBB2_7-.Ltmp4, $4  }
0x24: {  	_ = 	snop  }
0x25: {  	[sflag:s8] =	ssyncadd.s32 $0xFFFFFF80  }
0x26: {  	s12 =	simm.s32 $0x0;
	s13 =	simm.s32 $0x2C00;
	s14 =	sadd.s32 $0xFFFFFFFF, s5  }
0x27: {  	[hbm4b:s3+s9] =	stream.indirect.scatter [tilespmem:s12], [sflag:$0x2], $0x1, s13, s9, $0xb8;
	[tilespmem:$0x5800] =	vst v63  }
.LBB2_6:
0x28: {  	p1 =	sne.s32 s14, $0x1  }
.Ltmp5:
0x29: {  	_ = 	snop;
	(pc) =	sbr.rel @p1 .LBB2_6-.Ltmp5, $4  }
0x2a: {  	_ = 	snop  }
0x2b: {  	s12 =	sadd.s32 $0x80, s12;
	s13 =	sadd.s32 $0x80, s13  }
0x2c: {  	s14 =	sadd.s32 $0xFFFFFFFF, s14  }
0x2d: {  	[hbm4b:s3+s9] =	stream.indirect.scatter [tilespmem:s12], [sflag:$0x2], $0x1, s13, s9, $0xb8;
	[tilespmem:$0x5800] =	vst v63  }
.LBB2_7:
.Ltmp6:
0x2e: {  	(pc) =	sbr.rel @!p0 .LBB2_9-.Ltmp6, $3  }
0x2f: {  	_ =	sdelay $0x1  }
0x30: {  	_ =	swait.ge [sflag:s10], $0x80  }
0x31: {  	s12 =	sadd.s32 $0xFFFFFFFF, s5;
	[sflag:s10] =	ssyncset.done $0x0  }
.LBB2_8:
0x32: {  	p0 =	sne.s32 s12, $0x1;
	s12 =	sadd.s32 $0xFFFFFFFF, s12;
	[sflag:s10] =	ssyncadd.s32 $0xFFFFFF80  }
.Ltmp7:
0x33: {  	(pc) =	sbr.rel @p0 .LBB2_8-.Ltmp7, $3  }
0x34: {  	_ =	sdelay $0x1  }
0x35: {  	_ =	swait.ge [sflag:s10], $0x80  }
0x36: {  	[sflag:s10] =	ssyncset.done $0x0  }
.LBB2_9:
0x37: {  	s11 =	sadd.s32 $0x1, s11  }
0x38: {  	p0 =	sne.s32 s11, s4  }
.Ltmp8:
0x39: {  	_ = 	snop;
	(pc) =	sbr.rel @p0 .LBB2_1-.Ltmp8, $2  }
0x3a: {  	_ =	sdelay $0x2  }
0x3b: {  	[sflag:s10] =	ssyncadd.s32 $0xFFFFFF80  }
0x3c: {  	_ =	sfence.sel $0x180000  }
0x3d: {  	[bflag:$0x0] =	sbarrier.arrive $0xFFFF  }
0x3e: {  	p0 =	sne.s32 s0, $0x0;
	_ =	strace $0x9000004A  }
0x3f: {  	s0 =	sadd.s32 @!p0 $0x100000, s1;
	[bflag:$0x2] =	sbarrier.arrive $0xFFFF  }
0x40: {  	[sflag:s0] =	ssyncadd.tile.s32 @!p0 $0x1;
	_ =	shalt  }
.Lfunc_end2:
_tile_overlayer_lowered:
.L_overlay_start_2:
0x41: {  	(tag) =	ssettag $0x2  }
0x42: {  	s0 =	rddreg [dreg:$0x0];
	s2 =	stileid.u32  }
0x43: {  	s1 =	rddreg [dreg:$0x1];
	p0 =	sne.s32 s2, $0x0  }
0x44: {  	s3 =	rddreg [dreg:$0x2];
	[bflag:$0x3] =	sbarrier.arrive $0xFFFF;
	s2 =	simm.s32 @!p0 $0x1C03  }
0x45: {  	[timem:s3], [sflag:s2] =	dma.local @!p0 [hbm:s0], s1  }
0x46: {  	s0 =	simm.s32 @!p0 $0x3  }
0x47: {  	_ =	swait.ge @!p0 [sflag:s0], s1  }
0x48: {  	s1 =	ssub.s32 @!p0 $0x0, s1;
	[sflag:s0] =	ssyncset.done @!p0 $0x0  }
0x49: {  	[sflag:s0] =	ssyncadd.s32 @!p0 s1  }
0x4a: {  	[bflag:$0x3] =	sbarrier.arrive $0xFFFF  }
0x4b: {  	_ =	shalt  }

</sc_bundles>
